<compile_context>
chip_gen: v7x
topology: tpu7x:2x2x1
jax: 0.10.2.dev20260603
libtpu: 0.0.44.dev20260713+nightly
codegen_flags: <defaults>
</compile_context>

<pallas_src>
import jax
import jax.numpy as jnp
from jax import lax
from jax.experimental import pallas as pl
from jax.experimental.pallas import tpu as pltpu
from jax.experimental.pallas import tpu_sc as plsc

VOCAB = 100000
DIM = 64
BATCH = 4096
SEQ = 200
TAGD = 8
OUTD = DIM + TAGD + 1

N = BATCH * SEQ
NC = 2
NS = 16
NW = NC * NS
PER_W = N // NW
C = 128
NCHUNK = PER_W // C
NG = C // 16
CTAB_PAD = 1920
EMBV_PAD = 256


def _assemble(off_n0, wid_v, cid_v, bufw_v, stage_v, ctab_v, embv_v):

    def g_body(g, carry):
        off = g * 16
        lanes = off + lax.iota(jnp.int32, 16)
        wid = wid_v[pl.ds(off, 16)]
        cid = cid_v[pl.ds(off, 16)]
        for e in range(16):
            r = off + e
            for k in range(DIM // 16):
                stage_v[r, pl.ds(k * 16, 16)] = bufw_v[r, pl.ds(k * 16, 16)]
        for c in range(TAGD + 1):
            vals = plsc.load_gather(ctab_v, [cid * (TAGD + 1) + c])
            plsc.store_scatter(
                stage_v, [lanes, jnp.full((16,), DIM + c, jnp.int32)], vals)
        msk = wid >= (VOCAB - 2)
        cnt = jnp.sum(jnp.where(msk, 1, 0).astype(jnp.int32))

        @pl.when(cnt > 0)
        def _fix():
            row = jnp.maximum(wid - (VOCAB - 3), 0) * DIM
            for c in range(DIM):
                v = plsc.load_gather(embv_v, [row + c], mask=msk)
                plsc.addupdate_scatter(
                    stage_v, [lanes, jnp.full((16,), c, jnp.int32)],
                    v, mask=msk)

        return carry

    lax.fori_loop(0, NG, g_body, 0)


def _sc_body(emb_fix_hbm, wid_hbm, cid_hbm, ctab_hbm, embv_hbm, out_hbm,
             wid_v, cid_v, bufw_v, stage_v, ctab_v, embv_v,
             ids_sem, gat_sem, out_sem):
    w = lax.axis_index("s") * NC + lax.axis_index("c")
    base = w * PER_W

    pltpu.sync_copy(ctab_hbm, ctab_v)
    pltpu.sync_copy(embv_hbm, embv_v)

    pltpu.sync_copy(wid_hbm.at[pl.ds(base, C)], wid_v.at[0])
    pltpu.sync_copy(cid_hbm.at[pl.ds(base, C)], cid_v.at[0])
    pltpu.async_copy(emb_fix_hbm.at[wid_v.at[0]], bufw_v.at[0],
                     gat_sem.at[0])
    pltpu.async_copy(wid_hbm.at[pl.ds(base + C, C)], wid_v.at[1],
                     ids_sem.at[1])
    pltpu.async_copy(cid_hbm.at[pl.ds(base + C, C)], cid_v.at[1],
                     ids_sem.at[1])

    def pair_body(p, carry):
        for b in (0, 1):
            j = 2 * p + b
            nb = 1 - b
            n0 = base + j * C
            pltpu.make_async_copy(
                emb_fix_hbm.at[wid_v.at[b]], bufw_v.at[b],
                gat_sem.at[b]).wait()

            @pl.when(j + 1 < NCHUNK)
            def _next_gather():
                pltpu.make_async_copy(
                    wid_hbm.at[pl.ds(n0 + C, C)], wid_v.at[nb],
                    ids_sem.at[nb]).wait()
                pltpu.make_async_copy(
                    cid_hbm.at[pl.ds(n0 + C, C)], cid_v.at[nb],
                    ids_sem.at[nb]).wait()
                pltpu.async_copy(
                    emb_fix_hbm.at[wid_v.at[nb]], bufw_v.at[nb],
                    gat_sem.at[nb])

            @pl.when(j >= 2)
            def _wait_write():
                pltpu.make_async_copy(
                    stage_v.at[b], out_hbm.at[pl.ds(n0 - 2 * C, C)],
                    out_sem.at[b]).wait()

            _assemble(n0, wid_v.at[b], cid_v.at[b], bufw_v.at[b],
                      stage_v.at[b], ctab_v, embv_v)

            @pl.when(j + 2 < NCHUNK)
            def _next_ids():
                pltpu.async_copy(
                    wid_hbm.at[pl.ds(n0 + 2 * C, C)], wid_v.at[b],
                    ids_sem.at[b])
                pltpu.async_copy(
                    cid_hbm.at[pl.ds(n0 + 2 * C, C)], cid_v.at[b],
                    ids_sem.at[b])

            pltpu.async_copy(stage_v.at[b], out_hbm.at[pl.ds(n0, C)],
                             out_sem.at[b])
        return carry

    lax.fori_loop(0, NCHUNK // 2, pair_body, 0)

    for b in (0, 1):
        n_last = base + (NCHUNK - 2 + b) * C
        pltpu.make_async_copy(
            stage_v.at[b], out_hbm.at[pl.ds(n_last, C)],
            out_sem.at[b]).wait()


@jax.jit
def _run(emb_fix, wid, cid, ctab, embv):
    mesh = plsc.VectorSubcoreMesh(core_axis_name="c", subcore_axis_name="s")
    f = pl.kernel(
        _sc_body,
        out_type=jax.ShapeDtypeStruct((N, OUTD), jnp.float32),
        mesh=mesh,
        compiler_params=pltpu.CompilerParams(needs_layout_passes=False),
        scratch_types=[
            pltpu.VMEM((2, C), jnp.int32),
            pltpu.VMEM((2, C), jnp.int32),
            pltpu.VMEM((2, C, 2 * DIM), jnp.float32),
            pltpu.VMEM((2, C, OUTD), jnp.float32),
            pltpu.VMEM((CTAB_PAD,), jnp.float32),
            pltpu.VMEM((EMBV_PAD,), jnp.float32),
            pltpu.SemaphoreType.DMA((2,)),
            pltpu.SemaphoreType.DMA((2,)),
            pltpu.SemaphoreType.DMA((2,)),
        ],
    )
    return f(emb_fix, wid, cid, ctab, embv)


def kernel(word_ids, tag_ids, is_in, emb_fix, emb_v, tag_table):
    wid = word_ids.T.reshape(-1).astype(jnp.int32)
    cid = (tag_ids + 100 * is_in).T.reshape(-1).astype(jnp.int32)
    ctab = jnp.concatenate(
        [
            jnp.concatenate([tag_table, tag_table], axis=0),
            jnp.concatenate(
                [jnp.zeros((100, 1), jnp.float32),
                 jnp.ones((100, 1), jnp.float32)], axis=0),
        ],
        axis=1,
    ).reshape(-1)
    ctab = jnp.pad(ctab, (0, CTAB_PAD - ctab.shape[0]))
    embv = jnp.pad(emb_v.reshape(-1), (0, EMBV_PAD - 3 * DIM))
    emb_pad = jnp.pad(emb_fix, ((0, 0), (0, DIM)))
    out = _run(emb_pad, wid, cid, ctab, embv)
    return out.reshape(SEQ, BATCH, OUTD)

# --- scband reference (transcript-rebuilt; emitter-appended) ---
"""Pipeline reference for scband-extend-embedding-16166256902609 (READ-ONLY COPY).

The authoritative reference and input builder live on the scoring server;
editing this copy changes nothing except your own understanding.
"""

import jax, jax.numpy as jnp
import numpy as np

VOCAB = 100000
DIM = 64
BATCH = 4096
SEQ = 200

def setup_inputs(seed: int = 0) -> dict:
    key = jax.random.key(seed)
    k1, k2, k3, k4, k5, k6 = jax.random.split(key, 6)
    word_ids = jax.random.randint(k1, (BATCH, SEQ), 0, VOCAB, dtype=jnp.int64 if jax.config.jax_enable_x64 else jnp.int32)
    tag_ids = jax.random.randint(k2, (BATCH, SEQ), 0, 100, dtype=word_ids.dtype)
    is_in = jax.random.randint(k3, (BATCH, SEQ), 0, 2, dtype=word_ids.dtype)
    # Learned parameters.
    # embedding_fix: pretrained table passed via _weight; padding_idx does NOT zero a provided _weight.
    emb_fix = jax.random.normal(k4, (VOCAB, DIM), dtype=jnp.float32)
    # embedding_v: nn.Embedding(3, DIM, padding_idx=0) -> row 0 zeroed at init.
    emb_v = jax.random.normal(k5, (3, DIM), dtype=jnp.float32).at[0].set(0.0)
    # tag_embedding: nn.Embedding(100, 8, padding_idx=0) -> row 0 zeroed at init.
    tag_table = jax.random.normal(k6, (100, 8), dtype=jnp.float32).at[0].set(0.0)
    return {"word_ids": word_ids, "tag_ids": tag_ids, "is_in": is_in,
            "emb_fix": emb_fix, "emb_v": emb_v, "tag_table": tag_table}

def reference(word_ids, tag_ids, is_in, emb_fix, emb_v, tag_table):
    # Embedding.forward
    e1 = jnp.take(emb_fix, word_ids, axis=0)                  # [B, L, DIM]
    idx2 = jnp.maximum(word_ids - (VOCAB - 3), 0)             # relu(tensor - (vocab-3))
    e2 = jnp.take(emb_v, idx2, axis=0)                        # [B, L, DIM]
    word_emb = jnp.transpose(e1 + e2, (1, 0, 2))              # [L, B, DIM]
    # tag embedding
    tag_emb = jnp.transpose(jnp.take(tag_table, tag_ids, axis=0), (1, 0, 2))  # [L, B, 8]
    # is_in flag
    is_in_emb = jnp.transpose(is_in, (1, 0))[:, :, None].astype(jnp.float32)  # [L, B, 1]
    result = jnp.concatenate([word_emb, tag_emb, is_in_emb], axis=2)          # [L, B, DIM+9]
    return result

if __name__ == "__main__":
    import jax
    _d = setup_inputs()
    print(jax.jit(kernel)(*tuple(_d.values())))

</pallas_src>

<mosaic_0001>
#map = affine_map<(d0, d1) -> (0, 0)>
#map1 = affine_map<(d0, d1) -> (0)>
module attributes {stable_mosaic.version = 14 : i64} {
  func.func @_sc_body(%arg0: i32, %arg1: i32, %arg2: memref<100000x128xf32, #tpu.memory_space<hbm>>, %arg3: memref<819200xi32, #tpu.memory_space<hbm>>, %arg4: memref<819200xi32, #tpu.memory_space<hbm>>, %arg5: memref<1920xf32, #tpu.memory_space<hbm>>, %arg6: memref<256xf32, #tpu.memory_space<hbm>>, %arg7: memref<819200x73xf32, #tpu.memory_space<hbm>>, %arg8: memref<2x128xi32, #tpu.memory_space<vmem>>, %arg9: memref<2x128xi32, #tpu.memory_space<vmem>>, %arg10: memref<2x128x128xf32, #tpu.memory_space<vmem>>, %arg11: memref<2x128x73xf32, #tpu.memory_space<vmem>>, %arg12: memref<1920xf32, #tpu.memory_space<vmem>>, %arg13: memref<256xf32, #tpu.memory_space<vmem>>, %arg14: memref<2x!tpu.dma_semaphore, #tpu.memory_space<semaphore_mem>>, %arg15: memref<2x!tpu.dma_semaphore, #tpu.memory_space<semaphore_mem>>, %arg16: memref<2x!tpu.dma_semaphore, #tpu.memory_space<semaphore_mem>>) attributes {dimension_semantics = [#tpu.dimension_semantics<core_parallel>, #tpu.dimension_semantics<subcore_parallel>], iteration_bounds = array<i64: 2, 16>, scalar_prefetch = 0 : i64, scratch_operands = 9 : i64, tpu.core_type = #tpu.core_type<sc_vector_subcore>, window_params = [{transform_indices = #map}, {transform_indices = #map1}, {transform_indices = #map1}, {transform_indices = #map1}, {transform_indices = #map1}, {transform_indices = #map}]} {
    %mul3A = arith.constant 2 : i32
    %mul3A_0 = arith.muli %arg1, %mul3A : i32
    %add3A = arith.addi %mul3A_0, %arg0 : i32
    %mul3A_1 = arith.constant 25600 : i32
    %mul3A_2 = arith.muli %add3A, %mul3A_1 : i32
    "tpu.region"() ({
      %run_scoped3A_86 = tpu.sem_alloc : memref<!tpu.dma_semaphore, #tpu.memory_space<semaphore_mem>>
      tpu.enqueue_dma source(%arg5 : memref<1920xf32, #tpu.memory_space<hbm>>) target(%arg12 : memref<1920xf32, #tpu.memory_space<vmem>>) target_semaphore(%run_scoped3A_86 : memref<!tpu.dma_semaphore, #tpu.memory_space<semaphore_mem>>)
      tpu.wait_dma2 semaphore(%run_scoped3A_86 : memref<!tpu.dma_semaphore, #tpu.memory_space<semaphore_mem>>) src(%arg5 : memref<1920xf32, #tpu.memory_space<hbm>>) dst(%arg12 : memref<1920xf32, #tpu.memory_space<vmem>>)
      tpu.yield
    }) : () -> ()
    "tpu.region"() ({
      %run_scoped3A_86 = tpu.sem_alloc : memref<!tpu.dma_semaphore, #tpu.memory_space<semaphore_mem>>
      tpu.enqueue_dma source(%arg6 : memref<256xf32, #tpu.memory_space<hbm>>) target(%arg13 : memref<256xf32, #tpu.memory_space<vmem>>) target_semaphore(%run_scoped3A_86 : memref<!tpu.dma_semaphore, #tpu.memory_space<semaphore_mem>>)
      tpu.wait_dma2 semaphore(%run_scoped3A_86 : memref<!tpu.dma_semaphore, #tpu.memory_space<semaphore_mem>>) src(%arg6 : memref<256xf32, #tpu.memory_space<hbm>>) dst(%arg13 : memref<256xf32, #tpu.memory_space<vmem>>)
      tpu.yield
    }) : () -> ()
    %run_scoped3A = arith.constant 0 : i32
    "tpu.region"() ({
      %run_scoped3A_86 = tpu.sem_alloc : memref<!tpu.dma_semaphore, #tpu.memory_space<semaphore_mem>>
      %dma_start3A_87 = arith.constant 0 : i32
      %dma_start3A_88 = tpu.memref_slice %arg8[%run_scoped3A, %dma_start3A_87] : memref<2x128xi32, #tpu.memory_space<vmem>> -> memref<1x128xi32, #tpu.memory_space<vmem>>
      %dma_start3A_89 = tpu.memref_squeeze %dma_start3A_88 : memref<1x128xi32, #tpu.memory_space<vmem>> -> memref<128xi32, #tpu.memory_space<vmem>>
      %dma_start3A_90 = tpu.memref_slice %arg3[%mul3A_2] : memref<819200xi32, #tpu.memory_space<hbm>> -> memref<128xi32, #tpu.memory_space<hbm>>
      %dma_start3A_91 = arith.constant 0 : i32
      %dma_start3A_92 = tpu.memref_slice %arg8[%run_scoped3A, %dma_start3A_91] : memref<2x128xi32, #tpu.memory_space<vmem>> -> memref<1x128xi32, #tpu.memory_space<vmem>>
      %dma_start3A_93 = tpu.memref_squeeze %dma_start3A_92 : memref<1x128xi32, #tpu.memory_space<vmem>> -> memref<128xi32, #tpu.memory_space<vmem>>
      %dma_start3A_94 = tpu.memref_slice %arg3[%mul3A_2] : memref<819200xi32, #tpu.memory_space<hbm>> -> memref<128xi32, #tpu.memory_space<hbm>>
      tpu.enqueue_dma source(%dma_start3A_94 : memref<128xi32, #tpu.memory_space<hbm>>) target(%dma_start3A_93 : memref<128xi32, #tpu.memory_space<vmem>>) target_semaphore(%run_scoped3A_86 : memref<!tpu.dma_semaphore, #tpu.memory_space<semaphore_mem>>)
      %dma_wait3A_95 = arith.constant 0 : i32
      %dma_wait3A_96 = tpu.memref_slice %arg8[%run_scoped3A, %dma_wait3A_95] : memref<2x128xi32, #tpu.memory_space<vmem>> -> memref<1x128xi32, #tpu.memory_space<vmem>>
      %dma_wait3A_97 = tpu.memref_squeeze %dma_wait3A_96 : memref<1x128xi32, #tpu.memory_space<vmem>> -> memref<128xi32, #tpu.memory_space<vmem>>
      %dma_wait3A_98 = tpu.memref_slice %arg3[%mul3A_2] : memref<819200xi32, #tpu.memory_space<hbm>> -> memref<128xi32, #tpu.memory_space<hbm>>
      %dma_wait3A_99 = arith.constant 0 : i32
      %dma_wait3A_100 = tpu.memref_slice %arg8[%run_scoped3A, %dma_wait3A_99] : memref<2x128xi32, #tpu.memory_space<vmem>> -> memref<1x128xi32, #tpu.memory_space<vmem>>
      %dma_wait3A_101 = tpu.memref_squeeze %dma_wait3A_100 : memref<1x128xi32, #tpu.memory_space<vmem>> -> memref<128xi32, #tpu.memory_space<vmem>>
      %dma_wait3A_102 = tpu.memref_slice %arg3[%mul3A_2] : memref<819200xi32, #tpu.memory_space<hbm>> -> memref<128xi32, #tpu.memory_space<hbm>>
      tpu.wait_dma2 semaphore(%run_scoped3A_86 : memref<!tpu.dma_semaphore, #tpu.memory_space<semaphore_mem>>) src(%dma_wait3A_102 : memref<128xi32, #tpu.memory_space<hbm>>) dst(%dma_wait3A_101 : memref<128xi32, #tpu.memory_space<vmem>>)
      tpu.yield
    }) : () -> ()
    %run_scoped3A_3 = arith.constant 0 : i32
    "tpu.region"() ({
      %run_scoped3A_86 = tpu.sem_alloc : memref<!tpu.dma_semaphore, #tpu.memory_space<semaphore_mem>>
      %dma_start3A_87 = arith.constant 0 : i32
      %dma_start3A_88 = tpu.memref_slice %arg9[%run_scoped3A_3, %dma_start3A_87] : memref<2x128xi32, #tpu.memory_space<vmem>> -> memref<1x128xi32, #tpu.memory_space<vmem>>
      %dma_start3A_89 = tpu.memref_squeeze %dma_start3A_88 : memref<1x128xi32, #tpu.memory_space<vmem>> -> memref<128xi32, #tpu.memory_space<vmem>>
      %dma_start3A_90 = tpu.memref_slice %arg4[%mul3A_2] : memref<819200xi32, #tpu.memory_space<hbm>> -> memref<128xi32, #tpu.memory_space<hbm>>
      %dma_start3A_91 = arith.constant 0 : i32
      %dma_start3A_92 = tpu.memref_slice %arg9[%run_scoped3A_3, %dma_start3A_91] : memref<2x128xi32, #tpu.memory_space<vmem>> -> memref<1x128xi32, #tpu.memory_space<vmem>>
      %dma_start3A_93 = tpu.memref_squeeze %dma_start3A_92 : memref<1x128xi32, #tpu.memory_space<vmem>> -> memref<128xi32, #tpu.memory_space<vmem>>
      %dma_start3A_94 = tpu.memref_slice %arg4[%mul3A_2] : memref<819200xi32, #tpu.memory_space<hbm>> -> memref<128xi32, #tpu.memory_space<hbm>>
      tpu.enqueue_dma source(%dma_start3A_94 : memref<128xi32, #tpu.memory_space<hbm>>) target(%dma_start3A_93 : memref<128xi32, #tpu.memory_space<vmem>>) target_semaphore(%run_scoped3A_86 : memref<!tpu.dma_semaphore, #tpu.memory_space<semaphore_mem>>)
      %dma_wait3A_95 = arith.constant 0 : i32
      %dma_wait3A_96 = tpu.memref_slice %arg9[%run_scoped3A_3, %dma_wait3A_95] : memref<2x128xi32, #tpu.memory_space<vmem>> -> memref<1x128xi32, #tpu.memory_space<vmem>>
      %dma_wait3A_97 = tpu.memref_squeeze %dma_wait3A_96 : memref<1x128xi32, #tpu.memory_space<vmem>> -> memref<128xi32, #tpu.memory_space<vmem>>
      %dma_wait3A_98 = tpu.memref_slice %arg4[%mul3A_2] : memref<819200xi32, #tpu.memory_space<hbm>> -> memref<128xi32, #tpu.memory_space<hbm>>
      %dma_wait3A_99 = arith.constant 0 : i32
      %dma_wait3A_100 = tpu.memref_slice %arg9[%run_scoped3A_3, %dma_wait3A_99] : memref<2x128xi32, #tpu.memory_space<vmem>> -> memref<1x128xi32, #tpu.memory_space<vmem>>
      %dma_wait3A_101 = tpu.memref_squeeze %dma_wait3A_100 : memref<1x128xi32, #tpu.memory_space<vmem>> -> memref<128xi32, #tpu.memory_space<vmem>>
      %dma_wait3A_102 = tpu.memref_slice %arg4[%mul3A_2] : memref<819200xi32, #tpu.memory_space<hbm>> -> memref<128xi32, #tpu.memory_space<hbm>>
      tpu.wait_dma2 semaphore(%run_scoped3A_86 : memref<!tpu.dma_semaphore, #tpu.memory_space<semaphore_mem>>) src(%dma_wait3A_102 : memref<128xi32, #tpu.memory_space<hbm>>) dst(%dma_wait3A_101 : memref<128xi32, #tpu.memory_space<vmem>>)
      tpu.yield
    }) : () -> ()
    %dma_start3A = arith.constant 0 : i32
    %dma_start3A_4 = arith.constant 0 : i32
    %dma_start3A_5 = arith.constant 0 : i32
    %dma_start3A_6 = arith.constant 0 : i32
    %dma_start3A_7 = arith.constant 0 : i32
    %dma_start3A_8 = tpu.memref_slice %arg10[%dma_start3A_4, %dma_start3A_6, %dma_start3A_7] : memref<2x128x128xf32, #tpu.memory_space<vmem>> -> memref<1x128x128xf32, #tpu.memory_space<vmem>>
    %dma_start3A_9 = tpu.memref_squeeze %dma_start3A_8 : memref<1x128x128xf32, #tpu.memory_space<vmem>> -> memref<128x128xf32, #tpu.memory_space<vmem>>
    %dma_start3A_10 = arith.constant 0 : i32
    %dma_start3A_11 = tpu.memref_slice %arg8[%dma_start3A, %dma_start3A_10] : memref<2x128xi32, #tpu.memory_space<vmem>> -> memref<1x128xi32, #tpu.memory_space<vmem>>
    %dma_start3A_12 = tpu.memref_squeeze %dma_start3A_11 : memref<1x128xi32, #tpu.memory_space<vmem>> -> memref<128xi32, #tpu.memory_space<vmem>>
    %dma_start3A_13 = arith.constant 0 : i32
    %dma_start3A_14 = arith.constant 0 : i32
    %dma_start3A_15 = tpu.memref_slice %arg2[%dma_start3A_13, %dma_start3A_14] : memref<100000x128xf32, #tpu.memory_space<hbm>> -> memref<100000x128xf32, #tpu.memory_space<hbm>>
    %dma_start3A_16 = tpu.memref_slice %arg15[%dma_start3A_5] : memref<2x!tpu.dma_semaphore, #tpu.memory_space<semaphore_mem>> -> memref<1x!tpu.dma_semaphore, #tpu.memory_space<semaphore_mem>>
    %dma_start3A_17 = tpu.memref_squeeze %dma_start3A_16 : memref<1x!tpu.dma_semaphore, #tpu.memory_space<semaphore_mem>> -> memref<!tpu.dma_semaphore, #tpu.memory_space<semaphore_mem>>
    tpu.enqueue_indirect_dma source(%dma_start3A_15 : memref<100000x128xf32, #tpu.memory_space<hbm>>) target(%dma_start3A_9 : memref<128x128xf32, #tpu.memory_space<vmem>>) offsets(%dma_start3A_12 : memref<128xi32, #tpu.memory_space<vmem>>) semaphore(%dma_start3A_17 : memref<!tpu.dma_semaphore, #tpu.memory_space<semaphore_mem>>)
    %add3A_18 = arith.constant 128 : i32
    %add3A_19 = arith.addi %mul3A_2, %add3A_18 : i32
    %dma_start3A_20 = arith.constant 1 : i32
    %dma_start3A_21 = arith.constant 1 : i32
    %dma_start3A_22 = arith.constant 0 : i32
    %dma_start3A_23 = tpu.memref_slice %arg8[%dma_start3A_20, %dma_start3A_22] : memref<2x128xi32, #tpu.memory_space<vmem>> -> memref<1x128xi32, #tpu.memory_space<vmem>>
    %dma_start3A_24 = tpu.memref_squeeze %dma_start3A_23 : memref<1x128xi32, #tpu.memory_space<vmem>> -> memref<128xi32, #tpu.memory_space<vmem>>
    %dma_start3A_25 = tpu.memref_slice %arg3[%add3A_19] : memref<819200xi32, #tpu.memory_space<hbm>> -> memref<128xi32, #tpu.memory_space<hbm>>
    %dma_start3A_26 = tpu.memref_slice %arg14[%dma_start3A_21] : memref<2x!tpu.dma_semaphore, #tpu.memory_space<semaphore_mem>> -> memref<1x!tpu.dma_semaphore, #tpu.memory_space<semaphore_mem>>
    %dma_start3A_27 = tpu.memref_squeeze %dma_start3A_26 : memref<1x!tpu.dma_semaphore, #tpu.memory_space<semaphore_mem>> -> memref<!tpu.dma_semaphore, #tpu.memory_space<semaphore_mem>>
    %dma_start3A_28 = arith.constant 0 : i32
    %dma_start3A_29 = tpu.memref_slice %arg8[%dma_start3A_20, %dma_start3A_28] : memref<2x128xi32, #tpu.memory_space<vmem>> -> memref<1x128xi32, #tpu.memory_space<vmem>>
    %dma_start3A_30 = tpu.memref_squeeze %dma_start3A_29 : memref<1x128xi32, #tpu.memory_space<vmem>> -> memref<128xi32, #tpu.memory_space<vmem>>
    %dma_start3A_31 = tpu.memref_slice %arg3[%add3A_19] : memref<819200xi32, #tpu.memory_space<hbm>> -> memref<128xi32, #tpu.memory_space<hbm>>
    tpu.enqueue_dma source(%dma_start3A_31 : memref<128xi32, #tpu.memory_space<hbm>>) target(%dma_start3A_30 : memref<128xi32, #tpu.memory_space<vmem>>) target_semaphore(%dma_start3A_27 : memref<!tpu.dma_semaphore, #tpu.memory_space<semaphore_mem>>)
    %add3A_32 = arith.constant 128 : i32
    %add3A_33 = arith.addi %mul3A_2, %add3A_32 : i32
    %dma_start3A_34 = arith.constant 1 : i32
    %dma_start3A_35 = arith.constant 1 : i32
    %dma_start3A_36 = arith.constant 0 : i32
    %dma_start3A_37 = tpu.memref_slice %arg9[%dma_start3A_34, %dma_start3A_36] : memref<2x128xi32, #tpu.memory_space<vmem>> -> memref<1x128xi32, #tpu.memory_space<vmem>>
    %dma_start3A_38 = tpu.memref_squeeze %dma_start3A_37 : memref<1x128xi32, #tpu.memory_space<vmem>> -> memref<128xi32, #tpu.memory_space<vmem>>
    %dma_start3A_39 = tpu.memref_slice %arg4[%add3A_33] : memref<819200xi32, #tpu.memory_space<hbm>> -> memref<128xi32, #tpu.memory_space<hbm>>
    %dma_start3A_40 = tpu.memref_slice %arg14[%dma_start3A_35] : memref<2x!tpu.dma_semaphore, #tpu.memory_space<semaphore_mem>> -> memref<1x!tpu.dma_semaphore, #tpu.memory_space<semaphore_mem>>
    %dma_start3A_41 = tpu.memref_squeeze %dma_start3A_40 : memref<1x!tpu.dma_semaphore, #tpu.memory_space<semaphore_mem>> -> memref<!tpu.dma_semaphore, #tpu.memory_space<semaphore_mem>>
    %dma_start3A_42 = arith.constant 0 : i32
    %dma_start3A_43 = tpu.memref_slice %arg9[%dma_start3A_34, %dma_start3A_42] : memref<2x128xi32, #tpu.memory_space<vmem>> -> memref<1x128xi32, #tpu.memory_space<vmem>>
    %dma_start3A_44 = tpu.memref_squeeze %dma_start3A_43 : memref<1x128xi32, #tpu.memory_space<vmem>> -> memref<128xi32, #tpu.memory_space<vmem>>
    %dma_start3A_45 = tpu.memref_slice %arg4[%add3A_33] : memref<819200xi32, #tpu.memory_space<hbm>> -> memref<128xi32, #tpu.memory_space<hbm>>
    tpu.enqueue_dma source(%dma_start3A_45 : memref<128xi32, #tpu.memory_space<hbm>>) target(%dma_start3A_44 : memref<128xi32, #tpu.memory_space<vmem>>) target_semaphore(%dma_start3A_41 : memref<!tpu.dma_semaphore, #tpu.memory_space<semaphore_mem>>)
    %scan3A = arith.constant 0 : i32
    %scan3A_46 = arith.constant 0 : i32
    %scan3A_47 = arith.constant 100 : i32
    %scan3A_48 = arith.addi %scan3A_46, %scan3A_47 : i32
    %scan3A_49 = arith.constant 1 : i32
    scf.for %scan3A_86 = %scan3A_46 to %scan3A_48 step %scan3A_49  : i32 {
      %mul3A_87 = arith.constant 2 : i32
      %mul3A_88 = arith.muli %mul3A_87, %scan3A_86 : i32
      %add3A_89 = arith.constant 0 : i32
      %add3A_90 = arith.addi %mul3A_88, %add3A_89 : i32
      %mul3A_91 = arith.constant 128 : i32
      %mul3A_92 = arith.muli %add3A_90, %mul3A_91 : i32
      %add3A_93 = arith.addi %mul3A_2, %mul3A_92 : i32
      %dma_wait3A_94 = arith.constant 0 : i32
      %dma_wait3A_95 = arith.constant 0 : i32
      %dma_wait3A_96 = arith.constant 0 : i32
      %dma_wait3A_97 = arith.constant 0 : i32
      %dma_wait3A_98 = arith.constant 0 : i32
      %dma_wait3A_99 = tpu.memref_slice %arg10[%dma_wait3A_95, %dma_wait3A_97, %dma_wait3A_98] : memref<2x128x128xf32, #tpu.memory_space<vmem>> -> memref<1x128x128xf32, #tpu.memory_space<vmem>>
      %dma_wait3A_100 = tpu.memref_squeeze %dma_wait3A_99 : memref<1x128x128xf32, #tpu.memory_space<vmem>> -> memref<128x128xf32, #tpu.memory_space<vmem>>
      %dma_wait3A_101 = arith.constant 0 : i32
      %dma_wait3A_102 = tpu.memref_slice %arg8[%dma_wait3A_94, %dma_wait3A_101] : memref<2x128xi32, #tpu.memory_space<vmem>> -> memref<1x128xi32, #tpu.memory_space<vmem>>
      %dma_wait3A_103 = tpu.memref_squeeze %dma_wait3A_102 : memref<1x128xi32, #tpu.memory_space<vmem>> -> memref<128xi32, #tpu.memory_space<vmem>>
      %dma_wait3A_104 = arith.constant 0 : i32
      %dma_wait3A_105 = arith.constant 0 : i32
      %dma_wait3A_106 = tpu.memref_slice %arg2[%dma_wait3A_104, %dma_wait3A_105] : memref<100000x128xf32, #tpu.memory_space<hbm>> -> memref<100000x128xf32, #tpu.memory_space<hbm>>
      %dma_wait3A_107 = tpu.memref_slice %arg15[%dma_wait3A_96] : memref<2x!tpu.dma_semaphore, #tpu.memory_space<semaphore_mem>> -> memref<1x!tpu.dma_semaphore, #tpu.memory_space<semaphore_mem>>
      %dma_wait3A_108 = tpu.memref_squeeze %dma_wait3A_107 : memref<1x!tpu.dma_semaphore, #tpu.memory_space<semaphore_mem>> -> memref<!tpu.dma_semaphore, #tpu.memory_space<semaphore_mem>>
      tpu.wait_indirect_dma semaphore(%dma_wait3A_108 : memref<!tpu.dma_semaphore, #tpu.memory_space<semaphore_mem>>) src(%dma_wait3A_106 : memref<100000x128xf32, #tpu.memory_space<hbm>>) dst(%dma_wait3A_100 : memref<128x128xf32, #tpu.memory_space<vmem>>)
      %add3A_109 = arith.constant 1 : i32
      %add3A_110 = arith.addi %add3A_90, %add3A_109 : i32
      %lt3A = arith.constant 200 : i32
      %lt3A_111 = arith.cmpi slt, %add3A_110, %lt3A : i32
      %convert_element_type3A = arith.extui %lt3A_111 : i1 to i32
      %cond3A = arith.constant 0 : i32
      %cond3A_112 = arith.cmpi ne, %convert_element_type3A, %cond3A : i32
      scf.if %cond3A_112 {
        %add3A_217 = arith.constant 128 : i32
        %add3A_218 = arith.addi %add3A_93, %add3A_217 : i32
        %dma_wait3A_219 = arith.constant 1 : i32
        %dma_wait3A_220 = arith.constant 1 : i32
        %dma_wait3A_221 = arith.constant 0 : i32
        %dma_wait3A_222 = tpu.memref_slice %arg8[%dma_wait3A_219, %dma_wait3A_221] : memref<2x128xi32, #tpu.memory_space<vmem>> -> memref<1x128xi32, #tpu.memory_space<vmem>>
        %dma_wait3A_223 = tpu.memref_squeeze %dma_wait3A_222 : memref<1x128xi32, #tpu.memory_space<vmem>> -> memref<128xi32, #tpu.memory_space<vmem>>
        %dma_wait3A_224 = tpu.memref_slice %arg3[%add3A_218] : memref<819200xi32, #tpu.memory_space<hbm>> -> memref<128xi32, #tpu.memory_space<hbm>>
        %dma_wait3A_225 = tpu.memref_slice %arg14[%dma_wait3A_220] : memref<2x!tpu.dma_semaphore, #tpu.memory_space<semaphore_mem>> -> memref<1x!tpu.dma_semaphore, #tpu.memory_space<semaphore_mem>>
        %dma_wait3A_226 = tpu.memref_squeeze %dma_wait3A_225 : memref<1x!tpu.dma_semaphore, #tpu.memory_space<semaphore_mem>> -> memref<!tpu.dma_semaphore, #tpu.memory_space<semaphore_mem>>
        %dma_wait3A_227 = arith.constant 0 : i32
        %dma_wait3A_228 = tpu.memref_slice %arg8[%dma_wait3A_219, %dma_wait3A_227] : memref<2x128xi32, #tpu.memory_space<vmem>> -> memref<1x128xi32, #tpu.memory_space<vmem>>
        %dma_wait3A_229 = tpu.memref_squeeze %dma_wait3A_228 : memref<1x128xi32, #tpu.memory_space<vmem>> -> memref<128xi32, #tpu.memory_space<vmem>>
        %dma_wait3A_230 = tpu.memref_slice %arg3[%add3A_218] : memref<819200xi32, #tpu.memory_space<hbm>> -> memref<128xi32, #tpu.memory_space<hbm>>
        tpu.wait_dma2 semaphore(%dma_wait3A_226 : memref<!tpu.dma_semaphore, #tpu.memory_space<semaphore_mem>>) src(%dma_wait3A_230 : memref<128xi32, #tpu.memory_space<hbm>>) dst(%dma_wait3A_229 : memref<128xi32, #tpu.memory_space<vmem>>)
        %add3A_231 = arith.constant 128 : i32
        %add3A_232 = arith.addi %add3A_93, %add3A_231 : i32
        %dma_wait3A_233 = arith.constant 1 : i32
        %dma_wait3A_234 = arith.constant 1 : i32
        %dma_wait3A_235 = arith.constant 0 : i32
        %dma_wait3A_236 = tpu.memref_slice %arg9[%dma_wait3A_233, %dma_wait3A_235] : memref<2x128xi32, #tpu.memory_space<vmem>> -> memref<1x128xi32, #tpu.memory_space<vmem>>
        %dma_wait3A_237 = tpu.memref_squeeze %dma_wait3A_236 : memref<1x128xi32, #tpu.memory_space<vmem>> -> memref<128xi32, #tpu.memory_space<vmem>>
        %dma_wait3A_238 = tpu.memref_slice %arg4[%add3A_232] : memref<819200xi32, #tpu.memory_space<hbm>> -> memref<128xi32, #tpu.memory_space<hbm>>
        %dma_wait3A_239 = tpu.memref_slice %arg14[%dma_wait3A_234] : memref<2x!tpu.dma_semaphore, #tpu.memory_space<semaphore_mem>> -> memref<1x!tpu.dma_semaphore, #tpu.memory_space<semaphore_mem>>
        %dma_wait3A_240 = tpu.memref_squeeze %dma_wait3A_239 : memref<1x!tpu.dma_semaphore, #tpu.memory_space<semaphore_mem>> -> memref<!tpu.dma_semaphore, #tpu.memory_space<semaphore_mem>>
        %dma_wait3A_241 = arith.constant 0 : i32
        %dma_wait3A_242 = tpu.memref_slice %arg9[%dma_wait3A_233, %dma_wait3A_241] : memref<2x128xi32, #tpu.memory_space<vmem>> -> memref<1x128xi32, #tpu.memory_space<vmem>>
        %dma_wait3A_243 = tpu.memref_squeeze %dma_wait3A_242 : memref<1x128xi32, #tpu.memory_space<vmem>> -> memref<128xi32, #tpu.memory_space<vmem>>
        %dma_wait3A_244 = tpu.memref_slice %arg4[%add3A_232] : memref<819200xi32, #tpu.memory_space<hbm>> -> memref<128xi32, #tpu.memory_space<hbm>>
        tpu.wait_dma2 semaphore(%dma_wait3A_240 : memref<!tpu.dma_semaphore, #tpu.memory_space<semaphore_mem>>) src(%dma_wait3A_244 : memref<128xi32, #tpu.memory_space<hbm>>) dst(%dma_wait3A_243 : memref<128xi32, #tpu.memory_space<vmem>>)
        %dma_start3A_245 = arith.constant 1 : i32
        %dma_start3A_246 = arith.constant 1 : i32
        %dma_start3A_247 = arith.constant 1 : i32
        %dma_start3A_248 = arith.constant 0 : i32
        %dma_start3A_249 = arith.constant 0 : i32
        %dma_start3A_250 = tpu.memref_slice %arg10[%dma_start3A_246, %dma_start3A_248, %dma_start3A_249] : memref<2x128x128xf32, #tpu.memory_space<vmem>> -> memref<1x128x128xf32, #tpu.memory_space<vmem>>
        %dma_start3A_251 = tpu.memref_squeeze %dma_start3A_250 : memref<1x128x128xf32, #tpu.memory_space<vmem>> -> memref<128x128xf32, #tpu.memory_space<vmem>>
        %dma_start3A_252 = arith.constant 0 : i32
        %dma_start3A_253 = tpu.memref_slice %arg8[%dma_start3A_245, %dma_start3A_252] : memref<2x128xi32, #tpu.memory_space<vmem>> -> memref<1x128xi32, #tpu.memory_space<vmem>>
        %dma_start3A_254 = tpu.memref_squeeze %dma_start3A_253 : memref<1x128xi32, #tpu.memory_space<vmem>> -> memref<128xi32, #tpu.memory_space<vmem>>
        %dma_start3A_255 = arith.constant 0 : i32
        %dma_start3A_256 = arith.constant 0 : i32
        %dma_start3A_257 = tpu.memref_slice %arg2[%dma_start3A_255, %dma_start3A_256] : memref<100000x128xf32, #tpu.memory_space<hbm>> -> memref<100000x128xf32, #tpu.memory_space<hbm>>
        %dma_start3A_258 = tpu.memref_slice %arg15[%dma_start3A_247] : memref<2x!tpu.dma_semaphore, #tpu.memory_space<semaphore_mem>> -> memref<1x!tpu.dma_semaphore, #tpu.memory_space<semaphore_mem>>
        %dma_start3A_259 = tpu.memref_squeeze %dma_start3A_258 : memref<1x!tpu.dma_semaphore, #tpu.memory_space<semaphore_mem>> -> memref<!tpu.dma_semaphore, #tpu.memory_space<semaphore_mem>>
        tpu.enqueue_indirect_dma source(%dma_start3A_257 : memref<100000x128xf32, #tpu.memory_space<hbm>>) target(%dma_start3A_251 : memref<128x128xf32, #tpu.memory_space<vmem>>) offsets(%dma_start3A_254 : memref<128xi32, #tpu.memory_space<vmem>>) semaphore(%dma_start3A_259 : memref<!tpu.dma_semaphore, #tpu.memory_space<semaphore_mem>>)
      } else {
      }
      %ge3A = arith.constant 2 : i32
      %ge3A_113 = arith.cmpi sge, %add3A_90, %ge3A : i32
      %convert_element_type3A_114 = arith.extui %ge3A_113 : i1 to i32
      %cond3A_115 = arith.constant 0 : i32
      %cond3A_116 = arith.cmpi ne, %convert_element_type3A_114, %cond3A_115 : i32
      scf.if %cond3A_116 {
        %sub3A = arith.constant 256 : i32
        %sub3A_217 = arith.subi %add3A_93, %sub3A : i32
        %dma_wait3A_218 = arith.constant 0 : i32
        %dma_wait3A_219 = arith.constant 0 : i32
        %dma_wait3A_220 = arith.constant 0 : i32
        %dma_wait3A_221 = arith.constant 0 : i32
        %dma_wait3A_222 = tpu.memref_slice %arg11[%dma_wait3A_218, %dma_wait3A_220, %dma_wait3A_221] : memref<2x128x73xf32, #tpu.memory_space<vmem>> -> memref<1x128x73xf32, #tpu.memory_space<vmem>>
        %dma_wait3A_223 = tpu.memref_squeeze %dma_wait3A_222 : memref<1x128x73xf32, #tpu.memory_space<vmem>> -> memref<128x73xf32, #tpu.memory_space<vmem>>
        %dma_wait3A_224 = arith.constant 0 : i32
        %dma_wait3A_225 = tpu.memref_slice %arg7[%sub3A_217, %dma_wait3A_224] : memref<819200x73xf32, #tpu.memory_space<hbm>> -> memref<128x73xf32, #tpu.memory_space<hbm>>
        %dma_wait3A_226 = tpu.memref_slice %arg16[%dma_wait3A_219] : memref<2x!tpu.dma_semaphore, #tpu.memory_space<semaphore_mem>> -> memref<1x!tpu.dma_semaphore, #tpu.memory_space<semaphore_mem>>
        %dma_wait3A_227 = tpu.memref_squeeze %dma_wait3A_226 : memref<1x!tpu.dma_semaphore, #tpu.memory_space<semaphore_mem>> -> memref<!tpu.dma_semaphore, #tpu.memory_space<semaphore_mem>>
        %dma_wait3A_228 = arith.constant 0 : i32
        %dma_wait3A_229 = tpu.memref_slice %arg7[%sub3A_217, %dma_wait3A_228] : memref<819200x73xf32, #tpu.memory_space<hbm>> -> memref<128x73xf32, #tpu.memory_space<hbm>>
        %dma_wait3A_230 = arith.constant 0 : i32
        %dma_wait3A_231 = arith.constant 0 : i32
        %dma_wait3A_232 = tpu.memref_slice %arg11[%dma_wait3A_218, %dma_wait3A_230, %dma_wait3A_231] : memref<2x128x73xf32, #tpu.memory_space<vmem>> -> memref<1x128x73xf32, #tpu.memory_space<vmem>>
        %dma_wait3A_233 = tpu.memref_squeeze %dma_wait3A_232 : memref<1x128x73xf32, #tpu.memory_space<vmem>> -> memref<128x73xf32, #tpu.memory_space<vmem>>
        tpu.wait_dma2 semaphore(%dma_wait3A_227 : memref<!tpu.dma_semaphore, #tpu.memory_space<semaphore_mem>>) src(%dma_wait3A_233 : memref<128x73xf32, #tpu.memory_space<vmem>>) dst(%dma_wait3A_229 : memref<128x73xf32, #tpu.memory_space<hbm>>)
      } else {
      }
      %scan3A_117 = arith.constant 0 : i32
      %scan3A_118 = arith.constant 0 : i32
      %scan3A_119 = arith.constant 0 : i32
      %scan3A_120 = arith.constant 0 : i32
      %scan3A_121 = arith.constant 0 : i32
      %scan3A_122 = arith.constant 0 : i32
      %scan3A_123 = arith.constant 8 : i32
      %scan3A_124 = arith.addi %scan3A_122, %scan3A_123 : i32
      %scan3A_125 = arith.constant 1 : i32
      scf.for %scan3A_217 = %scan3A_122 to %scan3A_124 step %scan3A_125  : i32 {
        %mul3A_218 = arith.constant 16 : i32
        %mul3A_219 = arith.muli %scan3A_217, %mul3A_218 : i32
        %iota3A = tpu.iota {dimensions = array<i32: 0>} : vector<16xi32>
        %add3A_220 = vector.broadcast %mul3A_219 : i32 to vector<16xi32>
        %add3A_221 = arith.addi %add3A_220, %iota3A : vector<16xi32>
        %get3A = arith.constant 0 : i32
        %get3A_222 = tpu.memref_slice %arg8[%scan3A_118, %get3A] : memref<2x128xi32, #tpu.memory_space<vmem>> -> memref<1x128xi32, #tpu.memory_space<vmem>>
        %get3A_223 = tpu.memref_squeeze %get3A_222 : memref<1x128xi32, #tpu.memory_space<vmem>> -> memref<128xi32, #tpu.memory_space<vmem>>
        %get3A_224 = arith.index_cast %mul3A_219 : i32 to index
        %get3A_225 = tpu.vector_load %get3A_223[%get3A_224] {strides = array<i32>} : memref<128xi32, #tpu.memory_space<vmem>>, vector<16xi32>,
        %get3A_226 = arith.constant 0 : i32
        %get3A_227 = tpu.memref_slice %arg9[%scan3A_119, %get3A_226] : memref<2x128xi32, #tpu.memory_space<vmem>> -> memref<1x128xi32, #tpu.memory_space<vmem>>
        %get3A_228 = tpu.memref_squeeze %get3A_227 : memref<1x128xi32, #tpu.memory_space<vmem>> -> memref<128xi32, #tpu.memory_space<vmem>>
        %get3A_229 = arith.index_cast %mul3A_219 : i32 to index
        %get3A_230 = tpu.vector_load %get3A_228[%get3A_229] {strides = array<i32>} : memref<128xi32, #tpu.memory_space<vmem>>, vector<16xi32>,
        %add3A_231 = arith.constant 0 : i32
        %add3A_232 = arith.addi %mul3A_219, %add3A_231 : i32
        %get3A_233 = arith.constant 0 : i32
        %get3A_234 = arith.constant 0 : i32
        %get3A_235 = tpu.memref_slice %arg10[%scan3A_120, %get3A_233, %get3A_234] : memref<2x128x128xf32, #tpu.memory_space<vmem>> -> memref<1x128x128xf32, #tpu.memory_space<vmem>>
        %get3A_236 = tpu.memref_squeeze %get3A_235 : memref<1x128x128xf32, #tpu.memory_space<vmem>> -> memref<128x128xf32, #tpu.memory_space<vmem>>
        %get3A_237 = arith.index_cast %add3A_232 : i32 to index
        %get3A_238 = arith.constant 0 : index
        %get3A_239 = tpu.vector_load %get3A_236[%get3A_237, %get3A_238] {strides = array<i32>} : memref<128x128xf32, #tpu.memory_space<vmem>>, vector<16xf32>,
        %swap3A = arith.constant 0 : i32
        %swap3A_240 = arith.constant 0 : i32
        %swap3A_241 = tpu.memref_slice %arg11[%scan3A_121, %swap3A, %swap3A_240] : memref<2x128x73xf32, #tpu.memory_space<vmem>> -> memref<1x128x73xf32, #tpu.memory_space<vmem>>
        %swap3A_242 = tpu.memref_squeeze %swap3A_241 : memref<1x128x73xf32, #tpu.memory_space<vmem>> -> memref<128x73xf32, #tpu.memory_space<vmem>>
        %swap3A_243 = arith.index_cast %add3A_232 : i32 to index
        %swap3A_244 = arith.constant 0 : index
        %swap3A_245 = tpu.vector_load %swap3A_242[%swap3A_243, %swap3A_244] {strides = array<i32>} : memref<128x73xf32, #tpu.memory_space<vmem>>, vector<16xf32>,
        tpu.vector_store %swap3A_242[%swap3A_243, %swap3A_244], %get3A_239 {strides = array<i32>} : memref<128x73xf32, #tpu.memory_space<vmem>>, vector<16xf32>,
        %get3A_246 = arith.constant 0 : i32
        %get3A_247 = arith.constant 0 : i32
        %get3A_248 = tpu.memref_slice %arg10[%scan3A_120, %get3A_246, %get3A_247] : memref<2x128x128xf32, #tpu.memory_space<vmem>> -> memref<1x128x128xf32, #tpu.memory_space<vmem>>
        %get3A_249 = tpu.memref_squeeze %get3A_248 : memref<1x128x128xf32, #tpu.memory_space<vmem>> -> memref<128x128xf32, #tpu.memory_space<vmem>>
        %get3A_250 = arith.index_cast %add3A_232 : i32 to index
        %get3A_251 = arith.constant 16 : index
        %get3A_252 = tpu.vector_load %get3A_249[%get3A_250, %get3A_251] {strides = array<i32>} : memref<128x128xf32, #tpu.memory_space<vmem>>, vector<16xf32>,
        %swap3A_253 = arith.constant 0 : i32
        %swap3A_254 = arith.constant 0 : i32
        %swap3A_255 = tpu.memref_slice %arg11[%scan3A_121, %swap3A_253, %swap3A_254] : memref<2x128x73xf32, #tpu.memory_space<vmem>> -> memref<1x128x73xf32, #tpu.memory_space<vmem>>
        %swap3A_256 = tpu.memref_squeeze %swap3A_255 : memref<1x128x73xf32, #tpu.memory_space<vmem>> -> memref<128x73xf32, #tpu.memory_space<vmem>>
        %swap3A_257 = arith.index_cast %add3A_232 : i32 to index
        %swap3A_258 = arith.constant 16 : index
        %swap3A_259 = tpu.vector_load %swap3A_256[%swap3A_257, %swap3A_258] {strides = array<i32>} : memref<128x73xf32, #tpu.memory_space<vmem>>, vector<16xf32>,
        tpu.vector_store %swap3A_256[%swap3A_257, %swap3A_258], %get3A_252 {strides = array<i32>} : memref<128x73xf32, #tpu.memory_space<vmem>>, vector<16xf32>,
        %get3A_260 = arith.constant 0 : i32
        %get3A_261 = arith.constant 0 : i32
        %get3A_262 = tpu.memref_slice %arg10[%scan3A_120, %get3A_260, %get3A_261] : memref<2x128x128xf32, #tpu.memory_space<vmem>> -> memref<1x128x128xf32, #tpu.memory_space<vmem>>
        %get3A_263 = tpu.memref_squeeze %get3A_262 : memref<1x128x128xf32, #tpu.memory_space<vmem>> -> memref<128x128xf32, #tpu.memory_space<vmem>>
        %get3A_264 = arith.index_cast %add3A_232 : i32 to index
        %get3A_265 = arith.constant 32 : index
        %get3A_266 = tpu.vector_load %get3A_263[%get3A_264, %get3A_265] {strides = array<i32>} : memref<128x128xf32, #tpu.memory_space<vmem>>, vector<16xf32>,
        %swap3A_267 = arith.constant 0 : i32
        %swap3A_268 = arith.constant 0 : i32
        %swap3A_269 = tpu.memref_slice %arg11[%scan3A_121, %swap3A_267, %swap3A_268] : memref<2x128x73xf32, #tpu.memory_space<vmem>> -> memref<1x128x73xf32, #tpu.memory_space<vmem>>
        %swap3A_270 = tpu.memref_squeeze %swap3A_269 : memref<1x128x73xf32, #tpu.memory_space<vmem>> -> memref<128x73xf32, #tpu.memory_space<vmem>>
        %swap3A_271 = arith.index_cast %add3A_232 : i32 to index
        %swap3A_272 = arith.constant 32 : index
        %swap3A_273 = tpu.vector_load %swap3A_270[%swap3A_271, %swap3A_272] {strides = array<i32>} : memref<128x73xf32, #tpu.memory_space<vmem>>, vector<16xf32>,
        tpu.vector_store %swap3A_270[%swap3A_271, %swap3A_272], %get3A_266 {strides = array<i32>} : memref<128x73xf32, #tpu.memory_space<vmem>>, vector<16xf32>,
        %get3A_274 = arith.constant 0 : i32
        %get3A_275 = arith.constant 0 : i32
        %get3A_276 = tpu.memref_slice %arg10[%scan3A_120, %get3A_274, %get3A_275] : memref<2x128x128xf32, #tpu.memory_space<vmem>> -> memref<1x128x128xf32, #tpu.memory_space<vmem>>
        %get3A_277 = tpu.memref_squeeze %get3A_276 : memref<1x128x128xf32, #tpu.memory_space<vmem>> -> memref<128x128xf32, #tpu.memory_space<vmem>>
        %get3A_278 = arith.index_cast %add3A_232 : i32 to index
        %get3A_279 = arith.constant 48 : index
        %get3A_280 = tpu.vector_load %get3A_277[%get3A_278, %get3A_279] {strides = array<i32>} : memref<128x128xf32, #tpu.memory_space<vmem>>, vector<16xf32>,
        %swap3A_281 = arith.constant 0 : i32
        %swap3A_282 = arith.constant 0 : i32
        %swap3A_283 = tpu.memref_slice %arg11[%scan3A_121, %swap3A_281, %swap3A_282] : memref<2x128x73xf32, #tpu.memory_space<vmem>> -> memref<1x128x73xf32, #tpu.memory_space<vmem>>
        %swap3A_284 = tpu.memref_squeeze %swap3A_283 : memref<1x128x73xf32, #tpu.memory_space<vmem>> -> memref<128x73xf32, #tpu.memory_space<vmem>>
        %swap3A_285 = arith.index_cast %add3A_232 : i32 to index
        %swap3A_286 = arith.constant 48 : index
        %swap3A_287 = tpu.vector_load %swap3A_284[%swap3A_285, %swap3A_286] {strides = array<i32>} : memref<128x73xf32, #tpu.memory_space<vmem>>, vector<16xf32>,
        tpu.vector_store %swap3A_284[%swap3A_285, %swap3A_286], %get3A_280 {strides = array<i32>} : memref<128x73xf32, #tpu.memory_space<vmem>>, vector<16xf32>,
        %add3A_288 = arith.constant 1 : i32
        %add3A_289 = arith.addi %mul3A_219, %add3A_288 : i32
        %get3A_290 = arith.constant 0 : i32
        %get3A_291 = arith.constant 0 : i32
        %get3A_292 = tpu.memref_slice %arg10[%scan3A_120, %get3A_290, %get3A_291] : memref<2x128x128xf32, #tpu.memory_space<vmem>> -> memref<1x128x128xf32, #tpu.memory_space<vmem>>
        %get3A_293 = tpu.memref_squeeze %get3A_292 : memref<1x128x128xf32, #tpu.memory_space<vmem>> -> memref<128x128xf32, #tpu.memory_space<vmem>>
        %get3A_294 = arith.index_cast %add3A_289 : i32 to index
        %get3A_295 = arith.constant 0 : index
        %get3A_296 = tpu.vector_load %get3A_293[%get3A_294, %get3A_295] {strides = array<i32>} : memref<128x128xf32, #tpu.memory_space<vmem>>, vector<16xf32>,
        %swap3A_297 = arith.constant 0 : i32
        %swap3A_298 = arith.constant 0 : i32
        %swap3A_299 = tpu.memref_slice %arg11[%scan3A_121, %swap3A_297, %swap3A_298] : memref<2x128x73xf32, #tpu.memory_space<vmem>> -> memref<1x128x73xf32, #tpu.memory_space<vmem>>
        %swap3A_300 = tpu.memref_squeeze %swap3A_299 : memref<1x128x73xf32, #tpu.memory_space<vmem>> -> memref<128x73xf32, #tpu.memory_space<vmem>>
        %swap3A_301 = arith.index_cast %add3A_289 : i32 to index
        %swap3A_302 = arith.constant 0 : index
        %swap3A_303 = tpu.vector_load %swap3A_300[%swap3A_301, %swap3A_302] {strides = array<i32>} : memref<128x73xf32, #tpu.memory_space<vmem>>, vector<16xf32>,
        tpu.vector_store %swap3A_300[%swap3A_301, %swap3A_302], %get3A_296 {strides = array<i32>} : memref<128x73xf32, #tpu.memory_space<vmem>>, vector<16xf32>,
        %get3A_304 = arith.constant 0 : i32
        %get3A_305 = arith.constant 0 : i32
        %get3A_306 = tpu.memref_slice %arg10[%scan3A_120, %get3A_304, %get3A_305] : memref<2x128x128xf32, #tpu.memory_space<vmem>> -> memref<1x128x128xf32, #tpu.memory_space<vmem>>
        %get3A_307 = tpu.memref_squeeze %get3A_306 : memref<1x128x128xf32, #tpu.memory_space<vmem>> -> memref<128x128xf32, #tpu.memory_space<vmem>>
        %get3A_308 = arith.index_cast %add3A_289 : i32 to index
        %get3A_309 = arith.constant 16 : index
        %get3A_310 = tpu.vector_load %get3A_307[%get3A_308, %get3A_309] {strides = array<i32>} : memref<128x128xf32, #tpu.memory_space<vmem>>, vector<16xf32>,
        %swap3A_311 = arith.constant 0 : i32
        %swap3A_312 = arith.constant 0 : i32
        %swap3A_313 = tpu.memref_slice %arg11[%scan3A_121, %swap3A_311, %swap3A_312] : memref<2x128x73xf32, #tpu.memory_space<vmem>> -> memref<1x128x73xf32, #tpu.memory_space<vmem>>
        %swap3A_314 = tpu.memref_squeeze %swap3A_313 : memref<1x128x73xf32, #tpu.memory_space<vmem>> -> memref<128x73xf32, #tpu.memory_space<vmem>>
        %swap3A_315 = arith.index_cast %add3A_289 : i32 to index
        %swap3A_316 = arith.constant 16 : index
        %swap3A_317 = tpu.vector_load %swap3A_314[%swap3A_315, %swap3A_316] {strides = array<i32>} : memref<128x73xf32, #tpu.memory_space<vmem>>, vector<16xf32>,
        tpu.vector_store %swap3A_314[%swap3A_315, %swap3A_316], %get3A_310 {strides = array<i32>} : memref<128x73xf32, #tpu.memory_space<vmem>>, vector<16xf32>,
        %get3A_318 = arith.constant 0 : i32
        %get3A_319 = arith.constant 0 : i32
        %get3A_320 = tpu.memref_slice %arg10[%scan3A_120, %get3A_318, %get3A_319] : memref<2x128x128xf32, #tpu.memory_space<vmem>> -> memref<1x128x128xf32, #tpu.memory_space<vmem>>
        %get3A_321 = tpu.memref_squeeze %get3A_320 : memref<1x128x128xf32, #tpu.memory_space<vmem>> -> memref<128x128xf32, #tpu.memory_space<vmem>>
        %get3A_322 = arith.index_cast %add3A_289 : i32 to index
        %get3A_323 = arith.constant 32 : index
        %get3A_324 = tpu.vector_load %get3A_321[%get3A_322, %get3A_323] {strides = array<i32>} : memref<128x128xf32, #tpu.memory_space<vmem>>, vector<16xf32>,
        %swap3A_325 = arith.constant 0 : i32
        %swap3A_326 = arith.constant 0 : i32
        %swap3A_327 = tpu.memref_slice %arg11[%scan3A_121, %swap3A_325, %swap3A_326] : memref<2x128x73xf32, #tpu.memory_space<vmem>> -> memref<1x128x73xf32, #tpu.memory_space<vmem>>
        %swap3A_328 = tpu.memref_squeeze %swap3A_327 : memref<1x128x73xf32, #tpu.memory_space<vmem>> -> memref<128x73xf32, #tpu.memory_space<vmem>>
        %swap3A_329 = arith.index_cast %add3A_289 : i32 to index
        %swap3A_330 = arith.constant 32 : index
        %swap3A_331 = tpu.vector_load %swap3A_328[%swap3A_329, %swap3A_330] {strides = array<i32>} : memref<128x73xf32, #tpu.memory_space<vmem>>, vector<16xf32>,
        tpu.vector_store %swap3A_328[%swap3A_329, %swap3A_330], %get3A_324 {strides = array<i32>} : memref<128x73xf32, #tpu.memory_space<vmem>>, vector<16xf32>,
        %get3A_332 = arith.constant 0 : i32
        %get3A_333 = arith.constant 0 : i32
        %get3A_334 = tpu.memref_slice %arg10[%scan3A_120, %get3A_332, %get3A_333] : memref<2x128x128xf32, #tpu.memory_space<vmem>> -> memref<1x128x128xf32, #tpu.memory_space<vmem>>
        %get3A_335 = tpu.memref_squeeze %get3A_334 : memref<1x128x128xf32, #tpu.memory_space<vmem>> -> memref<128x128xf32, #tpu.memory_space<vmem>>
        %get3A_336 = arith.index_cast %add3A_289 : i32 to index
        %get3A_337 = arith.constant 48 : index
        %get3A_338 = tpu.vector_load %get3A_335[%get3A_336, %get3A_337] {strides = array<i32>} : memref<128x128xf32, #tpu.memory_space<vmem>>, vector<16xf32>,
        %swap3A_339 = arith.constant 0 : i32
        %swap3A_340 = arith.constant 0 : i32
        %swap3A_341 = tpu.memref_slice %arg11[%scan3A_121, %swap3A_339, %swap3A_340] : memref<2x128x73xf32, #tpu.memory_space<vmem>> -> memref<1x128x73xf32, #tpu.memory_space<vmem>>
        %swap3A_342 = tpu.memref_squeeze %swap3A_341 : memref<1x128x73xf32, #tpu.memory_space<vmem>> -> memref<128x73xf32, #tpu.memory_space<vmem>>
        %swap3A_343 = arith.index_cast %add3A_289 : i32 to index
        %swap3A_344 = arith.constant 48 : index
        %swap3A_345 = tpu.vector_load %swap3A_342[%swap3A_343, %swap3A_344] {strides = array<i32>} : memref<128x73xf32, #tpu.memory_space<vmem>>, vector<16xf32>,
        tpu.vector_store %swap3A_342[%swap3A_343, %swap3A_344], %get3A_338 {strides = array<i32>} : memref<128x73xf32, #tpu.memory_space<vmem>>, vector<16xf32>,
        %add3A_346 = arith.constant 2 : i32
        %add3A_347 = arith.addi %mul3A_219, %add3A_346 : i32
        %get3A_348 = arith.constant 0 : i32
        %get3A_349 = arith.constant 0 : i32
        %get3A_350 = tpu.memref_slice %arg10[%scan3A_120, %get3A_348, %get3A_349] : memref<2x128x128xf32, #tpu.memory_space<vmem>> -> memref<1x128x128xf32, #tpu.memory_space<vmem>>
        %get3A_351 = tpu.memref_squeeze %get3A_350 : memref<1x128x128xf32, #tpu.memory_space<vmem>> -> memref<128x128xf32, #tpu.memory_space<vmem>>
        %get3A_352 = arith.index_cast %add3A_347 : i32 to index
        %get3A_353 = arith.constant 0 : index
        %get3A_354 = tpu.vector_load %get3A_351[%get3A_352, %get3A_353] {strides = array<i32>} : memref<128x128xf32, #tpu.memory_space<vmem>>, vector<16xf32>,
        %swap3A_355 = arith.constant 0 : i32
        %swap3A_356 = arith.constant 0 : i32
        %swap3A_357 = tpu.memref_slice %arg11[%scan3A_121, %swap3A_355, %swap3A_356] : memref<2x128x73xf32, #tpu.memory_space<vmem>> -> memref<1x128x73xf32, #tpu.memory_space<vmem>>
        %swap3A_358 = tpu.memref_squeeze %swap3A_357 : memref<1x128x73xf32, #tpu.memory_space<vmem>> -> memref<128x73xf32, #tpu.memory_space<vmem>>
        %swap3A_359 = arith.index_cast %add3A_347 : i32 to index
        %swap3A_360 = arith.constant 0 : index
        %swap3A_361 = tpu.vector_load %swap3A_358[%swap3A_359, %swap3A_360] {strides = array<i32>} : memref<128x73xf32, #tpu.memory_space<vmem>>, vector<16xf32>,
        tpu.vector_store %swap3A_358[%swap3A_359, %swap3A_360], %get3A_354 {strides = array<i32>} : memref<128x73xf32, #tpu.memory_space<vmem>>, vector<16xf32>,
        %get3A_362 = arith.constant 0 : i32
        %get3A_363 = arith.constant 0 : i32
        %get3A_364 = tpu.memref_slice %arg10[%scan3A_120, %get3A_362, %get3A_363] : memref<2x128x128xf32, #tpu.memory_space<vmem>> -> memref<1x128x128xf32, #tpu.memory_space<vmem>>
        %get3A_365 = tpu.memref_squeeze %get3A_364 : memref<1x128x128xf32, #tpu.memory_space<vmem>> -> memref<128x128xf32, #tpu.memory_space<vmem>>
        %get3A_366 = arith.index_cast %add3A_347 : i32 to index
        %get3A_367 = arith.constant 16 : index
        %get3A_368 = tpu.vector_load %get3A_365[%get3A_366, %get3A_367] {strides = array<i32>} : memref<128x128xf32, #tpu.memory_space<vmem>>, vector<16xf32>,
        %swap3A_369 = arith.constant 0 : i32
        %swap3A_370 = arith.constant 0 : i32
        %swap3A_371 = tpu.memref_slice %arg11[%scan3A_121, %swap3A_369, %swap3A_370] : memref<2x128x73xf32, #tpu.memory_space<vmem>> -> memref<1x128x73xf32, #tpu.memory_space<vmem>>
        %swap3A_372 = tpu.memref_squeeze %swap3A_371 : memref<1x128x73xf32, #tpu.memory_space<vmem>> -> memref<128x73xf32, #tpu.memory_space<vmem>>
        %swap3A_373 = arith.index_cast %add3A_347 : i32 to index
        %swap3A_374 = arith.constant 16 : index
        %swap3A_375 = tpu.vector_load %swap3A_372[%swap3A_373, %swap3A_374] {strides = array<i32>} : memref<128x73xf32, #tpu.memory_space<vmem>>, vector<16xf32>,
        tpu.vector_store %swap3A_372[%swap3A_373, %swap3A_374], %get3A_368 {strides = array<i32>} : memref<128x73xf32, #tpu.memory_space<vmem>>, vector<16xf32>,
        %get3A_376 = arith.constant 0 : i32
        %get3A_377 = arith.constant 0 : i32
        %get3A_378 = tpu.memref_slice %arg10[%scan3A_120, %get3A_376, %get3A_377] : memref<2x128x128xf32, #tpu.memory_space<vmem>> -> memref<1x128x128xf32, #tpu.memory_space<vmem>>
        %get3A_379 = tpu.memref_squeeze %get3A_378 : memref<1x128x128xf32, #tpu.memory_space<vmem>> -> memref<128x128xf32, #tpu.memory_space<vmem>>
        %get3A_380 = arith.index_cast %add3A_347 : i32 to index
        %get3A_381 = arith.constant 32 : index
        %get3A_382 = tpu.vector_load %get3A_379[%get3A_380, %get3A_381] {strides = array<i32>} : memref<128x128xf32, #tpu.memory_space<vmem>>, vector<16xf32>,
        %swap3A_383 = arith.constant 0 : i32
        %swap3A_384 = arith.constant 0 : i32
        %swap3A_385 = tpu.memref_slice %arg11[%scan3A_121, %swap3A_383, %swap3A_384] : memref<2x128x73xf32, #tpu.memory_space<vmem>> -> memref<1x128x73xf32, #tpu.memory_space<vmem>>
        %swap3A_386 = tpu.memref_squeeze %swap3A_385 : memref<1x128x73xf32, #tpu.memory_space<vmem>> -> memref<128x73xf32, #tpu.memory_space<vmem>>
        %swap3A_387 = arith.index_cast %add3A_347 : i32 to index
        %swap3A_388 = arith.constant 32 : index
        %swap3A_389 = tpu.vector_load %swap3A_386[%swap3A_387, %swap3A_388] {strides = array<i32>} : memref<128x73xf32, #tpu.memory_space<vmem>>, vector<16xf32>,
        tpu.vector_store %swap3A_386[%swap3A_387, %swap3A_388], %get3A_382 {strides = array<i32>} : memref<128x73xf32, #tpu.memory_space<vmem>>, vector<16xf32>,
        %get3A_390 = arith.constant 0 : i32
        %get3A_391 = arith.constant 0 : i32
        %get3A_392 = tpu.memref_slice %arg10[%scan3A_120, %get3A_390, %get3A_391] : memref<2x128x128xf32, #tpu.memory_space<vmem>> -> memref<1x128x128xf32, #tpu.memory_space<vmem>>
        %get3A_393 = tpu.memref_squeeze %get3A_392 : memref<1x128x128xf32, #tpu.memory_space<vmem>> -> memref<128x128xf32, #tpu.memory_space<vmem>>
        %get3A_394 = arith.index_cast %add3A_347 : i32 to index
        %get3A_395 = arith.constant 48 : index
        %get3A_396 = tpu.vector_load %get3A_393[%get3A_394, %get3A_395] {strides = array<i32>} : memref<128x128xf32, #tpu.memory_space<vmem>>, vector<16xf32>,
        %swap3A_397 = arith.constant 0 : i32
        %swap3A_398 = arith.constant 0 : i32
        %swap3A_399 = tpu.memref_slice %arg11[%scan3A_121, %swap3A_397, %swap3A_398] : memref<2x128x73xf32, #tpu.memory_space<vmem>> -> memref<1x128x73xf32, #tpu.memory_space<vmem>>
        %swap3A_400 = tpu.memref_squeeze %swap3A_399 : memref<1x128x73xf32, #tpu.memory_space<vmem>> -> memref<128x73xf32, #tpu.memory_space<vmem>>
        %swap3A_401 = arith.index_cast %add3A_347 : i32 to index
        %swap3A_402 = arith.constant 48 : index
        %swap3A_403 = tpu.vector_load %swap3A_400[%swap3A_401, %swap3A_402] {strides = array<i32>} : memref<128x73xf32, #tpu.memory_space<vmem>>, vector<16xf32>,
        tpu.vector_store %swap3A_400[%swap3A_401, %swap3A_402], %get3A_396 {strides = array<i32>} : memref<128x73xf32, #tpu.memory_space<vmem>>, vector<16xf32>,
        %add3A_404 = arith.constant 3 : i32
        %add3A_405 = arith.addi %mul3A_219, %add3A_404 : i32
        %get3A_406 = arith.constant 0 : i32
        %get3A_407 = arith.constant 0 : i32
        %get3A_408 = tpu.memref_slice %arg10[%scan3A_120, %get3A_406, %get3A_407] : memref<2x128x128xf32, #tpu.memory_space<vmem>> -> memref<1x128x128xf32, #tpu.memory_space<vmem>>
        %get3A_409 = tpu.memref_squeeze %get3A_408 : memref<1x128x128xf32, #tpu.memory_space<vmem>> -> memref<128x128xf32, #tpu.memory_space<vmem>>
        %get3A_410 = arith.index_cast %add3A_405 : i32 to index
        %get3A_411 = arith.constant 0 : index
        %get3A_412 = tpu.vector_load %get3A_409[%get3A_410, %get3A_411] {strides = array<i32>} : memref<128x128xf32, #tpu.memory_space<vmem>>, vector<16xf32>,
        %swap3A_413 = arith.constant 0 : i32
        %swap3A_414 = arith.constant 0 : i32
        %swap3A_415 = tpu.memref_slice %arg11[%scan3A_121, %swap3A_413, %swap3A_414] : memref<2x128x73xf32, #tpu.memory_space<vmem>> -> memref<1x128x73xf32, #tpu.memory_space<vmem>>
        %swap3A_416 = tpu.memref_squeeze %swap3A_415 : memref<1x128x73xf32, #tpu.memory_space<vmem>> -> memref<128x73xf32, #tpu.memory_space<vmem>>
        %swap3A_417 = arith.index_cast %add3A_405 : i32 to index
        %swap3A_418 = arith.constant 0 : index
        %swap3A_419 = tpu.vector_load %swap3A_416[%swap3A_417, %swap3A_418] {strides = array<i32>} : memref<128x73xf32, #tpu.memory_space<vmem>>, vector<16xf32>,
        tpu.vector_store %swap3A_416[%swap3A_417, %swap3A_418], %get3A_412 {strides = array<i32>} : memref<128x73xf32, #tpu.memory_space<vmem>>, vector<16xf32>,
        %get3A_420 = arith.constant 0 : i32
        %get3A_421 = arith.constant 0 : i32
        %get3A_422 = tpu.memref_slice %arg10[%scan3A_120, %get3A_420, %get3A_421] : memref<2x128x128xf32, #tpu.memory_space<vmem>> -> memref<1x128x128xf32, #tpu.memory_space<vmem>>
        %get3A_423 = tpu.memref_squeeze %get3A_422 : memref<1x128x128xf32, #tpu.memory_space<vmem>> -> memref<128x128xf32, #tpu.memory_space<vmem>>
        %get3A_424 = arith.index_cast %add3A_405 : i32 to index
        %get3A_425 = arith.constant 16 : index
        %get3A_426 = tpu.vector_load %get3A_423[%get3A_424, %get3A_425] {strides = array<i32>} : memref<128x128xf32, #tpu.memory_space<vmem>>, vector<16xf32>,
        %swap3A_427 = arith.constant 0 : i32
        %swap3A_428 = arith.constant 0 : i32
        %swap3A_429 = tpu.memref_slice %arg11[%scan3A_121, %swap3A_427, %swap3A_428] : memref<2x128x73xf32, #tpu.memory_space<vmem>> -> memref<1x128x73xf32, #tpu.memory_space<vmem>>
        %swap3A_430 = tpu.memref_squeeze %swap3A_429 : memref<1x128x73xf32, #tpu.memory_space<vmem>> -> memref<128x73xf32, #tpu.memory_space<vmem>>
        %swap3A_431 = arith.index_cast %add3A_405 : i32 to index
        %swap3A_432 = arith.constant 16 : index
        %swap3A_433 = tpu.vector_load %swap3A_430[%swap3A_431, %swap3A_432] {strides = array<i32>} : memref<128x73xf32, #tpu.memory_space<vmem>>, vector<16xf32>,
        tpu.vector_store %swap3A_430[%swap3A_431, %swap3A_432], %get3A_426 {strides = array<i32>} : memref<128x73xf32, #tpu.memory_space<vmem>>, vector<16xf32>,
        %get3A_434 = arith.constant 0 : i32
        %get3A_435 = arith.constant 0 : i32
        %get3A_436 = tpu.memref_slice %arg10[%scan3A_120, %get3A_434, %get3A_435] : memref<2x128x128xf32, #tpu.memory_space<vmem>> -> memref<1x128x128xf32, #tpu.memory_space<vmem>>
        %get3A_437 = tpu.memref_squeeze %get3A_436 : memref<1x128x128xf32, #tpu.memory_space<vmem>> -> memref<128x128xf32, #tpu.memory_space<vmem>>
        %get3A_438 = arith.index_cast %add3A_405 : i32 to index
        %get3A_439 = arith.constant 32 : index
        %get3A_440 = tpu.vector_load %get3A_437[%get3A_438, %get3A_439] {strides = array<i32>} : memref<128x128xf32, #tpu.memory_space<vmem>>, vector<16xf32>,
        %swap3A_441 = arith.constant 0 : i32
        %swap3A_442 = arith.constant 0 : i32
        %swap3A_443 = tpu.memref_slice %arg11[%scan3A_121, %swap3A_441, %swap3A_442] : memref<2x128x73xf32, #tpu.memory_space<vmem>> -> memref<1x128x73xf32, #tpu.memory_space<vmem>>
        %swap3A_444 = tpu.memref_squeeze %swap3A_443 : memref<1x128x73xf32, #tpu.memory_space<vmem>> -> memref<128x73xf32, #tpu.memory_space<vmem>>
        %swap3A_445 = arith.index_cast %add3A_405 : i32 to index
        %swap3A_446 = arith.constant 32 : index
        %swap3A_447 = tpu.vector_load %swap3A_444[%swap3A_445, %swap3A_446] {strides = array<i32>} : memref<128x73xf32, #tpu.memory_space<vmem>>, vector<16xf32>,
        tpu.vector_store %swap3A_444[%swap3A_445, %swap3A_446], %get3A_440 {strides = array<i32>} : memref<128x73xf32, #tpu.memory_space<vmem>>, vector<16xf32>,
        %get3A_448 = arith.constant 0 : i32
        %get3A_449 = arith.constant 0 : i32
        %get3A_450 = tpu.memref_slice %arg10[%scan3A_120, %get3A_448, %get3A_449] : memref<2x128x128xf32, #tpu.memory_space<vmem>> -> memref<1x128x128xf32, #tpu.memory_space<vmem>>
        %get3A_451 = tpu.memref_squeeze %get3A_450 : memref<1x128x128xf32, #tpu.memory_space<vmem>> -> memref<128x128xf32, #tpu.memory_space<vmem>>
        %get3A_452 = arith.index_cast %add3A_405 : i32 to index
        %get3A_453 = arith.constant 48 : index
        %get3A_454 = tpu.vector_load %get3A_451[%get3A_452, %get3A_453] {strides = array<i32>} : memref<128x128xf32, #tpu.memory_space<vmem>>, vector<16xf32>,
        %swap3A_455 = arith.constant 0 : i32
        %swap3A_456 = arith.constant 0 : i32
        %swap3A_457 = tpu.memref_slice %arg11[%scan3A_121, %swap3A_455, %swap3A_456] : memref<2x128x73xf32, #tpu.memory_space<vmem>> -> memref<1x128x73xf32, #tpu.memory_space<vmem>>
        %swap3A_458 = tpu.memref_squeeze %swap3A_457 : memref<1x128x73xf32, #tpu.memory_space<vmem>> -> memref<128x73xf32, #tpu.memory_space<vmem>>
        %swap3A_459 = arith.index_cast %add3A_405 : i32 to index
        %swap3A_460 = arith.constant 48 : index
        %swap3A_461 = tpu.vector_load %swap3A_458[%swap3A_459, %swap3A_460] {strides = array<i32>} : memref<128x73xf32, #tpu.memory_space<vmem>>, vector<16xf32>,
        tpu.vector_store %swap3A_458[%swap3A_459, %swap3A_460], %get3A_454 {strides = array<i32>} : memref<128x73xf32, #tpu.memory_space<vmem>>, vector<16xf32>,
        %add3A_462 = arith.constant 4 : i32
        %add3A_463 = arith.addi %mul3A_219, %add3A_462 : i32
        %get3A_464 = arith.constant 0 : i32
        %get3A_465 = arith.constant 0 : i32
        %get3A_466 = tpu.memref_slice %arg10[%scan3A_120, %get3A_464, %get3A_465] : memref<2x128x128xf32, #tpu.memory_space<vmem>> -> memref<1x128x128xf32, #tpu.memory_space<vmem>>
        %get3A_467 = tpu.memref_squeeze %get3A_466 : memref<1x128x128xf32, #tpu.memory_space<vmem>> -> memref<128x128xf32, #tpu.memory_space<vmem>>
        %get3A_468 = arith.index_cast %add3A_463 : i32 to index
        %get3A_469 = arith.constant 0 : index
        %get3A_470 = tpu.vector_load %get3A_467[%get3A_468, %get3A_469] {strides = array<i32>} : memref<128x128xf32, #tpu.memory_space<vmem>>, vector<16xf32>,
        %swap3A_471 = arith.constant 0 : i32
        %swap3A_472 = arith.constant 0 : i32
        %swap3A_473 = tpu.memref_slice %arg11[%scan3A_121, %swap3A_471, %swap3A_472] : memref<2x128x73xf32, #tpu.memory_space<vmem>> -> memref<1x128x73xf32, #tpu.memory_space<vmem>>
        %swap3A_474 = tpu.memref_squeeze %swap3A_473 : memref<1x128x73xf32, #tpu.memory_space<vmem>> -> memref<128x73xf32, #tpu.memory_space<vmem>>
        %swap3A_475 = arith.index_cast %add3A_463 : i32 to index
        %swap3A_476 = arith.constant 0 : index
        %swap3A_477 = tpu.vector_load %swap3A_474[%swap3A_475, %swap3A_476] {strides = array<i32>} : memref<128x73xf32, #tpu.memory_space<vmem>>, vector<16xf32>,
        tpu.vector_store %swap3A_474[%swap3A_475, %swap3A_476], %get3A_470 {strides = array<i32>} : memref<128x73xf32, #tpu.memory_space<vmem>>, vector<16xf32>,
        %get3A_478 = arith.constant 0 : i32
        %get3A_479 = arith.constant 0 : i32
        %get3A_480 = tpu.memref_slice %arg10[%scan3A_120, %get3A_478, %get3A_479] : memref<2x128x128xf32, #tpu.memory_space<vmem>> -> memref<1x128x128xf32, #tpu.memory_space<vmem>>
        %get3A_481 = tpu.memref_squeeze %get3A_480 : memref<1x128x128xf32, #tpu.memory_space<vmem>> -> memref<128x128xf32, #tpu.memory_space<vmem>>
        %get3A_482 = arith.index_cast %add3A_463 : i32 to index
        %get3A_483 = arith.constant 16 : index
        %get3A_484 = tpu.vector_load %get3A_481[%get3A_482, %get3A_483] {strides = array<i32>} : memref<128x128xf32, #tpu.memory_space<vmem>>, vector<16xf32>,
        %swap3A_485 = arith.constant 0 : i32
        %swap3A_486 = arith.constant 0 : i32
        %swap3A_487 = tpu.memref_slice %arg11[%scan3A_121, %swap3A_485, %swap3A_486] : memref<2x128x73xf32, #tpu.memory_space<vmem>> -> memref<1x128x73xf32, #tpu.memory_space<vmem>>
        %swap3A_488 = tpu.memref_squeeze %swap3A_487 : memref<1x128x73xf32, #tpu.memory_space<vmem>> -> memref<128x73xf32, #tpu.memory_space<vmem>>
        %swap3A_489 = arith.index_cast %add3A_463 : i32 to index
        %swap3A_490 = arith.constant 16 : index
        %swap3A_491 = tpu.vector_load %swap3A_488[%swap3A_489, %swap3A_490] {strides = array<i32>} : memref<128x73xf32, #tpu.memory_space<vmem>>, vector<16xf32>,
        tpu.vector_store %swap3A_488[%swap3A_489, %swap3A_490], %get3A_484 {strides = array<i32>} : memref<128x73xf32, #tpu.memory_space<vmem>>, vector<16xf32>,
        %get3A_492 = arith.constant 0 : i32
        %get3A_493 = arith.constant 0 : i32
        %get3A_494 = tpu.memref_slice %arg10[%scan3A_120, %get3A_492, %get3A_493] : memref<2x128x128xf32, #tpu.memory_space<vmem>> -> memref<1x128x128xf32, #tpu.memory_space<vmem>>
        %get3A_495 = tpu.memref_squeeze %get3A_494 : memref<1x128x128xf32, #tpu.memory_space<vmem>> -> memref<128x128xf32, #tpu.memory_space<vmem>>
        %get3A_496 = arith.index_cast %add3A_463 : i32 to index
        %get3A_497 = arith.constant 32 : index
        %get3A_498 = tpu.vector_load %get3A_495[%get3A_496, %get3A_497] {strides = array<i32>} : memref<128x128xf32, #tpu.memory_space<vmem>>, vector<16xf32>,
        %swap3A_499 = arith.constant 0 : i32
        %swap3A_500 = arith.constant 0 : i32
        %swap3A_501 = tpu.memref_slice %arg11[%scan3A_121, %swap3A_499, %swap3A_500] : memref<2x128x73xf32, #tpu.memory_space<vmem>> -> memref<1x128x73xf32, #tpu.memory_space<vmem>>
        %swap3A_502 = tpu.memref_squeeze %swap3A_501 : memref<1x128x73xf32, #tpu.memory_space<vmem>> -> memref<128x73xf32, #tpu.memory_space<vmem>>
        %swap3A_503 = arith.index_cast %add3A_463 : i32 to index
        %swap3A_504 = arith.constant 32 : index
        %swap3A_505 = tpu.vector_load %swap3A_502[%swap3A_503, %swap3A_504] {strides = array<i32>} : memref<128x73xf32, #tpu.memory_space<vmem>>, vector<16xf32>,
        tpu.vector_store %swap3A_502[%swap3A_503, %swap3A_504], %get3A_498 {strides = array<i32>} : memref<128x73xf32, #tpu.memory_space<vmem>>, vector<16xf32>,
        %get3A_506 = arith.constant 0 : i32
        %get3A_507 = arith.constant 0 : i32
        %get3A_508 = tpu.memref_slice %arg10[%scan3A_120, %get3A_506, %get3A_507] : memref<2x128x128xf32, #tpu.memory_space<vmem>> -> memref<1x128x128xf32, #tpu.memory_space<vmem>>
        %get3A_509 = tpu.memref_squeeze %get3A_508 : memref<1x128x128xf32, #tpu.memory_space<vmem>> -> memref<128x128xf32, #tpu.memory_space<vmem>>
        %get3A_510 = arith.index_cast %add3A_463 : i32 to index
        %get3A_511 = arith.constant 48 : index
        %get3A_512 = tpu.vector_load %get3A_509[%get3A_510, %get3A_511] {strides = array<i32>} : memref<128x128xf32, #tpu.memory_space<vmem>>, vector<16xf32>,
        %swap3A_513 = arith.constant 0 : i32
        %swap3A_514 = arith.constant 0 : i32
        %swap3A_515 = tpu.memref_slice %arg11[%scan3A_121, %swap3A_513, %swap3A_514] : memref<2x128x73xf32, #tpu.memory_space<vmem>> -> memref<1x128x73xf32, #tpu.memory_space<vmem>>
        %swap3A_516 = tpu.memref_squeeze %swap3A_515 : memref<1x128x73xf32, #tpu.memory_space<vmem>> -> memref<128x73xf32, #tpu.memory_space<vmem>>
        %swap3A_517 = arith.index_cast %add3A_463 : i32 to index
        %swap3A_518 = arith.constant 48 : index
        %swap3A_519 = tpu.vector_load %swap3A_516[%swap3A_517, %swap3A_518] {strides = array<i32>} : memref<128x73xf32, #tpu.memory_space<vmem>>, vector<16xf32>,
        tpu.vector_store %swap3A_516[%swap3A_517, %swap3A_518], %get3A_512 {strides = array<i32>} : memref<128x73xf32, #tpu.memory_space<vmem>>, vector<16xf32>,
        %add3A_520 = arith.constant 5 : i32
        %add3A_521 = arith.addi %mul3A_219, %add3A_520 : i32
        %get3A_522 = arith.constant 0 : i32
        %get3A_523 = arith.constant 0 : i32
        %get3A_524 = tpu.memref_slice %arg10[%scan3A_120, %get3A_522, %get3A_523] : memref<2x128x128xf32, #tpu.memory_space<vmem>> -> memref<1x128x128xf32, #tpu.memory_space<vmem>>
        %get3A_525 = tpu.memref_squeeze %get3A_524 : memref<1x128x128xf32, #tpu.memory_space<vmem>> -> memref<128x128xf32, #tpu.memory_space<vmem>>
        %get3A_526 = arith.index_cast %add3A_521 : i32 to index
        %get3A_527 = arith.constant 0 : index
        %get3A_528 = tpu.vector_load %get3A_525[%get3A_526, %get3A_527] {strides = array<i32>} : memref<128x128xf32, #tpu.memory_space<vmem>>, vector<16xf32>,
        %swap3A_529 = arith.constant 0 : i32
        %swap3A_530 = arith.constant 0 : i32
        %swap3A_531 = tpu.memref_slice %arg11[%scan3A_121, %swap3A_529, %swap3A_530] : memref<2x128x73xf32, #tpu.memory_space<vmem>> -> memref<1x128x73xf32, #tpu.memory_space<vmem>>
        %swap3A_532 = tpu.memref_squeeze %swap3A_531 : memref<1x128x73xf32, #tpu.memory_space<vmem>> -> memref<128x73xf32, #tpu.memory_space<vmem>>
        %swap3A_533 = arith.index_cast %add3A_521 : i32 to index
        %swap3A_534 = arith.constant 0 : index
        %swap3A_535 = tpu.vector_load %swap3A_532[%swap3A_533, %swap3A_534] {strides = array<i32>} : memref<128x73xf32, #tpu.memory_space<vmem>>, vector<16xf32>,
        tpu.vector_store %swap3A_532[%swap3A_533, %swap3A_534], %get3A_528 {strides = array<i32>} : memref<128x73xf32, #tpu.memory_space<vmem>>, vector<16xf32>,
        %get3A_536 = arith.constant 0 : i32
        %get3A_537 = arith.constant 0 : i32
        %get3A_538 = tpu.memref_slice %arg10[%scan3A_120, %get3A_536, %get3A_537] : memref<2x128x128xf32, #tpu.memory_space<vmem>> -> memref<1x128x128xf32, #tpu.memory_space<vmem>>
        %get3A_539 = tpu.memref_squeeze %get3A_538 : memref<1x128x128xf32, #tpu.memory_space<vmem>> -> memref<128x128xf32, #tpu.memory_space<vmem>>
        %get3A_540 = arith.index_cast %add3A_521 : i32 to index
        %get3A_541 = arith.constant 16 : index
        %get3A_542 = tpu.vector_load %get3A_539[%get3A_540, %get3A_541] {strides = array<i32>} : memref<128x128xf32, #tpu.memory_space<vmem>>, vector<16xf32>,
        %swap3A_543 = arith.constant 0 : i32
        %swap3A_544 = arith.constant 0 : i32
        %swap3A_545 = tpu.memref_slice %arg11[%scan3A_121, %swap3A_543, %swap3A_544] : memref<2x128x73xf32, #tpu.memory_space<vmem>> -> memref<1x128x73xf32, #tpu.memory_space<vmem>>
        %swap3A_546 = tpu.memref_squeeze %swap3A_545 : memref<1x128x73xf32, #tpu.memory_space<vmem>> -> memref<128x73xf32, #tpu.memory_space<vmem>>
        %swap3A_547 = arith.index_cast %add3A_521 : i32 to index
        %swap3A_548 = arith.constant 16 : index
        %swap3A_549 = tpu.vector_load %swap3A_546[%swap3A_547, %swap3A_548] {strides = array<i32>} : memref<128x73xf32, #tpu.memory_space<vmem>>, vector<16xf32>,
        tpu.vector_store %swap3A_546[%swap3A_547, %swap3A_548], %get3A_542 {strides = array<i32>} : memref<128x73xf32, #tpu.memory_space<vmem>>, vector<16xf32>,
        %get3A_550 = arith.constant 0 : i32
        %get3A_551 = arith.constant 0 : i32
        %get3A_552 = tpu.memref_slice %arg10[%scan3A_120, %get3A_550, %get3A_551] : memref<2x128x128xf32, #tpu.memory_space<vmem>> -> memref<1x128x128xf32, #tpu.memory_space<vmem>>
        %get3A_553 = tpu.memref_squeeze %get3A_552 : memref<1x128x128xf32, #tpu.memory_space<vmem>> -> memref<128x128xf32, #tpu.memory_space<vmem>>
        %get3A_554 = arith.index_cast %add3A_521 : i32 to index
        %get3A_555 = arith.constant 32 : index
        %get3A_556 = tpu.vector_load %get3A_553[%get3A_554, %get3A_555] {strides = array<i32>} : memref<128x128xf32, #tpu.memory_space<vmem>>, vector<16xf32>,
        %swap3A_557 = arith.constant 0 : i32
        %swap3A_558 = arith.constant 0 : i32
        %swap3A_559 = tpu.memref_slice %arg11[%scan3A_121, %swap3A_557, %swap3A_558] : memref<2x128x73xf32, #tpu.memory_space<vmem>> -> memref<1x128x73xf32, #tpu.memory_space<vmem>>
        %swap3A_560 = tpu.memref_squeeze %swap3A_559 : memref<1x128x73xf32, #tpu.memory_space<vmem>> -> memref<128x73xf32, #tpu.memory_space<vmem>>
        %swap3A_561 = arith.index_cast %add3A_521 : i32 to index
        %swap3A_562 = arith.constant 32 : index
        %swap3A_563 = tpu.vector_load %swap3A_560[%swap3A_561, %swap3A_562] {strides = array<i32>} : memref<128x73xf32, #tpu.memory_space<vmem>>, vector<16xf32>,
        tpu.vector_store %swap3A_560[%swap3A_561, %swap3A_562], %get3A_556 {strides = array<i32>} : memref<128x73xf32, #tpu.memory_space<vmem>>, vector<16xf32>,
        %get3A_564 = arith.constant 0 : i32
        %get3A_565 = arith.constant 0 : i32
        %get3A_566 = tpu.memref_slice %arg10[%scan3A_120, %get3A_564, %get3A_565] : memref<2x128x128xf32, #tpu.memory_space<vmem>> -> memref<1x128x128xf32, #tpu.memory_space<vmem>>
        %get3A_567 = tpu.memref_squeeze %get3A_566 : memref<1x128x128xf32, #tpu.memory_space<vmem>> -> memref<128x128xf32, #tpu.memory_space<vmem>>
        %get3A_568 = arith.index_cast %add3A_521 : i32 to index
        %get3A_569 = arith.constant 48 : index
        %get3A_570 = tpu.vector_load %get3A_567[%get3A_568, %get3A_569] {strides = array<i32>} : memref<128x128xf32, #tpu.memory_space<vmem>>, vector<16xf32>,
        %swap3A_571 = arith.constant 0 : i32
        %swap3A_572 = arith.constant 0 : i32
        %swap3A_573 = tpu.memref_slice %arg11[%scan3A_121, %swap3A_571, %swap3A_572] : memref<2x128x73xf32, #tpu.memory_space<vmem>> -> memref<1x128x73xf32, #tpu.memory_space<vmem>>
        %swap3A_574 = tpu.memref_squeeze %swap3A_573 : memref<1x128x73xf32, #tpu.memory_space<vmem>> -> memref<128x73xf32, #tpu.memory_space<vmem>>
        %swap3A_575 = arith.index_cast %add3A_521 : i32 to index
        %swap3A_576 = arith.constant 48 : index
        %swap3A_577 = tpu.vector_load %swap3A_574[%swap3A_575, %swap3A_576] {strides = array<i32>} : memref<128x73xf32, #tpu.memory_space<vmem>>, vector<16xf32>,
        tpu.vector_store %swap3A_574[%swap3A_575, %swap3A_576], %get3A_570 {strides = array<i32>} : memref<128x73xf32, #tpu.memory_space<vmem>>, vector<16xf32>,
        %add3A_578 = arith.constant 6 : i32
        %add3A_579 = arith.addi %mul3A_219, %add3A_578 : i32
        %get3A_580 = arith.constant 0 : i32
        %get3A_581 = arith.constant 0 : i32
        %get3A_582 = tpu.memref_slice %arg10[%scan3A_120, %get3A_580, %get3A_581] : memref<2x128x128xf32, #tpu.memory_space<vmem>> -> memref<1x128x128xf32, #tpu.memory_space<vmem>>
        %get3A_583 = tpu.memref_squeeze %get3A_582 : memref<1x128x128xf32, #tpu.memory_space<vmem>> -> memref<128x128xf32, #tpu.memory_space<vmem>>
        %get3A_584 = arith.index_cast %add3A_579 : i32 to index
        %get3A_585 = arith.constant 0 : index
        %get3A_586 = tpu.vector_load %get3A_583[%get3A_584, %get3A_585] {strides = array<i32>} : memref<128x128xf32, #tpu.memory_space<vmem>>, vector<16xf32>,
        %swap3A_587 = arith.constant 0 : i32
        %swap3A_588 = arith.constant 0 : i32
        %swap3A_589 = tpu.memref_slice %arg11[%scan3A_121, %swap3A_587, %swap3A_588] : memref<2x128x73xf32, #tpu.memory_space<vmem>> -> memref<1x128x73xf32, #tpu.memory_space<vmem>>
        %swap3A_590 = tpu.memref_squeeze %swap3A_589 : memref<1x128x73xf32, #tpu.memory_space<vmem>> -> memref<128x73xf32, #tpu.memory_space<vmem>>
        %swap3A_591 = arith.index_cast %add3A_579 : i32 to index
        %swap3A_592 = arith.constant 0 : index
        %swap3A_593 = tpu.vector_load %swap3A_590[%swap3A_591, %swap3A_592] {strides = array<i32>} : memref<128x73xf32, #tpu.memory_space<vmem>>, vector<16xf32>,
        tpu.vector_store %swap3A_590[%swap3A_591, %swap3A_592], %get3A_586 {strides = array<i32>} : memref<128x73xf32, #tpu.memory_space<vmem>>, vector<16xf32>,
        %get3A_594 = arith.constant 0 : i32
        %get3A_595 = arith.constant 0 : i32
        %get3A_596 = tpu.memref_slice %arg10[%scan3A_120, %get3A_594, %get3A_595] : memref<2x128x128xf32, #tpu.memory_space<vmem>> -> memref<1x128x128xf32, #tpu.memory_space<vmem>>
        %get3A_597 = tpu.memref_squeeze %get3A_596 : memref<1x128x128xf32, #tpu.memory_space<vmem>> -> memref<128x128xf32, #tpu.memory_space<vmem>>
        %get3A_598 = arith.index_cast %add3A_579 : i32 to index
        %get3A_599 = arith.constant 16 : index
        %get3A_600 = tpu.vector_load %get3A_597[%get3A_598, %get3A_599] {strides = array<i32>} : memref<128x128xf32, #tpu.memory_space<vmem>>, vector<16xf32>,
        %swap3A_601 = arith.constant 0 : i32
        %swap3A_602 = arith.constant 0 : i32
        %swap3A_603 = tpu.memref_slice %arg11[%scan3A_121, %swap3A_601, %swap3A_602] : memref<2x128x73xf32, #tpu.memory_space<vmem>> -> memref<1x128x73xf32, #tpu.memory_space<vmem>>
        %swap3A_604 = tpu.memref_squeeze %swap3A_603 : memref<1x128x73xf32, #tpu.memory_space<vmem>> -> memref<128x73xf32, #tpu.memory_space<vmem>>
        %swap3A_605 = arith.index_cast %add3A_579 : i32 to index
        %swap3A_606 = arith.constant 16 : index
        %swap3A_607 = tpu.vector_load %swap3A_604[%swap3A_605, %swap3A_606] {strides = array<i32>} : memref<128x73xf32, #tpu.memory_space<vmem>>, vector<16xf32>,
        tpu.vector_store %swap3A_604[%swap3A_605, %swap3A_606], %get3A_600 {strides = array<i32>} : memref<128x73xf32, #tpu.memory_space<vmem>>, vector<16xf32>,
        %get3A_608 = arith.constant 0 : i32
        %get3A_609 = arith.constant 0 : i32
        %get3A_610 = tpu.memref_slice %arg10[%scan3A_120, %get3A_608, %get3A_609] : memref<2x128x128xf32, #tpu.memory_space<vmem>> -> memref<1x128x128xf32, #tpu.memory_space<vmem>>
        %get3A_611 = tpu.memref_squeeze %get3A_610 : memref<1x128x128xf32, #tpu.memory_space<vmem>> -> memref<128x128xf32, #tpu.memory_space<vmem>>
        %get3A_612 = arith.index_cast %add3A_579 : i32 to index
        %get3A_613 = arith.constant 32 : index
        %get3A_614 = tpu.vector_load %get3A_611[%get3A_612, %get3A_613] {strides = array<i32>} : memref<128x128xf32, #tpu.memory_space<vmem>>, vector<16xf32>,
        %swap3A_615 = arith.constant 0 : i32
        %swap3A_616 = arith.constant 0 : i32
        %swap3A_617 = tpu.memref_slice %arg11[%scan3A_121, %swap3A_615, %swap3A_616] : memref<2x128x73xf32, #tpu.memory_space<vmem>> -> memref<1x128x73xf32, #tpu.memory_space<vmem>>
        %swap3A_618 = tpu.memref_squeeze %swap3A_617 : memref<1x128x73xf32, #tpu.memory_space<vmem>> -> memref<128x73xf32, #tpu.memory_space<vmem>>
        %swap3A_619 = arith.index_cast %add3A_579 : i32 to index
        %swap3A_620 = arith.constant 32 : index
        %swap3A_621 = tpu.vector_load %swap3A_618[%swap3A_619, %swap3A_620] {strides = array<i32>} : memref<128x73xf32, #tpu.memory_space<vmem>>, vector<16xf32>,
        tpu.vector_store %swap3A_618[%swap3A_619, %swap3A_620], %get3A_614 {strides = array<i32>} : memref<128x73xf32, #tpu.memory_space<vmem>>, vector<16xf32>,
        %get3A_622 = arith.constant 0 : i32
        %get3A_623 = arith.constant 0 : i32
        %get3A_624 = tpu.memref_slice %arg10[%scan3A_120, %get3A_622, %get3A_623] : memref<2x128x128xf32, #tpu.memory_space<vmem>> -> memref<1x128x128xf32, #tpu.memory_space<vmem>>
        %get3A_625 = tpu.memref_squeeze %get3A_624 : memref<1x128x128xf32, #tpu.memory_space<vmem>> -> memref<128x128xf32, #tpu.memory_space<vmem>>
        %get3A_626 = arith.index_cast %add3A_579 : i32 to index
        %get3A_627 = arith.constant 48 : index
        %get3A_628 = tpu.vector_load %get3A_625[%get3A_626, %get3A_627] {strides = array<i32>} : memref<128x128xf32, #tpu.memory_space<vmem>>, vector<16xf32>,
        %swap3A_629 = arith.constant 0 : i32
        %swap3A_630 = arith.constant 0 : i32
        %swap3A_631 = tpu.memref_slice %arg11[%scan3A_121, %swap3A_629, %swap3A_630] : memref<2x128x73xf32, #tpu.memory_space<vmem>> -> memref<1x128x73xf32, #tpu.memory_space<vmem>>
        %swap3A_632 = tpu.memref_squeeze %swap3A_631 : memref<1x128x73xf32, #tpu.memory_space<vmem>> -> memref<128x73xf32, #tpu.memory_space<vmem>>
        %swap3A_633 = arith.index_cast %add3A_579 : i32 to index
        %swap3A_634 = arith.constant 48 : index
        %swap3A_635 = tpu.vector_load %swap3A_632[%swap3A_633, %swap3A_634] {strides = array<i32>} : memref<128x73xf32, #tpu.memory_space<vmem>>, vector<16xf32>,
        tpu.vector_store %swap3A_632[%swap3A_633, %swap3A_634], %get3A_628 {strides = array<i32>} : memref<128x73xf32, #tpu.memory_space<vmem>>, vector<16xf32>,
        %add3A_636 = arith.constant 7 : i32
        %add3A_637 = arith.addi %mul3A_219, %add3A_636 : i32
        %get3A_638 = arith.constant 0 : i32
        %get3A_639 = arith.constant 0 : i32
        %get3A_640 = tpu.memref_slice %arg10[%scan3A_120, %get3A_638, %get3A_639] : memref<2x128x128xf32, #tpu.memory_space<vmem>> -> memref<1x128x128xf32, #tpu.memory_space<vmem>>
        %get3A_641 = tpu.memref_squeeze %get3A_640 : memref<1x128x128xf32, #tpu.memory_space<vmem>> -> memref<128x128xf32, #tpu.memory_space<vmem>>
        %get3A_642 = arith.index_cast %add3A_637 : i32 to index
        %get3A_643 = arith.constant 0 : index
        %get3A_644 = tpu.vector_load %get3A_641[%get3A_642, %get3A_643] {strides = array<i32>} : memref<128x128xf32, #tpu.memory_space<vmem>>, vector<16xf32>,
        %swap3A_645 = arith.constant 0 : i32
        %swap3A_646 = arith.constant 0 : i32
        %swap3A_647 = tpu.memref_slice %arg11[%scan3A_121, %swap3A_645, %swap3A_646] : memref<2x128x73xf32, #tpu.memory_space<vmem>> -> memref<1x128x73xf32, #tpu.memory_space<vmem>>
        %swap3A_648 = tpu.memref_squeeze %swap3A_647 : memref<1x128x73xf32, #tpu.memory_space<vmem>> -> memref<128x73xf32, #tpu.memory_space<vmem>>
        %swap3A_649 = arith.index_cast %add3A_637 : i32 to index
        %swap3A_650 = arith.constant 0 : index
        %swap3A_651 = tpu.vector_load %swap3A_648[%swap3A_649, %swap3A_650] {strides = array<i32>} : memref<128x73xf32, #tpu.memory_space<vmem>>, vector<16xf32>,
        tpu.vector_store %swap3A_648[%swap3A_649, %swap3A_650], %get3A_644 {strides = array<i32>} : memref<128x73xf32, #tpu.memory_space<vmem>>, vector<16xf32>,
        %get3A_652 = arith.constant 0 : i32
        %get3A_653 = arith.constant 0 : i32
        %get3A_654 = tpu.memref_slice %arg10[%scan3A_120, %get3A_652, %get3A_653] : memref<2x128x128xf32, #tpu.memory_space<vmem>> -> memref<1x128x128xf32, #tpu.memory_space<vmem>>
        %get3A_655 = tpu.memref_squeeze %get3A_654 : memref<1x128x128xf32, #tpu.memory_space<vmem>> -> memref<128x128xf32, #tpu.memory_space<vmem>>
        %get3A_656 = arith.index_cast %add3A_637 : i32 to index
        %get3A_657 = arith.constant 16 : index
        %get3A_658 = tpu.vector_load %get3A_655[%get3A_656, %get3A_657] {strides = array<i32>} : memref<128x128xf32, #tpu.memory_space<vmem>>, vector<16xf32>,
        %swap3A_659 = arith.constant 0 : i32
        %swap3A_660 = arith.constant 0 : i32
        %swap3A_661 = tpu.memref_slice %arg11[%scan3A_121, %swap3A_659, %swap3A_660] : memref<2x128x73xf32, #tpu.memory_space<vmem>> -> memref<1x128x73xf32, #tpu.memory_space<vmem>>
        %swap3A_662 = tpu.memref_squeeze %swap3A_661 : memref<1x128x73xf32, #tpu.memory_space<vmem>> -> memref<128x73xf32, #tpu.memory_space<vmem>>
        %swap3A_663 = arith.index_cast %add3A_637 : i32 to index
        %swap3A_664 = arith.constant 16 : index
        %swap3A_665 = tpu.vector_load %swap3A_662[%swap3A_663, %swap3A_664] {strides = array<i32>} : memref<128x73xf32, #tpu.memory_space<vmem>>, vector<16xf32>,
        tpu.vector_store %swap3A_662[%swap3A_663, %swap3A_664], %get3A_658 {strides = array<i32>} : memref<128x73xf32, #tpu.memory_space<vmem>>, vector<16xf32>,
        %get3A_666 = arith.constant 0 : i32
        %get3A_667 = arith.constant 0 : i32
        %get3A_668 = tpu.memref_slice %arg10[%scan3A_120, %get3A_666, %get3A_667] : memref<2x128x128xf32, #tpu.memory_space<vmem>> -> memref<1x128x128xf32, #tpu.memory_space<vmem>>
        %get3A_669 = tpu.memref_squeeze %get3A_668 : memref<1x128x128xf32, #tpu.memory_space<vmem>> -> memref<128x128xf32, #tpu.memory_space<vmem>>
        %get3A_670 = arith.index_cast %add3A_637 : i32 to index
        %get3A_671 = arith.constant 32 : index
        %get3A_672 = tpu.vector_load %get3A_669[%get3A_670, %get3A_671] {strides = array<i32>} : memref<128x128xf32, #tpu.memory_space<vmem>>, vector<16xf32>,
        %swap3A_673 = arith.constant 0 : i32
        %swap3A_674 = arith.constant 0 : i32
        %swap3A_675 = tpu.memref_slice %arg11[%scan3A_121, %swap3A_673, %swap3A_674] : memref<2x128x73xf32, #tpu.memory_space<vmem>> -> memref<1x128x73xf32, #tpu.memory_space<vmem>>
        %swap3A_676 = tpu.memref_squeeze %swap3A_675 : memref<1x128x73xf32, #tpu.memory_space<vmem>> -> memref<128x73xf32, #tpu.memory_space<vmem>>
        %swap3A_677 = arith.index_cast %add3A_637 : i32 to index
        %swap3A_678 = arith.constant 32 : index
        %swap3A_679 = tpu.vector_load %swap3A_676[%swap3A_677, %swap3A_678] {strides = array<i32>} : memref<128x73xf32, #tpu.memory_space<vmem>>, vector<16xf32>,
        tpu.vector_store %swap3A_676[%swap3A_677, %swap3A_678], %get3A_672 {strides = array<i32>} : memref<128x73xf32, #tpu.memory_space<vmem>>, vector<16xf32>,
        %get3A_680 = arith.constant 0 : i32
        %get3A_681 = arith.constant 0 : i32
        %get3A_682 = tpu.memref_slice %arg10[%scan3A_120, %get3A_680, %get3A_681] : memref<2x128x128xf32, #tpu.memory_space<vmem>> -> memref<1x128x128xf32, #tpu.memory_space<vmem>>
        %get3A_683 = tpu.memref_squeeze %get3A_682 : memref<1x128x128xf32, #tpu.memory_space<vmem>> -> memref<128x128xf32, #tpu.memory_space<vmem>>
        %get3A_684 = arith.index_cast %add3A_637 : i32 to index
        %get3A_685 = arith.constant 48 : index
        %get3A_686 = tpu.vector_load %get3A_683[%get3A_684, %get3A_685] {strides = array<i32>} : memref<128x128xf32, #tpu.memory_space<vmem>>, vector<16xf32>,
        %swap3A_687 = arith.constant 0 : i32
        %swap3A_688 = arith.constant 0 : i32
        %swap3A_689 = tpu.memref_slice %arg11[%scan3A_121, %swap3A_687, %swap3A_688] : memref<2x128x73xf32, #tpu.memory_space<vmem>> -> memref<1x128x73xf32, #tpu.memory_space<vmem>>
        %swap3A_690 = tpu.memref_squeeze %swap3A_689 : memref<1x128x73xf32, #tpu.memory_space<vmem>> -> memref<128x73xf32, #tpu.memory_space<vmem>>
        %swap3A_691 = arith.index_cast %add3A_637 : i32 to index
        %swap3A_692 = arith.constant 48 : index
        %swap3A_693 = tpu.vector_load %swap3A_690[%swap3A_691, %swap3A_692] {strides = array<i32>} : memref<128x73xf32, #tpu.memory_space<vmem>>, vector<16xf32>,
        tpu.vector_store %swap3A_690[%swap3A_691, %swap3A_692], %get3A_686 {strides = array<i32>} : memref<128x73xf32, #tpu.memory_space<vmem>>, vector<16xf32>,
        %add3A_694 = arith.constant 8 : i32
        %add3A_695 = arith.addi %mul3A_219, %add3A_694 : i32
        %get3A_696 = arith.constant 0 : i32
        %get3A_697 = arith.constant 0 : i32
        %get3A_698 = tpu.memref_slice %arg10[%scan3A_120, %get3A_696, %get3A_697] : memref<2x128x128xf32, #tpu.memory_space<vmem>> -> memref<1x128x128xf32, #tpu.memory_space<vmem>>
        %get3A_699 = tpu.memref_squeeze %get3A_698 : memref<1x128x128xf32, #tpu.memory_space<vmem>> -> memref<128x128xf32, #tpu.memory_space<vmem>>
        %get3A_700 = arith.index_cast %add3A_695 : i32 to index
        %get3A_701 = arith.constant 0 : index
        %get3A_702 = tpu.vector_load %get3A_699[%get3A_700, %get3A_701] {strides = array<i32>} : memref<128x128xf32, #tpu.memory_space<vmem>>, vector<16xf32>,
        %swap3A_703 = arith.constant 0 : i32
        %swap3A_704 = arith.constant 0 : i32
        %swap3A_705 = tpu.memref_slice %arg11[%scan3A_121, %swap3A_703, %swap3A_704] : memref<2x128x73xf32, #tpu.memory_space<vmem>> -> memref<1x128x73xf32, #tpu.memory_space<vmem>>
        %swap3A_706 = tpu.memref_squeeze %swap3A_705 : memref<1x128x73xf32, #tpu.memory_space<vmem>> -> memref<128x73xf32, #tpu.memory_space<vmem>>
        %swap3A_707 = arith.index_cast %add3A_695 : i32 to index
        %swap3A_708 = arith.constant 0 : index
        %swap3A_709 = tpu.vector_load %swap3A_706[%swap3A_707, %swap3A_708] {strides = array<i32>} : memref<128x73xf32, #tpu.memory_space<vmem>>, vector<16xf32>,
        tpu.vector_store %swap3A_706[%swap3A_707, %swap3A_708], %get3A_702 {strides = array<i32>} : memref<128x73xf32, #tpu.memory_space<vmem>>, vector<16xf32>,
        %get3A_710 = arith.constant 0 : i32
        %get3A_711 = arith.constant 0 : i32
        %get3A_712 = tpu.memref_slice %arg10[%scan3A_120, %get3A_710, %get3A_711] : memref<2x128x128xf32, #tpu.memory_space<vmem>> -> memref<1x128x128xf32, #tpu.memory_space<vmem>>
        %get3A_713 = tpu.memref_squeeze %get3A_712 : memref<1x128x128xf32, #tpu.memory_space<vmem>> -> memref<128x128xf32, #tpu.memory_space<vmem>>
        %get3A_714 = arith.index_cast %add3A_695 : i32 to index
        %get3A_715 = arith.constant 16 : index
        %get3A_716 = tpu.vector_load %get3A_713[%get3A_714, %get3A_715] {strides = array<i32>} : memref<128x128xf32, #tpu.memory_space<vmem>>, vector<16xf32>,
        %swap3A_717 = arith.constant 0 : i32
        %swap3A_718 = arith.constant 0 : i32
        %swap3A_719 = tpu.memref_slice %arg11[%scan3A_121, %swap3A_717, %swap3A_718] : memref<2x128x73xf32, #tpu.memory_space<vmem>> -> memref<1x128x73xf32, #tpu.memory_space<vmem>>
        %swap3A_720 = tpu.memref_squeeze %swap3A_719 : memref<1x128x73xf32, #tpu.memory_space<vmem>> -> memref<128x73xf32, #tpu.memory_space<vmem>>
        %swap3A_721 = arith.index_cast %add3A_695 : i32 to index
        %swap3A_722 = arith.constant 16 : index
        %swap3A_723 = tpu.vector_load %swap3A_720[%swap3A_721, %swap3A_722] {strides = array<i32>} : memref<128x73xf32, #tpu.memory_space<vmem>>, vector<16xf32>,
        tpu.vector_store %swap3A_720[%swap3A_721, %swap3A_722], %get3A_716 {strides = array<i32>} : memref<128x73xf32, #tpu.memory_space<vmem>>, vector<16xf32>,
        %get3A_724 = arith.constant 0 : i32
        %get3A_725 = arith.constant 0 : i32
        %get3A_726 = tpu.memref_slice %arg10[%scan3A_120, %get3A_724, %get3A_725] : memref<2x128x128xf32, #tpu.memory_space<vmem>> -> memref<1x128x128xf32, #tpu.memory_space<vmem>>
        %get3A_727 = tpu.memref_squeeze %get3A_726 : memref<1x128x128xf32, #tpu.memory_space<vmem>> -> memref<128x128xf32, #tpu.memory_space<vmem>>
        %get3A_728 = arith.index_cast %add3A_695 : i32 to index
        %get3A_729 = arith.constant 32 : index
        %get3A_730 = tpu.vector_load %get3A_727[%get3A_728, %get3A_729] {strides = array<i32>} : memref<128x128xf32, #tpu.memory_space<vmem>>, vector<16xf32>,
        %swap3A_731 = arith.constant 0 : i32
        %swap3A_732 = arith.constant 0 : i32
        %swap3A_733 = tpu.memref_slice %arg11[%scan3A_121, %swap3A_731, %swap3A_732] : memref<2x128x73xf32, #tpu.memory_space<vmem>> -> memref<1x128x73xf32, #tpu.memory_space<vmem>>
        %swap3A_734 = tpu.memref_squeeze %swap3A_733 : memref<1x128x73xf32, #tpu.memory_space<vmem>> -> memref<128x73xf32, #tpu.memory_space<vmem>>
        %swap3A_735 = arith.index_cast %add3A_695 : i32 to index
        %swap3A_736 = arith.constant 32 : index
        %swap3A_737 = tpu.vector_load %swap3A_734[%swap3A_735, %swap3A_736] {strides = array<i32>} : memref<128x73xf32, #tpu.memory_space<vmem>>, vector<16xf32>,
        tpu.vector_store %swap3A_734[%swap3A_735, %swap3A_736], %get3A_730 {strides = array<i32>} : memref<128x73xf32, #tpu.memory_space<vmem>>, vector<16xf32>,
        %get3A_738 = arith.constant 0 : i32
        %get3A_739 = arith.constant 0 : i32
        %get3A_740 = tpu.memref_slice %arg10[%scan3A_120, %get3A_738, %get3A_739] : memref<2x128x128xf32, #tpu.memory_space<vmem>> -> memref<1x128x128xf32, #tpu.memory_space<vmem>>
        %get3A_741 = tpu.memref_squeeze %get3A_740 : memref<1x128x128xf32, #tpu.memory_space<vmem>> -> memref<128x128xf32, #tpu.memory_space<vmem>>
        %get3A_742 = arith.index_cast %add3A_695 : i32 to index
        %get3A_743 = arith.constant 48 : index
        %get3A_744 = tpu.vector_load %get3A_741[%get3A_742, %get3A_743] {strides = array<i32>} : memref<128x128xf32, #tpu.memory_space<vmem>>, vector<16xf32>,
        %swap3A_745 = arith.constant 0 : i32
        %swap3A_746 = arith.constant 0 : i32
        %swap3A_747 = tpu.memref_slice %arg11[%scan3A_121, %swap3A_745, %swap3A_746] : memref<2x128x73xf32, #tpu.memory_space<vmem>> -> memref<1x128x73xf32, #tpu.memory_space<vmem>>
        %swap3A_748 = tpu.memref_squeeze %swap3A_747 : memref<1x128x73xf32, #tpu.memory_space<vmem>> -> memref<128x73xf32, #tpu.memory_space<vmem>>
        %swap3A_749 = arith.index_cast %add3A_695 : i32 to index
        %swap3A_750 = arith.constant 48 : index
        %swap3A_751 = tpu.vector_load %swap3A_748[%swap3A_749, %swap3A_750] {strides = array<i32>} : memref<128x73xf32, #tpu.memory_space<vmem>>, vector<16xf32>,
        tpu.vector_store %swap3A_748[%swap3A_749, %swap3A_750], %get3A_744 {strides = array<i32>} : memref<128x73xf32, #tpu.memory_space<vmem>>, vector<16xf32>,
        %add3A_752 = arith.constant 9 : i32
        %add3A_753 = arith.addi %mul3A_219, %add3A_752 : i32
        %get3A_754 = arith.constant 0 : i32
        %get3A_755 = arith.constant 0 : i32
        %get3A_756 = tpu.memref_slice %arg10[%scan3A_120, %get3A_754, %get3A_755] : memref<2x128x128xf32, #tpu.memory_space<vmem>> -> memref<1x128x128xf32, #tpu.memory_space<vmem>>
        %get3A_757 = tpu.memref_squeeze %get3A_756 : memref<1x128x128xf32, #tpu.memory_space<vmem>> -> memref<128x128xf32, #tpu.memory_space<vmem>>
        %get3A_758 = arith.index_cast %add3A_753 : i32 to index
        %get3A_759 = arith.constant 0 : index
        %get3A_760 = tpu.vector_load %get3A_757[%get3A_758, %get3A_759] {strides = array<i32>} : memref<128x128xf32, #tpu.memory_space<vmem>>, vector<16xf32>,
        %swap3A_761 = arith.constant 0 : i32
        %swap3A_762 = arith.constant 0 : i32
        %swap3A_763 = tpu.memref_slice %arg11[%scan3A_121, %swap3A_761, %swap3A_762] : memref<2x128x73xf32, #tpu.memory_space<vmem>> -> memref<1x128x73xf32, #tpu.memory_space<vmem>>
        %swap3A_764 = tpu.memref_squeeze %swap3A_763 : memref<1x128x73xf32, #tpu.memory_space<vmem>> -> memref<128x73xf32, #tpu.memory_space<vmem>>
        %swap3A_765 = arith.index_cast %add3A_753 : i32 to index
        %swap3A_766 = arith.constant 0 : index
        %swap3A_767 = tpu.vector_load %swap3A_764[%swap3A_765, %swap3A_766] {strides = array<i32>} : memref<128x73xf32, #tpu.memory_space<vmem>>, vector<16xf32>,
        tpu.vector_store %swap3A_764[%swap3A_765, %swap3A_766], %get3A_760 {strides = array<i32>} : memref<128x73xf32, #tpu.memory_space<vmem>>, vector<16xf32>,
        %get3A_768 = arith.constant 0 : i32
        %get3A_769 = arith.constant 0 : i32
        %get3A_770 = tpu.memref_slice %arg10[%scan3A_120, %get3A_768, %get3A_769] : memref<2x128x128xf32, #tpu.memory_space<vmem>> -> memref<1x128x128xf32, #tpu.memory_space<vmem>>
        %get3A_771 = tpu.memref_squeeze %get3A_770 : memref<1x128x128xf32, #tpu.memory_space<vmem>> -> memref<128x128xf32, #tpu.memory_space<vmem>>
        %get3A_772 = arith.index_cast %add3A_753 : i32 to index
        %get3A_773 = arith.constant 16 : index
        %get3A_774 = tpu.vector_load %get3A_771[%get3A_772, %get3A_773] {strides = array<i32>} : memref<128x128xf32, #tpu.memory_space<vmem>>, vector<16xf32>,
        %swap3A_775 = arith.constant 0 : i32
        %swap3A_776 = arith.constant 0 : i32
        %swap3A_777 = tpu.memref_slice %arg11[%scan3A_121, %swap3A_775, %swap3A_776] : memref<2x128x73xf32, #tpu.memory_space<vmem>> -> memref<1x128x73xf32, #tpu.memory_space<vmem>>
        %swap3A_778 = tpu.memref_squeeze %swap3A_777 : memref<1x128x73xf32, #tpu.memory_space<vmem>> -> memref<128x73xf32, #tpu.memory_space<vmem>>
        %swap3A_779 = arith.index_cast %add3A_753 : i32 to index
        %swap3A_780 = arith.constant 16 : index
        %swap3A_781 = tpu.vector_load %swap3A_778[%swap3A_779, %swap3A_780] {strides = array<i32>} : memref<128x73xf32, #tpu.memory_space<vmem>>, vector<16xf32>,
        tpu.vector_store %swap3A_778[%swap3A_779, %swap3A_780], %get3A_774 {strides = array<i32>} : memref<128x73xf32, #tpu.memory_space<vmem>>, vector<16xf32>,
        %get3A_782 = arith.constant 0 : i32
        %get3A_783 = arith.constant 0 : i32
        %get3A_784 = tpu.memref_slice %arg10[%scan3A_120, %get3A_782, %get3A_783] : memref<2x128x128xf32, #tpu.memory_space<vmem>> -> memref<1x128x128xf32, #tpu.memory_space<vmem>>
        %get3A_785 = tpu.memref_squeeze %get3A_784 : memref<1x128x128xf32, #tpu.memory_space<vmem>> -> memref<128x128xf32, #tpu.memory_space<vmem>>
        %get3A_786 = arith.index_cast %add3A_753 : i32 to index
        %get3A_787 = arith.constant 32 : index
        %get3A_788 = tpu.vector_load %get3A_785[%get3A_786, %get3A_787] {strides = array<i32>} : memref<128x128xf32, #tpu.memory_space<vmem>>, vector<16xf32>,
        %swap3A_789 = arith.constant 0 : i32
        %swap3A_790 = arith.constant 0 : i32
        %swap3A_791 = tpu.memref_slice %arg11[%scan3A_121, %swap3A_789, %swap3A_790] : memref<2x128x73xf32, #tpu.memory_space<vmem>> -> memref<1x128x73xf32, #tpu.memory_space<vmem>>
        %swap3A_792 = tpu.memref_squeeze %swap3A_791 : memref<1x128x73xf32, #tpu.memory_space<vmem>> -> memref<128x73xf32, #tpu.memory_space<vmem>>
        %swap3A_793 = arith.index_cast %add3A_753 : i32 to index
        %swap3A_794 = arith.constant 32 : index
        %swap3A_795 = tpu.vector_load %swap3A_792[%swap3A_793, %swap3A_794] {strides = array<i32>} : memref<128x73xf32, #tpu.memory_space<vmem>>, vector<16xf32>,
        tpu.vector_store %swap3A_792[%swap3A_793, %swap3A_794], %get3A_788 {strides = array<i32>} : memref<128x73xf32, #tpu.memory_space<vmem>>, vector<16xf32>,
        %get3A_796 = arith.constant 0 : i32
        %get3A_797 = arith.constant 0 : i32
        %get3A_798 = tpu.memref_slice %arg10[%scan3A_120, %get3A_796, %get3A_797] : memref<2x128x128xf32, #tpu.memory_space<vmem>> -> memref<1x128x128xf32, #tpu.memory_space<vmem>>
        %get3A_799 = tpu.memref_squeeze %get3A_798 : memref<1x128x128xf32, #tpu.memory_space<vmem>> -> memref<128x128xf32, #tpu.memory_space<vmem>>
        %get3A_800 = arith.index_cast %add3A_753 : i32 to index
        %get3A_801 = arith.constant 48 : index
        %get3A_802 = tpu.vector_load %get3A_799[%get3A_800, %get3A_801] {strides = array<i32>} : memref<128x128xf32, #tpu.memory_space<vmem>>, vector<16xf32>,
        %swap3A_803 = arith.constant 0 : i32
        %swap3A_804 = arith.constant 0 : i32
        %swap3A_805 = tpu.memref_slice %arg11[%scan3A_121, %swap3A_803, %swap3A_804] : memref<2x128x73xf32, #tpu.memory_space<vmem>> -> memref<1x128x73xf32, #tpu.memory_space<vmem>>
        %swap3A_806 = tpu.memref_squeeze %swap3A_805 : memref<1x128x73xf32, #tpu.memory_space<vmem>> -> memref<128x73xf32, #tpu.memory_space<vmem>>
        %swap3A_807 = arith.index_cast %add3A_753 : i32 to index
        %swap3A_808 = arith.constant 48 : index
        %swap3A_809 = tpu.vector_load %swap3A_806[%swap3A_807, %swap3A_808] {strides = array<i32>} : memref<128x73xf32, #tpu.memory_space<vmem>>, vector<16xf32>,
        tpu.vector_store %swap3A_806[%swap3A_807, %swap3A_808], %get3A_802 {strides = array<i32>} : memref<128x73xf32, #tpu.memory_space<vmem>>, vector<16xf32>,
        %add3A_810 = arith.constant 10 : i32
        %add3A_811 = arith.addi %mul3A_219, %add3A_810 : i32
        %get3A_812 = arith.constant 0 : i32
        %get3A_813 = arith.constant 0 : i32
        %get3A_814 = tpu.memref_slice %arg10[%scan3A_120, %get3A_812, %get3A_813] : memref<2x128x128xf32, #tpu.memory_space<vmem>> -> memref<1x128x128xf32, #tpu.memory_space<vmem>>
        %get3A_815 = tpu.memref_squeeze %get3A_814 : memref<1x128x128xf32, #tpu.memory_space<vmem>> -> memref<128x128xf32, #tpu.memory_space<vmem>>
        %get3A_816 = arith.index_cast %add3A_811 : i32 to index
        %get3A_817 = arith.constant 0 : index
        %get3A_818 = tpu.vector_load %get3A_815[%get3A_816, %get3A_817] {strides = array<i32>} : memref<128x128xf32, #tpu.memory_space<vmem>>, vector<16xf32>,
        %swap3A_819 = arith.constant 0 : i32
        %swap3A_820 = arith.constant 0 : i32
        %swap3A_821 = tpu.memref_slice %arg11[%scan3A_121, %swap3A_819, %swap3A_820] : memref<2x128x73xf32, #tpu.memory_space<vmem>> -> memref<1x128x73xf32, #tpu.memory_space<vmem>>
        %swap3A_822 = tpu.memref_squeeze %swap3A_821 : memref<1x128x73xf32, #tpu.memory_space<vmem>> -> memref<128x73xf32, #tpu.memory_space<vmem>>
        %swap3A_823 = arith.index_cast %add3A_811 : i32 to index
        %swap3A_824 = arith.constant 0 : index
        %swap3A_825 = tpu.vector_load %swap3A_822[%swap3A_823, %swap3A_824] {strides = array<i32>} : memref<128x73xf32, #tpu.memory_space<vmem>>, vector<16xf32>,
        tpu.vector_store %swap3A_822[%swap3A_823, %swap3A_824], %get3A_818 {strides = array<i32>} : memref<128x73xf32, #tpu.memory_space<vmem>>, vector<16xf32>,
        %get3A_826 = arith.constant 0 : i32
        %get3A_827 = arith.constant 0 : i32
        %get3A_828 = tpu.memref_slice %arg10[%scan3A_120, %get3A_826, %get3A_827] : memref<2x128x128xf32, #tpu.memory_space<vmem>> -> memref<1x128x128xf32, #tpu.memory_space<vmem>>
        %get3A_829 = tpu.memref_squeeze %get3A_828 : memref<1x128x128xf32, #tpu.memory_space<vmem>> -> memref<128x128xf32, #tpu.memory_space<vmem>>
        %get3A_830 = arith.index_cast %add3A_811 : i32 to index
        %get3A_831 = arith.constant 16 : index
        %get3A_832 = tpu.vector_load %get3A_829[%get3A_830, %get3A_831] {strides = array<i32>} : memref<128x128xf32, #tpu.memory_space<vmem>>, vector<16xf32>,
        %swap3A_833 = arith.constant 0 : i32
        %swap3A_834 = arith.constant 0 : i32
        %swap3A_835 = tpu.memref_slice %arg11[%scan3A_121, %swap3A_833, %swap3A_834] : memref<2x128x73xf32, #tpu.memory_space<vmem>> -> memref<1x128x73xf32, #tpu.memory_space<vmem>>
        %swap3A_836 = tpu.memref_squeeze %swap3A_835 : memref<1x128x73xf32, #tpu.memory_space<vmem>> -> memref<128x73xf32, #tpu.memory_space<vmem>>
        %swap3A_837 = arith.index_cast %add3A_811 : i32 to index
        %swap3A_838 = arith.constant 16 : index
        %swap3A_839 = tpu.vector_load %swap3A_836[%swap3A_837, %swap3A_838] {strides = array<i32>} : memref<128x73xf32, #tpu.memory_space<vmem>>, vector<16xf32>,
        tpu.vector_store %swap3A_836[%swap3A_837, %swap3A_838], %get3A_832 {strides = array<i32>} : memref<128x73xf32, #tpu.memory_space<vmem>>, vector<16xf32>,
        %get3A_840 = arith.constant 0 : i32
        %get3A_841 = arith.constant 0 : i32
        %get3A_842 = tpu.memref_slice %arg10[%scan3A_120, %get3A_840, %get3A_841] : memref<2x128x128xf32, #tpu.memory_space<vmem>> -> memref<1x128x128xf32, #tpu.memory_space<vmem>>
        %get3A_843 = tpu.memref_squeeze %get3A_842 : memref<1x128x128xf32, #tpu.memory_space<vmem>> -> memref<128x128xf32, #tpu.memory_space<vmem>>
        %get3A_844 = arith.index_cast %add3A_811 : i32 to index
        %get3A_845 = arith.constant 32 : index
        %get3A_846 = tpu.vector_load %get3A_843[%get3A_844, %get3A_845] {strides = array<i32>} : memref<128x128xf32, #tpu.memory_space<vmem>>, vector<16xf32>,
        %swap3A_847 = arith.constant 0 : i32
        %swap3A_848 = arith.constant 0 : i32
        %swap3A_849 = tpu.memref_slice %arg11[%scan3A_121, %swap3A_847, %swap3A_848] : memref<2x128x73xf32, #tpu.memory_space<vmem>> -> memref<1x128x73xf32, #tpu.memory_space<vmem>>
        %swap3A_850 = tpu.memref_squeeze %swap3A_849 : memref<1x128x73xf32, #tpu.memory_space<vmem>> -> memref<128x73xf32, #tpu.memory_space<vmem>>
        %swap3A_851 = arith.index_cast %add3A_811 : i32 to index
        %swap3A_852 = arith.constant 32 : index
        %swap3A_853 = tpu.vector_load %swap3A_850[%swap3A_851, %swap3A_852] {strides = array<i32>} : memref<128x73xf32, #tpu.memory_space<vmem>>, vector<16xf32>,
        tpu.vector_store %swap3A_850[%swap3A_851, %swap3A_852], %get3A_846 {strides = array<i32>} : memref<128x73xf32, #tpu.memory_space<vmem>>, vector<16xf32>,
        %get3A_854 = arith.constant 0 : i32
        %get3A_855 = arith.constant 0 : i32
        %get3A_856 = tpu.memref_slice %arg10[%scan3A_120, %get3A_854, %get3A_855] : memref<2x128x128xf32, #tpu.memory_space<vmem>> -> memref<1x128x128xf32, #tpu.memory_space<vmem>>
        %get3A_857 = tpu.memref_squeeze %get3A_856 : memref<1x128x128xf32, #tpu.memory_space<vmem>> -> memref<128x128xf32, #tpu.memory_space<vmem>>
        %get3A_858 = arith.index_cast %add3A_811 : i32 to index
        %get3A_859 = arith.constant 48 : index
        %get3A_860 = tpu.vector_load %get3A_857[%get3A_858, %get3A_859] {strides = array<i32>} : memref<128x128xf32, #tpu.memory_space<vmem>>, vector<16xf32>,
        %swap3A_861 = arith.constant 0 : i32
        %swap3A_862 = arith.constant 0 : i32
        %swap3A_863 = tpu.memref_slice %arg11[%scan3A_121, %swap3A_861, %swap3A_862] : memref<2x128x73xf32, #tpu.memory_space<vmem>> -> memref<1x128x73xf32, #tpu.memory_space<vmem>>
        %swap3A_864 = tpu.memref_squeeze %swap3A_863 : memref<1x128x73xf32, #tpu.memory_space<vmem>> -> memref<128x73xf32, #tpu.memory_space<vmem>>
        %swap3A_865 = arith.index_cast %add3A_811 : i32 to index
        %swap3A_866 = arith.constant 48 : index
        %swap3A_867 = tpu.vector_load %swap3A_864[%swap3A_865, %swap3A_866] {strides = array<i32>} : memref<128x73xf32, #tpu.memory_space<vmem>>, vector<16xf32>,
        tpu.vector_store %swap3A_864[%swap3A_865, %swap3A_866], %get3A_860 {strides = array<i32>} : memref<128x73xf32, #tpu.memory_space<vmem>>, vector<16xf32>,
        %add3A_868 = arith.constant 11 : i32
        %add3A_869 = arith.addi %mul3A_219, %add3A_868 : i32
        %get3A_870 = arith.constant 0 : i32
        %get3A_871 = arith.constant 0 : i32
        %get3A_872 = tpu.memref_slice %arg10[%scan3A_120, %get3A_870, %get3A_871] : memref<2x128x128xf32, #tpu.memory_space<vmem>> -> memref<1x128x128xf32, #tpu.memory_space<vmem>>
        %get3A_873 = tpu.memref_squeeze %get3A_872 : memref<1x128x128xf32, #tpu.memory_space<vmem>> -> memref<128x128xf32, #tpu.memory_space<vmem>>
        %get3A_874 = arith.index_cast %add3A_869 : i32 to index
        %get3A_875 = arith.constant 0 : index
        %get3A_876 = tpu.vector_load %get3A_873[%get3A_874, %get3A_875] {strides = array<i32>} : memref<128x128xf32, #tpu.memory_space<vmem>>, vector<16xf32>,
        %swap3A_877 = arith.constant 0 : i32
        %swap3A_878 = arith.constant 0 : i32
        %swap3A_879 = tpu.memref_slice %arg11[%scan3A_121, %swap3A_877, %swap3A_878] : memref<2x128x73xf32, #tpu.memory_space<vmem>> -> memref<1x128x73xf32, #tpu.memory_space<vmem>>
        %swap3A_880 = tpu.memref_squeeze %swap3A_879 : memref<1x128x73xf32, #tpu.memory_space<vmem>> -> memref<128x73xf32, #tpu.memory_space<vmem>>
        %swap3A_881 = arith.index_cast %add3A_869 : i32 to index
        %swap3A_882 = arith.constant 0 : index
        %swap3A_883 = tpu.vector_load %swap3A_880[%swap3A_881, %swap3A_882] {strides = array<i32>} : memref<128x73xf32, #tpu.memory_space<vmem>>, vector<16xf32>,
        tpu.vector_store %swap3A_880[%swap3A_881, %swap3A_882], %get3A_876 {strides = array<i32>} : memref<128x73xf32, #tpu.memory_space<vmem>>, vector<16xf32>,
        %get3A_884 = arith.constant 0 : i32
        %get3A_885 = arith.constant 0 : i32
        %get3A_886 = tpu.memref_slice %arg10[%scan3A_120, %get3A_884, %get3A_885] : memref<2x128x128xf32, #tpu.memory_space<vmem>> -> memref<1x128x128xf32, #tpu.memory_space<vmem>>
        %get3A_887 = tpu.memref_squeeze %get3A_886 : memref<1x128x128xf32, #tpu.memory_space<vmem>> -> memref<128x128xf32, #tpu.memory_space<vmem>>
        %get3A_888 = arith.index_cast %add3A_869 : i32 to index
        %get3A_889 = arith.constant 16 : index
        %get3A_890 = tpu.vector_load %get3A_887[%get3A_888, %get3A_889] {strides = array<i32>} : memref<128x128xf32, #tpu.memory_space<vmem>>, vector<16xf32>,
        %swap3A_891 = arith.constant 0 : i32
        %swap3A_892 = arith.constant 0 : i32
        %swap3A_893 = tpu.memref_slice %arg11[%scan3A_121, %swap3A_891, %swap3A_892] : memref<2x128x73xf32, #tpu.memory_space<vmem>> -> memref<1x128x73xf32, #tpu.memory_space<vmem>>
        %swap3A_894 = tpu.memref_squeeze %swap3A_893 : memref<1x128x73xf32, #tpu.memory_space<vmem>> -> memref<128x73xf32, #tpu.memory_space<vmem>>
        %swap3A_895 = arith.index_cast %add3A_869 : i32 to index
        %swap3A_896 = arith.constant 16 : index
        %swap3A_897 = tpu.vector_load %swap3A_894[%swap3A_895, %swap3A_896] {strides = array<i32>} : memref<128x73xf32, #tpu.memory_space<vmem>>, vector<16xf32>,
        tpu.vector_store %swap3A_894[%swap3A_895, %swap3A_896], %get3A_890 {strides = array<i32>} : memref<128x73xf32, #tpu.memory_space<vmem>>, vector<16xf32>,
        %get3A_898 = arith.constant 0 : i32
        %get3A_899 = arith.constant 0 : i32
        %get3A_900 = tpu.memref_slice %arg10[%scan3A_120, %get3A_898, %get3A_899] : memref<2x128x128xf32, #tpu.memory_space<vmem>> -> memref<1x128x128xf32, #tpu.memory_space<vmem>>
        %get3A_901 = tpu.memref_squeeze %get3A_900 : memref<1x128x128xf32, #tpu.memory_space<vmem>> -> memref<128x128xf32, #tpu.memory_space<vmem>>
        %get3A_902 = arith.index_cast %add3A_869 : i32 to index
        %get3A_903 = arith.constant 32 : index
        %get3A_904 = tpu.vector_load %get3A_901[%get3A_902, %get3A_903] {strides = array<i32>} : memref<128x128xf32, #tpu.memory_space<vmem>>, vector<16xf32>,
        %swap3A_905 = arith.constant 0 : i32
        %swap3A_906 = arith.constant 0 : i32
        %swap3A_907 = tpu.memref_slice %arg11[%scan3A_121, %swap3A_905, %swap3A_906] : memref<2x128x73xf32, #tpu.memory_space<vmem>> -> memref<1x128x73xf32, #tpu.memory_space<vmem>>
        %swap3A_908 = tpu.memref_squeeze %swap3A_907 : memref<1x128x73xf32, #tpu.memory_space<vmem>> -> memref<128x73xf32, #tpu.memory_space<vmem>>
        %swap3A_909 = arith.index_cast %add3A_869 : i32 to index
        %swap3A_910 = arith.constant 32 : index
        %swap3A_911 = tpu.vector_load %swap3A_908[%swap3A_909, %swap3A_910] {strides = array<i32>} : memref<128x73xf32, #tpu.memory_space<vmem>>, vector<16xf32>,
        tpu.vector_store %swap3A_908[%swap3A_909, %swap3A_910], %get3A_904 {strides = array<i32>} : memref<128x73xf32, #tpu.memory_space<vmem>>, vector<16xf32>,
        %get3A_912 = arith.constant 0 : i32
        %get3A_913 = arith.constant 0 : i32
        %get3A_914 = tpu.memref_slice %arg10[%scan3A_120, %get3A_912, %get3A_913] : memref<2x128x128xf32, #tpu.memory_space<vmem>> -> memref<1x128x128xf32, #tpu.memory_space<vmem>>
        %get3A_915 = tpu.memref_squeeze %get3A_914 : memref<1x128x128xf32, #tpu.memory_space<vmem>> -> memref<128x128xf32, #tpu.memory_space<vmem>>
        %get3A_916 = arith.index_cast %add3A_869 : i32 to index
        %get3A_917 = arith.constant 48 : index
        %get3A_918 = tpu.vector_load %get3A_915[%get3A_916, %get3A_917] {strides = array<i32>} : memref<128x128xf32, #tpu.memory_space<vmem>>, vector<16xf32>,
        %swap3A_919 = arith.constant 0 : i32
        %swap3A_920 = arith.constant 0 : i32
        %swap3A_921 = tpu.memref_slice %arg11[%scan3A_121, %swap3A_919, %swap3A_920] : memref<2x128x73xf32, #tpu.memory_space<vmem>> -> memref<1x128x73xf32, #tpu.memory_space<vmem>>
        %swap3A_922 = tpu.memref_squeeze %swap3A_921 : memref<1x128x73xf32, #tpu.memory_space<vmem>> -> memref<128x73xf32, #tpu.memory_space<vmem>>
        %swap3A_923 = arith.index_cast %add3A_869 : i32 to index
        %swap3A_924 = arith.constant 48 : index
        %swap3A_925 = tpu.vector_load %swap3A_922[%swap3A_923, %swap3A_924] {strides = array<i32>} : memref<128x73xf32, #tpu.memory_space<vmem>>, vector<16xf32>,
        tpu.vector_store %swap3A_922[%swap3A_923, %swap3A_924], %get3A_918 {strides = array<i32>} : memref<128x73xf32, #tpu.memory_space<vmem>>, vector<16xf32>,
        %add3A_926 = arith.constant 12 : i32
        %add3A_927 = arith.addi %mul3A_219, %add3A_926 : i32
        %get3A_928 = arith.constant 0 : i32
        %get3A_929 = arith.constant 0 : i32
        %get3A_930 = tpu.memref_slice %arg10[%scan3A_120, %get3A_928, %get3A_929] : memref<2x128x128xf32, #tpu.memory_space<vmem>> -> memref<1x128x128xf32, #tpu.memory_space<vmem>>
        %get3A_931 = tpu.memref_squeeze %get3A_930 : memref<1x128x128xf32, #tpu.memory_space<vmem>> -> memref<128x128xf32, #tpu.memory_space<vmem>>
        %get3A_932 = arith.index_cast %add3A_927 : i32 to index
        %get3A_933 = arith.constant 0 : index
        %get3A_934 = tpu.vector_load %get3A_931[%get3A_932, %get3A_933] {strides = array<i32>} : memref<128x128xf32, #tpu.memory_space<vmem>>, vector<16xf32>,
        %swap3A_935 = arith.constant 0 : i32
        %swap3A_936 = arith.constant 0 : i32
        %swap3A_937 = tpu.memref_slice %arg11[%scan3A_121, %swap3A_935, %swap3A_936] : memref<2x128x73xf32, #tpu.memory_space<vmem>> -> memref<1x128x73xf32, #tpu.memory_space<vmem>>
        %swap3A_938 = tpu.memref_squeeze %swap3A_937 : memref<1x128x73xf32, #tpu.memory_space<vmem>> -> memref<128x73xf32, #tpu.memory_space<vmem>>
        %swap3A_939 = arith.index_cast %add3A_927 : i32 to index
        %swap3A_940 = arith.constant 0 : index
        %swap3A_941 = tpu.vector_load %swap3A_938[%swap3A_939, %swap3A_940] {strides = array<i32>} : memref<128x73xf32, #tpu.memory_space<vmem>>, vector<16xf32>,
        tpu.vector_store %swap3A_938[%swap3A_939, %swap3A_940], %get3A_934 {strides = array<i32>} : memref<128x73xf32, #tpu.memory_space<vmem>>, vector<16xf32>,
        %get3A_942 = arith.constant 0 : i32
        %get3A_943 = arith.constant 0 : i32
        %get3A_944 = tpu.memref_slice %arg10[%scan3A_120, %get3A_942, %get3A_943] : memref<2x128x128xf32, #tpu.memory_space<vmem>> -> memref<1x128x128xf32, #tpu.memory_space<vmem>>
        %get3A_945 = tpu.memref_squeeze %get3A_944 : memref<1x128x128xf32, #tpu.memory_space<vmem>> -> memref<128x128xf32, #tpu.memory_space<vmem>>
        %get3A_946 = arith.index_cast %add3A_927 : i32 to index
        %get3A_947 = arith.constant 16 : index
        %get3A_948 = tpu.vector_load %get3A_945[%get3A_946, %get3A_947] {strides = array<i32>} : memref<128x128xf32, #tpu.memory_space<vmem>>, vector<16xf32>,
        %swap3A_949 = arith.constant 0 : i32
        %swap3A_950 = arith.constant 0 : i32
        %swap3A_951 = tpu.memref_slice %arg11[%scan3A_121, %swap3A_949, %swap3A_950] : memref<2x128x73xf32, #tpu.memory_space<vmem>> -> memref<1x128x73xf32, #tpu.memory_space<vmem>>
        %swap3A_952 = tpu.memref_squeeze %swap3A_951 : memref<1x128x73xf32, #tpu.memory_space<vmem>> -> memref<128x73xf32, #tpu.memory_space<vmem>>
        %swap3A_953 = arith.index_cast %add3A_927 : i32 to index
        %swap3A_954 = arith.constant 16 : index
        %swap3A_955 = tpu.vector_load %swap3A_952[%swap3A_953, %swap3A_954] {strides = array<i32>} : memref<128x73xf32, #tpu.memory_space<vmem>>, vector<16xf32>,
        tpu.vector_store %swap3A_952[%swap3A_953, %swap3A_954], %get3A_948 {strides = array<i32>} : memref<128x73xf32, #tpu.memory_space<vmem>>, vector<16xf32>,
        %get3A_956 = arith.constant 0 : i32
        %get3A_957 = arith.constant 0 : i32
        %get3A_958 = tpu.memref_slice %arg10[%scan3A_120, %get3A_956, %get3A_957] : memref<2x128x128xf32, #tpu.memory_space<vmem>> -> memref<1x128x128xf32, #tpu.memory_space<vmem>>
        %get3A_959 = tpu.memref_squeeze %get3A_958 : memref<1x128x128xf32, #tpu.memory_space<vmem>> -> memref<128x128xf32, #tpu.memory_space<vmem>>
        %get3A_960 = arith.index_cast %add3A_927 : i32 to index
        %get3A_961 = arith.constant 32 : index
        %get3A_962 = tpu.vector_load %get3A_959[%get3A_960, %get3A_961] {strides = array<i32>} : memref<128x128xf32, #tpu.memory_space<vmem>>, vector<16xf32>,
        %swap3A_963 = arith.constant 0 : i32
        %swap3A_964 = arith.constant 0 : i32
        %swap3A_965 = tpu.memref_slice %arg11[%scan3A_121, %swap3A_963, %swap3A_964] : memref<2x128x73xf32, #tpu.memory_space<vmem>> -> memref<1x128x73xf32, #tpu.memory_space<vmem>>
        %swap3A_966 = tpu.memref_squeeze %swap3A_965 : memref<1x128x73xf32, #tpu.memory_space<vmem>> -> memref<128x73xf32, #tpu.memory_space<vmem>>
        %swap3A_967 = arith.index_cast %add3A_927 : i32 to index
        %swap3A_968 = arith.constant 32 : index
        %swap3A_969 = tpu.vector_load %swap3A_966[%swap3A_967, %swap3A_968] {strides = array<i32>} : memref<128x73xf32, #tpu.memory_space<vmem>>, vector<16xf32>,
        tpu.vector_store %swap3A_966[%swap3A_967, %swap3A_968], %get3A_962 {strides = array<i32>} : memref<128x73xf32, #tpu.memory_space<vmem>>, vector<16xf32>,
        %get3A_970 = arith.constant 0 : i32
        %get3A_971 = arith.constant 0 : i32
        %get3A_972 = tpu.memref_slice %arg10[%scan3A_120, %get3A_970, %get3A_971] : memref<2x128x128xf32, #tpu.memory_space<vmem>> -> memref<1x128x128xf32, #tpu.memory_space<vmem>>
        %get3A_973 = tpu.memref_squeeze %get3A_972 : memref<1x128x128xf32, #tpu.memory_space<vmem>> -> memref<128x128xf32, #tpu.memory_space<vmem>>
        %get3A_974 = arith.index_cast %add3A_927 : i32 to index
        %get3A_975 = arith.constant 48 : index
        %get3A_976 = tpu.vector_load %get3A_973[%get3A_974, %get3A_975] {strides = array<i32>} : memref<128x128xf32, #tpu.memory_space<vmem>>, vector<16xf32>,
        %swap3A_977 = arith.constant 0 : i32
        %swap3A_978 = arith.constant 0 : i32
        %swap3A_979 = tpu.memref_slice %arg11[%scan3A_121, %swap3A_977, %swap3A_978] : memref<2x128x73xf32, #tpu.memory_space<vmem>> -> memref<1x128x73xf32, #tpu.memory_space<vmem>>
        %swap3A_980 = tpu.memref_squeeze %swap3A_979 : memref<1x128x73xf32, #tpu.memory_space<vmem>> -> memref<128x73xf32, #tpu.memory_space<vmem>>
        %swap3A_981 = arith.index_cast %add3A_927 : i32 to index
        %swap3A_982 = arith.constant 48 : index
        %swap3A_983 = tpu.vector_load %swap3A_980[%swap3A_981, %swap3A_982] {strides = array<i32>} : memref<128x73xf32, #tpu.memory_space<vmem>>, vector<16xf32>,
        tpu.vector_store %swap3A_980[%swap3A_981, %swap3A_982], %get3A_976 {strides = array<i32>} : memref<128x73xf32, #tpu.memory_space<vmem>>, vector<16xf32>,
        %add3A_984 = arith.constant 13 : i32
        %add3A_985 = arith.addi %mul3A_219, %add3A_984 : i32
        %get3A_986 = arith.constant 0 : i32
        %get3A_987 = arith.constant 0 : i32
        %get3A_988 = tpu.memref_slice %arg10[%scan3A_120, %get3A_986, %get3A_987] : memref<2x128x128xf32, #tpu.memory_space<vmem>> -> memref<1x128x128xf32, #tpu.memory_space<vmem>>
        %get3A_989 = tpu.memref_squeeze %get3A_988 : memref<1x128x128xf32, #tpu.memory_space<vmem>> -> memref<128x128xf32, #tpu.memory_space<vmem>>
        %get3A_990 = arith.index_cast %add3A_985 : i32 to index
        %get3A_991 = arith.constant 0 : index
        %get3A_992 = tpu.vector_load %get3A_989[%get3A_990, %get3A_991] {strides = array<i32>} : memref<128x128xf32, #tpu.memory_space<vmem>>, vector<16xf32>,
        %swap3A_993 = arith.constant 0 : i32
        %swap3A_994 = arith.constant 0 : i32
        %swap3A_995 = tpu.memref_slice %arg11[%scan3A_121, %swap3A_993, %swap3A_994] : memref<2x128x73xf32, #tpu.memory_space<vmem>> -> memref<1x128x73xf32, #tpu.memory_space<vmem>>
        %swap3A_996 = tpu.memref_squeeze %swap3A_995 : memref<1x128x73xf32, #tpu.memory_space<vmem>> -> memref<128x73xf32, #tpu.memory_space<vmem>>
        %swap3A_997 = arith.index_cast %add3A_985 : i32 to index
        %swap3A_998 = arith.constant 0 : index
        %swap3A_999 = tpu.vector_load %swap3A_996[%swap3A_997, %swap3A_998] {strides = array<i32>} : memref<128x73xf32, #tpu.memory_space<vmem>>, vector<16xf32>,
        tpu.vector_store %swap3A_996[%swap3A_997, %swap3A_998], %get3A_992 {strides = array<i32>} : memref<128x73xf32, #tpu.memory_space<vmem>>, vector<16xf32>,
        %get3A_1000 = arith.constant 0 : i32
        %get3A_1001 = arith.constant 0 : i32
        %get3A_1002 = tpu.memref_slice %arg10[%scan3A_120, %get3A_1000, %get3A_1001] : memref<2x128x128xf32, #tpu.memory_space<vmem>> -> memref<1x128x128xf32, #tpu.memory_space<vmem>>
        %get3A_1003 = tpu.memref_squeeze %get3A_1002 : memref<1x128x128xf32, #tpu.memory_space<vmem>> -> memref<128x128xf32, #tpu.memory_space<vmem>>
        %get3A_1004 = arith.index_cast %add3A_985 : i32 to index
        %get3A_1005 = arith.constant 16 : index
        %get3A_1006 = tpu.vector_load %get3A_1003[%get3A_1004, %get3A_1005] {strides = array<i32>} : memref<128x128xf32, #tpu.memory_space<vmem>>, vector<16xf32>,
        %swap3A_1007 = arith.constant 0 : i32
        %swap3A_1008 = arith.constant 0 : i32
        %swap3A_1009 = tpu.memref_slice %arg11[%scan3A_121, %swap3A_1007, %swap3A_1008] : memref<2x128x73xf32, #tpu.memory_space<vmem>> -> memref<1x128x73xf32, #tpu.memory_space<vmem>>
        %swap3A_1010 = tpu.memref_squeeze %swap3A_1009 : memref<1x128x73xf32, #tpu.memory_space<vmem>> -> memref<128x73xf32, #tpu.memory_space<vmem>>
        %swap3A_1011 = arith.index_cast %add3A_985 : i32 to index
        %swap3A_1012 = arith.constant 16 : index
        %swap3A_1013 = tpu.vector_load %swap3A_1010[%swap3A_1011, %swap3A_1012] {strides = array<i32>} : memref<128x73xf32, #tpu.memory_space<vmem>>, vector<16xf32>,
        tpu.vector_store %swap3A_1010[%swap3A_1011, %swap3A_1012], %get3A_1006 {strides = array<i32>} : memref<128x73xf32, #tpu.memory_space<vmem>>, vector<16xf32>,
        %get3A_1014 = arith.constant 0 : i32
        %get3A_1015 = arith.constant 0 : i32
        %get3A_1016 = tpu.memref_slice %arg10[%scan3A_120, %get3A_1014, %get3A_1015] : memref<2x128x128xf32, #tpu.memory_space<vmem>> -> memref<1x128x128xf32, #tpu.memory_space<vmem>>
        %get3A_1017 = tpu.memref_squeeze %get3A_1016 : memref<1x128x128xf32, #tpu.memory_space<vmem>> -> memref<128x128xf32, #tpu.memory_space<vmem>>
        %get3A_1018 = arith.index_cast %add3A_985 : i32 to index
        %get3A_1019 = arith.constant 32 : index
        %get3A_1020 = tpu.vector_load %get3A_1017[%get3A_1018, %get3A_1019] {strides = array<i32>} : memref<128x128xf32, #tpu.memory_space<vmem>>, vector<16xf32>,
        %swap3A_1021 = arith.constant 0 : i32
        %swap3A_1022 = arith.constant 0 : i32
        %swap3A_1023 = tpu.memref_slice %arg11[%scan3A_121, %swap3A_1021, %swap3A_1022] : memref<2x128x73xf32, #tpu.memory_space<vmem>> -> memref<1x128x73xf32, #tpu.memory_space<vmem>>
        %swap3A_1024 = tpu.memref_squeeze %swap3A_1023 : memref<1x128x73xf32, #tpu.memory_space<vmem>> -> memref<128x73xf32, #tpu.memory_space<vmem>>
        %swap3A_1025 = arith.index_cast %add3A_985 : i32 to index
        %swap3A_1026 = arith.constant 32 : index
        %swap3A_1027 = tpu.vector_load %swap3A_1024[%swap3A_1025, %swap3A_1026] {strides = array<i32>} : memref<128x73xf32, #tpu.memory_space<vmem>>, vector<16xf32>,
        tpu.vector_store %swap3A_1024[%swap3A_1025, %swap3A_1026], %get3A_1020 {strides = array<i32>} : memref<128x73xf32, #tpu.memory_space<vmem>>, vector<16xf32>,
        %get3A_1028 = arith.constant 0 : i32
        %get3A_1029 = arith.constant 0 : i32
        %get3A_1030 = tpu.memref_slice %arg10[%scan3A_120, %get3A_1028, %get3A_1029] : memref<2x128x128xf32, #tpu.memory_space<vmem>> -> memref<1x128x128xf32, #tpu.memory_space<vmem>>
        %get3A_1031 = tpu.memref_squeeze %get3A_1030 : memref<1x128x128xf32, #tpu.memory_space<vmem>> -> memref<128x128xf32, #tpu.memory_space<vmem>>
        %get3A_1032 = arith.index_cast %add3A_985 : i32 to index
        %get3A_1033 = arith.constant 48 : index
        %get3A_1034 = tpu.vector_load %get3A_1031[%get3A_1032, %get3A_1033] {strides = array<i32>} : memref<128x128xf32, #tpu.memory_space<vmem>>, vector<16xf32>,
        %swap3A_1035 = arith.constant 0 : i32
        %swap3A_1036 = arith.constant 0 : i32
        %swap3A_1037 = tpu.memref_slice %arg11[%scan3A_121, %swap3A_1035, %swap3A_1036] : memref<2x128x73xf32, #tpu.memory_space<vmem>> -> memref<1x128x73xf32, #tpu.memory_space<vmem>>
        %swap3A_1038 = tpu.memref_squeeze %swap3A_1037 : memref<1x128x73xf32, #tpu.memory_space<vmem>> -> memref<128x73xf32, #tpu.memory_space<vmem>>
        %swap3A_1039 = arith.index_cast %add3A_985 : i32 to index
        %swap3A_1040 = arith.constant 48 : index
        %swap3A_1041 = tpu.vector_load %swap3A_1038[%swap3A_1039, %swap3A_1040] {strides = array<i32>} : memref<128x73xf32, #tpu.memory_space<vmem>>, vector<16xf32>,
        tpu.vector_store %swap3A_1038[%swap3A_1039, %swap3A_1040], %get3A_1034 {strides = array<i32>} : memref<128x73xf32, #tpu.memory_space<vmem>>, vector<16xf32>,
        %add3A_1042 = arith.constant 14 : i32
        %add3A_1043 = arith.addi %mul3A_219, %add3A_1042 : i32
        %get3A_1044 = arith.constant 0 : i32
        %get3A_1045 = arith.constant 0 : i32
        %get3A_1046 = tpu.memref_slice %arg10[%scan3A_120, %get3A_1044, %get3A_1045] : memref<2x128x128xf32, #tpu.memory_space<vmem>> -> memref<1x128x128xf32, #tpu.memory_space<vmem>>
        %get3A_1047 = tpu.memref_squeeze %get3A_1046 : memref<1x128x128xf32, #tpu.memory_space<vmem>> -> memref<128x128xf32, #tpu.memory_space<vmem>>
        %get3A_1048 = arith.index_cast %add3A_1043 : i32 to index
        %get3A_1049 = arith.constant 0 : index
        %get3A_1050 = tpu.vector_load %get3A_1047[%get3A_1048, %get3A_1049] {strides = array<i32>} : memref<128x128xf32, #tpu.memory_space<vmem>>, vector<16xf32>,
        %swap3A_1051 = arith.constant 0 : i32
        %swap3A_1052 = arith.constant 0 : i32
        %swap3A_1053 = tpu.memref_slice %arg11[%scan3A_121, %swap3A_1051, %swap3A_1052] : memref<2x128x73xf32, #tpu.memory_space<vmem>> -> memref<1x128x73xf32, #tpu.memory_space<vmem>>
        %swap3A_1054 = tpu.memref_squeeze %swap3A_1053 : memref<1x128x73xf32, #tpu.memory_space<vmem>> -> memref<128x73xf32, #tpu.memory_space<vmem>>
        %swap3A_1055 = arith.index_cast %add3A_1043 : i32 to index
        %swap3A_1056 = arith.constant 0 : index
        %swap3A_1057 = tpu.vector_load %swap3A_1054[%swap3A_1055, %swap3A_1056] {strides = array<i32>} : memref<128x73xf32, #tpu.memory_space<vmem>>, vector<16xf32>,
        tpu.vector_store %swap3A_1054[%swap3A_1055, %swap3A_1056], %get3A_1050 {strides = array<i32>} : memref<128x73xf32, #tpu.memory_space<vmem>>, vector<16xf32>,
        %get3A_1058 = arith.constant 0 : i32
        %get3A_1059 = arith.constant 0 : i32
        %get3A_1060 = tpu.memref_slice %arg10[%scan3A_120, %get3A_1058, %get3A_1059] : memref<2x128x128xf32, #tpu.memory_space<vmem>> -> memref<1x128x128xf32, #tpu.memory_space<vmem>>
        %get3A_1061 = tpu.memref_squeeze %get3A_1060 : memref<1x128x128xf32, #tpu.memory_space<vmem>> -> memref<128x128xf32, #tpu.memory_space<vmem>>
        %get3A_1062 = arith.index_cast %add3A_1043 : i32 to index
        %get3A_1063 = arith.constant 16 : index
        %get3A_1064 = tpu.vector_load %get3A_1061[%get3A_1062, %get3A_1063] {strides = array<i32>} : memref<128x128xf32, #tpu.memory_space<vmem>>, vector<16xf32>,
        %swap3A_1065 = arith.constant 0 : i32
        %swap3A_1066 = arith.constant 0 : i32
        %swap3A_1067 = tpu.memref_slice %arg11[%scan3A_121, %swap3A_1065, %swap3A_1066] : memref<2x128x73xf32, #tpu.memory_space<vmem>> -> memref<1x128x73xf32, #tpu.memory_space<vmem>>
        %swap3A_1068 = tpu.memref_squeeze %swap3A_1067 : memref<1x128x73xf32, #tpu.memory_space<vmem>> -> memref<128x73xf32, #tpu.memory_space<vmem>>
        %swap3A_1069 = arith.index_cast %add3A_1043 : i32 to index
        %swap3A_1070 = arith.constant 16 : index
        %swap3A_1071 = tpu.vector_load %swap3A_1068[%swap3A_1069, %swap3A_1070] {strides = array<i32>} : memref<128x73xf32, #tpu.memory_space<vmem>>, vector<16xf32>,
        tpu.vector_store %swap3A_1068[%swap3A_1069, %swap3A_1070], %get3A_1064 {strides = array<i32>} : memref<128x73xf32, #tpu.memory_space<vmem>>, vector<16xf32>,
        %get3A_1072 = arith.constant 0 : i32
        %get3A_1073 = arith.constant 0 : i32
        %get3A_1074 = tpu.memref_slice %arg10[%scan3A_120, %get3A_1072, %get3A_1073] : memref<2x128x128xf32, #tpu.memory_space<vmem>> -> memref<1x128x128xf32, #tpu.memory_space<vmem>>
        %get3A_1075 = tpu.memref_squeeze %get3A_1074 : memref<1x128x128xf32, #tpu.memory_space<vmem>> -> memref<128x128xf32, #tpu.memory_space<vmem>>
        %get3A_1076 = arith.index_cast %add3A_1043 : i32 to index
        %get3A_1077 = arith.constant 32 : index
        %get3A_1078 = tpu.vector_load %get3A_1075[%get3A_1076, %get3A_1077] {strides = array<i32>} : memref<128x128xf32, #tpu.memory_space<vmem>>, vector<16xf32>,
        %swap3A_1079 = arith.constant 0 : i32
        %swap3A_1080 = arith.constant 0 : i32
        %swap3A_1081 = tpu.memref_slice %arg11[%scan3A_121, %swap3A_1079, %swap3A_1080] : memref<2x128x73xf32, #tpu.memory_space<vmem>> -> memref<1x128x73xf32, #tpu.memory_space<vmem>>
        %swap3A_1082 = tpu.memref_squeeze %swap3A_1081 : memref<1x128x73xf32, #tpu.memory_space<vmem>> -> memref<128x73xf32, #tpu.memory_space<vmem>>
        %swap3A_1083 = arith.index_cast %add3A_1043 : i32 to index
        %swap3A_1084 = arith.constant 32 : index
        %swap3A_1085 = tpu.vector_load %swap3A_1082[%swap3A_1083, %swap3A_1084] {strides = array<i32>} : memref<128x73xf32, #tpu.memory_space<vmem>>, vector<16xf32>,
        tpu.vector_store %swap3A_1082[%swap3A_1083, %swap3A_1084], %get3A_1078 {strides = array<i32>} : memref<128x73xf32, #tpu.memory_space<vmem>>, vector<16xf32>,
        %get3A_1086 = arith.constant 0 : i32
        %get3A_1087 = arith.constant 0 : i32
        %get3A_1088 = tpu.memref_slice %arg10[%scan3A_120, %get3A_1086, %get3A_1087] : memref<2x128x128xf32, #tpu.memory_space<vmem>> -> memref<1x128x128xf32, #tpu.memory_space<vmem>>
        %get3A_1089 = tpu.memref_squeeze %get3A_1088 : memref<1x128x128xf32, #tpu.memory_space<vmem>> -> memref<128x128xf32, #tpu.memory_space<vmem>>
        %get3A_1090 = arith.index_cast %add3A_1043 : i32 to index
        %get3A_1091 = arith.constant 48 : index
        %get3A_1092 = tpu.vector_load %get3A_1089[%get3A_1090, %get3A_1091] {strides = array<i32>} : memref<128x128xf32, #tpu.memory_space<vmem>>, vector<16xf32>,
        %swap3A_1093 = arith.constant 0 : i32
        %swap3A_1094 = arith.constant 0 : i32
        %swap3A_1095 = tpu.memref_slice %arg11[%scan3A_121, %swap3A_1093, %swap3A_1094] : memref<2x128x73xf32, #tpu.memory_space<vmem>> -> memref<1x128x73xf32, #tpu.memory_space<vmem>>
        %swap3A_1096 = tpu.memref_squeeze %swap3A_1095 : memref<1x128x73xf32, #tpu.memory_space<vmem>> -> memref<128x73xf32, #tpu.memory_space<vmem>>
        %swap3A_1097 = arith.index_cast %add3A_1043 : i32 to index
        %swap3A_1098 = arith.constant 48 : index
        %swap3A_1099 = tpu.vector_load %swap3A_1096[%swap3A_1097, %swap3A_1098] {strides = array<i32>} : memref<128x73xf32, #tpu.memory_space<vmem>>, vector<16xf32>,
        tpu.vector_store %swap3A_1096[%swap3A_1097, %swap3A_1098], %get3A_1092 {strides = array<i32>} : memref<128x73xf32, #tpu.memory_space<vmem>>, vector<16xf32>,
        %add3A_1100 = arith.constant 15 : i32
        %add3A_1101 = arith.addi %mul3A_219, %add3A_1100 : i32
        %get3A_1102 = arith.constant 0 : i32
        %get3A_1103 = arith.constant 0 : i32
        %get3A_1104 = tpu.memref_slice %arg10[%scan3A_120, %get3A_1102, %get3A_1103] : memref<2x128x128xf32, #tpu.memory_space<vmem>> -> memref<1x128x128xf32, #tpu.memory_space<vmem>>
        %get3A_1105 = tpu.memref_squeeze %get3A_1104 : memref<1x128x128xf32, #tpu.memory_space<vmem>> -> memref<128x128xf32, #tpu.memory_space<vmem>>
        %get3A_1106 = arith.index_cast %add3A_1101 : i32 to index
        %get3A_1107 = arith.constant 0 : index
        %get3A_1108 = tpu.vector_load %get3A_1105[%get3A_1106, %get3A_1107] {strides = array<i32>} : memref<128x128xf32, #tpu.memory_space<vmem>>, vector<16xf32>,
        %swap3A_1109 = arith.constant 0 : i32
        %swap3A_1110 = arith.constant 0 : i32
        %swap3A_1111 = tpu.memref_slice %arg11[%scan3A_121, %swap3A_1109, %swap3A_1110] : memref<2x128x73xf32, #tpu.memory_space<vmem>> -> memref<1x128x73xf32, #tpu.memory_space<vmem>>
        %swap3A_1112 = tpu.memref_squeeze %swap3A_1111 : memref<1x128x73xf32, #tpu.memory_space<vmem>> -> memref<128x73xf32, #tpu.memory_space<vmem>>
        %swap3A_1113 = arith.index_cast %add3A_1101 : i32 to index
        %swap3A_1114 = arith.constant 0 : index
        %swap3A_1115 = tpu.vector_load %swap3A_1112[%swap3A_1113, %swap3A_1114] {strides = array<i32>} : memref<128x73xf32, #tpu.memory_space<vmem>>, vector<16xf32>,
        tpu.vector_store %swap3A_1112[%swap3A_1113, %swap3A_1114], %get3A_1108 {strides = array<i32>} : memref<128x73xf32, #tpu.memory_space<vmem>>, vector<16xf32>,
        %get3A_1116 = arith.constant 0 : i32
        %get3A_1117 = arith.constant 0 : i32
        %get3A_1118 = tpu.memref_slice %arg10[%scan3A_120, %get3A_1116, %get3A_1117] : memref<2x128x128xf32, #tpu.memory_space<vmem>> -> memref<1x128x128xf32, #tpu.memory_space<vmem>>
        %get3A_1119 = tpu.memref_squeeze %get3A_1118 : memref<1x128x128xf32, #tpu.memory_space<vmem>> -> memref<128x128xf32, #tpu.memory_space<vmem>>
        %get3A_1120 = arith.index_cast %add3A_1101 : i32 to index
        %get3A_1121 = arith.constant 16 : index
        %get3A_1122 = tpu.vector_load %get3A_1119[%get3A_1120, %get3A_1121] {strides = array<i32>} : memref<128x128xf32, #tpu.memory_space<vmem>>, vector<16xf32>,
        %swap3A_1123 = arith.constant 0 : i32
        %swap3A_1124 = arith.constant 0 : i32
        %swap3A_1125 = tpu.memref_slice %arg11[%scan3A_121, %swap3A_1123, %swap3A_1124] : memref<2x128x73xf32, #tpu.memory_space<vmem>> -> memref<1x128x73xf32, #tpu.memory_space<vmem>>
        %swap3A_1126 = tpu.memref_squeeze %swap3A_1125 : memref<1x128x73xf32, #tpu.memory_space<vmem>> -> memref<128x73xf32, #tpu.memory_space<vmem>>
        %swap3A_1127 = arith.index_cast %add3A_1101 : i32 to index
        %swap3A_1128 = arith.constant 16 : index
        %swap3A_1129 = tpu.vector_load %swap3A_1126[%swap3A_1127, %swap3A_1128] {strides = array<i32>} : memref<128x73xf32, #tpu.memory_space<vmem>>, vector<16xf32>,
        tpu.vector_store %swap3A_1126[%swap3A_1127, %swap3A_1128], %get3A_1122 {strides = array<i32>} : memref<128x73xf32, #tpu.memory_space<vmem>>, vector<16xf32>,
        %get3A_1130 = arith.constant 0 : i32
        %get3A_1131 = arith.constant 0 : i32
        %get3A_1132 = tpu.memref_slice %arg10[%scan3A_120, %get3A_1130, %get3A_1131] : memref<2x128x128xf32, #tpu.memory_space<vmem>> -> memref<1x128x128xf32, #tpu.memory_space<vmem>>
        %get3A_1133 = tpu.memref_squeeze %get3A_1132 : memref<1x128x128xf32, #tpu.memory_space<vmem>> -> memref<128x128xf32, #tpu.memory_space<vmem>>
        %get3A_1134 = arith.index_cast %add3A_1101 : i32 to index
        %get3A_1135 = arith.constant 32 : index
        %get3A_1136 = tpu.vector_load %get3A_1133[%get3A_1134, %get3A_1135] {strides = array<i32>} : memref<128x128xf32, #tpu.memory_space<vmem>>, vector<16xf32>,
        %swap3A_1137 = arith.constant 0 : i32
        %swap3A_1138 = arith.constant 0 : i32
        %swap3A_1139 = tpu.memref_slice %arg11[%scan3A_121, %swap3A_1137, %swap3A_1138] : memref<2x128x73xf32, #tpu.memory_space<vmem>> -> memref<1x128x73xf32, #tpu.memory_space<vmem>>
        %swap3A_1140 = tpu.memref_squeeze %swap3A_1139 : memref<1x128x73xf32, #tpu.memory_space<vmem>> -> memref<128x73xf32, #tpu.memory_space<vmem>>
        %swap3A_1141 = arith.index_cast %add3A_1101 : i32 to index
        %swap3A_1142 = arith.constant 32 : index
        %swap3A_1143 = tpu.vector_load %swap3A_1140[%swap3A_1141, %swap3A_1142] {strides = array<i32>} : memref<128x73xf32, #tpu.memory_space<vmem>>, vector<16xf32>,
        tpu.vector_store %swap3A_1140[%swap3A_1141, %swap3A_1142], %get3A_1136 {strides = array<i32>} : memref<128x73xf32, #tpu.memory_space<vmem>>, vector<16xf32>,
        %get3A_1144 = arith.constant 0 : i32
        %get3A_1145 = arith.constant 0 : i32
        %get3A_1146 = tpu.memref_slice %arg10[%scan3A_120, %get3A_1144, %get3A_1145] : memref<2x128x128xf32, #tpu.memory_space<vmem>> -> memref<1x128x128xf32, #tpu.memory_space<vmem>>
        %get3A_1147 = tpu.memref_squeeze %get3A_1146 : memref<1x128x128xf32, #tpu.memory_space<vmem>> -> memref<128x128xf32, #tpu.memory_space<vmem>>
        %get3A_1148 = arith.index_cast %add3A_1101 : i32 to index
        %get3A_1149 = arith.constant 48 : index
        %get3A_1150 = tpu.vector_load %get3A_1147[%get3A_1148, %get3A_1149] {strides = array<i32>} : memref<128x128xf32, #tpu.memory_space<vmem>>, vector<16xf32>,
        %swap3A_1151 = arith.constant 0 : i32
        %swap3A_1152 = arith.constant 0 : i32
        %swap3A_1153 = tpu.memref_slice %arg11[%scan3A_121, %swap3A_1151, %swap3A_1152] : memref<2x128x73xf32, #tpu.memory_space<vmem>> -> memref<1x128x73xf32, #tpu.memory_space<vmem>>
        %swap3A_1154 = tpu.memref_squeeze %swap3A_1153 : memref<1x128x73xf32, #tpu.memory_space<vmem>> -> memref<128x73xf32, #tpu.memory_space<vmem>>
        %swap3A_1155 = arith.index_cast %add3A_1101 : i32 to index
        %swap3A_1156 = arith.constant 48 : index
        %swap3A_1157 = tpu.vector_load %swap3A_1154[%swap3A_1155, %swap3A_1156] {strides = array<i32>} : memref<128x73xf32, #tpu.memory_space<vmem>>, vector<16xf32>,
        tpu.vector_store %swap3A_1154[%swap3A_1155, %swap3A_1156], %get3A_1150 {strides = array<i32>} : memref<128x73xf32, #tpu.memory_space<vmem>>, vector<16xf32>,
        %mul3A_1158 = arith.constant 9 : i32
        %mul3A_1159 = vector.broadcast %mul3A_1158 : i32 to vector<16xi32>
        %mul3A_1160 = arith.muli %get3A_230, %mul3A_1159 : vector<16xi32>
        %add3A_1161 = arith.constant 0 : i32
        %add3A_1162 = vector.broadcast %add3A_1161 : i32 to vector<16xi32>
        %add3A_1163 = arith.addi %mul3A_1160, %add3A_1162 : vector<16xi32>
        %gather3A = tpu.vector_load_idx %arg12[%add3A_1163] : memref<1920xf32, #tpu.memory_space<vmem>>[vector<16xi32>], vector<16xf32>,
        %broadcast_in_dim3A = arith.constant 64 : i32
        %broadcast_in_dim3A_1164 = vector.broadcast %broadcast_in_dim3A : i32 to vector<16xi32>
        %scatter3A = arith.constant 0 : i32
        %scatter3A_1165 = arith.constant 0 : i32
        %scatter3A_1166 = tpu.memref_slice %arg11[%scan3A_121, %scatter3A, %scatter3A_1165] : memref<2x128x73xf32, #tpu.memory_space<vmem>> -> memref<1x128x73xf32, #tpu.memory_space<vmem>>
        %scatter3A_1167 = tpu.memref_squeeze %scatter3A_1166 : memref<1x128x73xf32, #tpu.memory_space<vmem>> -> memref<128x73xf32, #tpu.memory_space<vmem>>
        tpu.vector_store_idx %scatter3A_1167[%add3A_221, %broadcast_in_dim3A_1164], %gather3A : memref<128x73xf32, #tpu.memory_space<vmem>>[vector<16xi32>, vector<16xi32>], vector<16xf32>,
        %mul3A_1168 = arith.constant 9 : i32
        %mul3A_1169 = vector.broadcast %mul3A_1168 : i32 to vector<16xi32>
        %mul3A_1170 = arith.muli %get3A_230, %mul3A_1169 : vector<16xi32>
        %add3A_1171 = arith.constant 1 : i32
        %add3A_1172 = vector.broadcast %add3A_1171 : i32 to vector<16xi32>
        %add3A_1173 = arith.addi %mul3A_1170, %add3A_1172 : vector<16xi32>
        %gather3A_1174 = tpu.vector_load_idx %arg12[%add3A_1173] : memref<1920xf32, #tpu.memory_space<vmem>>[vector<16xi32>], vector<16xf32>,
        %broadcast_in_dim3A_1175 = arith.constant 65 : i32
        %broadcast_in_dim3A_1176 = vector.broadcast %broadcast_in_dim3A_1175 : i32 to vector<16xi32>
        %scatter3A_1177 = arith.constant 0 : i32
        %scatter3A_1178 = arith.constant 0 : i32
        %scatter3A_1179 = tpu.memref_slice %arg11[%scan3A_121, %scatter3A_1177, %scatter3A_1178] : memref<2x128x73xf32, #tpu.memory_space<vmem>> -> memref<1x128x73xf32, #tpu.memory_space<vmem>>
        %scatter3A_1180 = tpu.memref_squeeze %scatter3A_1179 : memref<1x128x73xf32, #tpu.memory_space<vmem>> -> memref<128x73xf32, #tpu.memory_space<vmem>>
        tpu.vector_store_idx %scatter3A_1180[%add3A_221, %broadcast_in_dim3A_1176], %gather3A_1174 : memref<128x73xf32, #tpu.memory_space<vmem>>[vector<16xi32>, vector<16xi32>], vector<16xf32>,
        %mul3A_1181 = arith.constant 9 : i32
        %mul3A_1182 = vector.broadcast %mul3A_1181 : i32 to vector<16xi32>
        %mul3A_1183 = arith.muli %get3A_230, %mul3A_1182 : vector<16xi32>
        %add3A_1184 = arith.constant 2 : i32
        %add3A_1185 = vector.broadcast %add3A_1184 : i32 to vector<16xi32>
        %add3A_1186 = arith.addi %mul3A_1183, %add3A_1185 : vector<16xi32>
        %gather3A_1187 = tpu.vector_load_idx %arg12[%add3A_1186] : memref<1920xf32, #tpu.memory_space<vmem>>[vector<16xi32>], vector<16xf32>,
        %broadcast_in_dim3A_1188 = arith.constant 66 : i32
        %broadcast_in_dim3A_1189 = vector.broadcast %broadcast_in_dim3A_1188 : i32 to vector<16xi32>
        %scatter3A_1190 = arith.constant 0 : i32
        %scatter3A_1191 = arith.constant 0 : i32
        %scatter3A_1192 = tpu.memref_slice %arg11[%scan3A_121, %scatter3A_1190, %scatter3A_1191] : memref<2x128x73xf32, #tpu.memory_space<vmem>> -> memref<1x128x73xf32, #tpu.memory_space<vmem>>
        %scatter3A_1193 = tpu.memref_squeeze %scatter3A_1192 : memref<1x128x73xf32, #tpu.memory_space<vmem>> -> memref<128x73xf32, #tpu.memory_space<vmem>>
        tpu.vector_store_idx %scatter3A_1193[%add3A_221, %broadcast_in_dim3A_1189], %gather3A_1187 : memref<128x73xf32, #tpu.memory_space<vmem>>[vector<16xi32>, vector<16xi32>], vector<16xf32>,
        %mul3A_1194 = arith.constant 9 : i32
        %mul3A_1195 = vector.broadcast %mul3A_1194 : i32 to vector<16xi32>
        %mul3A_1196 = arith.muli %get3A_230, %mul3A_1195 : vector<16xi32>
        %add3A_1197 = arith.constant 3 : i32
        %add3A_1198 = vector.broadcast %add3A_1197 : i32 to vector<16xi32>
        %add3A_1199 = arith.addi %mul3A_1196, %add3A_1198 : vector<16xi32>
        %gather3A_1200 = tpu.vector_load_idx %arg12[%add3A_1199] : memref<1920xf32, #tpu.memory_space<vmem>>[vector<16xi32>], vector<16xf32>,
        %broadcast_in_dim3A_1201 = arith.constant 67 : i32
        %broadcast_in_dim3A_1202 = vector.broadcast %broadcast_in_dim3A_1201 : i32 to vector<16xi32>
        %scatter3A_1203 = arith.constant 0 : i32
        %scatter3A_1204 = arith.constant 0 : i32
        %scatter3A_1205 = tpu.memref_slice %arg11[%scan3A_121, %scatter3A_1203, %scatter3A_1204] : memref<2x128x73xf32, #tpu.memory_space<vmem>> -> memref<1x128x73xf32, #tpu.memory_space<vmem>>
        %scatter3A_1206 = tpu.memref_squeeze %scatter3A_1205 : memref<1x128x73xf32, #tpu.memory_space<vmem>> -> memref<128x73xf32, #tpu.memory_space<vmem>>
        tpu.vector_store_idx %scatter3A_1206[%add3A_221, %broadcast_in_dim3A_1202], %gather3A_1200 : memref<128x73xf32, #tpu.memory_space<vmem>>[vector<16xi32>, vector<16xi32>], vector<16xf32>,
        %mul3A_1207 = arith.constant 9 : i32
        %mul3A_1208 = vector.broadcast %mul3A_1207 : i32 to vector<16xi32>
        %mul3A_1209 = arith.muli %get3A_230, %mul3A_1208 : vector<16xi32>
        %add3A_1210 = arith.constant 4 : i32
        %add3A_1211 = vector.broadcast %add3A_1210 : i32 to vector<16xi32>
        %add3A_1212 = arith.addi %mul3A_1209, %add3A_1211 : vector<16xi32>
        %gather3A_1213 = tpu.vector_load_idx %arg12[%add3A_1212] : memref<1920xf32, #tpu.memory_space<vmem>>[vector<16xi32>], vector<16xf32>,
        %broadcast_in_dim3A_1214 = arith.constant 68 : i32
        %broadcast_in_dim3A_1215 = vector.broadcast %broadcast_in_dim3A_1214 : i32 to vector<16xi32>
        %scatter3A_1216 = arith.constant 0 : i32
        %scatter3A_1217 = arith.constant 0 : i32
        %scatter3A_1218 = tpu.memref_slice %arg11[%scan3A_121, %scatter3A_1216, %scatter3A_1217] : memref<2x128x73xf32, #tpu.memory_space<vmem>> -> memref<1x128x73xf32, #tpu.memory_space<vmem>>
        %scatter3A_1219 = tpu.memref_squeeze %scatter3A_1218 : memref<1x128x73xf32, #tpu.memory_space<vmem>> -> memref<128x73xf32, #tpu.memory_space<vmem>>
        tpu.vector_store_idx %scatter3A_1219[%add3A_221, %broadcast_in_dim3A_1215], %gather3A_1213 : memref<128x73xf32, #tpu.memory_space<vmem>>[vector<16xi32>, vector<16xi32>], vector<16xf32>,
        %mul3A_1220 = arith.constant 9 : i32
        %mul3A_1221 = vector.broadcast %mul3A_1220 : i32 to vector<16xi32>
        %mul3A_1222 = arith.muli %get3A_230, %mul3A_1221 : vector<16xi32>
        %add3A_1223 = arith.constant 5 : i32
        %add3A_1224 = vector.broadcast %add3A_1223 : i32 to vector<16xi32>
        %add3A_1225 = arith.addi %mul3A_1222, %add3A_1224 : vector<16xi32>
        %gather3A_1226 = tpu.vector_load_idx %arg12[%add3A_1225] : memref<1920xf32, #tpu.memory_space<vmem>>[vector<16xi32>], vector<16xf32>,
        %broadcast_in_dim3A_1227 = arith.constant 69 : i32
        %broadcast_in_dim3A_1228 = vector.broadcast %broadcast_in_dim3A_1227 : i32 to vector<16xi32>
        %scatter3A_1229 = arith.constant 0 : i32
        %scatter3A_1230 = arith.constant 0 : i32
        %scatter3A_1231 = tpu.memref_slice %arg11[%scan3A_121, %scatter3A_1229, %scatter3A_1230] : memref<2x128x73xf32, #tpu.memory_space<vmem>> -> memref<1x128x73xf32, #tpu.memory_space<vmem>>
        %scatter3A_1232 = tpu.memref_squeeze %scatter3A_1231 : memref<1x128x73xf32, #tpu.memory_space<vmem>> -> memref<128x73xf32, #tpu.memory_space<vmem>>
        tpu.vector_store_idx %scatter3A_1232[%add3A_221, %broadcast_in_dim3A_1228], %gather3A_1226 : memref<128x73xf32, #tpu.memory_space<vmem>>[vector<16xi32>, vector<16xi32>], vector<16xf32>,
        %mul3A_1233 = arith.constant 9 : i32
        %mul3A_1234 = vector.broadcast %mul3A_1233 : i32 to vector<16xi32>
        %mul3A_1235 = arith.muli %get3A_230, %mul3A_1234 : vector<16xi32>
        %add3A_1236 = arith.constant 6 : i32
        %add3A_1237 = vector.broadcast %add3A_1236 : i32 to vector<16xi32>
        %add3A_1238 = arith.addi %mul3A_1235, %add3A_1237 : vector<16xi32>
        %gather3A_1239 = tpu.vector_load_idx %arg12[%add3A_1238] : memref<1920xf32, #tpu.memory_space<vmem>>[vector<16xi32>], vector<16xf32>,
        %broadcast_in_dim3A_1240 = arith.constant 70 : i32
        %broadcast_in_dim3A_1241 = vector.broadcast %broadcast_in_dim3A_1240 : i32 to vector<16xi32>
        %scatter3A_1242 = arith.constant 0 : i32
        %scatter3A_1243 = arith.constant 0 : i32
        %scatter3A_1244 = tpu.memref_slice %arg11[%scan3A_121, %scatter3A_1242, %scatter3A_1243] : memref<2x128x73xf32, #tpu.memory_space<vmem>> -> memref<1x128x73xf32, #tpu.memory_space<vmem>>
        %scatter3A_1245 = tpu.memref_squeeze %scatter3A_1244 : memref<1x128x73xf32, #tpu.memory_space<vmem>> -> memref<128x73xf32, #tpu.memory_space<vmem>>
        tpu.vector_store_idx %scatter3A_1245[%add3A_221, %broadcast_in_dim3A_1241], %gather3A_1239 : memref<128x73xf32, #tpu.memory_space<vmem>>[vector<16xi32>, vector<16xi32>], vector<16xf32>,
        %mul3A_1246 = arith.constant 9 : i32
        %mul3A_1247 = vector.broadcast %mul3A_1246 : i32 to vector<16xi32>
        %mul3A_1248 = arith.muli %get3A_230, %mul3A_1247 : vector<16xi32>
        %add3A_1249 = arith.constant 7 : i32
        %add3A_1250 = vector.broadcast %add3A_1249 : i32 to vector<16xi32>
        %add3A_1251 = arith.addi %mul3A_1248, %add3A_1250 : vector<16xi32>
        %gather3A_1252 = tpu.vector_load_idx %arg12[%add3A_1251] : memref<1920xf32, #tpu.memory_space<vmem>>[vector<16xi32>], vector<16xf32>,
        %broadcast_in_dim3A_1253 = arith.constant 71 : i32
        %broadcast_in_dim3A_1254 = vector.broadcast %broadcast_in_dim3A_1253 : i32 to vector<16xi32>
        %scatter3A_1255 = arith.constant 0 : i32
        %scatter3A_1256 = arith.constant 0 : i32
        %scatter3A_1257 = tpu.memref_slice %arg11[%scan3A_121, %scatter3A_1255, %scatter3A_1256] : memref<2x128x73xf32, #tpu.memory_space<vmem>> -> memref<1x128x73xf32, #tpu.memory_space<vmem>>
        %scatter3A_1258 = tpu.memref_squeeze %scatter3A_1257 : memref<1x128x73xf32, #tpu.memory_space<vmem>> -> memref<128x73xf32, #tpu.memory_space<vmem>>
        tpu.vector_store_idx %scatter3A_1258[%add3A_221, %broadcast_in_dim3A_1254], %gather3A_1252 : memref<128x73xf32, #tpu.memory_space<vmem>>[vector<16xi32>, vector<16xi32>], vector<16xf32>,
        %mul3A_1259 = arith.constant 9 : i32
        %mul3A_1260 = vector.broadcast %mul3A_1259 : i32 to vector<16xi32>
        %mul3A_1261 = arith.muli %get3A_230, %mul3A_1260 : vector<16xi32>
        %add3A_1262 = arith.constant 8 : i32
        %add3A_1263 = vector.broadcast %add3A_1262 : i32 to vector<16xi32>
        %add3A_1264 = arith.addi %mul3A_1261, %add3A_1263 : vector<16xi32>
        %gather3A_1265 = tpu.vector_load_idx %arg12[%add3A_1264] : memref<1920xf32, #tpu.memory_space<vmem>>[vector<16xi32>], vector<16xf32>,
        %broadcast_in_dim3A_1266 = arith.constant 72 : i32
        %broadcast_in_dim3A_1267 = vector.broadcast %broadcast_in_dim3A_1266 : i32 to vector<16xi32>
        %scatter3A_1268 = arith.constant 0 : i32
        %scatter3A_1269 = arith.constant 0 : i32
        %scatter3A_1270 = tpu.memref_slice %arg11[%scan3A_121, %scatter3A_1268, %scatter3A_1269] : memref<2x128x73xf32, #tpu.memory_space<vmem>> -> memref<1x128x73xf32, #tpu.memory_space<vmem>>
        %scatter3A_1271 = tpu.memref_squeeze %scatter3A_1270 : memref<1x128x73xf32, #tpu.memory_space<vmem>> -> memref<128x73xf32, #tpu.memory_space<vmem>>
        tpu.vector_store_idx %scatter3A_1271[%add3A_221, %broadcast_in_dim3A_1267], %gather3A_1265 : memref<128x73xf32, #tpu.memory_space<vmem>>[vector<16xi32>, vector<16xi32>], vector<16xf32>,
        %ge3A_1272 = arith.constant 99998 : i32
        %ge3A_1273 = vector.broadcast %ge3A_1272 : i32 to vector<16xi32>
        %ge3A_1274 = arith.cmpi sge, %get3A_225, %ge3A_1273 : vector<16xi32>
        %jit3A = arith.constant 1 : i32
        %jit3A_1275 = arith.constant 0 : i32
        %broadcast_in_dim3A_1276 = vector.broadcast %jit3A : i32 to vector<16xi32>
        %broadcast_in_dim3A_1277 = vector.broadcast %jit3A_1275 : i32 to vector<16xi32>
        %select_n3A = arith.select %ge3A_1274, %broadcast_in_dim3A_1276, %broadcast_in_dim3A_1277 : vector<16xi1>, vector<16xi32>
        %reduce_sum3A = arith.constant true
        %reduce_sum3A_1278 = vector.broadcast %reduce_sum3A : i1 to vector<16xi1>
        %reduce_sum3A_1279 = tpu.scan <sum>, %select_n3A masked %reduce_sum3A_1278 : vector<16xi32>, vector<16xi1> -> vector<16xi32>
        %reduce_sum3A_1280 = vector.extract %reduce_sum3A_1279[15] : i32 from vector<16xi32>
        %gt3A = arith.constant 0 : i32
        %gt3A_1281 = arith.cmpi sgt, %reduce_sum3A_1280, %gt3A : i32
        %convert_element_type3A_1282 = arith.extui %gt3A_1281 : i1 to i32
        %cond3A_1283 = arith.constant 0 : i32
        %cond3A_1284 = arith.cmpi ne, %convert_element_type3A_1282, %cond3A_1283 : i32
        scf.if %cond3A_1284 {
          %sub3A = arith.constant 99997 : i32
          %sub3A_1285 = vector.broadcast %sub3A : i32 to vector<16xi32>
          %sub3A_1286 = arith.subi %get3A_225, %sub3A_1285 : vector<16xi32>
          %max3A = arith.constant 0 : i32
          %max3A_1287 = vector.broadcast %max3A : i32 to vector<16xi32>
          %max3A_1288 = arith.maxsi %sub3A_1286, %max3A_1287 : vector<16xi32>
          %mul3A_1289 = arith.constant 64 : i32
          %mul3A_1290 = vector.broadcast %mul3A_1289 : i32 to vector<16xi32>
          %mul3A_1291 = arith.muli %max3A_1288, %mul3A_1290 : vector<16xi32>
          %add3A_1292 = arith.constant 0 : i32
          %add3A_1293 = vector.broadcast %add3A_1292 : i32 to vector<16xi32>
          %add3A_1294 = arith.addi %mul3A_1291, %add3A_1293 : vector<16xi32>
          %gather3A_1295 = tpu.vector_load_idx %arg13[%add3A_1294] masked %ge3A_1274 : memref<256xf32, #tpu.memory_space<vmem>>[vector<16xi32>], vector<16xf32>, vector<16xi1>
          %broadcast_in_dim3A_1296 = arith.constant 0 : i32
          %broadcast_in_dim3A_1297 = vector.broadcast %broadcast_in_dim3A_1296 : i32 to vector<16xi32>
          %scatter3A_1298 = arith.constant 0 : i32
          %scatter3A_1299 = arith.constant 0 : i32
          %scatter3A_1300 = tpu.memref_slice %arg11[%scan3A_121, %scatter3A_1298, %scatter3A_1299] : memref<2x128x73xf32, #tpu.memory_space<vmem>> -> memref<1x128x73xf32, #tpu.memory_space<vmem>>
          %scatter3A_1301 = tpu.memref_squeeze %scatter3A_1300 : memref<1x128x73xf32, #tpu.memory_space<vmem>> -> memref<128x73xf32, #tpu.memory_space<vmem>>
          tpu.vector_store_idx %scatter3A_1301[%add3A_221, %broadcast_in_dim3A_1297], %gather3A_1295 masked %ge3A_1274 {add = true} : memref<128x73xf32, #tpu.memory_space<vmem>>[vector<16xi32>, vector<16xi32>], vector<16xf32>, vector<16xi1>
          %add3A_1302 = arith.constant 1 : i32
          %add3A_1303 = vector.broadcast %add3A_1302 : i32 to vector<16xi32>
          %add3A_1304 = arith.addi %mul3A_1291, %add3A_1303 : vector<16xi32>
          %gather3A_1305 = tpu.vector_load_idx %arg13[%add3A_1304] masked %ge3A_1274 : memref<256xf32, #tpu.memory_space<vmem>>[vector<16xi32>], vector<16xf32>, vector<16xi1>
          %broadcast_in_dim3A_1306 = arith.constant 1 : i32
          %broadcast_in_dim3A_1307 = vector.broadcast %broadcast_in_dim3A_1306 : i32 to vector<16xi32>
          %scatter3A_1308 = arith.constant 0 : i32
          %scatter3A_1309 = arith.constant 0 : i32
          %scatter3A_1310 = tpu.memref_slice %arg11[%scan3A_121, %scatter3A_1308, %scatter3A_1309] : memref<2x128x73xf32, #tpu.memory_space<vmem>> -> memref<1x128x73xf32, #tpu.memory_space<vmem>>
          %scatter3A_1311 = tpu.memref_squeeze %scatter3A_1310 : memref<1x128x73xf32, #tpu.memory_space<vmem>> -> memref<128x73xf32, #tpu.memory_space<vmem>>
          tpu.vector_store_idx %scatter3A_1311[%add3A_221, %broadcast_in_dim3A_1307], %gather3A_1305 masked %ge3A_1274 {add = true} : memref<128x73xf32, #tpu.memory_space<vmem>>[vector<16xi32>, vector<16xi32>], vector<16xf32>, vector<16xi1>
          %add3A_1312 = arith.constant 2 : i32
          %add3A_1313 = vector.broadcast %add3A_1312 : i32 to vector<16xi32>
          %add3A_1314 = arith.addi %mul3A_1291, %add3A_1313 : vector<16xi32>
          %gather3A_1315 = tpu.vector_load_idx %arg13[%add3A_1314] masked %ge3A_1274 : memref<256xf32, #tpu.memory_space<vmem>>[vector<16xi32>], vector<16xf32>, vector<16xi1>
          %broadcast_in_dim3A_1316 = arith.constant 2 : i32
          %broadcast_in_dim3A_1317 = vector.broadcast %broadcast_in_dim3A_1316 : i32 to vector<16xi32>
          %scatter3A_1318 = arith.constant 0 : i32
          %scatter3A_1319 = arith.constant 0 : i32
          %scatter3A_1320 = tpu.memref_slice %arg11[%scan3A_121, %scatter3A_1318, %scatter3A_1319] : memref<2x128x73xf32, #tpu.memory_space<vmem>> -> memref<1x128x73xf32, #tpu.memory_space<vmem>>
          %scatter3A_1321 = tpu.memref_squeeze %scatter3A_1320 : memref<1x128x73xf32, #tpu.memory_space<vmem>> -> memref<128x73xf32, #tpu.memory_space<vmem>>
          tpu.vector_store_idx %scatter3A_1321[%add3A_221, %broadcast_in_dim3A_1317], %gather3A_1315 masked %ge3A_1274 {add = true} : memref<128x73xf32, #tpu.memory_space<vmem>>[vector<16xi32>, vector<16xi32>], vector<16xf32>, vector<16xi1>
          %add3A_1322 = arith.constant 3 : i32
          %add3A_1323 = vector.broadcast %add3A_1322 : i32 to vector<16xi32>
          %add3A_1324 = arith.addi %mul3A_1291, %add3A_1323 : vector<16xi32>
          %gather3A_1325 = tpu.vector_load_idx %arg13[%add3A_1324] masked %ge3A_1274 : memref<256xf32, #tpu.memory_space<vmem>>[vector<16xi32>], vector<16xf32>, vector<16xi1>
          %broadcast_in_dim3A_1326 = arith.constant 3 : i32
          %broadcast_in_dim3A_1327 = vector.broadcast %broadcast_in_dim3A_1326 : i32 to vector<16xi32>
          %scatter3A_1328 = arith.constant 0 : i32
          %scatter3A_1329 = arith.constant 0 : i32
          %scatter3A_1330 = tpu.memref_slice %arg11[%scan3A_121, %scatter3A_1328, %scatter3A_1329] : memref<2x128x73xf32, #tpu.memory_space<vmem>> -> memref<1x128x73xf32, #tpu.memory_space<vmem>>
          %scatter3A_1331 = tpu.memref_squeeze %scatter3A_1330 : memref<1x128x73xf32, #tpu.memory_space<vmem>> -> memref<128x73xf32, #tpu.memory_space<vmem>>
          tpu.vector_store_idx %scatter3A_1331[%add3A_221, %broadcast_in_dim3A_1327], %gather3A_1325 masked %ge3A_1274 {add = true} : memref<128x73xf32, #tpu.memory_space<vmem>>[vector<16xi32>, vector<16xi32>], vector<16xf32>, vector<16xi1>
          %add3A_1332 = arith.constant 4 : i32
          %add3A_1333 = vector.broadcast %add3A_1332 : i32 to vector<16xi32>
          %add3A_1334 = arith.addi %mul3A_1291, %add3A_1333 : vector<16xi32>
          %gather3A_1335 = tpu.vector_load_idx %arg13[%add3A_1334] masked %ge3A_1274 : memref<256xf32, #tpu.memory_space<vmem>>[vector<16xi32>], vector<16xf32>, vector<16xi1>
          %broadcast_in_dim3A_1336 = arith.constant 4 : i32
          %broadcast_in_dim3A_1337 = vector.broadcast %broadcast_in_dim3A_1336 : i32 to vector<16xi32>
          %scatter3A_1338 = arith.constant 0 : i32
          %scatter3A_1339 = arith.constant 0 : i32
          %scatter3A_1340 = tpu.memref_slice %arg11[%scan3A_121, %scatter3A_1338, %scatter3A_1339] : memref<2x128x73xf32, #tpu.memory_space<vmem>> -> memref<1x128x73xf32, #tpu.memory_space<vmem>>
          %scatter3A_1341 = tpu.memref_squeeze %scatter3A_1340 : memref<1x128x73xf32, #tpu.memory_space<vmem>> -> memref<128x73xf32, #tpu.memory_space<vmem>>
          tpu.vector_store_idx %scatter3A_1341[%add3A_221, %broadcast_in_dim3A_1337], %gather3A_1335 masked %ge3A_1274 {add = true} : memref<128x73xf32, #tpu.memory_space<vmem>>[vector<16xi32>, vector<16xi32>], vector<16xf32>, vector<16xi1>
          %add3A_1342 = arith.constant 5 : i32
          %add3A_1343 = vector.broadcast %add3A_1342 : i32 to vector<16xi32>
          %add3A_1344 = arith.addi %mul3A_1291, %add3A_1343 : vector<16xi32>
          %gather3A_1345 = tpu.vector_load_idx %arg13[%add3A_1344] masked %ge3A_1274 : memref<256xf32, #tpu.memory_space<vmem>>[vector<16xi32>], vector<16xf32>, vector<16xi1>
          %broadcast_in_dim3A_1346 = arith.constant 5 : i32
          %broadcast_in_dim3A_1347 = vector.broadcast %broadcast_in_dim3A_1346 : i32 to vector<16xi32>
          %scatter3A_1348 = arith.constant 0 : i32
          %scatter3A_1349 = arith.constant 0 : i32
          %scatter3A_1350 = tpu.memref_slice %arg11[%scan3A_121, %scatter3A_1348, %scatter3A_1349] : memref<2x128x73xf32, #tpu.memory_space<vmem>> -> memref<1x128x73xf32, #tpu.memory_space<vmem>>
          %scatter3A_1351 = tpu.memref_squeeze %scatter3A_1350 : memref<1x128x73xf32, #tpu.memory_space<vmem>> -> memref<128x73xf32, #tpu.memory_space<vmem>>
          tpu.vector_store_idx %scatter3A_1351[%add3A_221, %broadcast_in_dim3A_1347], %gather3A_1345 masked %ge3A_1274 {add = true} : memref<128x73xf32, #tpu.memory_space<vmem>>[vector<16xi32>, vector<16xi32>], vector<16xf32>, vector<16xi1>
          %add3A_1352 = arith.constant 6 : i32
          %add3A_1353 = vector.broadcast %add3A_1352 : i32 to vector<16xi32>
          %add3A_1354 = arith.addi %mul3A_1291, %add3A_1353 : vector<16xi32>
          %gather3A_1355 = tpu.vector_load_idx %arg13[%add3A_1354] masked %ge3A_1274 : memref<256xf32, #tpu.memory_space<vmem>>[vector<16xi32>], vector<16xf32>, vector<16xi1>
          %broadcast_in_dim3A_1356 = arith.constant 6 : i32
          %broadcast_in_dim3A_1357 = vector.broadcast %broadcast_in_dim3A_1356 : i32 to vector<16xi32>
          %scatter3A_1358 = arith.constant 0 : i32
          %scatter3A_1359 = arith.constant 0 : i32
          %scatter3A_1360 = tpu.memref_slice %arg11[%scan3A_121, %scatter3A_1358, %scatter3A_1359] : memref<2x128x73xf32, #tpu.memory_space<vmem>> -> memref<1x128x73xf32, #tpu.memory_space<vmem>>
          %scatter3A_1361 = tpu.memref_squeeze %scatter3A_1360 : memref<1x128x73xf32, #tpu.memory_space<vmem>> -> memref<128x73xf32, #tpu.memory_space<vmem>>
          tpu.vector_store_idx %scatter3A_1361[%add3A_221, %broadcast_in_dim3A_1357], %gather3A_1355 masked %ge3A_1274 {add = true} : memref<128x73xf32, #tpu.memory_space<vmem>>[vector<16xi32>, vector<16xi32>], vector<16xf32>, vector<16xi1>
          %add3A_1362 = arith.constant 7 : i32
          %add3A_1363 = vector.broadcast %add3A_1362 : i32 to vector<16xi32>
          %add3A_1364 = arith.addi %mul3A_1291, %add3A_1363 : vector<16xi32>
          %gather3A_1365 = tpu.vector_load_idx %arg13[%add3A_1364] masked %ge3A_1274 : memref<256xf32, #tpu.memory_space<vmem>>[vector<16xi32>], vector<16xf32>, vector<16xi1>
          %broadcast_in_dim3A_1366 = arith.constant 7 : i32
          %broadcast_in_dim3A_1367 = vector.broadcast %broadcast_in_dim3A_1366 : i32 to vector<16xi32>
          %scatter3A_1368 = arith.constant 0 : i32
          %scatter3A_1369 = arith.constant 0 : i32
          %scatter3A_1370 = tpu.memref_slice %arg11[%scan3A_121, %scatter3A_1368, %scatter3A_1369] : memref<2x128x73xf32, #tpu.memory_space<vmem>> -> memref<1x128x73xf32, #tpu.memory_space<vmem>>
          %scatter3A_1371 = tpu.memref_squeeze %scatter3A_1370 : memref<1x128x73xf32, #tpu.memory_space<vmem>> -> memref<128x73xf32, #tpu.memory_space<vmem>>
          tpu.vector_store_idx %scatter3A_1371[%add3A_221, %broadcast_in_dim3A_1367], %gather3A_1365 masked %ge3A_1274 {add = true} : memref<128x73xf32, #tpu.memory_space<vmem>>[vector<16xi32>, vector<16xi32>], vector<16xf32>, vector<16xi1>
          %add3A_1372 = arith.constant 8 : i32
          %add3A_1373 = vector.broadcast %add3A_1372 : i32 to vector<16xi32>
          %add3A_1374 = arith.addi %mul3A_1291, %add3A_1373 : vector<16xi32>
          %gather3A_1375 = tpu.vector_load_idx %arg13[%add3A_1374] masked %ge3A_1274 : memref<256xf32, #tpu.memory_space<vmem>>[vector<16xi32>], vector<16xf32>, vector<16xi1>
          %broadcast_in_dim3A_1376 = arith.constant 8 : i32
          %broadcast_in_dim3A_1377 = vector.broadcast %broadcast_in_dim3A_1376 : i32 to vector<16xi32>
          %scatter3A_1378 = arith.constant 0 : i32
          %scatter3A_1379 = arith.constant 0 : i32
          %scatter3A_1380 = tpu.memref_slice %arg11[%scan3A_121, %scatter3A_1378, %scatter3A_1379] : memref<2x128x73xf32, #tpu.memory_space<vmem>> -> memref<1x128x73xf32, #tpu.memory_space<vmem>>
          %scatter3A_1381 = tpu.memref_squeeze %scatter3A_1380 : memref<1x128x73xf32, #tpu.memory_space<vmem>> -> memref<128x73xf32, #tpu.memory_space<vmem>>
          tpu.vector_store_idx %scatter3A_1381[%add3A_221, %broadcast_in_dim3A_1377], %gather3A_1375 masked %ge3A_1274 {add = true} : memref<128x73xf32, #tpu.memory_space<vmem>>[vector<16xi32>, vector<16xi32>], vector<16xf32>, vector<16xi1>
          %add3A_1382 = arith.constant 9 : i32
          %add3A_1383 = vector.broadcast %add3A_1382 : i32 to vector<16xi32>
          %add3A_1384 = arith.addi %mul3A_1291, %add3A_1383 : vector<16xi32>
          %gather3A_1385 = tpu.vector_load_idx %arg13[%add3A_1384] masked %ge3A_1274 : memref<256xf32, #tpu.memory_space<vmem>>[vector<16xi32>], vector<16xf32>, vector<16xi1>
          %broadcast_in_dim3A_1386 = arith.constant 9 : i32
          %broadcast_in_dim3A_1387 = vector.broadcast %broadcast_in_dim3A_1386 : i32 to vector<16xi32>
          %scatter3A_1388 = arith.constant 0 : i32
          %scatter3A_1389 = arith.constant 0 : i32
          %scatter3A_1390 = tpu.memref_slice %arg11[%scan3A_121, %scatter3A_1388, %scatter3A_1389] : memref<2x128x73xf32, #tpu.memory_space<vmem>> -> memref<1x128x73xf32, #tpu.memory_space<vmem>>
          %scatter3A_1391 = tpu.memref_squeeze %scatter3A_1390 : memref<1x128x73xf32, #tpu.memory_space<vmem>> -> memref<128x73xf32, #tpu.memory_space<vmem>>
          tpu.vector_store_idx %scatter3A_1391[%add3A_221, %broadcast_in_dim3A_1387], %gather3A_1385 masked %ge3A_1274 {add = true} : memref<128x73xf32, #tpu.memory_space<vmem>>[vector<16xi32>, vector<16xi32>], vector<16xf32>, vector<16xi1>
          %add3A_1392 = arith.constant 10 : i32
          %add3A_1393 = vector.broadcast %add3A_1392 : i32 to vector<16xi32>
          %add3A_1394 = arith.addi %mul3A_1291, %add3A_1393 : vector<16xi32>
          %gather3A_1395 = tpu.vector_load_idx %arg13[%add3A_1394] masked %ge3A_1274 : memref<256xf32, #tpu.memory_space<vmem>>[vector<16xi32>], vector<16xf32>, vector<16xi1>
          %broadcast_in_dim3A_1396 = arith.constant 10 : i32
          %broadcast_in_dim3A_1397 = vector.broadcast %broadcast_in_dim3A_1396 : i32 to vector<16xi32>
          %scatter3A_1398 = arith.constant 0 : i32
          %scatter3A_1399 = arith.constant 0 : i32
          %scatter3A_1400 = tpu.memref_slice %arg11[%scan3A_121, %scatter3A_1398, %scatter3A_1399] : memref<2x128x73xf32, #tpu.memory_space<vmem>> -> memref<1x128x73xf32, #tpu.memory_space<vmem>>
          %scatter3A_1401 = tpu.memref_squeeze %scatter3A_1400 : memref<1x128x73xf32, #tpu.memory_space<vmem>> -> memref<128x73xf32, #tpu.memory_space<vmem>>
          tpu.vector_store_idx %scatter3A_1401[%add3A_221, %broadcast_in_dim3A_1397], %gather3A_1395 masked %ge3A_1274 {add = true} : memref<128x73xf32, #tpu.memory_space<vmem>>[vector<16xi32>, vector<16xi32>], vector<16xf32>, vector<16xi1>
          %add3A_1402 = arith.constant 11 : i32
          %add3A_1403 = vector.broadcast %add3A_1402 : i32 to vector<16xi32>
          %add3A_1404 = arith.addi %mul3A_1291, %add3A_1403 : vector<16xi32>
          %gather3A_1405 = tpu.vector_load_idx %arg13[%add3A_1404] masked %ge3A_1274 : memref<256xf32, #tpu.memory_space<vmem>>[vector<16xi32>], vector<16xf32>, vector<16xi1>
          %broadcast_in_dim3A_1406 = arith.constant 11 : i32
          %broadcast_in_dim3A_1407 = vector.broadcast %broadcast_in_dim3A_1406 : i32 to vector<16xi32>
          %scatter3A_1408 = arith.constant 0 : i32
          %scatter3A_1409 = arith.constant 0 : i32
          %scatter3A_1410 = tpu.memref_slice %arg11[%scan3A_121, %scatter3A_1408, %scatter3A_1409] : memref<2x128x73xf32, #tpu.memory_space<vmem>> -> memref<1x128x73xf32, #tpu.memory_space<vmem>>
          %scatter3A_1411 = tpu.memref_squeeze %scatter3A_1410 : memref<1x128x73xf32, #tpu.memory_space<vmem>> -> memref<128x73xf32, #tpu.memory_space<vmem>>
          tpu.vector_store_idx %scatter3A_1411[%add3A_221, %broadcast_in_dim3A_1407], %gather3A_1405 masked %ge3A_1274 {add = true} : memref<128x73xf32, #tpu.memory_space<vmem>>[vector<16xi32>, vector<16xi32>], vector<16xf32>, vector<16xi1>
          %add3A_1412 = arith.constant 12 : i32
          %add3A_1413 = vector.broadcast %add3A_1412 : i32 to vector<16xi32>
          %add3A_1414 = arith.addi %mul3A_1291, %add3A_1413 : vector<16xi32>
          %gather3A_1415 = tpu.vector_load_idx %arg13[%add3A_1414] masked %ge3A_1274 : memref<256xf32, #tpu.memory_space<vmem>>[vector<16xi32>], vector<16xf32>, vector<16xi1>
          %broadcast_in_dim3A_1416 = arith.constant 12 : i32
          %broadcast_in_dim3A_1417 = vector.broadcast %broadcast_in_dim3A_1416 : i32 to vector<16xi32>
          %scatter3A_1418 = arith.constant 0 : i32
          %scatter3A_1419 = arith.constant 0 : i32
          %scatter3A_1420 = tpu.memref_slice %arg11[%scan3A_121, %scatter3A_1418, %scatter3A_1419] : memref<2x128x73xf32, #tpu.memory_space<vmem>> -> memref<1x128x73xf32, #tpu.memory_space<vmem>>
          %scatter3A_1421 = tpu.memref_squeeze %scatter3A_1420 : memref<1x128x73xf32, #tpu.memory_space<vmem>> -> memref<128x73xf32, #tpu.memory_space<vmem>>
          tpu.vector_store_idx %scatter3A_1421[%add3A_221, %broadcast_in_dim3A_1417], %gather3A_1415 masked %ge3A_1274 {add = true} : memref<128x73xf32, #tpu.memory_space<vmem>>[vector<16xi32>, vector<16xi32>], vector<16xf32>, vector<16xi1>
          %add3A_1422 = arith.constant 13 : i32
          %add3A_1423 = vector.broadcast %add3A_1422 : i32 to vector<16xi32>
          %add3A_1424 = arith.addi %mul3A_1291, %add3A_1423 : vector<16xi32>
          %gather3A_1425 = tpu.vector_load_idx %arg13[%add3A_1424] masked %ge3A_1274 : memref<256xf32, #tpu.memory_space<vmem>>[vector<16xi32>], vector<16xf32>, vector<16xi1>
          %broadcast_in_dim3A_1426 = arith.constant 13 : i32
          %broadcast_in_dim3A_1427 = vector.broadcast %broadcast_in_dim3A_1426 : i32 to vector<16xi32>
          %scatter3A_1428 = arith.constant 0 : i32
          %scatter3A_1429 = arith.constant 0 : i32
          %scatter3A_1430 = tpu.memref_slice %arg11[%scan3A_121, %scatter3A_1428, %scatter3A_1429] : memref<2x128x73xf32, #tpu.memory_space<vmem>> -> memref<1x128x73xf32, #tpu.memory_space<vmem>>
          %scatter3A_1431 = tpu.memref_squeeze %scatter3A_1430 : memref<1x128x73xf32, #tpu.memory_space<vmem>> -> memref<128x73xf32, #tpu.memory_space<vmem>>
          tpu.vector_store_idx %scatter3A_1431[%add3A_221, %broadcast_in_dim3A_1427], %gather3A_1425 masked %ge3A_1274 {add = true} : memref<128x73xf32, #tpu.memory_space<vmem>>[vector<16xi32>, vector<16xi32>], vector<16xf32>, vector<16xi1>
          %add3A_1432 = arith.constant 14 : i32
          %add3A_1433 = vector.broadcast %add3A_1432 : i32 to vector<16xi32>
          %add3A_1434 = arith.addi %mul3A_1291, %add3A_1433 : vector<16xi32>
          %gather3A_1435 = tpu.vector_load_idx %arg13[%add3A_1434] masked %ge3A_1274 : memref<256xf32, #tpu.memory_space<vmem>>[vector<16xi32>], vector<16xf32>, vector<16xi1>
          %broadcast_in_dim3A_1436 = arith.constant 14 : i32
          %broadcast_in_dim3A_1437 = vector.broadcast %broadcast_in_dim3A_1436 : i32 to vector<16xi32>
          %scatter3A_1438 = arith.constant 0 : i32
          %scatter3A_1439 = arith.constant 0 : i32
          %scatter3A_1440 = tpu.memref_slice %arg11[%scan3A_121, %scatter3A_1438, %scatter3A_1439] : memref<2x128x73xf32, #tpu.memory_space<vmem>> -> memref<1x128x73xf32, #tpu.memory_space<vmem>>
          %scatter3A_1441 = tpu.memref_squeeze %scatter3A_1440 : memref<1x128x73xf32, #tpu.memory_space<vmem>> -> memref<128x73xf32, #tpu.memory_space<vmem>>
          tpu.vector_store_idx %scatter3A_1441[%add3A_221, %broadcast_in_dim3A_1437], %gather3A_1435 masked %ge3A_1274 {add = true} : memref<128x73xf32, #tpu.memory_space<vmem>>[vector<16xi32>, vector<16xi32>], vector<16xf32>, vector<16xi1>
          %add3A_1442 = arith.constant 15 : i32
          %add3A_1443 = vector.broadcast %add3A_1442 : i32 to vector<16xi32>
          %add3A_1444 = arith.addi %mul3A_1291, %add3A_1443 : vector<16xi32>
          %gather3A_1445 = tpu.vector_load_idx %arg13[%add3A_1444] masked %ge3A_1274 : memref<256xf32, #tpu.memory_space<vmem>>[vector<16xi32>], vector<16xf32>, vector<16xi1>
          %broadcast_in_dim3A_1446 = arith.constant 15 : i32
          %broadcast_in_dim3A_1447 = vector.broadcast %broadcast_in_dim3A_1446 : i32 to vector<16xi32>
          %scatter3A_1448 = arith.constant 0 : i32
          %scatter3A_1449 = arith.constant 0 : i32
          %scatter3A_1450 = tpu.memref_slice %arg11[%scan3A_121, %scatter3A_1448, %scatter3A_1449] : memref<2x128x73xf32, #tpu.memory_space<vmem>> -> memref<1x128x73xf32, #tpu.memory_space<vmem>>
          %scatter3A_1451 = tpu.memref_squeeze %scatter3A_1450 : memref<1x128x73xf32, #tpu.memory_space<vmem>> -> memref<128x73xf32, #tpu.memory_space<vmem>>
          tpu.vector_store_idx %scatter3A_1451[%add3A_221, %broadcast_in_dim3A_1447], %gather3A_1445 masked %ge3A_1274 {add = true} : memref<128x73xf32, #tpu.memory_space<vmem>>[vector<16xi32>, vector<16xi32>], vector<16xf32>, vector<16xi1>
          %add3A_1452 = arith.constant 16 : i32
          %add3A_1453 = vector.broadcast %add3A_1452 : i32 to vector<16xi32>
          %add3A_1454 = arith.addi %mul3A_1291, %add3A_1453 : vector<16xi32>
          %gather3A_1455 = tpu.vector_load_idx %arg13[%add3A_1454] masked %ge3A_1274 : memref<256xf32, #tpu.memory_space<vmem>>[vector<16xi32>], vector<16xf32>, vector<16xi1>
          %broadcast_in_dim3A_1456 = arith.constant 16 : i32
          %broadcast_in_dim3A_1457 = vector.broadcast %broadcast_in_dim3A_1456 : i32 to vector<16xi32>
          %scatter3A_1458 = arith.constant 0 : i32
          %scatter3A_1459 = arith.constant 0 : i32
          %scatter3A_1460 = tpu.memref_slice %arg11[%scan3A_121, %scatter3A_1458, %scatter3A_1459] : memref<2x128x73xf32, #tpu.memory_space<vmem>> -> memref<1x128x73xf32, #tpu.memory_space<vmem>>
          %scatter3A_1461 = tpu.memref_squeeze %scatter3A_1460 : memref<1x128x73xf32, #tpu.memory_space<vmem>> -> memref<128x73xf32, #tpu.memory_space<vmem>>
          tpu.vector_store_idx %scatter3A_1461[%add3A_221, %broadcast_in_dim3A_1457], %gather3A_1455 masked %ge3A_1274 {add = true} : memref<128x73xf32, #tpu.memory_space<vmem>>[vector<16xi32>, vector<16xi32>], vector<16xf32>, vector<16xi1>
          %add3A_1462 = arith.constant 17 : i32
          %add3A_1463 = vector.broadcast %add3A_1462 : i32 to vector<16xi32>
          %add3A_1464 = arith.addi %mul3A_1291, %add3A_1463 : vector<16xi32>
          %gather3A_1465 = tpu.vector_load_idx %arg13[%add3A_1464] masked %ge3A_1274 : memref<256xf32, #tpu.memory_space<vmem>>[vector<16xi32>], vector<16xf32>, vector<16xi1>
          %broadcast_in_dim3A_1466 = arith.constant 17 : i32
          %broadcast_in_dim3A_1467 = vector.broadcast %broadcast_in_dim3A_1466 : i32 to vector<16xi32>
          %scatter3A_1468 = arith.constant 0 : i32
          %scatter3A_1469 = arith.constant 0 : i32
          %scatter3A_1470 = tpu.memref_slice %arg11[%scan3A_121, %scatter3A_1468, %scatter3A_1469] : memref<2x128x73xf32, #tpu.memory_space<vmem>> -> memref<1x128x73xf32, #tpu.memory_space<vmem>>
          %scatter3A_1471 = tpu.memref_squeeze %scatter3A_1470 : memref<1x128x73xf32, #tpu.memory_space<vmem>> -> memref<128x73xf32, #tpu.memory_space<vmem>>
          tpu.vector_store_idx %scatter3A_1471[%add3A_221, %broadcast_in_dim3A_1467], %gather3A_1465 masked %ge3A_1274 {add = true} : memref<128x73xf32, #tpu.memory_space<vmem>>[vector<16xi32>, vector<16xi32>], vector<16xf32>, vector<16xi1>
          %add3A_1472 = arith.constant 18 : i32
          %add3A_1473 = vector.broadcast %add3A_1472 : i32 to vector<16xi32>
          %add3A_1474 = arith.addi %mul3A_1291, %add3A_1473 : vector<16xi32>
          %gather3A_1475 = tpu.vector_load_idx %arg13[%add3A_1474] masked %ge3A_1274 : memref<256xf32, #tpu.memory_space<vmem>>[vector<16xi32>], vector<16xf32>, vector<16xi1>
          %broadcast_in_dim3A_1476 = arith.constant 18 : i32
          %broadcast_in_dim3A_1477 = vector.broadcast %broadcast_in_dim3A_1476 : i32 to vector<16xi32>
          %scatter3A_1478 = arith.constant 0 : i32
          %scatter3A_1479 = arith.constant 0 : i32
          %scatter3A_1480 = tpu.memref_slice %arg11[%scan3A_121, %scatter3A_1478, %scatter3A_1479] : memref<2x128x73xf32, #tpu.memory_space<vmem>> -> memref<1x128x73xf32, #tpu.memory_space<vmem>>
          %scatter3A_1481 = tpu.memref_squeeze %scatter3A_1480 : memref<1x128x73xf32, #tpu.memory_space<vmem>> -> memref<128x73xf32, #tpu.memory_space<vmem>>
          tpu.vector_store_idx %scatter3A_1481[%add3A_221, %broadcast_in_dim3A_1477], %gather3A_1475 masked %ge3A_1274 {add = true} : memref<128x73xf32, #tpu.memory_space<vmem>>[vector<16xi32>, vector<16xi32>], vector<16xf32>, vector<16xi1>
          %add3A_1482 = arith.constant 19 : i32
          %add3A_1483 = vector.broadcast %add3A_1482 : i32 to vector<16xi32>
          %add3A_1484 = arith.addi %mul3A_1291, %add3A_1483 : vector<16xi32>
          %gather3A_1485 = tpu.vector_load_idx %arg13[%add3A_1484] masked %ge3A_1274 : memref<256xf32, #tpu.memory_space<vmem>>[vector<16xi32>], vector<16xf32>, vector<16xi1>
          %broadcast_in_dim3A_1486 = arith.constant 19 : i32
          %broadcast_in_dim3A_1487 = vector.broadcast %broadcast_in_dim3A_1486 : i32 to vector<16xi32>
          %scatter3A_1488 = arith.constant 0 : i32
          %scatter3A_1489 = arith.constant 0 : i32
          %scatter3A_1490 = tpu.memref_slice %arg11[%scan3A_121, %scatter3A_1488, %scatter3A_1489] : memref<2x128x73xf32, #tpu.memory_space<vmem>> -> memref<1x128x73xf32, #tpu.memory_space<vmem>>
          %scatter3A_1491 = tpu.memref_squeeze %scatter3A_1490 : memref<1x128x73xf32, #tpu.memory_space<vmem>> -> memref<128x73xf32, #tpu.memory_space<vmem>>
          tpu.vector_store_idx %scatter3A_1491[%add3A_221, %broadcast_in_dim3A_1487], %gather3A_1485 masked %ge3A_1274 {add = true} : memref<128x73xf32, #tpu.memory_space<vmem>>[vector<16xi32>, vector<16xi32>], vector<16xf32>, vector<16xi1>
          %add3A_1492 = arith.constant 20 : i32
          %add3A_1493 = vector.broadcast %add3A_1492 : i32 to vector<16xi32>
          %add3A_1494 = arith.addi %mul3A_1291, %add3A_1493 : vector<16xi32>
          %gather3A_1495 = tpu.vector_load_idx %arg13[%add3A_1494] masked %ge3A_1274 : memref<256xf32, #tpu.memory_space<vmem>>[vector<16xi32>], vector<16xf32>, vector<16xi1>
          %broadcast_in_dim3A_1496 = arith.constant 20 : i32
          %broadcast_in_dim3A_1497 = vector.broadcast %broadcast_in_dim3A_1496 : i32 to vector<16xi32>
          %scatter3A_1498 = arith.constant 0 : i32
          %scatter3A_1499 = arith.constant 0 : i32
          %scatter3A_1500 = tpu.memref_slice %arg11[%scan3A_121, %scatter3A_1498, %scatter3A_1499] : memref<2x128x73xf32, #tpu.memory_space<vmem>> -> memref<1x128x73xf32, #tpu.memory_space<vmem>>
          %scatter3A_1501 = tpu.memref_squeeze %scatter3A_1500 : memref<1x128x73xf32, #tpu.memory_space<vmem>> -> memref<128x73xf32, #tpu.memory_space<vmem>>
          tpu.vector_store_idx %scatter3A_1501[%add3A_221, %broadcast_in_dim3A_1497], %gather3A_1495 masked %ge3A_1274 {add = true} : memref<128x73xf32, #tpu.memory_space<vmem>>[vector<16xi32>, vector<16xi32>], vector<16xf32>, vector<16xi1>
          %add3A_1502 = arith.constant 21 : i32
          %add3A_1503 = vector.broadcast %add3A_1502 : i32 to vector<16xi32>
          %add3A_1504 = arith.addi %mul3A_1291, %add3A_1503 : vector<16xi32>
          %gather3A_1505 = tpu.vector_load_idx %arg13[%add3A_1504] masked %ge3A_1274 : memref<256xf32, #tpu.memory_space<vmem>>[vector<16xi32>], vector<16xf32>, vector<16xi1>
          %broadcast_in_dim3A_1506 = arith.constant 21 : i32
          %broadcast_in_dim3A_1507 = vector.broadcast %broadcast_in_dim3A_1506 : i32 to vector<16xi32>
          %scatter3A_1508 = arith.constant 0 : i32
          %scatter3A_1509 = arith.constant 0 : i32
          %scatter3A_1510 = tpu.memref_slice %arg11[%scan3A_121, %scatter3A_1508, %scatter3A_1509] : memref<2x128x73xf32, #tpu.memory_space<vmem>> -> memref<1x128x73xf32, #tpu.memory_space<vmem>>
          %scatter3A_1511 = tpu.memref_squeeze %scatter3A_1510 : memref<1x128x73xf32, #tpu.memory_space<vmem>> -> memref<128x73xf32, #tpu.memory_space<vmem>>
          tpu.vector_store_idx %scatter3A_1511[%add3A_221, %broadcast_in_dim3A_1507], %gather3A_1505 masked %ge3A_1274 {add = true} : memref<128x73xf32, #tpu.memory_space<vmem>>[vector<16xi32>, vector<16xi32>], vector<16xf32>, vector<16xi1>
          %add3A_1512 = arith.constant 22 : i32
          %add3A_1513 = vector.broadcast %add3A_1512 : i32 to vector<16xi32>
          %add3A_1514 = arith.addi %mul3A_1291, %add3A_1513 : vector<16xi32>
          %gather3A_1515 = tpu.vector_load_idx %arg13[%add3A_1514] masked %ge3A_1274 : memref<256xf32, #tpu.memory_space<vmem>>[vector<16xi32>], vector<16xf32>, vector<16xi1>
          %broadcast_in_dim3A_1516 = arith.constant 22 : i32
          %broadcast_in_dim3A_1517 = vector.broadcast %broadcast_in_dim3A_1516 : i32 to vector<16xi32>
          %scatter3A_1518 = arith.constant 0 : i32
          %scatter3A_1519 = arith.constant 0 : i32
          %scatter3A_1520 = tpu.memref_slice %arg11[%scan3A_121, %scatter3A_1518, %scatter3A_1519] : memref<2x128x73xf32, #tpu.memory_space<vmem>> -> memref<1x128x73xf32, #tpu.memory_space<vmem>>
          %scatter3A_1521 = tpu.memref_squeeze %scatter3A_1520 : memref<1x128x73xf32, #tpu.memory_space<vmem>> -> memref<128x73xf32, #tpu.memory_space<vmem>>
          tpu.vector_store_idx %scatter3A_1521[%add3A_221, %broadcast_in_dim3A_1517], %gather3A_1515 masked %ge3A_1274 {add = true} : memref<128x73xf32, #tpu.memory_space<vmem>>[vector<16xi32>, vector<16xi32>], vector<16xf32>, vector<16xi1>
          %add3A_1522 = arith.constant 23 : i32
          %add3A_1523 = vector.broadcast %add3A_1522 : i32 to vector<16xi32>
          %add3A_1524 = arith.addi %mul3A_1291, %add3A_1523 : vector<16xi32>
          %gather3A_1525 = tpu.vector_load_idx %arg13[%add3A_1524] masked %ge3A_1274 : memref<256xf32, #tpu.memory_space<vmem>>[vector<16xi32>], vector<16xf32>, vector<16xi1>
          %broadcast_in_dim3A_1526 = arith.constant 23 : i32
          %broadcast_in_dim3A_1527 = vector.broadcast %broadcast_in_dim3A_1526 : i32 to vector<16xi32>
          %scatter3A_1528 = arith.constant 0 : i32
          %scatter3A_1529 = arith.constant 0 : i32
          %scatter3A_1530 = tpu.memref_slice %arg11[%scan3A_121, %scatter3A_1528, %scatter3A_1529] : memref<2x128x73xf32, #tpu.memory_space<vmem>> -> memref<1x128x73xf32, #tpu.memory_space<vmem>>
          %scatter3A_1531 = tpu.memref_squeeze %scatter3A_1530 : memref<1x128x73xf32, #tpu.memory_space<vmem>> -> memref<128x73xf32, #tpu.memory_space<vmem>>
          tpu.vector_store_idx %scatter3A_1531[%add3A_221, %broadcast_in_dim3A_1527], %gather3A_1525 masked %ge3A_1274 {add = true} : memref<128x73xf32, #tpu.memory_space<vmem>>[vector<16xi32>, vector<16xi32>], vector<16xf32>, vector<16xi1>
          %add3A_1532 = arith.constant 24 : i32
          %add3A_1533 = vector.broadcast %add3A_1532 : i32 to vector<16xi32>
          %add3A_1534 = arith.addi %mul3A_1291, %add3A_1533 : vector<16xi32>
          %gather3A_1535 = tpu.vector_load_idx %arg13[%add3A_1534] masked %ge3A_1274 : memref<256xf32, #tpu.memory_space<vmem>>[vector<16xi32>], vector<16xf32>, vector<16xi1>
          %broadcast_in_dim3A_1536 = arith.constant 24 : i32
          %broadcast_in_dim3A_1537 = vector.broadcast %broadcast_in_dim3A_1536 : i32 to vector<16xi32>
          %scatter3A_1538 = arith.constant 0 : i32
          %scatter3A_1539 = arith.constant 0 : i32
          %scatter3A_1540 = tpu.memref_slice %arg11[%scan3A_121, %scatter3A_1538, %scatter3A_1539] : memref<2x128x73xf32, #tpu.memory_space<vmem>> -> memref<1x128x73xf32, #tpu.memory_space<vmem>>
          %scatter3A_1541 = tpu.memref_squeeze %scatter3A_1540 : memref<1x128x73xf32, #tpu.memory_space<vmem>> -> memref<128x73xf32, #tpu.memory_space<vmem>>
          tpu.vector_store_idx %scatter3A_1541[%add3A_221, %broadcast_in_dim3A_1537], %gather3A_1535 masked %ge3A_1274 {add = true} : memref<128x73xf32, #tpu.memory_space<vmem>>[vector<16xi32>, vector<16xi32>], vector<16xf32>, vector<16xi1>
          %add3A_1542 = arith.constant 25 : i32
          %add3A_1543 = vector.broadcast %add3A_1542 : i32 to vector<16xi32>
          %add3A_1544 = arith.addi %mul3A_1291, %add3A_1543 : vector<16xi32>
          %gather3A_1545 = tpu.vector_load_idx %arg13[%add3A_1544] masked %ge3A_1274 : memref<256xf32, #tpu.memory_space<vmem>>[vector<16xi32>], vector<16xf32>, vector<16xi1>
          %broadcast_in_dim3A_1546 = arith.constant 25 : i32
          %broadcast_in_dim3A_1547 = vector.broadcast %broadcast_in_dim3A_1546 : i32 to vector<16xi32>
          %scatter3A_1548 = arith.constant 0 : i32
          %scatter3A_1549 = arith.constant 0 : i32
          %scatter3A_1550 = tpu.memref_slice %arg11[%scan3A_121, %scatter3A_1548, %scatter3A_1549] : memref<2x128x73xf32, #tpu.memory_space<vmem>> -> memref<1x128x73xf32, #tpu.memory_space<vmem>>
          %scatter3A_1551 = tpu.memref_squeeze %scatter3A_1550 : memref<1x128x73xf32, #tpu.memory_space<vmem>> -> memref<128x73xf32, #tpu.memory_space<vmem>>
          tpu.vector_store_idx %scatter3A_1551[%add3A_221, %broadcast_in_dim3A_1547], %gather3A_1545 masked %ge3A_1274 {add = true} : memref<128x73xf32, #tpu.memory_space<vmem>>[vector<16xi32>, vector<16xi32>], vector<16xf32>, vector<16xi1>
          %add3A_1552 = arith.constant 26 : i32
          %add3A_1553 = vector.broadcast %add3A_1552 : i32 to vector<16xi32>
          %add3A_1554 = arith.addi %mul3A_1291, %add3A_1553 : vector<16xi32>
          %gather3A_1555 = tpu.vector_load_idx %arg13[%add3A_1554] masked %ge3A_1274 : memref<256xf32, #tpu.memory_space<vmem>>[vector<16xi32>], vector<16xf32>, vector<16xi1>
          %broadcast_in_dim3A_1556 = arith.constant 26 : i32
          %broadcast_in_dim3A_1557 = vector.broadcast %broadcast_in_dim3A_1556 : i32 to vector<16xi32>
          %scatter3A_1558 = arith.constant 0 : i32
          %scatter3A_1559 = arith.constant 0 : i32
          %scatter3A_1560 = tpu.memref_slice %arg11[%scan3A_121, %scatter3A_1558, %scatter3A_1559] : memref<2x128x73xf32, #tpu.memory_space<vmem>> -> memref<1x128x73xf32, #tpu.memory_space<vmem>>
          %scatter3A_1561 = tpu.memref_squeeze %scatter3A_1560 : memref<1x128x73xf32, #tpu.memory_space<vmem>> -> memref<128x73xf32, #tpu.memory_space<vmem>>
          tpu.vector_store_idx %scatter3A_1561[%add3A_221, %broadcast_in_dim3A_1557], %gather3A_1555 masked %ge3A_1274 {add = true} : memref<128x73xf32, #tpu.memory_space<vmem>>[vector<16xi32>, vector<16xi32>], vector<16xf32>, vector<16xi1>
          %add3A_1562 = arith.constant 27 : i32
          %add3A_1563 = vector.broadcast %add3A_1562 : i32 to vector<16xi32>
          %add3A_1564 = arith.addi %mul3A_1291, %add3A_1563 : vector<16xi32>
          %gather3A_1565 = tpu.vector_load_idx %arg13[%add3A_1564] masked %ge3A_1274 : memref<256xf32, #tpu.memory_space<vmem>>[vector<16xi32>], vector<16xf32>, vector<16xi1>
          %broadcast_in_dim3A_1566 = arith.constant 27 : i32
          %broadcast_in_dim3A_1567 = vector.broadcast %broadcast_in_dim3A_1566 : i32 to vector<16xi32>
          %scatter3A_1568 = arith.constant 0 : i32
          %scatter3A_1569 = arith.constant 0 : i32
          %scatter3A_1570 = tpu.memref_slice %arg11[%scan3A_121, %scatter3A_1568, %scatter3A_1569] : memref<2x128x73xf32, #tpu.memory_space<vmem>> -> memref<1x128x73xf32, #tpu.memory_space<vmem>>
          %scatter3A_1571 = tpu.memref_squeeze %scatter3A_1570 : memref<1x128x73xf32, #tpu.memory_space<vmem>> -> memref<128x73xf32, #tpu.memory_space<vmem>>
          tpu.vector_store_idx %scatter3A_1571[%add3A_221, %broadcast_in_dim3A_1567], %gather3A_1565 masked %ge3A_1274 {add = true} : memref<128x73xf32, #tpu.memory_space<vmem>>[vector<16xi32>, vector<16xi32>], vector<16xf32>, vector<16xi1>
          %add3A_1572 = arith.constant 28 : i32
          %add3A_1573 = vector.broadcast %add3A_1572 : i32 to vector<16xi32>
          %add3A_1574 = arith.addi %mul3A_1291, %add3A_1573 : vector<16xi32>
          %gather3A_1575 = tpu.vector_load_idx %arg13[%add3A_1574] masked %ge3A_1274 : memref<256xf32, #tpu.memory_space<vmem>>[vector<16xi32>], vector<16xf32>, vector<16xi1>
          %broadcast_in_dim3A_1576 = arith.constant 28 : i32
          %broadcast_in_dim3A_1577 = vector.broadcast %broadcast_in_dim3A_1576 : i32 to vector<16xi32>
          %scatter3A_1578 = arith.constant 0 : i32
          %scatter3A_1579 = arith.constant 0 : i32
          %scatter3A_1580 = tpu.memref_slice %arg11[%scan3A_121, %scatter3A_1578, %scatter3A_1579] : memref<2x128x73xf32, #tpu.memory_space<vmem>> -> memref<1x128x73xf32, #tpu.memory_space<vmem>>
          %scatter3A_1581 = tpu.memref_squeeze %scatter3A_1580 : memref<1x128x73xf32, #tpu.memory_space<vmem>> -> memref<128x73xf32, #tpu.memory_space<vmem>>
          tpu.vector_store_idx %scatter3A_1581[%add3A_221, %broadcast_in_dim3A_1577], %gather3A_1575 masked %ge3A_1274 {add = true} : memref<128x73xf32, #tpu.memory_space<vmem>>[vector<16xi32>, vector<16xi32>], vector<16xf32>, vector<16xi1>
          %add3A_1582 = arith.constant 29 : i32
          %add3A_1583 = vector.broadcast %add3A_1582 : i32 to vector<16xi32>
          %add3A_1584 = arith.addi %mul3A_1291, %add3A_1583 : vector<16xi32>
          %gather3A_1585 = tpu.vector_load_idx %arg13[%add3A_1584] masked %ge3A_1274 : memref<256xf32, #tpu.memory_space<vmem>>[vector<16xi32>], vector<16xf32>, vector<16xi1>
          %broadcast_in_dim3A_1586 = arith.constant 29 : i32
          %broadcast_in_dim3A_1587 = vector.broadcast %broadcast_in_dim3A_1586 : i32 to vector<16xi32>
          %scatter3A_1588 = arith.constant 0 : i32
          %scatter3A_1589 = arith.constant 0 : i32
          %scatter3A_1590 = tpu.memref_slice %arg11[%scan3A_121, %scatter3A_1588, %scatter3A_1589] : memref<2x128x73xf32, #tpu.memory_space<vmem>> -> memref<1x128x73xf32, #tpu.memory_space<vmem>>
          %scatter3A_1591 = tpu.memref_squeeze %scatter3A_1590 : memref<1x128x73xf32, #tpu.memory_space<vmem>> -> memref<128x73xf32, #tpu.memory_space<vmem>>
          tpu.vector_store_idx %scatter3A_1591[%add3A_221, %broadcast_in_dim3A_1587], %gather3A_1585 masked %ge3A_1274 {add = true} : memref<128x73xf32, #tpu.memory_space<vmem>>[vector<16xi32>, vector<16xi32>], vector<16xf32>, vector<16xi1>
          %add3A_1592 = arith.constant 30 : i32
          %add3A_1593 = vector.broadcast %add3A_1592 : i32 to vector<16xi32>
          %add3A_1594 = arith.addi %mul3A_1291, %add3A_1593 : vector<16xi32>
          %gather3A_1595 = tpu.vector_load_idx %arg13[%add3A_1594] masked %ge3A_1274 : memref<256xf32, #tpu.memory_space<vmem>>[vector<16xi32>], vector<16xf32>, vector<16xi1>
          %broadcast_in_dim3A_1596 = arith.constant 30 : i32
          %broadcast_in_dim3A_1597 = vector.broadcast %broadcast_in_dim3A_1596 : i32 to vector<16xi32>
          %scatter3A_1598 = arith.constant 0 : i32
          %scatter3A_1599 = arith.constant 0 : i32
          %scatter3A_1600 = tpu.memref_slice %arg11[%scan3A_121, %scatter3A_1598, %scatter3A_1599] : memref<2x128x73xf32, #tpu.memory_space<vmem>> -> memref<1x128x73xf32, #tpu.memory_space<vmem>>
          %scatter3A_1601 = tpu.memref_squeeze %scatter3A_1600 : memref<1x128x73xf32, #tpu.memory_space<vmem>> -> memref<128x73xf32, #tpu.memory_space<vmem>>
          tpu.vector_store_idx %scatter3A_1601[%add3A_221, %broadcast_in_dim3A_1597], %gather3A_1595 masked %ge3A_1274 {add = true} : memref<128x73xf32, #tpu.memory_space<vmem>>[vector<16xi32>, vector<16xi32>], vector<16xf32>, vector<16xi1>
          %add3A_1602 = arith.constant 31 : i32
          %add3A_1603 = vector.broadcast %add3A_1602 : i32 to vector<16xi32>
          %add3A_1604 = arith.addi %mul3A_1291, %add3A_1603 : vector<16xi32>
          %gather3A_1605 = tpu.vector_load_idx %arg13[%add3A_1604] masked %ge3A_1274 : memref<256xf32, #tpu.memory_space<vmem>>[vector<16xi32>], vector<16xf32>, vector<16xi1>
          %broadcast_in_dim3A_1606 = arith.constant 31 : i32
          %broadcast_in_dim3A_1607 = vector.broadcast %broadcast_in_dim3A_1606 : i32 to vector<16xi32>
          %scatter3A_1608 = arith.constant 0 : i32
          %scatter3A_1609 = arith.constant 0 : i32
          %scatter3A_1610 = tpu.memref_slice %arg11[%scan3A_121, %scatter3A_1608, %scatter3A_1609] : memref<2x128x73xf32, #tpu.memory_space<vmem>> -> memref<1x128x73xf32, #tpu.memory_space<vmem>>
          %scatter3A_1611 = tpu.memref_squeeze %scatter3A_1610 : memref<1x128x73xf32, #tpu.memory_space<vmem>> -> memref<128x73xf32, #tpu.memory_space<vmem>>
          tpu.vector_store_idx %scatter3A_1611[%add3A_221, %broadcast_in_dim3A_1607], %gather3A_1605 masked %ge3A_1274 {add = true} : memref<128x73xf32, #tpu.memory_space<vmem>>[vector<16xi32>, vector<16xi32>], vector<16xf32>, vector<16xi1>
          %add3A_1612 = arith.constant 32 : i32
          %add3A_1613 = vector.broadcast %add3A_1612 : i32 to vector<16xi32>
          %add3A_1614 = arith.addi %mul3A_1291, %add3A_1613 : vector<16xi32>
          %gather3A_1615 = tpu.vector_load_idx %arg13[%add3A_1614] masked %ge3A_1274 : memref<256xf32, #tpu.memory_space<vmem>>[vector<16xi32>], vector<16xf32>, vector<16xi1>
          %broadcast_in_dim3A_1616 = arith.constant 32 : i32
          %broadcast_in_dim3A_1617 = vector.broadcast %broadcast_in_dim3A_1616 : i32 to vector<16xi32>
          %scatter3A_1618 = arith.constant 0 : i32
          %scatter3A_1619 = arith.constant 0 : i32
          %scatter3A_1620 = tpu.memref_slice %arg11[%scan3A_121, %scatter3A_1618, %scatter3A_1619] : memref<2x128x73xf32, #tpu.memory_space<vmem>> -> memref<1x128x73xf32, #tpu.memory_space<vmem>>
          %scatter3A_1621 = tpu.memref_squeeze %scatter3A_1620 : memref<1x128x73xf32, #tpu.memory_space<vmem>> -> memref<128x73xf32, #tpu.memory_space<vmem>>
          tpu.vector_store_idx %scatter3A_1621[%add3A_221, %broadcast_in_dim3A_1617], %gather3A_1615 masked %ge3A_1274 {add = true} : memref<128x73xf32, #tpu.memory_space<vmem>>[vector<16xi32>, vector<16xi32>], vector<16xf32>, vector<16xi1>
          %add3A_1622 = arith.constant 33 : i32
          %add3A_1623 = vector.broadcast %add3A_1622 : i32 to vector<16xi32>
          %add3A_1624 = arith.addi %mul3A_1291, %add3A_1623 : vector<16xi32>
          %gather3A_1625 = tpu.vector_load_idx %arg13[%add3A_1624] masked %ge3A_1274 : memref<256xf32, #tpu.memory_space<vmem>>[vector<16xi32>], vector<16xf32>, vector<16xi1>
          %broadcast_in_dim3A_1626 = arith.constant 33 : i32
          %broadcast_in_dim3A_1627 = vector.broadcast %broadcast_in_dim3A_1626 : i32 to vector<16xi32>
          %scatter3A_1628 = arith.constant 0 : i32
          %scatter3A_1629 = arith.constant 0 : i32
          %scatter3A_1630 = tpu.memref_slice %arg11[%scan3A_121, %scatter3A_1628, %scatter3A_1629] : memref<2x128x73xf32, #tpu.memory_space<vmem>> -> memref<1x128x73xf32, #tpu.memory_space<vmem>>
          %scatter3A_1631 = tpu.memref_squeeze %scatter3A_1630 : memref<1x128x73xf32, #tpu.memory_space<vmem>> -> memref<128x73xf32, #tpu.memory_space<vmem>>
          tpu.vector_store_idx %scatter3A_1631[%add3A_221, %broadcast_in_dim3A_1627], %gather3A_1625 masked %ge3A_1274 {add = true} : memref<128x73xf32, #tpu.memory_space<vmem>>[vector<16xi32>, vector<16xi32>], vector<16xf32>, vector<16xi1>
          %add3A_1632 = arith.constant 34 : i32
          %add3A_1633 = vector.broadcast %add3A_1632 : i32 to vector<16xi32>
          %add3A_1634 = arith.addi %mul3A_1291, %add3A_1633 : vector<16xi32>
          %gather3A_1635 = tpu.vector_load_idx %arg13[%add3A_1634] masked %ge3A_1274 : memref<256xf32, #tpu.memory_space<vmem>>[vector<16xi32>], vector<16xf32>, vector<16xi1>
          %broadcast_in_dim3A_1636 = arith.constant 34 : i32
          %broadcast_in_dim3A_1637 = vector.broadcast %broadcast_in_dim3A_1636 : i32 to vector<16xi32>
          %scatter3A_1638 = arith.constant 0 : i32
          %scatter3A_1639 = arith.constant 0 : i32
          %scatter3A_1640 = tpu.memref_slice %arg11[%scan3A_121, %scatter3A_1638, %scatter3A_1639] : memref<2x128x73xf32, #tpu.memory_space<vmem>> -> memref<1x128x73xf32, #tpu.memory_space<vmem>>
          %scatter3A_1641 = tpu.memref_squeeze %scatter3A_1640 : memref<1x128x73xf32, #tpu.memory_space<vmem>> -> memref<128x73xf32, #tpu.memory_space<vmem>>
          tpu.vector_store_idx %scatter3A_1641[%add3A_221, %broadcast_in_dim3A_1637], %gather3A_1635 masked %ge3A_1274 {add = true} : memref<128x73xf32, #tpu.memory_space<vmem>>[vector<16xi32>, vector<16xi32>], vector<16xf32>, vector<16xi1>
          %add3A_1642 = arith.constant 35 : i32
          %add3A_1643 = vector.broadcast %add3A_1642 : i32 to vector<16xi32>
          %add3A_1644 = arith.addi %mul3A_1291, %add3A_1643 : vector<16xi32>
          %gather3A_1645 = tpu.vector_load_idx %arg13[%add3A_1644] masked %ge3A_1274 : memref<256xf32, #tpu.memory_space<vmem>>[vector<16xi32>], vector<16xf32>, vector<16xi1>
          %broadcast_in_dim3A_1646 = arith.constant 35 : i32
          %broadcast_in_dim3A_1647 = vector.broadcast %broadcast_in_dim3A_1646 : i32 to vector<16xi32>
          %scatter3A_1648 = arith.constant 0 : i32
          %scatter3A_1649 = arith.constant 0 : i32
          %scatter3A_1650 = tpu.memref_slice %arg11[%scan3A_121, %scatter3A_1648, %scatter3A_1649] : memref<2x128x73xf32, #tpu.memory_space<vmem>> -> memref<1x128x73xf32, #tpu.memory_space<vmem>>
          %scatter3A_1651 = tpu.memref_squeeze %scatter3A_1650 : memref<1x128x73xf32, #tpu.memory_space<vmem>> -> memref<128x73xf32, #tpu.memory_space<vmem>>
          tpu.vector_store_idx %scatter3A_1651[%add3A_221, %broadcast_in_dim3A_1647], %gather3A_1645 masked %ge3A_1274 {add = true} : memref<128x73xf32, #tpu.memory_space<vmem>>[vector<16xi32>, vector<16xi32>], vector<16xf32>, vector<16xi1>
          %add3A_1652 = arith.constant 36 : i32
          %add3A_1653 = vector.broadcast %add3A_1652 : i32 to vector<16xi32>
          %add3A_1654 = arith.addi %mul3A_1291, %add3A_1653 : vector<16xi32>
          %gather3A_1655 = tpu.vector_load_idx %arg13[%add3A_1654] masked %ge3A_1274 : memref<256xf32, #tpu.memory_space<vmem>>[vector<16xi32>], vector<16xf32>, vector<16xi1>
          %broadcast_in_dim3A_1656 = arith.constant 36 : i32
          %broadcast_in_dim3A_1657 = vector.broadcast %broadcast_in_dim3A_1656 : i32 to vector<16xi32>
          %scatter3A_1658 = arith.constant 0 : i32
          %scatter3A_1659 = arith.constant 0 : i32
          %scatter3A_1660 = tpu.memref_slice %arg11[%scan3A_121, %scatter3A_1658, %scatter3A_1659] : memref<2x128x73xf32, #tpu.memory_space<vmem>> -> memref<1x128x73xf32, #tpu.memory_space<vmem>>
          %scatter3A_1661 = tpu.memref_squeeze %scatter3A_1660 : memref<1x128x73xf32, #tpu.memory_space<vmem>> -> memref<128x73xf32, #tpu.memory_space<vmem>>
          tpu.vector_store_idx %scatter3A_1661[%add3A_221, %broadcast_in_dim3A_1657], %gather3A_1655 masked %ge3A_1274 {add = true} : memref<128x73xf32, #tpu.memory_space<vmem>>[vector<16xi32>, vector<16xi32>], vector<16xf32>, vector<16xi1>
          %add3A_1662 = arith.constant 37 : i32
          %add3A_1663 = vector.broadcast %add3A_1662 : i32 to vector<16xi32>
          %add3A_1664 = arith.addi %mul3A_1291, %add3A_1663 : vector<16xi32>
          %gather3A_1665 = tpu.vector_load_idx %arg13[%add3A_1664] masked %ge3A_1274 : memref<256xf32, #tpu.memory_space<vmem>>[vector<16xi32>], vector<16xf32>, vector<16xi1>
          %broadcast_in_dim3A_1666 = arith.constant 37 : i32
          %broadcast_in_dim3A_1667 = vector.broadcast %broadcast_in_dim3A_1666 : i32 to vector<16xi32>
          %scatter3A_1668 = arith.constant 0 : i32
          %scatter3A_1669 = arith.constant 0 : i32
          %scatter3A_1670 = tpu.memref_slice %arg11[%scan3A_121, %scatter3A_1668, %scatter3A_1669] : memref<2x128x73xf32, #tpu.memory_space<vmem>> -> memref<1x128x73xf32, #tpu.memory_space<vmem>>
          %scatter3A_1671 = tpu.memref_squeeze %scatter3A_1670 : memref<1x128x73xf32, #tpu.memory_space<vmem>> -> memref<128x73xf32, #tpu.memory_space<vmem>>
          tpu.vector_store_idx %scatter3A_1671[%add3A_221, %broadcast_in_dim3A_1667], %gather3A_1665 masked %ge3A_1274 {add = true} : memref<128x73xf32, #tpu.memory_space<vmem>>[vector<16xi32>, vector<16xi32>], vector<16xf32>, vector<16xi1>
          %add3A_1672 = arith.constant 38 : i32
          %add3A_1673 = vector.broadcast %add3A_1672 : i32 to vector<16xi32>
          %add3A_1674 = arith.addi %mul3A_1291, %add3A_1673 : vector<16xi32>
          %gather3A_1675 = tpu.vector_load_idx %arg13[%add3A_1674] masked %ge3A_1274 : memref<256xf32, #tpu.memory_space<vmem>>[vector<16xi32>], vector<16xf32>, vector<16xi1>
          %broadcast_in_dim3A_1676 = arith.constant 38 : i32
          %broadcast_in_dim3A_1677 = vector.broadcast %broadcast_in_dim3A_1676 : i32 to vector<16xi32>
          %scatter3A_1678 = arith.constant 0 : i32
          %scatter3A_1679 = arith.constant 0 : i32
          %scatter3A_1680 = tpu.memref_slice %arg11[%scan3A_121, %scatter3A_1678, %scatter3A_1679] : memref<2x128x73xf32, #tpu.memory_space<vmem>> -> memref<1x128x73xf32, #tpu.memory_space<vmem>>
          %scatter3A_1681 = tpu.memref_squeeze %scatter3A_1680 : memref<1x128x73xf32, #tpu.memory_space<vmem>> -> memref<128x73xf32, #tpu.memory_space<vmem>>
          tpu.vector_store_idx %scatter3A_1681[%add3A_221, %broadcast_in_dim3A_1677], %gather3A_1675 masked %ge3A_1274 {add = true} : memref<128x73xf32, #tpu.memory_space<vmem>>[vector<16xi32>, vector<16xi32>], vector<16xf32>, vector<16xi1>
          %add3A_1682 = arith.constant 39 : i32
          %add3A_1683 = vector.broadcast %add3A_1682 : i32 to vector<16xi32>
          %add3A_1684 = arith.addi %mul3A_1291, %add3A_1683 : vector<16xi32>
          %gather3A_1685 = tpu.vector_load_idx %arg13[%add3A_1684] masked %ge3A_1274 : memref<256xf32, #tpu.memory_space<vmem>>[vector<16xi32>], vector<16xf32>, vector<16xi1>
          %broadcast_in_dim3A_1686 = arith.constant 39 : i32
          %broadcast_in_dim3A_1687 = vector.broadcast %broadcast_in_dim3A_1686 : i32 to vector<16xi32>
          %scatter3A_1688 = arith.constant 0 : i32
          %scatter3A_1689 = arith.constant 0 : i32
          %scatter3A_1690 = tpu.memref_slice %arg11[%scan3A_121, %scatter3A_1688, %scatter3A_1689] : memref<2x128x73xf32, #tpu.memory_space<vmem>> -> memref<1x128x73xf32, #tpu.memory_space<vmem>>
          %scatter3A_1691 = tpu.memref_squeeze %scatter3A_1690 : memref<1x128x73xf32, #tpu.memory_space<vmem>> -> memref<128x73xf32, #tpu.memory_space<vmem>>
          tpu.vector_store_idx %scatter3A_1691[%add3A_221, %broadcast_in_dim3A_1687], %gather3A_1685 masked %ge3A_1274 {add = true} : memref<128x73xf32, #tpu.memory_space<vmem>>[vector<16xi32>, vector<16xi32>], vector<16xf32>, vector<16xi1>
          %add3A_1692 = arith.constant 40 : i32
          %add3A_1693 = vector.broadcast %add3A_1692 : i32 to vector<16xi32>
          %add3A_1694 = arith.addi %mul3A_1291, %add3A_1693 : vector<16xi32>
          %gather3A_1695 = tpu.vector_load_idx %arg13[%add3A_1694] masked %ge3A_1274 : memref<256xf32, #tpu.memory_space<vmem>>[vector<16xi32>], vector<16xf32>, vector<16xi1>
          %broadcast_in_dim3A_1696 = arith.constant 40 : i32
          %broadcast_in_dim3A_1697 = vector.broadcast %broadcast_in_dim3A_1696 : i32 to vector<16xi32>
          %scatter3A_1698 = arith.constant 0 : i32
          %scatter3A_1699 = arith.constant 0 : i32
          %scatter3A_1700 = tpu.memref_slice %arg11[%scan3A_121, %scatter3A_1698, %scatter3A_1699] : memref<2x128x73xf32, #tpu.memory_space<vmem>> -> memref<1x128x73xf32, #tpu.memory_space<vmem>>
          %scatter3A_1701 = tpu.memref_squeeze %scatter3A_1700 : memref<1x128x73xf32, #tpu.memory_space<vmem>> -> memref<128x73xf32, #tpu.memory_space<vmem>>
          tpu.vector_store_idx %scatter3A_1701[%add3A_221, %broadcast_in_dim3A_1697], %gather3A_1695 masked %ge3A_1274 {add = true} : memref<128x73xf32, #tpu.memory_space<vmem>>[vector<16xi32>, vector<16xi32>], vector<16xf32>, vector<16xi1>
          %add3A_1702 = arith.constant 41 : i32
          %add3A_1703 = vector.broadcast %add3A_1702 : i32 to vector<16xi32>
          %add3A_1704 = arith.addi %mul3A_1291, %add3A_1703 : vector<16xi32>
          %gather3A_1705 = tpu.vector_load_idx %arg13[%add3A_1704] masked %ge3A_1274 : memref<256xf32, #tpu.memory_space<vmem>>[vector<16xi32>], vector<16xf32>, vector<16xi1>
          %broadcast_in_dim3A_1706 = arith.constant 41 : i32
          %broadcast_in_dim3A_1707 = vector.broadcast %broadcast_in_dim3A_1706 : i32 to vector<16xi32>
          %scatter3A_1708 = arith.constant 0 : i32
          %scatter3A_1709 = arith.constant 0 : i32
          %scatter3A_1710 = tpu.memref_slice %arg11[%scan3A_121, %scatter3A_1708, %scatter3A_1709] : memref<2x128x73xf32, #tpu.memory_space<vmem>> -> memref<1x128x73xf32, #tpu.memory_space<vmem>>
          %scatter3A_1711 = tpu.memref_squeeze %scatter3A_1710 : memref<1x128x73xf32, #tpu.memory_space<vmem>> -> memref<128x73xf32, #tpu.memory_space<vmem>>
          tpu.vector_store_idx %scatter3A_1711[%add3A_221, %broadcast_in_dim3A_1707], %gather3A_1705 masked %ge3A_1274 {add = true} : memref<128x73xf32, #tpu.memory_space<vmem>>[vector<16xi32>, vector<16xi32>], vector<16xf32>, vector<16xi1>
          %add3A_1712 = arith.constant 42 : i32
          %add3A_1713 = vector.broadcast %add3A_1712 : i32 to vector<16xi32>
          %add3A_1714 = arith.addi %mul3A_1291, %add3A_1713 : vector<16xi32>
          %gather3A_1715 = tpu.vector_load_idx %arg13[%add3A_1714] masked %ge3A_1274 : memref<256xf32, #tpu.memory_space<vmem>>[vector<16xi32>], vector<16xf32>, vector<16xi1>
          %broadcast_in_dim3A_1716 = arith.constant 42 : i32
          %broadcast_in_dim3A_1717 = vector.broadcast %broadcast_in_dim3A_1716 : i32 to vector<16xi32>
          %scatter3A_1718 = arith.constant 0 : i32
          %scatter3A_1719 = arith.constant 0 : i32
          %scatter3A_1720 = tpu.memref_slice %arg11[%scan3A_121, %scatter3A_1718, %scatter3A_1719] : memref<2x128x73xf32, #tpu.memory_space<vmem>> -> memref<1x128x73xf32, #tpu.memory_space<vmem>>
          %scatter3A_1721 = tpu.memref_squeeze %scatter3A_1720 : memref<1x128x73xf32, #tpu.memory_space<vmem>> -> memref<128x73xf32, #tpu.memory_space<vmem>>
          tpu.vector_store_idx %scatter3A_1721[%add3A_221, %broadcast_in_dim3A_1717], %gather3A_1715 masked %ge3A_1274 {add = true} : memref<128x73xf32, #tpu.memory_space<vmem>>[vector<16xi32>, vector<16xi32>], vector<16xf32>, vector<16xi1>
          %add3A_1722 = arith.constant 43 : i32
          %add3A_1723 = vector.broadcast %add3A_1722 : i32 to vector<16xi32>
          %add3A_1724 = arith.addi %mul3A_1291, %add3A_1723 : vector<16xi32>
          %gather3A_1725 = tpu.vector_load_idx %arg13[%add3A_1724] masked %ge3A_1274 : memref<256xf32, #tpu.memory_space<vmem>>[vector<16xi32>], vector<16xf32>, vector<16xi1>
          %broadcast_in_dim3A_1726 = arith.constant 43 : i32
          %broadcast_in_dim3A_1727 = vector.broadcast %broadcast_in_dim3A_1726 : i32 to vector<16xi32>
          %scatter3A_1728 = arith.constant 0 : i32
          %scatter3A_1729 = arith.constant 0 : i32
          %scatter3A_1730 = tpu.memref_slice %arg11[%scan3A_121, %scatter3A_1728, %scatter3A_1729] : memref<2x128x73xf32, #tpu.memory_space<vmem>> -> memref<1x128x73xf32, #tpu.memory_space<vmem>>
          %scatter3A_1731 = tpu.memref_squeeze %scatter3A_1730 : memref<1x128x73xf32, #tpu.memory_space<vmem>> -> memref<128x73xf32, #tpu.memory_space<vmem>>
          tpu.vector_store_idx %scatter3A_1731[%add3A_221, %broadcast_in_dim3A_1727], %gather3A_1725 masked %ge3A_1274 {add = true} : memref<128x73xf32, #tpu.memory_space<vmem>>[vector<16xi32>, vector<16xi32>], vector<16xf32>, vector<16xi1>
          %add3A_1732 = arith.constant 44 : i32
          %add3A_1733 = vector.broadcast %add3A_1732 : i32 to vector<16xi32>
          %add3A_1734 = arith.addi %mul3A_1291, %add3A_1733 : vector<16xi32>
          %gather3A_1735 = tpu.vector_load_idx %arg13[%add3A_1734] masked %ge3A_1274 : memref<256xf32, #tpu.memory_space<vmem>>[vector<16xi32>], vector<16xf32>, vector<16xi1>
          %broadcast_in_dim3A_1736 = arith.constant 44 : i32
          %broadcast_in_dim3A_1737 = vector.broadcast %broadcast_in_dim3A_1736 : i32 to vector<16xi32>
          %scatter3A_1738 = arith.constant 0 : i32
          %scatter3A_1739 = arith.constant 0 : i32
          %scatter3A_1740 = tpu.memref_slice %arg11[%scan3A_121, %scatter3A_1738, %scatter3A_1739] : memref<2x128x73xf32, #tpu.memory_space<vmem>> -> memref<1x128x73xf32, #tpu.memory_space<vmem>>
          %scatter3A_1741 = tpu.memref_squeeze %scatter3A_1740 : memref<1x128x73xf32, #tpu.memory_space<vmem>> -> memref<128x73xf32, #tpu.memory_space<vmem>>
          tpu.vector_store_idx %scatter3A_1741[%add3A_221, %broadcast_in_dim3A_1737], %gather3A_1735 masked %ge3A_1274 {add = true} : memref<128x73xf32, #tpu.memory_space<vmem>>[vector<16xi32>, vector<16xi32>], vector<16xf32>, vector<16xi1>
          %add3A_1742 = arith.constant 45 : i32
          %add3A_1743 = vector.broadcast %add3A_1742 : i32 to vector<16xi32>
          %add3A_1744 = arith.addi %mul3A_1291, %add3A_1743 : vector<16xi32>
          %gather3A_1745 = tpu.vector_load_idx %arg13[%add3A_1744] masked %ge3A_1274 : memref<256xf32, #tpu.memory_space<vmem>>[vector<16xi32>], vector<16xf32>, vector<16xi1>
          %broadcast_in_dim3A_1746 = arith.constant 45 : i32
          %broadcast_in_dim3A_1747 = vector.broadcast %broadcast_in_dim3A_1746 : i32 to vector<16xi32>
          %scatter3A_1748 = arith.constant 0 : i32
          %scatter3A_1749 = arith.constant 0 : i32
          %scatter3A_1750 = tpu.memref_slice %arg11[%scan3A_121, %scatter3A_1748, %scatter3A_1749] : memref<2x128x73xf32, #tpu.memory_space<vmem>> -> memref<1x128x73xf32, #tpu.memory_space<vmem>>
          %scatter3A_1751 = tpu.memref_squeeze %scatter3A_1750 : memref<1x128x73xf32, #tpu.memory_space<vmem>> -> memref<128x73xf32, #tpu.memory_space<vmem>>
          tpu.vector_store_idx %scatter3A_1751[%add3A_221, %broadcast_in_dim3A_1747], %gather3A_1745 masked %ge3A_1274 {add = true} : memref<128x73xf32, #tpu.memory_space<vmem>>[vector<16xi32>, vector<16xi32>], vector<16xf32>, vector<16xi1>
          %add3A_1752 = arith.constant 46 : i32
          %add3A_1753 = vector.broadcast %add3A_1752 : i32 to vector<16xi32>
          %add3A_1754 = arith.addi %mul3A_1291, %add3A_1753 : vector<16xi32>
          %gather3A_1755 = tpu.vector_load_idx %arg13[%add3A_1754] masked %ge3A_1274 : memref<256xf32, #tpu.memory_space<vmem>>[vector<16xi32>], vector<16xf32>, vector<16xi1>
          %broadcast_in_dim3A_1756 = arith.constant 46 : i32
          %broadcast_in_dim3A_1757 = vector.broadcast %broadcast_in_dim3A_1756 : i32 to vector<16xi32>
          %scatter3A_1758 = arith.constant 0 : i32
          %scatter3A_1759 = arith.constant 0 : i32
          %scatter3A_1760 = tpu.memref_slice %arg11[%scan3A_121, %scatter3A_1758, %scatter3A_1759] : memref<2x128x73xf32, #tpu.memory_space<vmem>> -> memref<1x128x73xf32, #tpu.memory_space<vmem>>
          %scatter3A_1761 = tpu.memref_squeeze %scatter3A_1760 : memref<1x128x73xf32, #tpu.memory_space<vmem>> -> memref<128x73xf32, #tpu.memory_space<vmem>>
          tpu.vector_store_idx %scatter3A_1761[%add3A_221, %broadcast_in_dim3A_1757], %gather3A_1755 masked %ge3A_1274 {add = true} : memref<128x73xf32, #tpu.memory_space<vmem>>[vector<16xi32>, vector<16xi32>], vector<16xf32>, vector<16xi1>
          %add3A_1762 = arith.constant 47 : i32
          %add3A_1763 = vector.broadcast %add3A_1762 : i32 to vector<16xi32>
          %add3A_1764 = arith.addi %mul3A_1291, %add3A_1763 : vector<16xi32>
          %gather3A_1765 = tpu.vector_load_idx %arg13[%add3A_1764] masked %ge3A_1274 : memref<256xf32, #tpu.memory_space<vmem>>[vector<16xi32>], vector<16xf32>, vector<16xi1>
          %broadcast_in_dim3A_1766 = arith.constant 47 : i32
          %broadcast_in_dim3A_1767 = vector.broadcast %broadcast_in_dim3A_1766 : i32 to vector<16xi32>
          %scatter3A_1768 = arith.constant 0 : i32
          %scatter3A_1769 = arith.constant 0 : i32
          %scatter3A_1770 = tpu.memref_slice %arg11[%scan3A_121, %scatter3A_1768, %scatter3A_1769] : memref<2x128x73xf32, #tpu.memory_space<vmem>> -> memref<1x128x73xf32, #tpu.memory_space<vmem>>
          %scatter3A_1771 = tpu.memref_squeeze %scatter3A_1770 : memref<1x128x73xf32, #tpu.memory_space<vmem>> -> memref<128x73xf32, #tpu.memory_space<vmem>>
          tpu.vector_store_idx %scatter3A_1771[%add3A_221, %broadcast_in_dim3A_1767], %gather3A_1765 masked %ge3A_1274 {add = true} : memref<128x73xf32, #tpu.memory_space<vmem>>[vector<16xi32>, vector<16xi32>], vector<16xf32>, vector<16xi1>
          %add3A_1772 = arith.constant 48 : i32
          %add3A_1773 = vector.broadcast %add3A_1772 : i32 to vector<16xi32>
          %add3A_1774 = arith.addi %mul3A_1291, %add3A_1773 : vector<16xi32>
          %gather3A_1775 = tpu.vector_load_idx %arg13[%add3A_1774] masked %ge3A_1274 : memref<256xf32, #tpu.memory_space<vmem>>[vector<16xi32>], vector<16xf32>, vector<16xi1>
          %broadcast_in_dim3A_1776 = arith.constant 48 : i32
          %broadcast_in_dim3A_1777 = vector.broadcast %broadcast_in_dim3A_1776 : i32 to vector<16xi32>
          %scatter3A_1778 = arith.constant 0 : i32
          %scatter3A_1779 = arith.constant 0 : i32
          %scatter3A_1780 = tpu.memref_slice %arg11[%scan3A_121, %scatter3A_1778, %scatter3A_1779] : memref<2x128x73xf32, #tpu.memory_space<vmem>> -> memref<1x128x73xf32, #tpu.memory_space<vmem>>
          %scatter3A_1781 = tpu.memref_squeeze %scatter3A_1780 : memref<1x128x73xf32, #tpu.memory_space<vmem>> -> memref<128x73xf32, #tpu.memory_space<vmem>>
          tpu.vector_store_idx %scatter3A_1781[%add3A_221, %broadcast_in_dim3A_1777], %gather3A_1775 masked %ge3A_1274 {add = true} : memref<128x73xf32, #tpu.memory_space<vmem>>[vector<16xi32>, vector<16xi32>], vector<16xf32>, vector<16xi1>
          %add3A_1782 = arith.constant 49 : i32
          %add3A_1783 = vector.broadcast %add3A_1782 : i32 to vector<16xi32>
          %add3A_1784 = arith.addi %mul3A_1291, %add3A_1783 : vector<16xi32>
          %gather3A_1785 = tpu.vector_load_idx %arg13[%add3A_1784] masked %ge3A_1274 : memref<256xf32, #tpu.memory_space<vmem>>[vector<16xi32>], vector<16xf32>, vector<16xi1>
          %broadcast_in_dim3A_1786 = arith.constant 49 : i32
          %broadcast_in_dim3A_1787 = vector.broadcast %broadcast_in_dim3A_1786 : i32 to vector<16xi32>
          %scatter3A_1788 = arith.constant 0 : i32
          %scatter3A_1789 = arith.constant 0 : i32
          %scatter3A_1790 = tpu.memref_slice %arg11[%scan3A_121, %scatter3A_1788, %scatter3A_1789] : memref<2x128x73xf32, #tpu.memory_space<vmem>> -> memref<1x128x73xf32, #tpu.memory_space<vmem>>
          %scatter3A_1791 = tpu.memref_squeeze %scatter3A_1790 : memref<1x128x73xf32, #tpu.memory_space<vmem>> -> memref<128x73xf32, #tpu.memory_space<vmem>>
          tpu.vector_store_idx %scatter3A_1791[%add3A_221, %broadcast_in_dim3A_1787], %gather3A_1785 masked %ge3A_1274 {add = true} : memref<128x73xf32, #tpu.memory_space<vmem>>[vector<16xi32>, vector<16xi32>], vector<16xf32>, vector<16xi1>
          %add3A_1792 = arith.constant 50 : i32
          %add3A_1793 = vector.broadcast %add3A_1792 : i32 to vector<16xi32>
          %add3A_1794 = arith.addi %mul3A_1291, %add3A_1793 : vector<16xi32>
          %gather3A_1795 = tpu.vector_load_idx %arg13[%add3A_1794] masked %ge3A_1274 : memref<256xf32, #tpu.memory_space<vmem>>[vector<16xi32>], vector<16xf32>, vector<16xi1>
          %broadcast_in_dim3A_1796 = arith.constant 50 : i32
          %broadcast_in_dim3A_1797 = vector.broadcast %broadcast_in_dim3A_1796 : i32 to vector<16xi32>
          %scatter3A_1798 = arith.constant 0 : i32
          %scatter3A_1799 = arith.constant 0 : i32
          %scatter3A_1800 = tpu.memref_slice %arg11[%scan3A_121, %scatter3A_1798, %scatter3A_1799] : memref<2x128x73xf32, #tpu.memory_space<vmem>> -> memref<1x128x73xf32, #tpu.memory_space<vmem>>
          %scatter3A_1801 = tpu.memref_squeeze %scatter3A_1800 : memref<1x128x73xf32, #tpu.memory_space<vmem>> -> memref<128x73xf32, #tpu.memory_space<vmem>>
          tpu.vector_store_idx %scatter3A_1801[%add3A_221, %broadcast_in_dim3A_1797], %gather3A_1795 masked %ge3A_1274 {add = true} : memref<128x73xf32, #tpu.memory_space<vmem>>[vector<16xi32>, vector<16xi32>], vector<16xf32>, vector<16xi1>
          %add3A_1802 = arith.constant 51 : i32
          %add3A_1803 = vector.broadcast %add3A_1802 : i32 to vector<16xi32>
          %add3A_1804 = arith.addi %mul3A_1291, %add3A_1803 : vector<16xi32>
          %gather3A_1805 = tpu.vector_load_idx %arg13[%add3A_1804] masked %ge3A_1274 : memref<256xf32, #tpu.memory_space<vmem>>[vector<16xi32>], vector<16xf32>, vector<16xi1>
          %broadcast_in_dim3A_1806 = arith.constant 51 : i32
          %broadcast_in_dim3A_1807 = vector.broadcast %broadcast_in_dim3A_1806 : i32 to vector<16xi32>
          %scatter3A_1808 = arith.constant 0 : i32
          %scatter3A_1809 = arith.constant 0 : i32
          %scatter3A_1810 = tpu.memref_slice %arg11[%scan3A_121, %scatter3A_1808, %scatter3A_1809] : memref<2x128x73xf32, #tpu.memory_space<vmem>> -> memref<1x128x73xf32, #tpu.memory_space<vmem>>
          %scatter3A_1811 = tpu.memref_squeeze %scatter3A_1810 : memref<1x128x73xf32, #tpu.memory_space<vmem>> -> memref<128x73xf32, #tpu.memory_space<vmem>>
          tpu.vector_store_idx %scatter3A_1811[%add3A_221, %broadcast_in_dim3A_1807], %gather3A_1805 masked %ge3A_1274 {add = true} : memref<128x73xf32, #tpu.memory_space<vmem>>[vector<16xi32>, vector<16xi32>], vector<16xf32>, vector<16xi1>
          %add3A_1812 = arith.constant 52 : i32
          %add3A_1813 = vector.broadcast %add3A_1812 : i32 to vector<16xi32>
          %add3A_1814 = arith.addi %mul3A_1291, %add3A_1813 : vector<16xi32>
          %gather3A_1815 = tpu.vector_load_idx %arg13[%add3A_1814] masked %ge3A_1274 : memref<256xf32, #tpu.memory_space<vmem>>[vector<16xi32>], vector<16xf32>, vector<16xi1>
          %broadcast_in_dim3A_1816 = arith.constant 52 : i32
          %broadcast_in_dim3A_1817 = vector.broadcast %broadcast_in_dim3A_1816 : i32 to vector<16xi32>
          %scatter3A_1818 = arith.constant 0 : i32
          %scatter3A_1819 = arith.constant 0 : i32
          %scatter3A_1820 = tpu.memref_slice %arg11[%scan3A_121, %scatter3A_1818, %scatter3A_1819] : memref<2x128x73xf32, #tpu.memory_space<vmem>> -> memref<1x128x73xf32, #tpu.memory_space<vmem>>
          %scatter3A_1821 = tpu.memref_squeeze %scatter3A_1820 : memref<1x128x73xf32, #tpu.memory_space<vmem>> -> memref<128x73xf32, #tpu.memory_space<vmem>>
          tpu.vector_store_idx %scatter3A_1821[%add3A_221, %broadcast_in_dim3A_1817], %gather3A_1815 masked %ge3A_1274 {add = true} : memref<128x73xf32, #tpu.memory_space<vmem>>[vector<16xi32>, vector<16xi32>], vector<16xf32>, vector<16xi1>
          %add3A_1822 = arith.constant 53 : i32
          %add3A_1823 = vector.broadcast %add3A_1822 : i32 to vector<16xi32>
          %add3A_1824 = arith.addi %mul3A_1291, %add3A_1823 : vector<16xi32>
          %gather3A_1825 = tpu.vector_load_idx %arg13[%add3A_1824] masked %ge3A_1274 : memref<256xf32, #tpu.memory_space<vmem>>[vector<16xi32>], vector<16xf32>, vector<16xi1>
          %broadcast_in_dim3A_1826 = arith.constant 53 : i32
          %broadcast_in_dim3A_1827 = vector.broadcast %broadcast_in_dim3A_1826 : i32 to vector<16xi32>
          %scatter3A_1828 = arith.constant 0 : i32
          %scatter3A_1829 = arith.constant 0 : i32
          %scatter3A_1830 = tpu.memref_slice %arg11[%scan3A_121, %scatter3A_1828, %scatter3A_1829] : memref<2x128x73xf32, #tpu.memory_space<vmem>> -> memref<1x128x73xf32, #tpu.memory_space<vmem>>
          %scatter3A_1831 = tpu.memref_squeeze %scatter3A_1830 : memref<1x128x73xf32, #tpu.memory_space<vmem>> -> memref<128x73xf32, #tpu.memory_space<vmem>>
          tpu.vector_store_idx %scatter3A_1831[%add3A_221, %broadcast_in_dim3A_1827], %gather3A_1825 masked %ge3A_1274 {add = true} : memref<128x73xf32, #tpu.memory_space<vmem>>[vector<16xi32>, vector<16xi32>], vector<16xf32>, vector<16xi1>
          %add3A_1832 = arith.constant 54 : i32
          %add3A_1833 = vector.broadcast %add3A_1832 : i32 to vector<16xi32>
          %add3A_1834 = arith.addi %mul3A_1291, %add3A_1833 : vector<16xi32>
          %gather3A_1835 = tpu.vector_load_idx %arg13[%add3A_1834] masked %ge3A_1274 : memref<256xf32, #tpu.memory_space<vmem>>[vector<16xi32>], vector<16xf32>, vector<16xi1>
          %broadcast_in_dim3A_1836 = arith.constant 54 : i32
          %broadcast_in_dim3A_1837 = vector.broadcast %broadcast_in_dim3A_1836 : i32 to vector<16xi32>
          %scatter3A_1838 = arith.constant 0 : i32
          %scatter3A_1839 = arith.constant 0 : i32
          %scatter3A_1840 = tpu.memref_slice %arg11[%scan3A_121, %scatter3A_1838, %scatter3A_1839] : memref<2x128x73xf32, #tpu.memory_space<vmem>> -> memref<1x128x73xf32, #tpu.memory_space<vmem>>
          %scatter3A_1841 = tpu.memref_squeeze %scatter3A_1840 : memref<1x128x73xf32, #tpu.memory_space<vmem>> -> memref<128x73xf32, #tpu.memory_space<vmem>>
          tpu.vector_store_idx %scatter3A_1841[%add3A_221, %broadcast_in_dim3A_1837], %gather3A_1835 masked %ge3A_1274 {add = true} : memref<128x73xf32, #tpu.memory_space<vmem>>[vector<16xi32>, vector<16xi32>], vector<16xf32>, vector<16xi1>
          %add3A_1842 = arith.constant 55 : i32
          %add3A_1843 = vector.broadcast %add3A_1842 : i32 to vector<16xi32>
          %add3A_1844 = arith.addi %mul3A_1291, %add3A_1843 : vector<16xi32>
          %gather3A_1845 = tpu.vector_load_idx %arg13[%add3A_1844] masked %ge3A_1274 : memref<256xf32, #tpu.memory_space<vmem>>[vector<16xi32>], vector<16xf32>, vector<16xi1>
          %broadcast_in_dim3A_1846 = arith.constant 55 : i32
          %broadcast_in_dim3A_1847 = vector.broadcast %broadcast_in_dim3A_1846 : i32 to vector<16xi32>
          %scatter3A_1848 = arith.constant 0 : i32
          %scatter3A_1849 = arith.constant 0 : i32
          %scatter3A_1850 = tpu.memref_slice %arg11[%scan3A_121, %scatter3A_1848, %scatter3A_1849] : memref<2x128x73xf32, #tpu.memory_space<vmem>> -> memref<1x128x73xf32, #tpu.memory_space<vmem>>
          %scatter3A_1851 = tpu.memref_squeeze %scatter3A_1850 : memref<1x128x73xf32, #tpu.memory_space<vmem>> -> memref<128x73xf32, #tpu.memory_space<vmem>>
          tpu.vector_store_idx %scatter3A_1851[%add3A_221, %broadcast_in_dim3A_1847], %gather3A_1845 masked %ge3A_1274 {add = true} : memref<128x73xf32, #tpu.memory_space<vmem>>[vector<16xi32>, vector<16xi32>], vector<16xf32>, vector<16xi1>
          %add3A_1852 = arith.constant 56 : i32
          %add3A_1853 = vector.broadcast %add3A_1852 : i32 to vector<16xi32>
          %add3A_1854 = arith.addi %mul3A_1291, %add3A_1853 : vector<16xi32>
          %gather3A_1855 = tpu.vector_load_idx %arg13[%add3A_1854] masked %ge3A_1274 : memref<256xf32, #tpu.memory_space<vmem>>[vector<16xi32>], vector<16xf32>, vector<16xi1>
          %broadcast_in_dim3A_1856 = arith.constant 56 : i32
          %broadcast_in_dim3A_1857 = vector.broadcast %broadcast_in_dim3A_1856 : i32 to vector<16xi32>
          %scatter3A_1858 = arith.constant 0 : i32
          %scatter3A_1859 = arith.constant 0 : i32
          %scatter3A_1860 = tpu.memref_slice %arg11[%scan3A_121, %scatter3A_1858, %scatter3A_1859] : memref<2x128x73xf32, #tpu.memory_space<vmem>> -> memref<1x128x73xf32, #tpu.memory_space<vmem>>
          %scatter3A_1861 = tpu.memref_squeeze %scatter3A_1860 : memref<1x128x73xf32, #tpu.memory_space<vmem>> -> memref<128x73xf32, #tpu.memory_space<vmem>>
          tpu.vector_store_idx %scatter3A_1861[%add3A_221, %broadcast_in_dim3A_1857], %gather3A_1855 masked %ge3A_1274 {add = true} : memref<128x73xf32, #tpu.memory_space<vmem>>[vector<16xi32>, vector<16xi32>], vector<16xf32>, vector<16xi1>
          %add3A_1862 = arith.constant 57 : i32
          %add3A_1863 = vector.broadcast %add3A_1862 : i32 to vector<16xi32>
          %add3A_1864 = arith.addi %mul3A_1291, %add3A_1863 : vector<16xi32>
          %gather3A_1865 = tpu.vector_load_idx %arg13[%add3A_1864] masked %ge3A_1274 : memref<256xf32, #tpu.memory_space<vmem>>[vector<16xi32>], vector<16xf32>, vector<16xi1>
          %broadcast_in_dim3A_1866 = arith.constant 57 : i32
          %broadcast_in_dim3A_1867 = vector.broadcast %broadcast_in_dim3A_1866 : i32 to vector<16xi32>
          %scatter3A_1868 = arith.constant 0 : i32
          %scatter3A_1869 = arith.constant 0 : i32
          %scatter3A_1870 = tpu.memref_slice %arg11[%scan3A_121, %scatter3A_1868, %scatter3A_1869] : memref<2x128x73xf32, #tpu.memory_space<vmem>> -> memref<1x128x73xf32, #tpu.memory_space<vmem>>
          %scatter3A_1871 = tpu.memref_squeeze %scatter3A_1870 : memref<1x128x73xf32, #tpu.memory_space<vmem>> -> memref<128x73xf32, #tpu.memory_space<vmem>>
          tpu.vector_store_idx %scatter3A_1871[%add3A_221, %broadcast_in_dim3A_1867], %gather3A_1865 masked %ge3A_1274 {add = true} : memref<128x73xf32, #tpu.memory_space<vmem>>[vector<16xi32>, vector<16xi32>], vector<16xf32>, vector<16xi1>
          %add3A_1872 = arith.constant 58 : i32
          %add3A_1873 = vector.broadcast %add3A_1872 : i32 to vector<16xi32>
          %add3A_1874 = arith.addi %mul3A_1291, %add3A_1873 : vector<16xi32>
          %gather3A_1875 = tpu.vector_load_idx %arg13[%add3A_1874] masked %ge3A_1274 : memref<256xf32, #tpu.memory_space<vmem>>[vector<16xi32>], vector<16xf32>, vector<16xi1>
          %broadcast_in_dim3A_1876 = arith.constant 58 : i32
          %broadcast_in_dim3A_1877 = vector.broadcast %broadcast_in_dim3A_1876 : i32 to vector<16xi32>
          %scatter3A_1878 = arith.constant 0 : i32
          %scatter3A_1879 = arith.constant 0 : i32
          %scatter3A_1880 = tpu.memref_slice %arg11[%scan3A_121, %scatter3A_1878, %scatter3A_1879] : memref<2x128x73xf32, #tpu.memory_space<vmem>> -> memref<1x128x73xf32, #tpu.memory_space<vmem>>
          %scatter3A_1881 = tpu.memref_squeeze %scatter3A_1880 : memref<1x128x73xf32, #tpu.memory_space<vmem>> -> memref<128x73xf32, #tpu.memory_space<vmem>>
          tpu.vector_store_idx %scatter3A_1881[%add3A_221, %broadcast_in_dim3A_1877], %gather3A_1875 masked %ge3A_1274 {add = true} : memref<128x73xf32, #tpu.memory_space<vmem>>[vector<16xi32>, vector<16xi32>], vector<16xf32>, vector<16xi1>
          %add3A_1882 = arith.constant 59 : i32
          %add3A_1883 = vector.broadcast %add3A_1882 : i32 to vector<16xi32>
          %add3A_1884 = arith.addi %mul3A_1291, %add3A_1883 : vector<16xi32>
          %gather3A_1885 = tpu.vector_load_idx %arg13[%add3A_1884] masked %ge3A_1274 : memref<256xf32, #tpu.memory_space<vmem>>[vector<16xi32>], vector<16xf32>, vector<16xi1>
          %broadcast_in_dim3A_1886 = arith.constant 59 : i32
          %broadcast_in_dim3A_1887 = vector.broadcast %broadcast_in_dim3A_1886 : i32 to vector<16xi32>
          %scatter3A_1888 = arith.constant 0 : i32
          %scatter3A_1889 = arith.constant 0 : i32
          %scatter3A_1890 = tpu.memref_slice %arg11[%scan3A_121, %scatter3A_1888, %scatter3A_1889] : memref<2x128x73xf32, #tpu.memory_space<vmem>> -> memref<1x128x73xf32, #tpu.memory_space<vmem>>
          %scatter3A_1891 = tpu.memref_squeeze %scatter3A_1890 : memref<1x128x73xf32, #tpu.memory_space<vmem>> -> memref<128x73xf32, #tpu.memory_space<vmem>>
          tpu.vector_store_idx %scatter3A_1891[%add3A_221, %broadcast_in_dim3A_1887], %gather3A_1885 masked %ge3A_1274 {add = true} : memref<128x73xf32, #tpu.memory_space<vmem>>[vector<16xi32>, vector<16xi32>], vector<16xf32>, vector<16xi1>
          %add3A_1892 = arith.constant 60 : i32
          %add3A_1893 = vector.broadcast %add3A_1892 : i32 to vector<16xi32>
          %add3A_1894 = arith.addi %mul3A_1291, %add3A_1893 : vector<16xi32>
          %gather3A_1895 = tpu.vector_load_idx %arg13[%add3A_1894] masked %ge3A_1274 : memref<256xf32, #tpu.memory_space<vmem>>[vector<16xi32>], vector<16xf32>, vector<16xi1>
          %broadcast_in_dim3A_1896 = arith.constant 60 : i32
          %broadcast_in_dim3A_1897 = vector.broadcast %broadcast_in_dim3A_1896 : i32 to vector<16xi32>
          %scatter3A_1898 = arith.constant 0 : i32
          %scatter3A_1899 = arith.constant 0 : i32
          %scatter3A_1900 = tpu.memref_slice %arg11[%scan3A_121, %scatter3A_1898, %scatter3A_1899] : memref<2x128x73xf32, #tpu.memory_space<vmem>> -> memref<1x128x73xf32, #tpu.memory_space<vmem>>
          %scatter3A_1901 = tpu.memref_squeeze %scatter3A_1900 : memref<1x128x73xf32, #tpu.memory_space<vmem>> -> memref<128x73xf32, #tpu.memory_space<vmem>>
          tpu.vector_store_idx %scatter3A_1901[%add3A_221, %broadcast_in_dim3A_1897], %gather3A_1895 masked %ge3A_1274 {add = true} : memref<128x73xf32, #tpu.memory_space<vmem>>[vector<16xi32>, vector<16xi32>], vector<16xf32>, vector<16xi1>
          %add3A_1902 = arith.constant 61 : i32
          %add3A_1903 = vector.broadcast %add3A_1902 : i32 to vector<16xi32>
          %add3A_1904 = arith.addi %mul3A_1291, %add3A_1903 : vector<16xi32>
          %gather3A_1905 = tpu.vector_load_idx %arg13[%add3A_1904] masked %ge3A_1274 : memref<256xf32, #tpu.memory_space<vmem>>[vector<16xi32>], vector<16xf32>, vector<16xi1>
          %broadcast_in_dim3A_1906 = arith.constant 61 : i32
          %broadcast_in_dim3A_1907 = vector.broadcast %broadcast_in_dim3A_1906 : i32 to vector<16xi32>
          %scatter3A_1908 = arith.constant 0 : i32
          %scatter3A_1909 = arith.constant 0 : i32
          %scatter3A_1910 = tpu.memref_slice %arg11[%scan3A_121, %scatter3A_1908, %scatter3A_1909] : memref<2x128x73xf32, #tpu.memory_space<vmem>> -> memref<1x128x73xf32, #tpu.memory_space<vmem>>
          %scatter3A_1911 = tpu.memref_squeeze %scatter3A_1910 : memref<1x128x73xf32, #tpu.memory_space<vmem>> -> memref<128x73xf32, #tpu.memory_space<vmem>>
          tpu.vector_store_idx %scatter3A_1911[%add3A_221, %broadcast_in_dim3A_1907], %gather3A_1905 masked %ge3A_1274 {add = true} : memref<128x73xf32, #tpu.memory_space<vmem>>[vector<16xi32>, vector<16xi32>], vector<16xf32>, vector<16xi1>
          %add3A_1912 = arith.constant 62 : i32
          %add3A_1913 = vector.broadcast %add3A_1912 : i32 to vector<16xi32>
          %add3A_1914 = arith.addi %mul3A_1291, %add3A_1913 : vector<16xi32>
          %gather3A_1915 = tpu.vector_load_idx %arg13[%add3A_1914] masked %ge3A_1274 : memref<256xf32, #tpu.memory_space<vmem>>[vector<16xi32>], vector<16xf32>, vector<16xi1>
          %broadcast_in_dim3A_1916 = arith.constant 62 : i32
          %broadcast_in_dim3A_1917 = vector.broadcast %broadcast_in_dim3A_1916 : i32 to vector<16xi32>
          %scatter3A_1918 = arith.constant 0 : i32
          %scatter3A_1919 = arith.constant 0 : i32
          %scatter3A_1920 = tpu.memref_slice %arg11[%scan3A_121, %scatter3A_1918, %scatter3A_1919] : memref<2x128x73xf32, #tpu.memory_space<vmem>> -> memref<1x128x73xf32, #tpu.memory_space<vmem>>
          %scatter3A_1921 = tpu.memref_squeeze %scatter3A_1920 : memref<1x128x73xf32, #tpu.memory_space<vmem>> -> memref<128x73xf32, #tpu.memory_space<vmem>>
          tpu.vector_store_idx %scatter3A_1921[%add3A_221, %broadcast_in_dim3A_1917], %gather3A_1915 masked %ge3A_1274 {add = true} : memref<128x73xf32, #tpu.memory_space<vmem>>[vector<16xi32>, vector<16xi32>], vector<16xf32>, vector<16xi1>
          %add3A_1922 = arith.constant 63 : i32
          %add3A_1923 = vector.broadcast %add3A_1922 : i32 to vector<16xi32>
          %add3A_1924 = arith.addi %mul3A_1291, %add3A_1923 : vector<16xi32>
          %gather3A_1925 = tpu.vector_load_idx %arg13[%add3A_1924] masked %ge3A_1274 : memref<256xf32, #tpu.memory_space<vmem>>[vector<16xi32>], vector<16xf32>, vector<16xi1>
          %broadcast_in_dim3A_1926 = arith.constant 63 : i32
          %broadcast_in_dim3A_1927 = vector.broadcast %broadcast_in_dim3A_1926 : i32 to vector<16xi32>
          %scatter3A_1928 = arith.constant 0 : i32
          %scatter3A_1929 = arith.constant 0 : i32
          %scatter3A_1930 = tpu.memref_slice %arg11[%scan3A_121, %scatter3A_1928, %scatter3A_1929] : memref<2x128x73xf32, #tpu.memory_space<vmem>> -> memref<1x128x73xf32, #tpu.memory_space<vmem>>
          %scatter3A_1931 = tpu.memref_squeeze %scatter3A_1930 : memref<1x128x73xf32, #tpu.memory_space<vmem>> -> memref<128x73xf32, #tpu.memory_space<vmem>>
          tpu.vector_store_idx %scatter3A_1931[%add3A_221, %broadcast_in_dim3A_1927], %gather3A_1925 masked %ge3A_1274 {add = true} : memref<128x73xf32, #tpu.memory_space<vmem>>[vector<16xi32>, vector<16xi32>], vector<16xf32>, vector<16xi1>
        } else {
        }
      }
      %scan3A_126 = arith.constant 8 : i32
      %add3A_127 = arith.constant 2 : i32
      %add3A_128 = arith.addi %add3A_90, %add3A_127 : i32
      %lt3A_129 = arith.constant 200 : i32
      %lt3A_130 = arith.cmpi slt, %add3A_128, %lt3A_129 : i32
      %convert_element_type3A_131 = arith.extui %lt3A_130 : i1 to i32
      %cond3A_132 = arith.constant 0 : i32
      %cond3A_133 = arith.cmpi ne, %convert_element_type3A_131, %cond3A_132 : i32
      scf.if %cond3A_133 {
        %add3A_217 = arith.constant 256 : i32
        %add3A_218 = arith.addi %add3A_93, %add3A_217 : i32
        %dma_start3A_219 = arith.constant 0 : i32
        %dma_start3A_220 = arith.constant 0 : i32
        %dma_start3A_221 = arith.constant 0 : i32
        %dma_start3A_222 = tpu.memref_slice %arg8[%dma_start3A_219, %dma_start3A_221] : memref<2x128xi32, #tpu.memory_space<vmem>> -> memref<1x128xi32, #tpu.memory_space<vmem>>
        %dma_start3A_223 = tpu.memref_squeeze %dma_start3A_222 : memref<1x128xi32, #tpu.memory_space<vmem>> -> memref<128xi32, #tpu.memory_space<vmem>>
        %dma_start3A_224 = tpu.memref_slice %arg3[%add3A_218] : memref<819200xi32, #tpu.memory_space<hbm>> -> memref<128xi32, #tpu.memory_space<hbm>>
        %dma_start3A_225 = tpu.memref_slice %arg14[%dma_start3A_220] : memref<2x!tpu.dma_semaphore, #tpu.memory_space<semaphore_mem>> -> memref<1x!tpu.dma_semaphore, #tpu.memory_space<semaphore_mem>>
        %dma_start3A_226 = tpu.memref_squeeze %dma_start3A_225 : memref<1x!tpu.dma_semaphore, #tpu.memory_space<semaphore_mem>> -> memref<!tpu.dma_semaphore, #tpu.memory_space<semaphore_mem>>
        %dma_start3A_227 = arith.constant 0 : i32
        %dma_start3A_228 = tpu.memref_slice %arg8[%dma_start3A_219, %dma_start3A_227] : memref<2x128xi32, #tpu.memory_space<vmem>> -> memref<1x128xi32, #tpu.memory_space<vmem>>
        %dma_start3A_229 = tpu.memref_squeeze %dma_start3A_228 : memref<1x128xi32, #tpu.memory_space<vmem>> -> memref<128xi32, #tpu.memory_space<vmem>>
        %dma_start3A_230 = tpu.memref_slice %arg3[%add3A_218] : memref<819200xi32, #tpu.memory_space<hbm>> -> memref<128xi32, #tpu.memory_space<hbm>>
        tpu.enqueue_dma source(%dma_start3A_230 : memref<128xi32, #tpu.memory_space<hbm>>) target(%dma_start3A_229 : memref<128xi32, #tpu.memory_space<vmem>>) target_semaphore(%dma_start3A_226 : memref<!tpu.dma_semaphore, #tpu.memory_space<semaphore_mem>>)
        %add3A_231 = arith.constant 256 : i32
        %add3A_232 = arith.addi %add3A_93, %add3A_231 : i32
        %dma_start3A_233 = arith.constant 0 : i32
        %dma_start3A_234 = arith.constant 0 : i32
        %dma_start3A_235 = arith.constant 0 : i32
        %dma_start3A_236 = tpu.memref_slice %arg9[%dma_start3A_233, %dma_start3A_235] : memref<2x128xi32, #tpu.memory_space<vmem>> -> memref<1x128xi32, #tpu.memory_space<vmem>>
        %dma_start3A_237 = tpu.memref_squeeze %dma_start3A_236 : memref<1x128xi32, #tpu.memory_space<vmem>> -> memref<128xi32, #tpu.memory_space<vmem>>
        %dma_start3A_238 = tpu.memref_slice %arg4[%add3A_232] : memref<819200xi32, #tpu.memory_space<hbm>> -> memref<128xi32, #tpu.memory_space<hbm>>
        %dma_start3A_239 = tpu.memref_slice %arg14[%dma_start3A_234] : memref<2x!tpu.dma_semaphore, #tpu.memory_space<semaphore_mem>> -> memref<1x!tpu.dma_semaphore, #tpu.memory_space<semaphore_mem>>
        %dma_start3A_240 = tpu.memref_squeeze %dma_start3A_239 : memref<1x!tpu.dma_semaphore, #tpu.memory_space<semaphore_mem>> -> memref<!tpu.dma_semaphore, #tpu.memory_space<semaphore_mem>>
        %dma_start3A_241 = arith.constant 0 : i32
        %dma_start3A_242 = tpu.memref_slice %arg9[%dma_start3A_233, %dma_start3A_241] : memref<2x128xi32, #tpu.memory_space<vmem>> -> memref<1x128xi32, #tpu.memory_space<vmem>>
        %dma_start3A_243 = tpu.memref_squeeze %dma_start3A_242 : memref<1x128xi32, #tpu.memory_space<vmem>> -> memref<128xi32, #tpu.memory_space<vmem>>
        %dma_start3A_244 = tpu.memref_slice %arg4[%add3A_232] : memref<819200xi32, #tpu.memory_space<hbm>> -> memref<128xi32, #tpu.memory_space<hbm>>
        tpu.enqueue_dma source(%dma_start3A_244 : memref<128xi32, #tpu.memory_space<hbm>>) target(%dma_start3A_243 : memref<128xi32, #tpu.memory_space<vmem>>) target_semaphore(%dma_start3A_240 : memref<!tpu.dma_semaphore, #tpu.memory_space<semaphore_mem>>)
      } else {
      }
      %dma_start3A_134 = arith.constant 0 : i32
      %dma_start3A_135 = arith.constant 0 : i32
      %dma_start3A_136 = arith.constant 0 : i32
      %dma_start3A_137 = arith.constant 0 : i32
      %dma_start3A_138 = tpu.memref_slice %arg11[%dma_start3A_134, %dma_start3A_136, %dma_start3A_137] : memref<2x128x73xf32, #tpu.memory_space<vmem>> -> memref<1x128x73xf32, #tpu.memory_space<vmem>>
      %dma_start3A_139 = tpu.memref_squeeze %dma_start3A_138 : memref<1x128x73xf32, #tpu.memory_space<vmem>> -> memref<128x73xf32, #tpu.memory_space<vmem>>
      %dma_start3A_140 = arith.constant 0 : i32
      %dma_start3A_141 = tpu.memref_slice %arg7[%add3A_93, %dma_start3A_140] : memref<819200x73xf32, #tpu.memory_space<hbm>> -> memref<128x73xf32, #tpu.memory_space<hbm>>
      %dma_start3A_142 = tpu.memref_slice %arg16[%dma_start3A_135] : memref<2x!tpu.dma_semaphore, #tpu.memory_space<semaphore_mem>> -> memref<1x!tpu.dma_semaphore, #tpu.memory_space<semaphore_mem>>
      %dma_start3A_143 = tpu.memref_squeeze %dma_start3A_142 : memref<1x!tpu.dma_semaphore, #tpu.memory_space<semaphore_mem>> -> memref<!tpu.dma_semaphore, #tpu.memory_space<semaphore_mem>>
      %dma_start3A_144 = arith.constant 0 : i32
      %dma_start3A_145 = tpu.memref_slice %arg7[%add3A_93, %dma_start3A_144] : memref<819200x73xf32, #tpu.memory_space<hbm>> -> memref<128x73xf32, #tpu.memory_space<hbm>>
      %dma_start3A_146 = arith.constant 0 : i32
      %dma_start3A_147 = arith.constant 0 : i32
      %dma_start3A_148 = tpu.memref_slice %arg11[%dma_start3A_134, %dma_start3A_146, %dma_start3A_147] : memref<2x128x73xf32, #tpu.memory_space<vmem>> -> memref<1x128x73xf32, #tpu.memory_space<vmem>>
      %dma_start3A_149 = tpu.memref_squeeze %dma_start3A_148 : memref<1x128x73xf32, #tpu.memory_space<vmem>> -> memref<128x73xf32, #tpu.memory_space<vmem>>
      tpu.enqueue_dma source(%dma_start3A_149 : memref<128x73xf32, #tpu.memory_space<vmem>>) target(%dma_start3A_145 : memref<128x73xf32, #tpu.memory_space<hbm>>) target_semaphore(%dma_start3A_143 : memref<!tpu.dma_semaphore, #tpu.memory_space<semaphore_mem>>)
      %mul3A_150 = arith.constant 2 : i32
      %mul3A_151 = arith.muli %mul3A_150, %scan3A_86 : i32
      %add3A_152 = arith.constant 1 : i32
      %add3A_153 = arith.addi %mul3A_151, %add3A_152 : i32
      %mul3A_154 = arith.constant 128 : i32
      %mul3A_155 = arith.muli %add3A_153, %mul3A_154 : i32
      %add3A_156 = arith.addi %mul3A_2, %mul3A_155 : i32
      %dma_wait3A_157 = arith.constant 1 : i32
      %dma_wait3A_158 = arith.constant 1 : i32
      %dma_wait3A_159 = arith.constant 1 : i32
      %dma_wait3A_160 = arith.constant 0 : i32
      %dma_wait3A_161 = arith.constant 0 : i32
      %dma_wait3A_162 = tpu.memref_slice %arg10[%dma_wait3A_158, %dma_wait3A_160, %dma_wait3A_161] : memref<2x128x128xf32, #tpu.memory_space<vmem>> -> memref<1x128x128xf32, #tpu.memory_space<vmem>>
      %dma_wait3A_163 = tpu.memref_squeeze %dma_wait3A_162 : memref<1x128x128xf32, #tpu.memory_space<vmem>> -> memref<128x128xf32, #tpu.memory_space<vmem>>
      %dma_wait3A_164 = arith.constant 0 : i32
      %dma_wait3A_165 = tpu.memref_slice %arg8[%dma_wait3A_157, %dma_wait3A_164] : memref<2x128xi32, #tpu.memory_space<vmem>> -> memref<1x128xi32, #tpu.memory_space<vmem>>
      %dma_wait3A_166 = tpu.memref_squeeze %dma_wait3A_165 : memref<1x128xi32, #tpu.memory_space<vmem>> -> memref<128xi32, #tpu.memory_space<vmem>>
      %dma_wait3A_167 = arith.constant 0 : i32
      %dma_wait3A_168 = arith.constant 0 : i32
      %dma_wait3A_169 = tpu.memref_slice %arg2[%dma_wait3A_167, %dma_wait3A_168] : memref<100000x128xf32, #tpu.memory_space<hbm>> -> memref<100000x128xf32, #tpu.memory_space<hbm>>
      %dma_wait3A_170 = tpu.memref_slice %arg15[%dma_wait3A_159] : memref<2x!tpu.dma_semaphore, #tpu.memory_space<semaphore_mem>> -> memref<1x!tpu.dma_semaphore, #tpu.memory_space<semaphore_mem>>
      %dma_wait3A_171 = tpu.memref_squeeze %dma_wait3A_170 : memref<1x!tpu.dma_semaphore, #tpu.memory_space<semaphore_mem>> -> memref<!tpu.dma_semaphore, #tpu.memory_space<semaphore_mem>>
      tpu.wait_indirect_dma semaphore(%dma_wait3A_171 : memref<!tpu.dma_semaphore, #tpu.memory_space<semaphore_mem>>) src(%dma_wait3A_169 : memref<100000x128xf32, #tpu.memory_space<hbm>>) dst(%dma_wait3A_163 : memref<128x128xf32, #tpu.memory_space<vmem>>)
      %add3A_172 = arith.constant 1 : i32
      %add3A_173 = arith.addi %add3A_153, %add3A_172 : i32
      %lt3A_174 = arith.constant 200 : i32
      %lt3A_175 = arith.cmpi slt, %add3A_173, %lt3A_174 : i32
      %convert_element_type3A_176 = arith.extui %lt3A_175 : i1 to i32
      %cond3A_177 = arith.constant 0 : i32
      %cond3A_178 = arith.cmpi ne, %convert_element_type3A_176, %cond3A_177 : i32
      scf.if %cond3A_178 {
        %add3A_217 = arith.constant 128 : i32
        %add3A_218 = arith.addi %add3A_156, %add3A_217 : i32
        %dma_wait3A_219 = arith.constant 0 : i32
        %dma_wait3A_220 = arith.constant 0 : i32
        %dma_wait3A_221 = arith.constant 0 : i32
        %dma_wait3A_222 = tpu.memref_slice %arg8[%dma_wait3A_219, %dma_wait3A_221] : memref<2x128xi32, #tpu.memory_space<vmem>> -> memref<1x128xi32, #tpu.memory_space<vmem>>
        %dma_wait3A_223 = tpu.memref_squeeze %dma_wait3A_222 : memref<1x128xi32, #tpu.memory_space<vmem>> -> memref<128xi32, #tpu.memory_space<vmem>>
        %dma_wait3A_224 = tpu.memref_slice %arg3[%add3A_218] : memref<819200xi32, #tpu.memory_space<hbm>> -> memref<128xi32, #tpu.memory_space<hbm>>
        %dma_wait3A_225 = tpu.memref_slice %arg14[%dma_wait3A_220] : memref<2x!tpu.dma_semaphore, #tpu.memory_space<semaphore_mem>> -> memref<1x!tpu.dma_semaphore, #tpu.memory_space<semaphore_mem>>
        %dma_wait3A_226 = tpu.memref_squeeze %dma_wait3A_225 : memref<1x!tpu.dma_semaphore, #tpu.memory_space<semaphore_mem>> -> memref<!tpu.dma_semaphore, #tpu.memory_space<semaphore_mem>>
        %dma_wait3A_227 = arith.constant 0 : i32
        %dma_wait3A_228 = tpu.memref_slice %arg8[%dma_wait3A_219, %dma_wait3A_227] : memref<2x128xi32, #tpu.memory_space<vmem>> -> memref<1x128xi32, #tpu.memory_space<vmem>>
        %dma_wait3A_229 = tpu.memref_squeeze %dma_wait3A_228 : memref<1x128xi32, #tpu.memory_space<vmem>> -> memref<128xi32, #tpu.memory_space<vmem>>
        %dma_wait3A_230 = tpu.memref_slice %arg3[%add3A_218] : memref<819200xi32, #tpu.memory_space<hbm>> -> memref<128xi32, #tpu.memory_space<hbm>>
        tpu.wait_dma2 semaphore(%dma_wait3A_226 : memref<!tpu.dma_semaphore, #tpu.memory_space<semaphore_mem>>) src(%dma_wait3A_230 : memref<128xi32, #tpu.memory_space<hbm>>) dst(%dma_wait3A_229 : memref<128xi32, #tpu.memory_space<vmem>>)
        %add3A_231 = arith.constant 128 : i32
        %add3A_232 = arith.addi %add3A_156, %add3A_231 : i32
        %dma_wait3A_233 = arith.constant 0 : i32
        %dma_wait3A_234 = arith.constant 0 : i32
        %dma_wait3A_235 = arith.constant 0 : i32
        %dma_wait3A_236 = tpu.memref_slice %arg9[%dma_wait3A_233, %dma_wait3A_235] : memref<2x128xi32, #tpu.memory_space<vmem>> -> memref<1x128xi32, #tpu.memory_space<vmem>>
        %dma_wait3A_237 = tpu.memref_squeeze %dma_wait3A_236 : memref<1x128xi32, #tpu.memory_space<vmem>> -> memref<128xi32, #tpu.memory_space<vmem>>
        %dma_wait3A_238 = tpu.memref_slice %arg4[%add3A_232] : memref<819200xi32, #tpu.memory_space<hbm>> -> memref<128xi32, #tpu.memory_space<hbm>>
        %dma_wait3A_239 = tpu.memref_slice %arg14[%dma_wait3A_234] : memref<2x!tpu.dma_semaphore, #tpu.memory_space<semaphore_mem>> -> memref<1x!tpu.dma_semaphore, #tpu.memory_space<semaphore_mem>>
        %dma_wait3A_240 = tpu.memref_squeeze %dma_wait3A_239 : memref<1x!tpu.dma_semaphore, #tpu.memory_space<semaphore_mem>> -> memref<!tpu.dma_semaphore, #tpu.memory_space<semaphore_mem>>
        %dma_wait3A_241 = arith.constant 0 : i32
        %dma_wait3A_242 = tpu.memref_slice %arg9[%dma_wait3A_233, %dma_wait3A_241] : memref<2x128xi32, #tpu.memory_space<vmem>> -> memref<1x128xi32, #tpu.memory_space<vmem>>
        %dma_wait3A_243 = tpu.memref_squeeze %dma_wait3A_242 : memref<1x128xi32, #tpu.memory_space<vmem>> -> memref<128xi32, #tpu.memory_space<vmem>>
        %dma_wait3A_244 = tpu.memref_slice %arg4[%add3A_232] : memref<819200xi32, #tpu.memory_space<hbm>> -> memref<128xi32, #tpu.memory_space<hbm>>
        tpu.wait_dma2 semaphore(%dma_wait3A_240 : memref<!tpu.dma_semaphore, #tpu.memory_space<semaphore_mem>>) src(%dma_wait3A_244 : memref<128xi32, #tpu.memory_space<hbm>>) dst(%dma_wait3A_243 : memref<128xi32, #tpu.memory_space<vmem>>)
        %dma_start3A_245 = arith.constant 0 : i32
        %dma_start3A_246 = arith.constant 0 : i32
        %dma_start3A_247 = arith.constant 0 : i32
        %dma_start3A_248 = arith.constant 0 : i32
        %dma_start3A_249 = arith.constant 0 : i32
        %dma_start3A_250 = tpu.memref_slice %arg10[%dma_start3A_246, %dma_start3A_248, %dma_start3A_249] : memref<2x128x128xf32, #tpu.memory_space<vmem>> -> memref<1x128x128xf32, #tpu.memory_space<vmem>>
        %dma_start3A_251 = tpu.memref_squeeze %dma_start3A_250 : memref<1x128x128xf32, #tpu.memory_space<vmem>> -> memref<128x128xf32, #tpu.memory_space<vmem>>
        %dma_start3A_252 = arith.constant 0 : i32
        %dma_start3A_253 = tpu.memref_slice %arg8[%dma_start3A_245, %dma_start3A_252] : memref<2x128xi32, #tpu.memory_space<vmem>> -> memref<1x128xi32, #tpu.memory_space<vmem>>
        %dma_start3A_254 = tpu.memref_squeeze %dma_start3A_253 : memref<1x128xi32, #tpu.memory_space<vmem>> -> memref<128xi32, #tpu.memory_space<vmem>>
        %dma_start3A_255 = arith.constant 0 : i32
        %dma_start3A_256 = arith.constant 0 : i32
        %dma_start3A_257 = tpu.memref_slice %arg2[%dma_start3A_255, %dma_start3A_256] : memref<100000x128xf32, #tpu.memory_space<hbm>> -> memref<100000x128xf32, #tpu.memory_space<hbm>>
        %dma_start3A_258 = tpu.memref_slice %arg15[%dma_start3A_247] : memref<2x!tpu.dma_semaphore, #tpu.memory_space<semaphore_mem>> -> memref<1x!tpu.dma_semaphore, #tpu.memory_space<semaphore_mem>>
        %dma_start3A_259 = tpu.memref_squeeze %dma_start3A_258 : memref<1x!tpu.dma_semaphore, #tpu.memory_space<semaphore_mem>> -> memref<!tpu.dma_semaphore, #tpu.memory_space<semaphore_mem>>
        tpu.enqueue_indirect_dma source(%dma_start3A_257 : memref<100000x128xf32, #tpu.memory_space<hbm>>) target(%dma_start3A_251 : memref<128x128xf32, #tpu.memory_space<vmem>>) offsets(%dma_start3A_254 : memref<128xi32, #tpu.memory_space<vmem>>) semaphore(%dma_start3A_259 : memref<!tpu.dma_semaphore, #tpu.memory_space<semaphore_mem>>)
      } else {
      }
      %ge3A_179 = arith.constant 2 : i32
      %ge3A_180 = arith.cmpi sge, %add3A_153, %ge3A_179 : i32
      %convert_element_type3A_181 = arith.extui %ge3A_180 : i1 to i32
      %cond3A_182 = arith.constant 0 : i32
      %cond3A_183 = arith.cmpi ne, %convert_element_type3A_181, %cond3A_182 : i32
      scf.if %cond3A_183 {
        %sub3A = arith.constant 256 : i32
        %sub3A_217 = arith.subi %add3A_156, %sub3A : i32
        %dma_wait3A_218 = arith.constant 1 : i32
        %dma_wait3A_219 = arith.constant 1 : i32
        %dma_wait3A_220 = arith.constant 0 : i32
        %dma_wait3A_221 = arith.constant 0 : i32
        %dma_wait3A_222 = tpu.memref_slice %arg11[%dma_wait3A_218, %dma_wait3A_220, %dma_wait3A_221] : memref<2x128x73xf32, #tpu.memory_space<vmem>> -> memref<1x128x73xf32, #tpu.memory_space<vmem>>
        %dma_wait3A_223 = tpu.memref_squeeze %dma_wait3A_222 : memref<1x128x73xf32, #tpu.memory_space<vmem>> -> memref<128x73xf32, #tpu.memory_space<vmem>>
        %dma_wait3A_224 = arith.constant 0 : i32
        %dma_wait3A_225 = tpu.memref_slice %arg7[%sub3A_217, %dma_wait3A_224] : memref<819200x73xf32, #tpu.memory_space<hbm>> -> memref<128x73xf32, #tpu.memory_space<hbm>>
        %dma_wait3A_226 = tpu.memref_slice %arg16[%dma_wait3A_219] : memref<2x!tpu.dma_semaphore, #tpu.memory_space<semaphore_mem>> -> memref<1x!tpu.dma_semaphore, #tpu.memory_space<semaphore_mem>>
        %dma_wait3A_227 = tpu.memref_squeeze %dma_wait3A_226 : memref<1x!tpu.dma_semaphore, #tpu.memory_space<semaphore_mem>> -> memref<!tpu.dma_semaphore, #tpu.memory_space<semaphore_mem>>
        %dma_wait3A_228 = arith.constant 0 : i32
        %dma_wait3A_229 = tpu.memref_slice %arg7[%sub3A_217, %dma_wait3A_228] : memref<819200x73xf32, #tpu.memory_space<hbm>> -> memref<128x73xf32, #tpu.memory_space<hbm>>
        %dma_wait3A_230 = arith.constant 0 : i32
        %dma_wait3A_231 = arith.constant 0 : i32
        %dma_wait3A_232 = tpu.memref_slice %arg11[%dma_wait3A_218, %dma_wait3A_230, %dma_wait3A_231] : memref<2x128x73xf32, #tpu.memory_space<vmem>> -> memref<1x128x73xf32, #tpu.memory_space<vmem>>
        %dma_wait3A_233 = tpu.memref_squeeze %dma_wait3A_232 : memref<1x128x73xf32, #tpu.memory_space<vmem>> -> memref<128x73xf32, #tpu.memory_space<vmem>>
        tpu.wait_dma2 semaphore(%dma_wait3A_227 : memref<!tpu.dma_semaphore, #tpu.memory_space<semaphore_mem>>) src(%dma_wait3A_233 : memref<128x73xf32, #tpu.memory_space<vmem>>) dst(%dma_wait3A_229 : memref<128x73xf32, #tpu.memory_space<hbm>>)
      } else {
      }
      %scan3A_184 = arith.constant 0 : i32
      %scan3A_185 = arith.constant 1 : i32
      %scan3A_186 = arith.constant 1 : i32
      %scan3A_187 = arith.constant 1 : i32
      %scan3A_188 = arith.constant 1 : i32
      %scan3A_189 = arith.constant 0 : i32
      %scan3A_190 = arith.constant 8 : i32
      %scan3A_191 = arith.addi %scan3A_189, %scan3A_190 : i32
      %scan3A_192 = arith.constant 1 : i32
      scf.for %scan3A_217 = %scan3A_189 to %scan3A_191 step %scan3A_192  : i32 {
        %mul3A_218 = arith.constant 16 : i32
        %mul3A_219 = arith.muli %scan3A_217, %mul3A_218 : i32
        %iota3A = tpu.iota {dimensions = array<i32: 0>} : vector<16xi32>
        %add3A_220 = vector.broadcast %mul3A_219 : i32 to vector<16xi32>
        %add3A_221 = arith.addi %add3A_220, %iota3A : vector<16xi32>
        %get3A = arith.constant 0 : i32
        %get3A_222 = tpu.memref_slice %arg8[%scan3A_185, %get3A] : memref<2x128xi32, #tpu.memory_space<vmem>> -> memref<1x128xi32, #tpu.memory_space<vmem>>
        %get3A_223 = tpu.memref_squeeze %get3A_222 : memref<1x128xi32, #tpu.memory_space<vmem>> -> memref<128xi32, #tpu.memory_space<vmem>>
        %get3A_224 = arith.index_cast %mul3A_219 : i32 to index
        %get3A_225 = tpu.vector_load %get3A_223[%get3A_224] {strides = array<i32>} : memref<128xi32, #tpu.memory_space<vmem>>, vector<16xi32>,
        %get3A_226 = arith.constant 0 : i32
        %get3A_227 = tpu.memref_slice %arg9[%scan3A_186, %get3A_226] : memref<2x128xi32, #tpu.memory_space<vmem>> -> memref<1x128xi32, #tpu.memory_space<vmem>>
        %get3A_228 = tpu.memref_squeeze %get3A_227 : memref<1x128xi32, #tpu.memory_space<vmem>> -> memref<128xi32, #tpu.memory_space<vmem>>
        %get3A_229 = arith.index_cast %mul3A_219 : i32 to index
        %get3A_230 = tpu.vector_load %get3A_228[%get3A_229] {strides = array<i32>} : memref<128xi32, #tpu.memory_space<vmem>>, vector<16xi32>,
        %add3A_231 = arith.constant 0 : i32
        %add3A_232 = arith.addi %mul3A_219, %add3A_231 : i32
        %get3A_233 = arith.constant 0 : i32
        %get3A_234 = arith.constant 0 : i32
        %get3A_235 = tpu.memref_slice %arg10[%scan3A_187, %get3A_233, %get3A_234] : memref<2x128x128xf32, #tpu.memory_space<vmem>> -> memref<1x128x128xf32, #tpu.memory_space<vmem>>
        %get3A_236 = tpu.memref_squeeze %get3A_235 : memref<1x128x128xf32, #tpu.memory_space<vmem>> -> memref<128x128xf32, #tpu.memory_space<vmem>>
        %get3A_237 = arith.index_cast %add3A_232 : i32 to index
        %get3A_238 = arith.constant 0 : index
        %get3A_239 = tpu.vector_load %get3A_236[%get3A_237, %get3A_238] {strides = array<i32>} : memref<128x128xf32, #tpu.memory_space<vmem>>, vector<16xf32>,
        %swap3A = arith.constant 0 : i32
        %swap3A_240 = arith.constant 0 : i32
        %swap3A_241 = tpu.memref_slice %arg11[%scan3A_188, %swap3A, %swap3A_240] : memref<2x128x73xf32, #tpu.memory_space<vmem>> -> memref<1x128x73xf32, #tpu.memory_space<vmem>>
        %swap3A_242 = tpu.memref_squeeze %swap3A_241 : memref<1x128x73xf32, #tpu.memory_space<vmem>> -> memref<128x73xf32, #tpu.memory_space<vmem>>
        %swap3A_243 = arith.index_cast %add3A_232 : i32 to index
        %swap3A_244 = arith.constant 0 : index
        %swap3A_245 = tpu.vector_load %swap3A_242[%swap3A_243, %swap3A_244] {strides = array<i32>} : memref<128x73xf32, #tpu.memory_space<vmem>>, vector<16xf32>,
        tpu.vector_store %swap3A_242[%swap3A_243, %swap3A_244], %get3A_239 {strides = array<i32>} : memref<128x73xf32, #tpu.memory_space<vmem>>, vector<16xf32>,
        %get3A_246 = arith.constant 0 : i32
        %get3A_247 = arith.constant 0 : i32
        %get3A_248 = tpu.memref_slice %arg10[%scan3A_187, %get3A_246, %get3A_247] : memref<2x128x128xf32, #tpu.memory_space<vmem>> -> memref<1x128x128xf32, #tpu.memory_space<vmem>>
        %get3A_249 = tpu.memref_squeeze %get3A_248 : memref<1x128x128xf32, #tpu.memory_space<vmem>> -> memref<128x128xf32, #tpu.memory_space<vmem>>
        %get3A_250 = arith.index_cast %add3A_232 : i32 to index
        %get3A_251 = arith.constant 16 : index
        %get3A_252 = tpu.vector_load %get3A_249[%get3A_250, %get3A_251] {strides = array<i32>} : memref<128x128xf32, #tpu.memory_space<vmem>>, vector<16xf32>,
        %swap3A_253 = arith.constant 0 : i32
        %swap3A_254 = arith.constant 0 : i32
        %swap3A_255 = tpu.memref_slice %arg11[%scan3A_188, %swap3A_253, %swap3A_254] : memref<2x128x73xf32, #tpu.memory_space<vmem>> -> memref<1x128x73xf32, #tpu.memory_space<vmem>>
        %swap3A_256 = tpu.memref_squeeze %swap3A_255 : memref<1x128x73xf32, #tpu.memory_space<vmem>> -> memref<128x73xf32, #tpu.memory_space<vmem>>
        %swap3A_257 = arith.index_cast %add3A_232 : i32 to index
        %swap3A_258 = arith.constant 16 : index
        %swap3A_259 = tpu.vector_load %swap3A_256[%swap3A_257, %swap3A_258] {strides = array<i32>} : memref<128x73xf32, #tpu.memory_space<vmem>>, vector<16xf32>,
        tpu.vector_store %swap3A_256[%swap3A_257, %swap3A_258], %get3A_252 {strides = array<i32>} : memref<128x73xf32, #tpu.memory_space<vmem>>, vector<16xf32>,
        %get3A_260 = arith.constant 0 : i32
        %get3A_261 = arith.constant 0 : i32
        %get3A_262 = tpu.memref_slice %arg10[%scan3A_187, %get3A_260, %get3A_261] : memref<2x128x128xf32, #tpu.memory_space<vmem>> -> memref<1x128x128xf32, #tpu.memory_space<vmem>>
        %get3A_263 = tpu.memref_squeeze %get3A_262 : memref<1x128x128xf32, #tpu.memory_space<vmem>> -> memref<128x128xf32, #tpu.memory_space<vmem>>
        %get3A_264 = arith.index_cast %add3A_232 : i32 to index
        %get3A_265 = arith.constant 32 : index
        %get3A_266 = tpu.vector_load %get3A_263[%get3A_264, %get3A_265] {strides = array<i32>} : memref<128x128xf32, #tpu.memory_space<vmem>>, vector<16xf32>,
        %swap3A_267 = arith.constant 0 : i32
        %swap3A_268 = arith.constant 0 : i32
        %swap3A_269 = tpu.memref_slice %arg11[%scan3A_188, %swap3A_267, %swap3A_268] : memref<2x128x73xf32, #tpu.memory_space<vmem>> -> memref<1x128x73xf32, #tpu.memory_space<vmem>>
        %swap3A_270 = tpu.memref_squeeze %swap3A_269 : memref<1x128x73xf32, #tpu.memory_space<vmem>> -> memref<128x73xf32, #tpu.memory_space<vmem>>
        %swap3A_271 = arith.index_cast %add3A_232 : i32 to index
        %swap3A_272 = arith.constant 32 : index
        %swap3A_273 = tpu.vector_load %swap3A_270[%swap3A_271, %swap3A_272] {strides = array<i32>} : memref<128x73xf32, #tpu.memory_space<vmem>>, vector<16xf32>,
        tpu.vector_store %swap3A_270[%swap3A_271, %swap3A_272], %get3A_266 {strides = array<i32>} : memref<128x73xf32, #tpu.memory_space<vmem>>, vector<16xf32>,
        %get3A_274 = arith.constant 0 : i32
        %get3A_275 = arith.constant 0 : i32
        %get3A_276 = tpu.memref_slice %arg10[%scan3A_187, %get3A_274, %get3A_275] : memref<2x128x128xf32, #tpu.memory_space<vmem>> -> memref<1x128x128xf32, #tpu.memory_space<vmem>>
        %get3A_277 = tpu.memref_squeeze %get3A_276 : memref<1x128x128xf32, #tpu.memory_space<vmem>> -> memref<128x128xf32, #tpu.memory_space<vmem>>
        %get3A_278 = arith.index_cast %add3A_232 : i32 to index
        %get3A_279 = arith.constant 48 : index
        %get3A_280 = tpu.vector_load %get3A_277[%get3A_278, %get3A_279] {strides = array<i32>} : memref<128x128xf32, #tpu.memory_space<vmem>>, vector<16xf32>,
        %swap3A_281 = arith.constant 0 : i32
        %swap3A_282 = arith.constant 0 : i32
        %swap3A_283 = tpu.memref_slice %arg11[%scan3A_188, %swap3A_281, %swap3A_282] : memref<2x128x73xf32, #tpu.memory_space<vmem>> -> memref<1x128x73xf32, #tpu.memory_space<vmem>>
        %swap3A_284 = tpu.memref_squeeze %swap3A_283 : memref<1x128x73xf32, #tpu.memory_space<vmem>> -> memref<128x73xf32, #tpu.memory_space<vmem>>
        %swap3A_285 = arith.index_cast %add3A_232 : i32 to index
        %swap3A_286 = arith.constant 48 : index
        %swap3A_287 = tpu.vector_load %swap3A_284[%swap3A_285, %swap3A_286] {strides = array<i32>} : memref<128x73xf32, #tpu.memory_space<vmem>>, vector<16xf32>,
        tpu.vector_store %swap3A_284[%swap3A_285, %swap3A_286], %get3A_280 {strides = array<i32>} : memref<128x73xf32, #tpu.memory_space<vmem>>, vector<16xf32>,
        %add3A_288 = arith.constant 1 : i32
        %add3A_289 = arith.addi %mul3A_219, %add3A_288 : i32
        %get3A_290 = arith.constant 0 : i32
        %get3A_291 = arith.constant 0 : i32
        %get3A_292 = tpu.memref_slice %arg10[%scan3A_187, %get3A_290, %get3A_291] : memref<2x128x128xf32, #tpu.memory_space<vmem>> -> memref<1x128x128xf32, #tpu.memory_space<vmem>>
        %get3A_293 = tpu.memref_squeeze %get3A_292 : memref<1x128x128xf32, #tpu.memory_space<vmem>> -> memref<128x128xf32, #tpu.memory_space<vmem>>
        %get3A_294 = arith.index_cast %add3A_289 : i32 to index
        %get3A_295 = arith.constant 0 : index
        %get3A_296 = tpu.vector_load %get3A_293[%get3A_294, %get3A_295] {strides = array<i32>} : memref<128x128xf32, #tpu.memory_space<vmem>>, vector<16xf32>,
        %swap3A_297 = arith.constant 0 : i32
        %swap3A_298 = arith.constant 0 : i32
        %swap3A_299 = tpu.memref_slice %arg11[%scan3A_188, %swap3A_297, %swap3A_298] : memref<2x128x73xf32, #tpu.memory_space<vmem>> -> memref<1x128x73xf32, #tpu.memory_space<vmem>>
        %swap3A_300 = tpu.memref_squeeze %swap3A_299 : memref<1x128x73xf32, #tpu.memory_space<vmem>> -> memref<128x73xf32, #tpu.memory_space<vmem>>
        %swap3A_301 = arith.index_cast %add3A_289 : i32 to index
        %swap3A_302 = arith.constant 0 : index
        %swap3A_303 = tpu.vector_load %swap3A_300[%swap3A_301, %swap3A_302] {strides = array<i32>} : memref<128x73xf32, #tpu.memory_space<vmem>>, vector<16xf32>,
        tpu.vector_store %swap3A_300[%swap3A_301, %swap3A_302], %get3A_296 {strides = array<i32>} : memref<128x73xf32, #tpu.memory_space<vmem>>, vector<16xf32>,
        %get3A_304 = arith.constant 0 : i32
        %get3A_305 = arith.constant 0 : i32
        %get3A_306 = tpu.memref_slice %arg10[%scan3A_187, %get3A_304, %get3A_305] : memref<2x128x128xf32, #tpu.memory_space<vmem>> -> memref<1x128x128xf32, #tpu.memory_space<vmem>>
        %get3A_307 = tpu.memref_squeeze %get3A_306 : memref<1x128x128xf32, #tpu.memory_space<vmem>> -> memref<128x128xf32, #tpu.memory_space<vmem>>
        %get3A_308 = arith.index_cast %add3A_289 : i32 to index
        %get3A_309 = arith.constant 16 : index
        %get3A_310 = tpu.vector_load %get3A_307[%get3A_308, %get3A_309] {strides = array<i32>} : memref<128x128xf32, #tpu.memory_space<vmem>>, vector<16xf32>,
        %swap3A_311 = arith.constant 0 : i32
        %swap3A_312 = arith.constant 0 : i32
        %swap3A_313 = tpu.memref_slice %arg11[%scan3A_188, %swap3A_311, %swap3A_312] : memref<2x128x73xf32, #tpu.memory_space<vmem>> -> memref<1x128x73xf32, #tpu.memory_space<vmem>>
        %swap3A_314 = tpu.memref_squeeze %swap3A_313 : memref<1x128x73xf32, #tpu.memory_space<vmem>> -> memref<128x73xf32, #tpu.memory_space<vmem>>
        %swap3A_315 = arith.index_cast %add3A_289 : i32 to index
        %swap3A_316 = arith.constant 16 : index
        %swap3A_317 = tpu.vector_load %swap3A_314[%swap3A_315, %swap3A_316] {strides = array<i32>} : memref<128x73xf32, #tpu.memory_space<vmem>>, vector<16xf32>,
        tpu.vector_store %swap3A_314[%swap3A_315, %swap3A_316], %get3A_310 {strides = array<i32>} : memref<128x73xf32, #tpu.memory_space<vmem>>, vector<16xf32>,
        %get3A_318 = arith.constant 0 : i32
        %get3A_319 = arith.constant 0 : i32
        %get3A_320 = tpu.memref_slice %arg10[%scan3A_187, %get3A_318, %get3A_319] : memref<2x128x128xf32, #tpu.memory_space<vmem>> -> memref<1x128x128xf32, #tpu.memory_space<vmem>>
        %get3A_321 = tpu.memref_squeeze %get3A_320 : memref<1x128x128xf32, #tpu.memory_space<vmem>> -> memref<128x128xf32, #tpu.memory_space<vmem>>
        %get3A_322 = arith.index_cast %add3A_289 : i32 to index
        %get3A_323 = arith.constant 32 : index
        %get3A_324 = tpu.vector_load %get3A_321[%get3A_322, %get3A_323] {strides = array<i32>} : memref<128x128xf32, #tpu.memory_space<vmem>>, vector<16xf32>,
        %swap3A_325 = arith.constant 0 : i32
        %swap3A_326 = arith.constant 0 : i32
        %swap3A_327 = tpu.memref_slice %arg11[%scan3A_188, %swap3A_325, %swap3A_326] : memref<2x128x73xf32, #tpu.memory_space<vmem>> -> memref<1x128x73xf32, #tpu.memory_space<vmem>>
        %swap3A_328 = tpu.memref_squeeze %swap3A_327 : memref<1x128x73xf32, #tpu.memory_space<vmem>> -> memref<128x73xf32, #tpu.memory_space<vmem>>
        %swap3A_329 = arith.index_cast %add3A_289 : i32 to index
        %swap3A_330 = arith.constant 32 : index
        %swap3A_331 = tpu.vector_load %swap3A_328[%swap3A_329, %swap3A_330] {strides = array<i32>} : memref<128x73xf32, #tpu.memory_space<vmem>>, vector<16xf32>,
        tpu.vector_store %swap3A_328[%swap3A_329, %swap3A_330], %get3A_324 {strides = array<i32>} : memref<128x73xf32, #tpu.memory_space<vmem>>, vector<16xf32>,
        %get3A_332 = arith.constant 0 : i32
        %get3A_333 = arith.constant 0 : i32
        %get3A_334 = tpu.memref_slice %arg10[%scan3A_187, %get3A_332, %get3A_333] : memref<2x128x128xf32, #tpu.memory_space<vmem>> -> memref<1x128x128xf32, #tpu.memory_space<vmem>>
        %get3A_335 = tpu.memref_squeeze %get3A_334 : memref<1x128x128xf32, #tpu.memory_space<vmem>> -> memref<128x128xf32, #tpu.memory_space<vmem>>
        %get3A_336 = arith.index_cast %add3A_289 : i32 to index
        %get3A_337 = arith.constant 48 : index
        %get3A_338 = tpu.vector_load %get3A_335[%get3A_336, %get3A_337] {strides = array<i32>} : memref<128x128xf32, #tpu.memory_space<vmem>>, vector<16xf32>,
        %swap3A_339 = arith.constant 0 : i32
        %swap3A_340 = arith.constant 0 : i32
        %swap3A_341 = tpu.memref_slice %arg11[%scan3A_188, %swap3A_339, %swap3A_340] : memref<2x128x73xf32, #tpu.memory_space<vmem>> -> memref<1x128x73xf32, #tpu.memory_space<vmem>>
        %swap3A_342 = tpu.memref_squeeze %swap3A_341 : memref<1x128x73xf32, #tpu.memory_space<vmem>> -> memref<128x73xf32, #tpu.memory_space<vmem>>
        %swap3A_343 = arith.index_cast %add3A_289 : i32 to index
        %swap3A_344 = arith.constant 48 : index
        %swap3A_345 = tpu.vector_load %swap3A_342[%swap3A_343, %swap3A_344] {strides = array<i32>} : memref<128x73xf32, #tpu.memory_space<vmem>>, vector<16xf32>,
        tpu.vector_store %swap3A_342[%swap3A_343, %swap3A_344], %get3A_338 {strides = array<i32>} : memref<128x73xf32, #tpu.memory_space<vmem>>, vector<16xf32>,
        %add3A_346 = arith.constant 2 : i32
        %add3A_347 = arith.addi %mul3A_219, %add3A_346 : i32
        %get3A_348 = arith.constant 0 : i32
        %get3A_349 = arith.constant 0 : i32
        %get3A_350 = tpu.memref_slice %arg10[%scan3A_187, %get3A_348, %get3A_349] : memref<2x128x128xf32, #tpu.memory_space<vmem>> -> memref<1x128x128xf32, #tpu.memory_space<vmem>>
        %get3A_351 = tpu.memref_squeeze %get3A_350 : memref<1x128x128xf32, #tpu.memory_space<vmem>> -> memref<128x128xf32, #tpu.memory_space<vmem>>
        %get3A_352 = arith.index_cast %add3A_347 : i32 to index
        %get3A_353 = arith.constant 0 : index
        %get3A_354 = tpu.vector_load %get3A_351[%get3A_352, %get3A_353] {strides = array<i32>} : memref<128x128xf32, #tpu.memory_space<vmem>>, vector<16xf32>,
        %swap3A_355 = arith.constant 0 : i32
        %swap3A_356 = arith.constant 0 : i32
        %swap3A_357 = tpu.memref_slice %arg11[%scan3A_188, %swap3A_355, %swap3A_356] : memref<2x128x73xf32, #tpu.memory_space<vmem>> -> memref<1x128x73xf32, #tpu.memory_space<vmem>>
        %swap3A_358 = tpu.memref_squeeze %swap3A_357 : memref<1x128x73xf32, #tpu.memory_space<vmem>> -> memref<128x73xf32, #tpu.memory_space<vmem>>
        %swap3A_359 = arith.index_cast %add3A_347 : i32 to index
        %swap3A_360 = arith.constant 0 : index
        %swap3A_361 = tpu.vector_load %swap3A_358[%swap3A_359, %swap3A_360] {strides = array<i32>} : memref<128x73xf32, #tpu.memory_space<vmem>>, vector<16xf32>,
        tpu.vector_store %swap3A_358[%swap3A_359, %swap3A_360], %get3A_354 {strides = array<i32>} : memref<128x73xf32, #tpu.memory_space<vmem>>, vector<16xf32>,
        %get3A_362 = arith.constant 0 : i32
        %get3A_363 = arith.constant 0 : i32
        %get3A_364 = tpu.memref_slice %arg10[%scan3A_187, %get3A_362, %get3A_363] : memref<2x128x128xf32, #tpu.memory_space<vmem>> -> memref<1x128x128xf32, #tpu.memory_space<vmem>>
        %get3A_365 = tpu.memref_squeeze %get3A_364 : memref<1x128x128xf32, #tpu.memory_space<vmem>> -> memref<128x128xf32, #tpu.memory_space<vmem>>
        %get3A_366 = arith.index_cast %add3A_347 : i32 to index
        %get3A_367 = arith.constant 16 : index
        %get3A_368 = tpu.vector_load %get3A_365[%get3A_366, %get3A_367] {strides = array<i32>} : memref<128x128xf32, #tpu.memory_space<vmem>>, vector<16xf32>,
        %swap3A_369 = arith.constant 0 : i32
        %swap3A_370 = arith.constant 0 : i32
        %swap3A_371 = tpu.memref_slice %arg11[%scan3A_188, %swap3A_369, %swap3A_370] : memref<2x128x73xf32, #tpu.memory_space<vmem>> -> memref<1x128x73xf32, #tpu.memory_space<vmem>>
        %swap3A_372 = tpu.memref_squeeze %swap3A_371 : memref<1x128x73xf32, #tpu.memory_space<vmem>> -> memref<128x73xf32, #tpu.memory_space<vmem>>
        %swap3A_373 = arith.index_cast %add3A_347 : i32 to index
        %swap3A_374 = arith.constant 16 : index
        %swap3A_375 = tpu.vector_load %swap3A_372[%swap3A_373, %swap3A_374] {strides = array<i32>} : memref<128x73xf32, #tpu.memory_space<vmem>>, vector<16xf32>,
        tpu.vector_store %swap3A_372[%swap3A_373, %swap3A_374], %get3A_368 {strides = array<i32>} : memref<128x73xf32, #tpu.memory_space<vmem>>, vector<16xf32>,
        %get3A_376 = arith.constant 0 : i32
        %get3A_377 = arith.constant 0 : i32
        %get3A_378 = tpu.memref_slice %arg10[%scan3A_187, %get3A_376, %get3A_377] : memref<2x128x128xf32, #tpu.memory_space<vmem>> -> memref<1x128x128xf32, #tpu.memory_space<vmem>>
        %get3A_379 = tpu.memref_squeeze %get3A_378 : memref<1x128x128xf32, #tpu.memory_space<vmem>> -> memref<128x128xf32, #tpu.memory_space<vmem>>
        %get3A_380 = arith.index_cast %add3A_347 : i32 to index
        %get3A_381 = arith.constant 32 : index
        %get3A_382 = tpu.vector_load %get3A_379[%get3A_380, %get3A_381] {strides = array<i32>} : memref<128x128xf32, #tpu.memory_space<vmem>>, vector<16xf32>,
        %swap3A_383 = arith.constant 0 : i32
        %swap3A_384 = arith.constant 0 : i32
        %swap3A_385 = tpu.memref_slice %arg11[%scan3A_188, %swap3A_383, %swap3A_384] : memref<2x128x73xf32, #tpu.memory_space<vmem>> -> memref<1x128x73xf32, #tpu.memory_space<vmem>>
        %swap3A_386 = tpu.memref_squeeze %swap3A_385 : memref<1x128x73xf32, #tpu.memory_space<vmem>> -> memref<128x73xf32, #tpu.memory_space<vmem>>
        %swap3A_387 = arith.index_cast %add3A_347 : i32 to index
        %swap3A_388 = arith.constant 32 : index
        %swap3A_389 = tpu.vector_load %swap3A_386[%swap3A_387, %swap3A_388] {strides = array<i32>} : memref<128x73xf32, #tpu.memory_space<vmem>>, vector<16xf32>,
        tpu.vector_store %swap3A_386[%swap3A_387, %swap3A_388], %get3A_382 {strides = array<i32>} : memref<128x73xf32, #tpu.memory_space<vmem>>, vector<16xf32>,
        %get3A_390 = arith.constant 0 : i32
        %get3A_391 = arith.constant 0 : i32
        %get3A_392 = tpu.memref_slice %arg10[%scan3A_187, %get3A_390, %get3A_391] : memref<2x128x128xf32, #tpu.memory_space<vmem>> -> memref<1x128x128xf32, #tpu.memory_space<vmem>>
        %get3A_393 = tpu.memref_squeeze %get3A_392 : memref<1x128x128xf32, #tpu.memory_space<vmem>> -> memref<128x128xf32, #tpu.memory_space<vmem>>
        %get3A_394 = arith.index_cast %add3A_347 : i32 to index
        %get3A_395 = arith.constant 48 : index
        %get3A_396 = tpu.vector_load %get3A_393[%get3A_394, %get3A_395] {strides = array<i32>} : memref<128x128xf32, #tpu.memory_space<vmem>>, vector<16xf32>,
        %swap3A_397 = arith.constant 0 : i32
        %swap3A_398 = arith.constant 0 : i32
        %swap3A_399 = tpu.memref_slice %arg11[%scan3A_188, %swap3A_397, %swap3A_398] : memref<2x128x73xf32, #tpu.memory_space<vmem>> -> memref<1x128x73xf32, #tpu.memory_space<vmem>>
        %swap3A_400 = tpu.memref_squeeze %swap3A_399 : memref<1x128x73xf32, #tpu.memory_space<vmem>> -> memref<128x73xf32, #tpu.memory_space<vmem>>
        %swap3A_401 = arith.index_cast %add3A_347 : i32 to index
        %swap3A_402 = arith.constant 48 : index
        %swap3A_403 = tpu.vector_load %swap3A_400[%swap3A_401, %swap3A_402] {strides = array<i32>} : memref<128x73xf32, #tpu.memory_space<vmem>>, vector<16xf32>,
        tpu.vector_store %swap3A_400[%swap3A_401, %swap3A_402], %get3A_396 {strides = array<i32>} : memref<128x73xf32, #tpu.memory_space<vmem>>, vector<16xf32>,
        %add3A_404 = arith.constant 3 : i32
        %add3A_405 = arith.addi %mul3A_219, %add3A_404 : i32
        %get3A_406 = arith.constant 0 : i32
        %get3A_407 = arith.constant 0 : i32
        %get3A_408 = tpu.memref_slice %arg10[%scan3A_187, %get3A_406, %get3A_407] : memref<2x128x128xf32, #tpu.memory_space<vmem>> -> memref<1x128x128xf32, #tpu.memory_space<vmem>>
        %get3A_409 = tpu.memref_squeeze %get3A_408 : memref<1x128x128xf32, #tpu.memory_space<vmem>> -> memref<128x128xf32, #tpu.memory_space<vmem>>
        %get3A_410 = arith.index_cast %add3A_405 : i32 to index
        %get3A_411 = arith.constant 0 : index
        %get3A_412 = tpu.vector_load %get3A_409[%get3A_410, %get3A_411] {strides = array<i32>} : memref<128x128xf32, #tpu.memory_space<vmem>>, vector<16xf32>,
        %swap3A_413 = arith.constant 0 : i32
        %swap3A_414 = arith.constant 0 : i32
        %swap3A_415 = tpu.memref_slice %arg11[%scan3A_188, %swap3A_413, %swap3A_414] : memref<2x128x73xf32, #tpu.memory_space<vmem>> -> memref<1x128x73xf32, #tpu.memory_space<vmem>>
        %swap3A_416 = tpu.memref_squeeze %swap3A_415 : memref<1x128x73xf32, #tpu.memory_space<vmem>> -> memref<128x73xf32, #tpu.memory_space<vmem>>
        %swap3A_417 = arith.index_cast %add3A_405 : i32 to index
        %swap3A_418 = arith.constant 0 : index
        %swap3A_419 = tpu.vector_load %swap3A_416[%swap3A_417, %swap3A_418] {strides = array<i32>} : memref<128x73xf32, #tpu.memory_space<vmem>>, vector<16xf32>,
        tpu.vector_store %swap3A_416[%swap3A_417, %swap3A_418], %get3A_412 {strides = array<i32>} : memref<128x73xf32, #tpu.memory_space<vmem>>, vector<16xf32>,
        %get3A_420 = arith.constant 0 : i32
        %get3A_421 = arith.constant 0 : i32
        %get3A_422 = tpu.memref_slice %arg10[%scan3A_187, %get3A_420, %get3A_421] : memref<2x128x128xf32, #tpu.memory_space<vmem>> -> memref<1x128x128xf32, #tpu.memory_space<vmem>>
        %get3A_423 = tpu.memref_squeeze %get3A_422 : memref<1x128x128xf32, #tpu.memory_space<vmem>> -> memref<128x128xf32, #tpu.memory_space<vmem>>
        %get3A_424 = arith.index_cast %add3A_405 : i32 to index
        %get3A_425 = arith.constant 16 : index
        %get3A_426 = tpu.vector_load %get3A_423[%get3A_424, %get3A_425] {strides = array<i32>} : memref<128x128xf32, #tpu.memory_space<vmem>>, vector<16xf32>,
        %swap3A_427 = arith.constant 0 : i32
        %swap3A_428 = arith.constant 0 : i32
        %swap3A_429 = tpu.memref_slice %arg11[%scan3A_188, %swap3A_427, %swap3A_428] : memref<2x128x73xf32, #tpu.memory_space<vmem>> -> memref<1x128x73xf32, #tpu.memory_space<vmem>>
        %swap3A_430 = tpu.memref_squeeze %swap3A_429 : memref<1x128x73xf32, #tpu.memory_space<vmem>> -> memref<128x73xf32, #tpu.memory_space<vmem>>
        %swap3A_431 = arith.index_cast %add3A_405 : i32 to index
        %swap3A_432 = arith.constant 16 : index
        %swap3A_433 = tpu.vector_load %swap3A_430[%swap3A_431, %swap3A_432] {strides = array<i32>} : memref<128x73xf32, #tpu.memory_space<vmem>>, vector<16xf32>,
        tpu.vector_store %swap3A_430[%swap3A_431, %swap3A_432], %get3A_426 {strides = array<i32>} : memref<128x73xf32, #tpu.memory_space<vmem>>, vector<16xf32>,
        %get3A_434 = arith.constant 0 : i32
        %get3A_435 = arith.constant 0 : i32
        %get3A_436 = tpu.memref_slice %arg10[%scan3A_187, %get3A_434, %get3A_435] : memref<2x128x128xf32, #tpu.memory_space<vmem>> -> memref<1x128x128xf32, #tpu.memory_space<vmem>>
        %get3A_437 = tpu.memref_squeeze %get3A_436 : memref<1x128x128xf32, #tpu.memory_space<vmem>> -> memref<128x128xf32, #tpu.memory_space<vmem>>
        %get3A_438 = arith.index_cast %add3A_405 : i32 to index
        %get3A_439 = arith.constant 32 : index
        %get3A_440 = tpu.vector_load %get3A_437[%get3A_438, %get3A_439] {strides = array<i32>} : memref<128x128xf32, #tpu.memory_space<vmem>>, vector<16xf32>,
        %swap3A_441 = arith.constant 0 : i32
        %swap3A_442 = arith.constant 0 : i32
        %swap3A_443 = tpu.memref_slice %arg11[%scan3A_188, %swap3A_441, %swap3A_442] : memref<2x128x73xf32, #tpu.memory_space<vmem>> -> memref<1x128x73xf32, #tpu.memory_space<vmem>>
        %swap3A_444 = tpu.memref_squeeze %swap3A_443 : memref<1x128x73xf32, #tpu.memory_space<vmem>> -> memref<128x73xf32, #tpu.memory_space<vmem>>
        %swap3A_445 = arith.index_cast %add3A_405 : i32 to index
        %swap3A_446 = arith.constant 32 : index
        %swap3A_447 = tpu.vector_load %swap3A_444[%swap3A_445, %swap3A_446] {strides = array<i32>} : memref<128x73xf32, #tpu.memory_space<vmem>>, vector<16xf32>,
        tpu.vector_store %swap3A_444[%swap3A_445, %swap3A_446], %get3A_440 {strides = array<i32>} : memref<128x73xf32, #tpu.memory_space<vmem>>, vector<16xf32>,
        %get3A_448 = arith.constant 0 : i32
        %get3A_449 = arith.constant 0 : i32
        %get3A_450 = tpu.memref_slice %arg10[%scan3A_187, %get3A_448, %get3A_449] : memref<2x128x128xf32, #tpu.memory_space<vmem>> -> memref<1x128x128xf32, #tpu.memory_space<vmem>>
        %get3A_451 = tpu.memref_squeeze %get3A_450 : memref<1x128x128xf32, #tpu.memory_space<vmem>> -> memref<128x128xf32, #tpu.memory_space<vmem>>
        %get3A_452 = arith.index_cast %add3A_405 : i32 to index
        %get3A_453 = arith.constant 48 : index
        %get3A_454 = tpu.vector_load %get3A_451[%get3A_452, %get3A_453] {strides = array<i32>} : memref<128x128xf32, #tpu.memory_space<vmem>>, vector<16xf32>,
        %swap3A_455 = arith.constant 0 : i32
        %swap3A_456 = arith.constant 0 : i32
        %swap3A_457 = tpu.memref_slice %arg11[%scan3A_188, %swap3A_455, %swap3A_456] : memref<2x128x73xf32, #tpu.memory_space<vmem>> -> memref<1x128x73xf32, #tpu.memory_space<vmem>>
        %swap3A_458 = tpu.memref_squeeze %swap3A_457 : memref<1x128x73xf32, #tpu.memory_space<vmem>> -> memref<128x73xf32, #tpu.memory_space<vmem>>
        %swap3A_459 = arith.index_cast %add3A_405 : i32 to index
        %swap3A_460 = arith.constant 48 : index
        %swap3A_461 = tpu.vector_load %swap3A_458[%swap3A_459, %swap3A_460] {strides = array<i32>} : memref<128x73xf32, #tpu.memory_space<vmem>>, vector<16xf32>,
        tpu.vector_store %swap3A_458[%swap3A_459, %swap3A_460], %get3A_454 {strides = array<i32>} : memref<128x73xf32, #tpu.memory_space<vmem>>, vector<16xf32>,
        %add3A_462 = arith.constant 4 : i32
        %add3A_463 = arith.addi %mul3A_219, %add3A_462 : i32
        %get3A_464 = arith.constant 0 : i32
        %get3A_465 = arith.constant 0 : i32
        %get3A_466 = tpu.memref_slice %arg10[%scan3A_187, %get3A_464, %get3A_465] : memref<2x128x128xf32, #tpu.memory_space<vmem>> -> memref<1x128x128xf32, #tpu.memory_space<vmem>>
        %get3A_467 = tpu.memref_squeeze %get3A_466 : memref<1x128x128xf32, #tpu.memory_space<vmem>> -> memref<128x128xf32, #tpu.memory_space<vmem>>
        %get3A_468 = arith.index_cast %add3A_463 : i32 to index
        %get3A_469 = arith.constant 0 : index
        %get3A_470 = tpu.vector_load %get3A_467[%get3A_468, %get3A_469] {strides = array<i32>} : memref<128x128xf32, #tpu.memory_space<vmem>>, vector<16xf32>,
        %swap3A_471 = arith.constant 0 : i32
        %swap3A_472 = arith.constant 0 : i32
        %swap3A_473 = tpu.memref_slice %arg11[%scan3A_188, %swap3A_471, %swap3A_472] : memref<2x128x73xf32, #tpu.memory_space<vmem>> -> memref<1x128x73xf32, #tpu.memory_space<vmem>>
        %swap3A_474 = tpu.memref_squeeze %swap3A_473 : memref<1x128x73xf32, #tpu.memory_space<vmem>> -> memref<128x73xf32, #tpu.memory_space<vmem>>
        %swap3A_475 = arith.index_cast %add3A_463 : i32 to index
        %swap3A_476 = arith.constant 0 : index
        %swap3A_477 = tpu.vector_load %swap3A_474[%swap3A_475, %swap3A_476] {strides = array<i32>} : memref<128x73xf32, #tpu.memory_space<vmem>>, vector<16xf32>,
        tpu.vector_store %swap3A_474[%swap3A_475, %swap3A_476], %get3A_470 {strides = array<i32>} : memref<128x73xf32, #tpu.memory_space<vmem>>, vector<16xf32>,
        %get3A_478 = arith.constant 0 : i32
        %get3A_479 = arith.constant 0 : i32
        %get3A_480 = tpu.memref_slice %arg10[%scan3A_187, %get3A_478, %get3A_479] : memref<2x128x128xf32, #tpu.memory_space<vmem>> -> memref<1x128x128xf32, #tpu.memory_space<vmem>>
        %get3A_481 = tpu.memref_squeeze %get3A_480 : memref<1x128x128xf32, #tpu.memory_space<vmem>> -> memref<128x128xf32, #tpu.memory_space<vmem>>
        %get3A_482 = arith.index_cast %add3A_463 : i32 to index
        %get3A_483 = arith.constant 16 : index
        %get3A_484 = tpu.vector_load %get3A_481[%get3A_482, %get3A_483] {strides = array<i32>} : memref<128x128xf32, #tpu.memory_space<vmem>>, vector<16xf32>,
        %swap3A_485 = arith.constant 0 : i32
        %swap3A_486 = arith.constant 0 : i32
        %swap3A_487 = tpu.memref_slice %arg11[%scan3A_188, %swap3A_485, %swap3A_486] : memref<2x128x73xf32, #tpu.memory_space<vmem>> -> memref<1x128x73xf32, #tpu.memory_space<vmem>>
        %swap3A_488 = tpu.memref_squeeze %swap3A_487 : memref<1x128x73xf32, #tpu.memory_space<vmem>> -> memref<128x73xf32, #tpu.memory_space<vmem>>
        %swap3A_489 = arith.index_cast %add3A_463 : i32 to index
        %swap3A_490 = arith.constant 16 : index
        %swap3A_491 = tpu.vector_load %swap3A_488[%swap3A_489, %swap3A_490] {strides = array<i32>} : memref<128x73xf32, #tpu.memory_space<vmem>>, vector<16xf32>,
        tpu.vector_store %swap3A_488[%swap3A_489, %swap3A_490], %get3A_484 {strides = array<i32>} : memref<128x73xf32, #tpu.memory_space<vmem>>, vector<16xf32>,
        %get3A_492 = arith.constant 0 : i32
        %get3A_493 = arith.constant 0 : i32
        %get3A_494 = tpu.memref_slice %arg10[%scan3A_187, %get3A_492, %get3A_493] : memref<2x128x128xf32, #tpu.memory_space<vmem>> -> memref<1x128x128xf32, #tpu.memory_space<vmem>>
        %get3A_495 = tpu.memref_squeeze %get3A_494 : memref<1x128x128xf32, #tpu.memory_space<vmem>> -> memref<128x128xf32, #tpu.memory_space<vmem>>
        %get3A_496 = arith.index_cast %add3A_463 : i32 to index
        %get3A_497 = arith.constant 32 : index
        %get3A_498 = tpu.vector_load %get3A_495[%get3A_496, %get3A_497] {strides = array<i32>} : memref<128x128xf32, #tpu.memory_space<vmem>>, vector<16xf32>,
        %swap3A_499 = arith.constant 0 : i32
        %swap3A_500 = arith.constant 0 : i32
        %swap3A_501 = tpu.memref_slice %arg11[%scan3A_188, %swap3A_499, %swap3A_500] : memref<2x128x73xf32, #tpu.memory_space<vmem>> -> memref<1x128x73xf32, #tpu.memory_space<vmem>>
        %swap3A_502 = tpu.memref_squeeze %swap3A_501 : memref<1x128x73xf32, #tpu.memory_space<vmem>> -> memref<128x73xf32, #tpu.memory_space<vmem>>
        %swap3A_503 = arith.index_cast %add3A_463 : i32 to index
        %swap3A_504 = arith.constant 32 : index
        %swap3A_505 = tpu.vector_load %swap3A_502[%swap3A_503, %swap3A_504] {strides = array<i32>} : memref<128x73xf32, #tpu.memory_space<vmem>>, vector<16xf32>,
        tpu.vector_store %swap3A_502[%swap3A_503, %swap3A_504], %get3A_498 {strides = array<i32>} : memref<128x73xf32, #tpu.memory_space<vmem>>, vector<16xf32>,
        %get3A_506 = arith.constant 0 : i32
        %get3A_507 = arith.constant 0 : i32
        %get3A_508 = tpu.memref_slice %arg10[%scan3A_187, %get3A_506, %get3A_507] : memref<2x128x128xf32, #tpu.memory_space<vmem>> -> memref<1x128x128xf32, #tpu.memory_space<vmem>>
        %get3A_509 = tpu.memref_squeeze %get3A_508 : memref<1x128x128xf32, #tpu.memory_space<vmem>> -> memref<128x128xf32, #tpu.memory_space<vmem>>
        %get3A_510 = arith.index_cast %add3A_463 : i32 to index
        %get3A_511 = arith.constant 48 : index
        %get3A_512 = tpu.vector_load %get3A_509[%get3A_510, %get3A_511] {strides = array<i32>} : memref<128x128xf32, #tpu.memory_space<vmem>>, vector<16xf32>,
        %swap3A_513 = arith.constant 0 : i32
        %swap3A_514 = arith.constant 0 : i32
        %swap3A_515 = tpu.memref_slice %arg11[%scan3A_188, %swap3A_513, %swap3A_514] : memref<2x128x73xf32, #tpu.memory_space<vmem>> -> memref<1x128x73xf32, #tpu.memory_space<vmem>>
        %swap3A_516 = tpu.memref_squeeze %swap3A_515 : memref<1x128x73xf32, #tpu.memory_space<vmem>> -> memref<128x73xf32, #tpu.memory_space<vmem>>
        %swap3A_517 = arith.index_cast %add3A_463 : i32 to index
        %swap3A_518 = arith.constant 48 : index
        %swap3A_519 = tpu.vector_load %swap3A_516[%swap3A_517, %swap3A_518] {strides = array<i32>} : memref<128x73xf32, #tpu.memory_space<vmem>>, vector<16xf32>,
        tpu.vector_store %swap3A_516[%swap3A_517, %swap3A_518], %get3A_512 {strides = array<i32>} : memref<128x73xf32, #tpu.memory_space<vmem>>, vector<16xf32>,
        %add3A_520 = arith.constant 5 : i32
        %add3A_521 = arith.addi %mul3A_219, %add3A_520 : i32
        %get3A_522 = arith.constant 0 : i32
        %get3A_523 = arith.constant 0 : i32
        %get3A_524 = tpu.memref_slice %arg10[%scan3A_187, %get3A_522, %get3A_523] : memref<2x128x128xf32, #tpu.memory_space<vmem>> -> memref<1x128x128xf32, #tpu.memory_space<vmem>>
        %get3A_525 = tpu.memref_squeeze %get3A_524 : memref<1x128x128xf32, #tpu.memory_space<vmem>> -> memref<128x128xf32, #tpu.memory_space<vmem>>
        %get3A_526 = arith.index_cast %add3A_521 : i32 to index
        %get3A_527 = arith.constant 0 : index
        %get3A_528 = tpu.vector_load %get3A_525[%get3A_526, %get3A_527] {strides = array<i32>} : memref<128x128xf32, #tpu.memory_space<vmem>>, vector<16xf32>,
        %swap3A_529 = arith.constant 0 : i32
        %swap3A_530 = arith.constant 0 : i32
        %swap3A_531 = tpu.memref_slice %arg11[%scan3A_188, %swap3A_529, %swap3A_530] : memref<2x128x73xf32, #tpu.memory_space<vmem>> -> memref<1x128x73xf32, #tpu.memory_space<vmem>>
        %swap3A_532 = tpu.memref_squeeze %swap3A_531 : memref<1x128x73xf32, #tpu.memory_space<vmem>> -> memref<128x73xf32, #tpu.memory_space<vmem>>
        %swap3A_533 = arith.index_cast %add3A_521 : i32 to index
        %swap3A_534 = arith.constant 0 : index
        %swap3A_535 = tpu.vector_load %swap3A_532[%swap3A_533, %swap3A_534] {strides = array<i32>} : memref<128x73xf32, #tpu.memory_space<vmem>>, vector<16xf32>,
        tpu.vector_store %swap3A_532[%swap3A_533, %swap3A_534], %get3A_528 {strides = array<i32>} : memref<128x73xf32, #tpu.memory_space<vmem>>, vector<16xf32>,
        %get3A_536 = arith.constant 0 : i32
        %get3A_537 = arith.constant 0 : i32
        %get3A_538 = tpu.memref_slice %arg10[%scan3A_187, %get3A_536, %get3A_537] : memref<2x128x128xf32, #tpu.memory_space<vmem>> -> memref<1x128x128xf32, #tpu.memory_space<vmem>>
        %get3A_539 = tpu.memref_squeeze %get3A_538 : memref<1x128x128xf32, #tpu.memory_space<vmem>> -> memref<128x128xf32, #tpu.memory_space<vmem>>
        %get3A_540 = arith.index_cast %add3A_521 : i32 to index
        %get3A_541 = arith.constant 16 : index
        %get3A_542 = tpu.vector_load %get3A_539[%get3A_540, %get3A_541] {strides = array<i32>} : memref<128x128xf32, #tpu.memory_space<vmem>>, vector<16xf32>,
        %swap3A_543 = arith.constant 0 : i32
        %swap3A_544 = arith.constant 0 : i32
        %swap3A_545 = tpu.memref_slice %arg11[%scan3A_188, %swap3A_543, %swap3A_544] : memref<2x128x73xf32, #tpu.memory_space<vmem>> -> memref<1x128x73xf32, #tpu.memory_space<vmem>>
        %swap3A_546 = tpu.memref_squeeze %swap3A_545 : memref<1x128x73xf32, #tpu.memory_space<vmem>> -> memref<128x73xf32, #tpu.memory_space<vmem>>
        %swap3A_547 = arith.index_cast %add3A_521 : i32 to index
        %swap3A_548 = arith.constant 16 : index
        %swap3A_549 = tpu.vector_load %swap3A_546[%swap3A_547, %swap3A_548] {strides = array<i32>} : memref<128x73xf32, #tpu.memory_space<vmem>>, vector<16xf32>,
        tpu.vector_store %swap3A_546[%swap3A_547, %swap3A_548], %get3A_542 {strides = array<i32>} : memref<128x73xf32, #tpu.memory_space<vmem>>, vector<16xf32>,
        %get3A_550 = arith.constant 0 : i32
        %get3A_551 = arith.constant 0 : i32
        %get3A_552 = tpu.memref_slice %arg10[%scan3A_187, %get3A_550, %get3A_551] : memref<2x128x128xf32, #tpu.memory_space<vmem>> -> memref<1x128x128xf32, #tpu.memory_space<vmem>>
        %get3A_553 = tpu.memref_squeeze %get3A_552 : memref<1x128x128xf32, #tpu.memory_space<vmem>> -> memref<128x128xf32, #tpu.memory_space<vmem>>
        %get3A_554 = arith.index_cast %add3A_521 : i32 to index
        %get3A_555 = arith.constant 32 : index
        %get3A_556 = tpu.vector_load %get3A_553[%get3A_554, %get3A_555] {strides = array<i32>} : memref<128x128xf32, #tpu.memory_space<vmem>>, vector<16xf32>,
        %swap3A_557 = arith.constant 0 : i32
        %swap3A_558 = arith.constant 0 : i32
        %swap3A_559 = tpu.memref_slice %arg11[%scan3A_188, %swap3A_557, %swap3A_558] : memref<2x128x73xf32, #tpu.memory_space<vmem>> -> memref<1x128x73xf32, #tpu.memory_space<vmem>>
        %swap3A_560 = tpu.memref_squeeze %swap3A_559 : memref<1x128x73xf32, #tpu.memory_space<vmem>> -> memref<128x73xf32, #tpu.memory_space<vmem>>
        %swap3A_561 = arith.index_cast %add3A_521 : i32 to index
        %swap3A_562 = arith.constant 32 : index
        %swap3A_563 = tpu.vector_load %swap3A_560[%swap3A_561, %swap3A_562] {strides = array<i32>} : memref<128x73xf32, #tpu.memory_space<vmem>>, vector<16xf32>,
        tpu.vector_store %swap3A_560[%swap3A_561, %swap3A_562], %get3A_556 {strides = array<i32>} : memref<128x73xf32, #tpu.memory_space<vmem>>, vector<16xf32>,
        %get3A_564 = arith.constant 0 : i32
        %get3A_565 = arith.constant 0 : i32
        %get3A_566 = tpu.memref_slice %arg10[%scan3A_187, %get3A_564, %get3A_565] : memref<2x128x128xf32, #tpu.memory_space<vmem>> -> memref<1x128x128xf32, #tpu.memory_space<vmem>>
        %get3A_567 = tpu.memref_squeeze %get3A_566 : memref<1x128x128xf32, #tpu.memory_space<vmem>> -> memref<128x128xf32, #tpu.memory_space<vmem>>
        %get3A_568 = arith.index_cast %add3A_521 : i32 to index
        %get3A_569 = arith.constant 48 : index
        %get3A_570 = tpu.vector_load %get3A_567[%get3A_568, %get3A_569] {strides = array<i32>} : memref<128x128xf32, #tpu.memory_space<vmem>>, vector<16xf32>,
        %swap3A_571 = arith.constant 0 : i32
        %swap3A_572 = arith.constant 0 : i32
        %swap3A_573 = tpu.memref_slice %arg11[%scan3A_188, %swap3A_571, %swap3A_572] : memref<2x128x73xf32, #tpu.memory_space<vmem>> -> memref<1x128x73xf32, #tpu.memory_space<vmem>>
        %swap3A_574 = tpu.memref_squeeze %swap3A_573 : memref<1x128x73xf32, #tpu.memory_space<vmem>> -> memref<128x73xf32, #tpu.memory_space<vmem>>
        %swap3A_575 = arith.index_cast %add3A_521 : i32 to index
        %swap3A_576 = arith.constant 48 : index
        %swap3A_577 = tpu.vector_load %swap3A_574[%swap3A_575, %swap3A_576] {strides = array<i32>} : memref<128x73xf32, #tpu.memory_space<vmem>>, vector<16xf32>,
        tpu.vector_store %swap3A_574[%swap3A_575, %swap3A_576], %get3A_570 {strides = array<i32>} : memref<128x73xf32, #tpu.memory_space<vmem>>, vector<16xf32>,
        %add3A_578 = arith.constant 6 : i32
        %add3A_579 = arith.addi %mul3A_219, %add3A_578 : i32
        %get3A_580 = arith.constant 0 : i32
        %get3A_581 = arith.constant 0 : i32
        %get3A_582 = tpu.memref_slice %arg10[%scan3A_187, %get3A_580, %get3A_581] : memref<2x128x128xf32, #tpu.memory_space<vmem>> -> memref<1x128x128xf32, #tpu.memory_space<vmem>>
        %get3A_583 = tpu.memref_squeeze %get3A_582 : memref<1x128x128xf32, #tpu.memory_space<vmem>> -> memref<128x128xf32, #tpu.memory_space<vmem>>
        %get3A_584 = arith.index_cast %add3A_579 : i32 to index
        %get3A_585 = arith.constant 0 : index
        %get3A_586 = tpu.vector_load %get3A_583[%get3A_584, %get3A_585] {strides = array<i32>} : memref<128x128xf32, #tpu.memory_space<vmem>>, vector<16xf32>,
        %swap3A_587 = arith.constant 0 : i32
        %swap3A_588 = arith.constant 0 : i32
        %swap3A_589 = tpu.memref_slice %arg11[%scan3A_188, %swap3A_587, %swap3A_588] : memref<2x128x73xf32, #tpu.memory_space<vmem>> -> memref<1x128x73xf32, #tpu.memory_space<vmem>>
        %swap3A_590 = tpu.memref_squeeze %swap3A_589 : memref<1x128x73xf32, #tpu.memory_space<vmem>> -> memref<128x73xf32, #tpu.memory_space<vmem>>
        %swap3A_591 = arith.index_cast %add3A_579 : i32 to index
        %swap3A_592 = arith.constant 0 : index
        %swap3A_593 = tpu.vector_load %swap3A_590[%swap3A_591, %swap3A_592] {strides = array<i32>} : memref<128x73xf32, #tpu.memory_space<vmem>>, vector<16xf32>,
        tpu.vector_store %swap3A_590[%swap3A_591, %swap3A_592], %get3A_586 {strides = array<i32>} : memref<128x73xf32, #tpu.memory_space<vmem>>, vector<16xf32>,
        %get3A_594 = arith.constant 0 : i32
        %get3A_595 = arith.constant 0 : i32
        %get3A_596 = tpu.memref_slice %arg10[%scan3A_187, %get3A_594, %get3A_595] : memref<2x128x128xf32, #tpu.memory_space<vmem>> -> memref<1x128x128xf32, #tpu.memory_space<vmem>>
        %get3A_597 = tpu.memref_squeeze %get3A_596 : memref<1x128x128xf32, #tpu.memory_space<vmem>> -> memref<128x128xf32, #tpu.memory_space<vmem>>
        %get3A_598 = arith.index_cast %add3A_579 : i32 to index
        %get3A_599 = arith.constant 16 : index
        %get3A_600 = tpu.vector_load %get3A_597[%get3A_598, %get3A_599] {strides = array<i32>} : memref<128x128xf32, #tpu.memory_space<vmem>>, vector<16xf32>,
        %swap3A_601 = arith.constant 0 : i32
        %swap3A_602 = arith.constant 0 : i32
        %swap3A_603 = tpu.memref_slice %arg11[%scan3A_188, %swap3A_601, %swap3A_602] : memref<2x128x73xf32, #tpu.memory_space<vmem>> -> memref<1x128x73xf32, #tpu.memory_space<vmem>>
        %swap3A_604 = tpu.memref_squeeze %swap3A_603 : memref<1x128x73xf32, #tpu.memory_space<vmem>> -> memref<128x73xf32, #tpu.memory_space<vmem>>
        %swap3A_605 = arith.index_cast %add3A_579 : i32 to index
        %swap3A_606 = arith.constant 16 : index
        %swap3A_607 = tpu.vector_load %swap3A_604[%swap3A_605, %swap3A_606] {strides = array<i32>} : memref<128x73xf32, #tpu.memory_space<vmem>>, vector<16xf32>,
        tpu.vector_store %swap3A_604[%swap3A_605, %swap3A_606], %get3A_600 {strides = array<i32>} : memref<128x73xf32, #tpu.memory_space<vmem>>, vector<16xf32>,
        %get3A_608 = arith.constant 0 : i32
        %get3A_609 = arith.constant 0 : i32
        %get3A_610 = tpu.memref_slice %arg10[%scan3A_187, %get3A_608, %get3A_609] : memref<2x128x128xf32, #tpu.memory_space<vmem>> -> memref<1x128x128xf32, #tpu.memory_space<vmem>>
        %get3A_611 = tpu.memref_squeeze %get3A_610 : memref<1x128x128xf32, #tpu.memory_space<vmem>> -> memref<128x128xf32, #tpu.memory_space<vmem>>
        %get3A_612 = arith.index_cast %add3A_579 : i32 to index
        %get3A_613 = arith.constant 32 : index
        %get3A_614 = tpu.vector_load %get3A_611[%get3A_612, %get3A_613] {strides = array<i32>} : memref<128x128xf32, #tpu.memory_space<vmem>>, vector<16xf32>,
        %swap3A_615 = arith.constant 0 : i32
        %swap3A_616 = arith.constant 0 : i32
        %swap3A_617 = tpu.memref_slice %arg11[%scan3A_188, %swap3A_615, %swap3A_616] : memref<2x128x73xf32, #tpu.memory_space<vmem>> -> memref<1x128x73xf32, #tpu.memory_space<vmem>>
        %swap3A_618 = tpu.memref_squeeze %swap3A_617 : memref<1x128x73xf32, #tpu.memory_space<vmem>> -> memref<128x73xf32, #tpu.memory_space<vmem>>
        %swap3A_619 = arith.index_cast %add3A_579 : i32 to index
        %swap3A_620 = arith.constant 32 : index
        %swap3A_621 = tpu.vector_load %swap3A_618[%swap3A_619, %swap3A_620] {strides = array<i32>} : memref<128x73xf32, #tpu.memory_space<vmem>>, vector<16xf32>,
        tpu.vector_store %swap3A_618[%swap3A_619, %swap3A_620], %get3A_614 {strides = array<i32>} : memref<128x73xf32, #tpu.memory_space<vmem>>, vector<16xf32>,
        %get3A_622 = arith.constant 0 : i32
        %get3A_623 = arith.constant 0 : i32
        %get3A_624 = tpu.memref_slice %arg10[%scan3A_187, %get3A_622, %get3A_623] : memref<2x128x128xf32, #tpu.memory_space<vmem>> -> memref<1x128x128xf32, #tpu.memory_space<vmem>>
        %get3A_625 = tpu.memref_squeeze %get3A_624 : memref<1x128x128xf32, #tpu.memory_space<vmem>> -> memref<128x128xf32, #tpu.memory_space<vmem>>
        %get3A_626 = arith.index_cast %add3A_579 : i32 to index
        %get3A_627 = arith.constant 48 : index
        %get3A_628 = tpu.vector_load %get3A_625[%get3A_626, %get3A_627] {strides = array<i32>} : memref<128x128xf32, #tpu.memory_space<vmem>>, vector<16xf32>,
        %swap3A_629 = arith.constant 0 : i32
        %swap3A_630 = arith.constant 0 : i32
        %swap3A_631 = tpu.memref_slice %arg11[%scan3A_188, %swap3A_629, %swap3A_630] : memref<2x128x73xf32, #tpu.memory_space<vmem>> -> memref<1x128x73xf32, #tpu.memory_space<vmem>>
        %swap3A_632 = tpu.memref_squeeze %swap3A_631 : memref<1x128x73xf32, #tpu.memory_space<vmem>> -> memref<128x73xf32, #tpu.memory_space<vmem>>
        %swap3A_633 = arith.index_cast %add3A_579 : i32 to index
        %swap3A_634 = arith.constant 48 : index
        %swap3A_635 = tpu.vector_load %swap3A_632[%swap3A_633, %swap3A_634] {strides = array<i32>} : memref<128x73xf32, #tpu.memory_space<vmem>>, vector<16xf32>,
        tpu.vector_store %swap3A_632[%swap3A_633, %swap3A_634], %get3A_628 {strides = array<i32>} : memref<128x73xf32, #tpu.memory_space<vmem>>, vector<16xf32>,
        %add3A_636 = arith.constant 7 : i32
        %add3A_637 = arith.addi %mul3A_219, %add3A_636 : i32
        %get3A_638 = arith.constant 0 : i32
        %get3A_639 = arith.constant 0 : i32
        %get3A_640 = tpu.memref_slice %arg10[%scan3A_187, %get3A_638, %get3A_639] : memref<2x128x128xf32, #tpu.memory_space<vmem>> -> memref<1x128x128xf32, #tpu.memory_space<vmem>>
        %get3A_641 = tpu.memref_squeeze %get3A_640 : memref<1x128x128xf32, #tpu.memory_space<vmem>> -> memref<128x128xf32, #tpu.memory_space<vmem>>
        %get3A_642 = arith.index_cast %add3A_637 : i32 to index
        %get3A_643 = arith.constant 0 : index
        %get3A_644 = tpu.vector_load %get3A_641[%get3A_642, %get3A_643] {strides = array<i32>} : memref<128x128xf32, #tpu.memory_space<vmem>>, vector<16xf32>,
        %swap3A_645 = arith.constant 0 : i32
        %swap3A_646 = arith.constant 0 : i32
        %swap3A_647 = tpu.memref_slice %arg11[%scan3A_188, %swap3A_645, %swap3A_646] : memref<2x128x73xf32, #tpu.memory_space<vmem>> -> memref<1x128x73xf32, #tpu.memory_space<vmem>>
        %swap3A_648 = tpu.memref_squeeze %swap3A_647 : memref<1x128x73xf32, #tpu.memory_space<vmem>> -> memref<128x73xf32, #tpu.memory_space<vmem>>
        %swap3A_649 = arith.index_cast %add3A_637 : i32 to index
        %swap3A_650 = arith.constant 0 : index
        %swap3A_651 = tpu.vector_load %swap3A_648[%swap3A_649, %swap3A_650] {strides = array<i32>} : memref<128x73xf32, #tpu.memory_space<vmem>>, vector<16xf32>,
        tpu.vector_store %swap3A_648[%swap3A_649, %swap3A_650], %get3A_644 {strides = array<i32>} : memref<128x73xf32, #tpu.memory_space<vmem>>, vector<16xf32>,
        %get3A_652 = arith.constant 0 : i32
        %get3A_653 = arith.constant 0 : i32
        %get3A_654 = tpu.memref_slice %arg10[%scan3A_187, %get3A_652, %get3A_653] : memref<2x128x128xf32, #tpu.memory_space<vmem>> -> memref<1x128x128xf32, #tpu.memory_space<vmem>>
        %get3A_655 = tpu.memref_squeeze %get3A_654 : memref<1x128x128xf32, #tpu.memory_space<vmem>> -> memref<128x128xf32, #tpu.memory_space<vmem>>
        %get3A_656 = arith.index_cast %add3A_637 : i32 to index
        %get3A_657 = arith.constant 16 : index
        %get3A_658 = tpu.vector_load %get3A_655[%get3A_656, %get3A_657] {strides = array<i32>} : memref<128x128xf32, #tpu.memory_space<vmem>>, vector<16xf32>,
        %swap3A_659 = arith.constant 0 : i32
        %swap3A_660 = arith.constant 0 : i32
        %swap3A_661 = tpu.memref_slice %arg11[%scan3A_188, %swap3A_659, %swap3A_660] : memref<2x128x73xf32, #tpu.memory_space<vmem>> -> memref<1x128x73xf32, #tpu.memory_space<vmem>>
        %swap3A_662 = tpu.memref_squeeze %swap3A_661 : memref<1x128x73xf32, #tpu.memory_space<vmem>> -> memref<128x73xf32, #tpu.memory_space<vmem>>
        %swap3A_663 = arith.index_cast %add3A_637 : i32 to index
        %swap3A_664 = arith.constant 16 : index
        %swap3A_665 = tpu.vector_load %swap3A_662[%swap3A_663, %swap3A_664] {strides = array<i32>} : memref<128x73xf32, #tpu.memory_space<vmem>>, vector<16xf32>,
        tpu.vector_store %swap3A_662[%swap3A_663, %swap3A_664], %get3A_658 {strides = array<i32>} : memref<128x73xf32, #tpu.memory_space<vmem>>, vector<16xf32>,
        %get3A_666 = arith.constant 0 : i32
        %get3A_667 = arith.constant 0 : i32
        %get3A_668 = tpu.memref_slice %arg10[%scan3A_187, %get3A_666, %get3A_667] : memref<2x128x128xf32, #tpu.memory_space<vmem>> -> memref<1x128x128xf32, #tpu.memory_space<vmem>>
        %get3A_669 = tpu.memref_squeeze %get3A_668 : memref<1x128x128xf32, #tpu.memory_space<vmem>> -> memref<128x128xf32, #tpu.memory_space<vmem>>
        %get3A_670 = arith.index_cast %add3A_637 : i32 to index
        %get3A_671 = arith.constant 32 : index
        %get3A_672 = tpu.vector_load %get3A_669[%get3A_670, %get3A_671] {strides = array<i32>} : memref<128x128xf32, #tpu.memory_space<vmem>>, vector<16xf32>,
        %swap3A_673 = arith.constant 0 : i32
        %swap3A_674 = arith.constant 0 : i32
        %swap3A_675 = tpu.memref_slice %arg11[%scan3A_188, %swap3A_673, %swap3A_674] : memref<2x128x73xf32, #tpu.memory_space<vmem>> -> memref<1x128x73xf32, #tpu.memory_space<vmem>>
        %swap3A_676 = tpu.memref_squeeze %swap3A_675 : memref<1x128x73xf32, #tpu.memory_space<vmem>> -> memref<128x73xf32, #tpu.memory_space<vmem>>
        %swap3A_677 = arith.index_cast %add3A_637 : i32 to index
        %swap3A_678 = arith.constant 32 : index
        %swap3A_679 = tpu.vector_load %swap3A_676[%swap3A_677, %swap3A_678] {strides = array<i32>} : memref<128x73xf32, #tpu.memory_space<vmem>>, vector<16xf32>,
        tpu.vector_store %swap3A_676[%swap3A_677, %swap3A_678], %get3A_672 {strides = array<i32>} : memref<128x73xf32, #tpu.memory_space<vmem>>, vector<16xf32>,
        %get3A_680 = arith.constant 0 : i32
        %get3A_681 = arith.constant 0 : i32
        %get3A_682 = tpu.memref_slice %arg10[%scan3A_187, %get3A_680, %get3A_681] : memref<2x128x128xf32, #tpu.memory_space<vmem>> -> memref<1x128x128xf32, #tpu.memory_space<vmem>>
        %get3A_683 = tpu.memref_squeeze %get3A_682 : memref<1x128x128xf32, #tpu.memory_space<vmem>> -> memref<128x128xf32, #tpu.memory_space<vmem>>
        %get3A_684 = arith.index_cast %add3A_637 : i32 to index
        %get3A_685 = arith.constant 48 : index
        %get3A_686 = tpu.vector_load %get3A_683[%get3A_684, %get3A_685] {strides = array<i32>} : memref<128x128xf32, #tpu.memory_space<vmem>>, vector<16xf32>,
        %swap3A_687 = arith.constant 0 : i32
        %swap3A_688 = arith.constant 0 : i32
        %swap3A_689 = tpu.memref_slice %arg11[%scan3A_188, %swap3A_687, %swap3A_688] : memref<2x128x73xf32, #tpu.memory_space<vmem>> -> memref<1x128x73xf32, #tpu.memory_space<vmem>>
        %swap3A_690 = tpu.memref_squeeze %swap3A_689 : memref<1x128x73xf32, #tpu.memory_space<vmem>> -> memref<128x73xf32, #tpu.memory_space<vmem>>
        %swap3A_691 = arith.index_cast %add3A_637 : i32 to index
        %swap3A_692 = arith.constant 48 : index
        %swap3A_693 = tpu.vector_load %swap3A_690[%swap3A_691, %swap3A_692] {strides = array<i32>} : memref<128x73xf32, #tpu.memory_space<vmem>>, vector<16xf32>,
        tpu.vector_store %swap3A_690[%swap3A_691, %swap3A_692], %get3A_686 {strides = array<i32>} : memref<128x73xf32, #tpu.memory_space<vmem>>, vector<16xf32>,
        %add3A_694 = arith.constant 8 : i32
        %add3A_695 = arith.addi %mul3A_219, %add3A_694 : i32
        %get3A_696 = arith.constant 0 : i32
        %get3A_697 = arith.constant 0 : i32
        %get3A_698 = tpu.memref_slice %arg10[%scan3A_187, %get3A_696, %get3A_697] : memref<2x128x128xf32, #tpu.memory_space<vmem>> -> memref<1x128x128xf32, #tpu.memory_space<vmem>>
        %get3A_699 = tpu.memref_squeeze %get3A_698 : memref<1x128x128xf32, #tpu.memory_space<vmem>> -> memref<128x128xf32, #tpu.memory_space<vmem>>
        %get3A_700 = arith.index_cast %add3A_695 : i32 to index
        %get3A_701 = arith.constant 0 : index
        %get3A_702 = tpu.vector_load %get3A_699[%get3A_700, %get3A_701] {strides = array<i32>} : memref<128x128xf32, #tpu.memory_space<vmem>>, vector<16xf32>,
        %swap3A_703 = arith.constant 0 : i32
        %swap3A_704 = arith.constant 0 : i32
        %swap3A_705 = tpu.memref_slice %arg11[%scan3A_188, %swap3A_703, %swap3A_704] : memref<2x128x73xf32, #tpu.memory_space<vmem>> -> memref<1x128x73xf32, #tpu.memory_space<vmem>>
        %swap3A_706 = tpu.memref_squeeze %swap3A_705 : memref<1x128x73xf32, #tpu.memory_space<vmem>> -> memref<128x73xf32, #tpu.memory_space<vmem>>
        %swap3A_707 = arith.index_cast %add3A_695 : i32 to index
        %swap3A_708 = arith.constant 0 : index
        %swap3A_709 = tpu.vector_load %swap3A_706[%swap3A_707, %swap3A_708] {strides = array<i32>} : memref<128x73xf32, #tpu.memory_space<vmem>>, vector<16xf32>,
        tpu.vector_store %swap3A_706[%swap3A_707, %swap3A_708], %get3A_702 {strides = array<i32>} : memref<128x73xf32, #tpu.memory_space<vmem>>, vector<16xf32>,
        %get3A_710 = arith.constant 0 : i32
        %get3A_711 = arith.constant 0 : i32
        %get3A_712 = tpu.memref_slice %arg10[%scan3A_187, %get3A_710, %get3A_711] : memref<2x128x128xf32, #tpu.memory_space<vmem>> -> memref<1x128x128xf32, #tpu.memory_space<vmem>>
        %get3A_713 = tpu.memref_squeeze %get3A_712 : memref<1x128x128xf32, #tpu.memory_space<vmem>> -> memref<128x128xf32, #tpu.memory_space<vmem>>
        %get3A_714 = arith.index_cast %add3A_695 : i32 to index
        %get3A_715 = arith.constant 16 : index
        %get3A_716 = tpu.vector_load %get3A_713[%get3A_714, %get3A_715] {strides = array<i32>} : memref<128x128xf32, #tpu.memory_space<vmem>>, vector<16xf32>,
        %swap3A_717 = arith.constant 0 : i32
        %swap3A_718 = arith.constant 0 : i32
        %swap3A_719 = tpu.memref_slice %arg11[%scan3A_188, %swap3A_717, %swap3A_718] : memref<2x128x73xf32, #tpu.memory_space<vmem>> -> memref<1x128x73xf32, #tpu.memory_space<vmem>>
        %swap3A_720 = tpu.memref_squeeze %swap3A_719 : memref<1x128x73xf32, #tpu.memory_space<vmem>> -> memref<128x73xf32, #tpu.memory_space<vmem>>
        %swap3A_721 = arith.index_cast %add3A_695 : i32 to index
        %swap3A_722 = arith.constant 16 : index
        %swap3A_723 = tpu.vector_load %swap3A_720[%swap3A_721, %swap3A_722] {strides = array<i32>} : memref<128x73xf32, #tpu.memory_space<vmem>>, vector<16xf32>,
        tpu.vector_store %swap3A_720[%swap3A_721, %swap3A_722], %get3A_716 {strides = array<i32>} : memref<128x73xf32, #tpu.memory_space<vmem>>, vector<16xf32>,
        %get3A_724 = arith.constant 0 : i32
        %get3A_725 = arith.constant 0 : i32
        %get3A_726 = tpu.memref_slice %arg10[%scan3A_187, %get3A_724, %get3A_725] : memref<2x128x128xf32, #tpu.memory_space<vmem>> -> memref<1x128x128xf32, #tpu.memory_space<vmem>>
        %get3A_727 = tpu.memref_squeeze %get3A_726 : memref<1x128x128xf32, #tpu.memory_space<vmem>> -> memref<128x128xf32, #tpu.memory_space<vmem>>
        %get3A_728 = arith.index_cast %add3A_695 : i32 to index
        %get3A_729 = arith.constant 32 : index
        %get3A_730 = tpu.vector_load %get3A_727[%get3A_728, %get3A_729] {strides = array<i32>} : memref<128x128xf32, #tpu.memory_space<vmem>>, vector<16xf32>,
        %swap3A_731 = arith.constant 0 : i32
        %swap3A_732 = arith.constant 0 : i32
        %swap3A_733 = tpu.memref_slice %arg11[%scan3A_188, %swap3A_731, %swap3A_732] : memref<2x128x73xf32, #tpu.memory_space<vmem>> -> memref<1x128x73xf32, #tpu.memory_space<vmem>>
        %swap3A_734 = tpu.memref_squeeze %swap3A_733 : memref<1x128x73xf32, #tpu.memory_space<vmem>> -> memref<128x73xf32, #tpu.memory_space<vmem>>
        %swap3A_735 = arith.index_cast %add3A_695 : i32 to index
        %swap3A_736 = arith.constant 32 : index
        %swap3A_737 = tpu.vector_load %swap3A_734[%swap3A_735, %swap3A_736] {strides = array<i32>} : memref<128x73xf32, #tpu.memory_space<vmem>>, vector<16xf32>,
        tpu.vector_store %swap3A_734[%swap3A_735, %swap3A_736], %get3A_730 {strides = array<i32>} : memref<128x73xf32, #tpu.memory_space<vmem>>, vector<16xf32>,
        %get3A_738 = arith.constant 0 : i32
        %get3A_739 = arith.constant 0 : i32
        %get3A_740 = tpu.memref_slice %arg10[%scan3A_187, %get3A_738, %get3A_739] : memref<2x128x128xf32, #tpu.memory_space<vmem>> -> memref<1x128x128xf32, #tpu.memory_space<vmem>>
        %get3A_741 = tpu.memref_squeeze %get3A_740 : memref<1x128x128xf32, #tpu.memory_space<vmem>> -> memref<128x128xf32, #tpu.memory_space<vmem>>
        %get3A_742 = arith.index_cast %add3A_695 : i32 to index
        %get3A_743 = arith.constant 48 : index
        %get3A_744 = tpu.vector_load %get3A_741[%get3A_742, %get3A_743] {strides = array<i32>} : memref<128x128xf32, #tpu.memory_space<vmem>>, vector<16xf32>,
        %swap3A_745 = arith.constant 0 : i32
        %swap3A_746 = arith.constant 0 : i32
        %swap3A_747 = tpu.memref_slice %arg11[%scan3A_188, %swap3A_745, %swap3A_746] : memref<2x128x73xf32, #tpu.memory_space<vmem>> -> memref<1x128x73xf32, #tpu.memory_space<vmem>>
        %swap3A_748 = tpu.memref_squeeze %swap3A_747 : memref<1x128x73xf32, #tpu.memory_space<vmem>> -> memref<128x73xf32, #tpu.memory_space<vmem>>
        %swap3A_749 = arith.index_cast %add3A_695 : i32 to index
        %swap3A_750 = arith.constant 48 : index
        %swap3A_751 = tpu.vector_load %swap3A_748[%swap3A_749, %swap3A_750] {strides = array<i32>} : memref<128x73xf32, #tpu.memory_space<vmem>>, vector<16xf32>,
        tpu.vector_store %swap3A_748[%swap3A_749, %swap3A_750], %get3A_744 {strides = array<i32>} : memref<128x73xf32, #tpu.memory_space<vmem>>, vector<16xf32>,
        %add3A_752 = arith.constant 9 : i32
        %add3A_753 = arith.addi %mul3A_219, %add3A_752 : i32
        %get3A_754 = arith.constant 0 : i32
        %get3A_755 = arith.constant 0 : i32
        %get3A_756 = tpu.memref_slice %arg10[%scan3A_187, %get3A_754, %get3A_755] : memref<2x128x128xf32, #tpu.memory_space<vmem>> -> memref<1x128x128xf32, #tpu.memory_space<vmem>>
        %get3A_757 = tpu.memref_squeeze %get3A_756 : memref<1x128x128xf32, #tpu.memory_space<vmem>> -> memref<128x128xf32, #tpu.memory_space<vmem>>
        %get3A_758 = arith.index_cast %add3A_753 : i32 to index
        %get3A_759 = arith.constant 0 : index
        %get3A_760 = tpu.vector_load %get3A_757[%get3A_758, %get3A_759] {strides = array<i32>} : memref<128x128xf32, #tpu.memory_space<vmem>>, vector<16xf32>,
        %swap3A_761 = arith.constant 0 : i32
        %swap3A_762 = arith.constant 0 : i32
        %swap3A_763 = tpu.memref_slice %arg11[%scan3A_188, %swap3A_761, %swap3A_762] : memref<2x128x73xf32, #tpu.memory_space<vmem>> -> memref<1x128x73xf32, #tpu.memory_space<vmem>>
        %swap3A_764 = tpu.memref_squeeze %swap3A_763 : memref<1x128x73xf32, #tpu.memory_space<vmem>> -> memref<128x73xf32, #tpu.memory_space<vmem>>
        %swap3A_765 = arith.index_cast %add3A_753 : i32 to index
        %swap3A_766 = arith.constant 0 : index
        %swap3A_767 = tpu.vector_load %swap3A_764[%swap3A_765, %swap3A_766] {strides = array<i32>} : memref<128x73xf32, #tpu.memory_space<vmem>>, vector<16xf32>,
        tpu.vector_store %swap3A_764[%swap3A_765, %swap3A_766], %get3A_760 {strides = array<i32>} : memref<128x73xf32, #tpu.memory_space<vmem>>, vector<16xf32>,
        %get3A_768 = arith.constant 0 : i32
        %get3A_769 = arith.constant 0 : i32
        %get3A_770 = tpu.memref_slice %arg10[%scan3A_187, %get3A_768, %get3A_769] : memref<2x128x128xf32, #tpu.memory_space<vmem>> -> memref<1x128x128xf32, #tpu.memory_space<vmem>>
        %get3A_771 = tpu.memref_squeeze %get3A_770 : memref<1x128x128xf32, #tpu.memory_space<vmem>> -> memref<128x128xf32, #tpu.memory_space<vmem>>
        %get3A_772 = arith.index_cast %add3A_753 : i32 to index
        %get3A_773 = arith.constant 16 : index
        %get3A_774 = tpu.vector_load %get3A_771[%get3A_772, %get3A_773] {strides = array<i32>} : memref<128x128xf32, #tpu.memory_space<vmem>>, vector<16xf32>,
        %swap3A_775 = arith.constant 0 : i32
        %swap3A_776 = arith.constant 0 : i32
        %swap3A_777 = tpu.memref_slice %arg11[%scan3A_188, %swap3A_775, %swap3A_776] : memref<2x128x73xf32, #tpu.memory_space<vmem>> -> memref<1x128x73xf32, #tpu.memory_space<vmem>>
        %swap3A_778 = tpu.memref_squeeze %swap3A_777 : memref<1x128x73xf32, #tpu.memory_space<vmem>> -> memref<128x73xf32, #tpu.memory_space<vmem>>
        %swap3A_779 = arith.index_cast %add3A_753 : i32 to index
        %swap3A_780 = arith.constant 16 : index
        %swap3A_781 = tpu.vector_load %swap3A_778[%swap3A_779, %swap3A_780] {strides = array<i32>} : memref<128x73xf32, #tpu.memory_space<vmem>>, vector<16xf32>,
        tpu.vector_store %swap3A_778[%swap3A_779, %swap3A_780], %get3A_774 {strides = array<i32>} : memref<128x73xf32, #tpu.memory_space<vmem>>, vector<16xf32>,
        %get3A_782 = arith.constant 0 : i32
        %get3A_783 = arith.constant 0 : i32
        %get3A_784 = tpu.memref_slice %arg10[%scan3A_187, %get3A_782, %get3A_783] : memref<2x128x128xf32, #tpu.memory_space<vmem>> -> memref<1x128x128xf32, #tpu.memory_space<vmem>>
        %get3A_785 = tpu.memref_squeeze %get3A_784 : memref<1x128x128xf32, #tpu.memory_space<vmem>> -> memref<128x128xf32, #tpu.memory_space<vmem>>
        %get3A_786 = arith.index_cast %add3A_753 : i32 to index
        %get3A_787 = arith.constant 32 : index
        %get3A_788 = tpu.vector_load %get3A_785[%get3A_786, %get3A_787] {strides = array<i32>} : memref<128x128xf32, #tpu.memory_space<vmem>>, vector<16xf32>,
        %swap3A_789 = arith.constant 0 : i32
        %swap3A_790 = arith.constant 0 : i32
        %swap3A_791 = tpu.memref_slice %arg11[%scan3A_188, %swap3A_789, %swap3A_790] : memref<2x128x73xf32, #tpu.memory_space<vmem>> -> memref<1x128x73xf32, #tpu.memory_space<vmem>>
        %swap3A_792 = tpu.memref_squeeze %swap3A_791 : memref<1x128x73xf32, #tpu.memory_space<vmem>> -> memref<128x73xf32, #tpu.memory_space<vmem>>
        %swap3A_793 = arith.index_cast %add3A_753 : i32 to index
        %swap3A_794 = arith.constant 32 : index
        %swap3A_795 = tpu.vector_load %swap3A_792[%swap3A_793, %swap3A_794] {strides = array<i32>} : memref<128x73xf32, #tpu.memory_space<vmem>>, vector<16xf32>,
        tpu.vector_store %swap3A_792[%swap3A_793, %swap3A_794], %get3A_788 {strides = array<i32>} : memref<128x73xf32, #tpu.memory_space<vmem>>, vector<16xf32>,
        %get3A_796 = arith.constant 0 : i32
        %get3A_797 = arith.constant 0 : i32
        %get3A_798 = tpu.memref_slice %arg10[%scan3A_187, %get3A_796, %get3A_797] : memref<2x128x128xf32, #tpu.memory_space<vmem>> -> memref<1x128x128xf32, #tpu.memory_space<vmem>>
        %get3A_799 = tpu.memref_squeeze %get3A_798 : memref<1x128x128xf32, #tpu.memory_space<vmem>> -> memref<128x128xf32, #tpu.memory_space<vmem>>
        %get3A_800 = arith.index_cast %add3A_753 : i32 to index
        %get3A_801 = arith.constant 48 : index
        %get3A_802 = tpu.vector_load %get3A_799[%get3A_800, %get3A_801] {strides = array<i32>} : memref<128x128xf32, #tpu.memory_space<vmem>>, vector<16xf32>,
        %swap3A_803 = arith.constant 0 : i32
        %swap3A_804 = arith.constant 0 : i32
        %swap3A_805 = tpu.memref_slice %arg11[%scan3A_188, %swap3A_803, %swap3A_804] : memref<2x128x73xf32, #tpu.memory_space<vmem>> -> memref<1x128x73xf32, #tpu.memory_space<vmem>>
        %swap3A_806 = tpu.memref_squeeze %swap3A_805 : memref<1x128x73xf32, #tpu.memory_space<vmem>> -> memref<128x73xf32, #tpu.memory_space<vmem>>
        %swap3A_807 = arith.index_cast %add3A_753 : i32 to index
        %swap3A_808 = arith.constant 48 : index
        %swap3A_809 = tpu.vector_load %swap3A_806[%swap3A_807, %swap3A_808] {strides = array<i32>} : memref<128x73xf32, #tpu.memory_space<vmem>>, vector<16xf32>,
        tpu.vector_store %swap3A_806[%swap3A_807, %swap3A_808], %get3A_802 {strides = array<i32>} : memref<128x73xf32, #tpu.memory_space<vmem>>, vector<16xf32>,
        %add3A_810 = arith.constant 10 : i32
        %add3A_811 = arith.addi %mul3A_219, %add3A_810 : i32
        %get3A_812 = arith.constant 0 : i32
        %get3A_813 = arith.constant 0 : i32
        %get3A_814 = tpu.memref_slice %arg10[%scan3A_187, %get3A_812, %get3A_813] : memref<2x128x128xf32, #tpu.memory_space<vmem>> -> memref<1x128x128xf32, #tpu.memory_space<vmem>>
        %get3A_815 = tpu.memref_squeeze %get3A_814 : memref<1x128x128xf32, #tpu.memory_space<vmem>> -> memref<128x128xf32, #tpu.memory_space<vmem>>
        %get3A_816 = arith.index_cast %add3A_811 : i32 to index
        %get3A_817 = arith.constant 0 : index
        %get3A_818 = tpu.vector_load %get3A_815[%get3A_816, %get3A_817] {strides = array<i32>} : memref<128x128xf32, #tpu.memory_space<vmem>>, vector<16xf32>,
        %swap3A_819 = arith.constant 0 : i32
        %swap3A_820 = arith.constant 0 : i32
        %swap3A_821 = tpu.memref_slice %arg11[%scan3A_188, %swap3A_819, %swap3A_820] : memref<2x128x73xf32, #tpu.memory_space<vmem>> -> memref<1x128x73xf32, #tpu.memory_space<vmem>>
        %swap3A_822 = tpu.memref_squeeze %swap3A_821 : memref<1x128x73xf32, #tpu.memory_space<vmem>> -> memref<128x73xf32, #tpu.memory_space<vmem>>
        %swap3A_823 = arith.index_cast %add3A_811 : i32 to index
        %swap3A_824 = arith.constant 0 : index
        %swap3A_825 = tpu.vector_load %swap3A_822[%swap3A_823, %swap3A_824] {strides = array<i32>} : memref<128x73xf32, #tpu.memory_space<vmem>>, vector<16xf32>,
        tpu.vector_store %swap3A_822[%swap3A_823, %swap3A_824], %get3A_818 {strides = array<i32>} : memref<128x73xf32, #tpu.memory_space<vmem>>, vector<16xf32>,
        %get3A_826 = arith.constant 0 : i32
        %get3A_827 = arith.constant 0 : i32
        %get3A_828 = tpu.memref_slice %arg10[%scan3A_187, %get3A_826, %get3A_827] : memref<2x128x128xf32, #tpu.memory_space<vmem>> -> memref<1x128x128xf32, #tpu.memory_space<vmem>>
        %get3A_829 = tpu.memref_squeeze %get3A_828 : memref<1x128x128xf32, #tpu.memory_space<vmem>> -> memref<128x128xf32, #tpu.memory_space<vmem>>
        %get3A_830 = arith.index_cast %add3A_811 : i32 to index
        %get3A_831 = arith.constant 16 : index
        %get3A_832 = tpu.vector_load %get3A_829[%get3A_830, %get3A_831] {strides = array<i32>} : memref<128x128xf32, #tpu.memory_space<vmem>>, vector<16xf32>,
        %swap3A_833 = arith.constant 0 : i32
        %swap3A_834 = arith.constant 0 : i32
        %swap3A_835 = tpu.memref_slice %arg11[%scan3A_188, %swap3A_833, %swap3A_834] : memref<2x128x73xf32, #tpu.memory_space<vmem>> -> memref<1x128x73xf32, #tpu.memory_space<vmem>>
        %swap3A_836 = tpu.memref_squeeze %swap3A_835 : memref<1x128x73xf32, #tpu.memory_space<vmem>> -> memref<128x73xf32, #tpu.memory_space<vmem>>
        %swap3A_837 = arith.index_cast %add3A_811 : i32 to index
        %swap3A_838 = arith.constant 16 : index
        %swap3A_839 = tpu.vector_load %swap3A_836[%swap3A_837, %swap3A_838] {strides = array<i32>} : memref<128x73xf32, #tpu.memory_space<vmem>>, vector<16xf32>,
        tpu.vector_store %swap3A_836[%swap3A_837, %swap3A_838], %get3A_832 {strides = array<i32>} : memref<128x73xf32, #tpu.memory_space<vmem>>, vector<16xf32>,
        %get3A_840 = arith.constant 0 : i32
        %get3A_841 = arith.constant 0 : i32
        %get3A_842 = tpu.memref_slice %arg10[%scan3A_187, %get3A_840, %get3A_841] : memref<2x128x128xf32, #tpu.memory_space<vmem>> -> memref<1x128x128xf32, #tpu.memory_space<vmem>>
        %get3A_843 = tpu.memref_squeeze %get3A_842 : memref<1x128x128xf32, #tpu.memory_space<vmem>> -> memref<128x128xf32, #tpu.memory_space<vmem>>
        %get3A_844 = arith.index_cast %add3A_811 : i32 to index
        %get3A_845 = arith.constant 32 : index
        %get3A_846 = tpu.vector_load %get3A_843[%get3A_844, %get3A_845] {strides = array<i32>} : memref<128x128xf32, #tpu.memory_space<vmem>>, vector<16xf32>,
        %swap3A_847 = arith.constant 0 : i32
        %swap3A_848 = arith.constant 0 : i32
        %swap3A_849 = tpu.memref_slice %arg11[%scan3A_188, %swap3A_847, %swap3A_848] : memref<2x128x73xf32, #tpu.memory_space<vmem>> -> memref<1x128x73xf32, #tpu.memory_space<vmem>>
        %swap3A_850 = tpu.memref_squeeze %swap3A_849 : memref<1x128x73xf32, #tpu.memory_space<vmem>> -> memref<128x73xf32, #tpu.memory_space<vmem>>
        %swap3A_851 = arith.index_cast %add3A_811 : i32 to index
        %swap3A_852 = arith.constant 32 : index
        %swap3A_853 = tpu.vector_load %swap3A_850[%swap3A_851, %swap3A_852] {strides = array<i32>} : memref<128x73xf32, #tpu.memory_space<vmem>>, vector<16xf32>,
        tpu.vector_store %swap3A_850[%swap3A_851, %swap3A_852], %get3A_846 {strides = array<i32>} : memref<128x73xf32, #tpu.memory_space<vmem>>, vector<16xf32>,
        %get3A_854 = arith.constant 0 : i32
        %get3A_855 = arith.constant 0 : i32
        %get3A_856 = tpu.memref_slice %arg10[%scan3A_187, %get3A_854, %get3A_855] : memref<2x128x128xf32, #tpu.memory_space<vmem>> -> memref<1x128x128xf32, #tpu.memory_space<vmem>>
        %get3A_857 = tpu.memref_squeeze %get3A_856 : memref<1x128x128xf32, #tpu.memory_space<vmem>> -> memref<128x128xf32, #tpu.memory_space<vmem>>
        %get3A_858 = arith.index_cast %add3A_811 : i32 to index
        %get3A_859 = arith.constant 48 : index
        %get3A_860 = tpu.vector_load %get3A_857[%get3A_858, %get3A_859] {strides = array<i32>} : memref<128x128xf32, #tpu.memory_space<vmem>>, vector<16xf32>,
        %swap3A_861 = arith.constant 0 : i32
        %swap3A_862 = arith.constant 0 : i32
        %swap3A_863 = tpu.memref_slice %arg11[%scan3A_188, %swap3A_861, %swap3A_862] : memref<2x128x73xf32, #tpu.memory_space<vmem>> -> memref<1x128x73xf32, #tpu.memory_space<vmem>>
        %swap3A_864 = tpu.memref_squeeze %swap3A_863 : memref<1x128x73xf32, #tpu.memory_space<vmem>> -> memref<128x73xf32, #tpu.memory_space<vmem>>
        %swap3A_865 = arith.index_cast %add3A_811 : i32 to index
        %swap3A_866 = arith.constant 48 : index
        %swap3A_867 = tpu.vector_load %swap3A_864[%swap3A_865, %swap3A_866] {strides = array<i32>} : memref<128x73xf32, #tpu.memory_space<vmem>>, vector<16xf32>,
        tpu.vector_store %swap3A_864[%swap3A_865, %swap3A_866], %get3A_860 {strides = array<i32>} : memref<128x73xf32, #tpu.memory_space<vmem>>, vector<16xf32>,
        %add3A_868 = arith.constant 11 : i32
        %add3A_869 = arith.addi %mul3A_219, %add3A_868 : i32
        %get3A_870 = arith.constant 0 : i32
        %get3A_871 = arith.constant 0 : i32
        %get3A_872 = tpu.memref_slice %arg10[%scan3A_187, %get3A_870, %get3A_871] : memref<2x128x128xf32, #tpu.memory_space<vmem>> -> memref<1x128x128xf32, #tpu.memory_space<vmem>>
        %get3A_873 = tpu.memref_squeeze %get3A_872 : memref<1x128x128xf32, #tpu.memory_space<vmem>> -> memref<128x128xf32, #tpu.memory_space<vmem>>
        %get3A_874 = arith.index_cast %add3A_869 : i32 to index
        %get3A_875 = arith.constant 0 : index
        %get3A_876 = tpu.vector_load %get3A_873[%get3A_874, %get3A_875] {strides = array<i32>} : memref<128x128xf32, #tpu.memory_space<vmem>>, vector<16xf32>,
        %swap3A_877 = arith.constant 0 : i32
        %swap3A_878 = arith.constant 0 : i32
        %swap3A_879 = tpu.memref_slice %arg11[%scan3A_188, %swap3A_877, %swap3A_878] : memref<2x128x73xf32, #tpu.memory_space<vmem>> -> memref<1x128x73xf32, #tpu.memory_space<vmem>>
        %swap3A_880 = tpu.memref_squeeze %swap3A_879 : memref<1x128x73xf32, #tpu.memory_space<vmem>> -> memref<128x73xf32, #tpu.memory_space<vmem>>
        %swap3A_881 = arith.index_cast %add3A_869 : i32 to index
        %swap3A_882 = arith.constant 0 : index
        %swap3A_883 = tpu.vector_load %swap3A_880[%swap3A_881, %swap3A_882] {strides = array<i32>} : memref<128x73xf32, #tpu.memory_space<vmem>>, vector<16xf32>,
        tpu.vector_store %swap3A_880[%swap3A_881, %swap3A_882], %get3A_876 {strides = array<i32>} : memref<128x73xf32, #tpu.memory_space<vmem>>, vector<16xf32>,
        %get3A_884 = arith.constant 0 : i32
        %get3A_885 = arith.constant 0 : i32
        %get3A_886 = tpu.memref_slice %arg10[%scan3A_187, %get3A_884, %get3A_885] : memref<2x128x128xf32, #tpu.memory_space<vmem>> -> memref<1x128x128xf32, #tpu.memory_space<vmem>>
        %get3A_887 = tpu.memref_squeeze %get3A_886 : memref<1x128x128xf32, #tpu.memory_space<vmem>> -> memref<128x128xf32, #tpu.memory_space<vmem>>
        %get3A_888 = arith.index_cast %add3A_869 : i32 to index
        %get3A_889 = arith.constant 16 : index
        %get3A_890 = tpu.vector_load %get3A_887[%get3A_888, %get3A_889] {strides = array<i32>} : memref<128x128xf32, #tpu.memory_space<vmem>>, vector<16xf32>,
        %swap3A_891 = arith.constant 0 : i32
        %swap3A_892 = arith.constant 0 : i32
        %swap3A_893 = tpu.memref_slice %arg11[%scan3A_188, %swap3A_891, %swap3A_892] : memref<2x128x73xf32, #tpu.memory_space<vmem>> -> memref<1x128x73xf32, #tpu.memory_space<vmem>>
        %swap3A_894 = tpu.memref_squeeze %swap3A_893 : memref<1x128x73xf32, #tpu.memory_space<vmem>> -> memref<128x73xf32, #tpu.memory_space<vmem>>
        %swap3A_895 = arith.index_cast %add3A_869 : i32 to index
        %swap3A_896 = arith.constant 16 : index
        %swap3A_897 = tpu.vector_load %swap3A_894[%swap3A_895, %swap3A_896] {strides = array<i32>} : memref<128x73xf32, #tpu.memory_space<vmem>>, vector<16xf32>,
        tpu.vector_store %swap3A_894[%swap3A_895, %swap3A_896], %get3A_890 {strides = array<i32>} : memref<128x73xf32, #tpu.memory_space<vmem>>, vector<16xf32>,
        %get3A_898 = arith.constant 0 : i32
        %get3A_899 = arith.constant 0 : i32
        %get3A_900 = tpu.memref_slice %arg10[%scan3A_187, %get3A_898, %get3A_899] : memref<2x128x128xf32, #tpu.memory_space<vmem>> -> memref<1x128x128xf32, #tpu.memory_space<vmem>>
        %get3A_901 = tpu.memref_squeeze %get3A_900 : memref<1x128x128xf32, #tpu.memory_space<vmem>> -> memref<128x128xf32, #tpu.memory_space<vmem>>
        %get3A_902 = arith.index_cast %add3A_869 : i32 to index
        %get3A_903 = arith.constant 32 : index
        %get3A_904 = tpu.vector_load %get3A_901[%get3A_902, %get3A_903] {strides = array<i32>} : memref<128x128xf32, #tpu.memory_space<vmem>>, vector<16xf32>,
        %swap3A_905 = arith.constant 0 : i32
        %swap3A_906 = arith.constant 0 : i32
        %swap3A_907 = tpu.memref_slice %arg11[%scan3A_188, %swap3A_905, %swap3A_906] : memref<2x128x73xf32, #tpu.memory_space<vmem>> -> memref<1x128x73xf32, #tpu.memory_space<vmem>>
        %swap3A_908 = tpu.memref_squeeze %swap3A_907 : memref<1x128x73xf32, #tpu.memory_space<vmem>> -> memref<128x73xf32, #tpu.memory_space<vmem>>
        %swap3A_909 = arith.index_cast %add3A_869 : i32 to index
        %swap3A_910 = arith.constant 32 : index
        %swap3A_911 = tpu.vector_load %swap3A_908[%swap3A_909, %swap3A_910] {strides = array<i32>} : memref<128x73xf32, #tpu.memory_space<vmem>>, vector<16xf32>,
        tpu.vector_store %swap3A_908[%swap3A_909, %swap3A_910], %get3A_904 {strides = array<i32>} : memref<128x73xf32, #tpu.memory_space<vmem>>, vector<16xf32>,
        %get3A_912 = arith.constant 0 : i32
        %get3A_913 = arith.constant 0 : i32
        %get3A_914 = tpu.memref_slice %arg10[%scan3A_187, %get3A_912, %get3A_913] : memref<2x128x128xf32, #tpu.memory_space<vmem>> -> memref<1x128x128xf32, #tpu.memory_space<vmem>>
        %get3A_915 = tpu.memref_squeeze %get3A_914 : memref<1x128x128xf32, #tpu.memory_space<vmem>> -> memref<128x128xf32, #tpu.memory_space<vmem>>
        %get3A_916 = arith.index_cast %add3A_869 : i32 to index
        %get3A_917 = arith.constant 48 : index
        %get3A_918 = tpu.vector_load %get3A_915[%get3A_916, %get3A_917] {strides = array<i32>} : memref<128x128xf32, #tpu.memory_space<vmem>>, vector<16xf32>,
        %swap3A_919 = arith.constant 0 : i32
        %swap3A_920 = arith.constant 0 : i32
        %swap3A_921 = tpu.memref_slice %arg11[%scan3A_188, %swap3A_919, %swap3A_920] : memref<2x128x73xf32, #tpu.memory_space<vmem>> -> memref<1x128x73xf32, #tpu.memory_space<vmem>>
        %swap3A_922 = tpu.memref_squeeze %swap3A_921 : memref<1x128x73xf32, #tpu.memory_space<vmem>> -> memref<128x73xf32, #tpu.memory_space<vmem>>
        %swap3A_923 = arith.index_cast %add3A_869 : i32 to index
        %swap3A_924 = arith.constant 48 : index
        %swap3A_925 = tpu.vector_load %swap3A_922[%swap3A_923, %swap3A_924] {strides = array<i32>} : memref<128x73xf32, #tpu.memory_space<vmem>>, vector<16xf32>,
        tpu.vector_store %swap3A_922[%swap3A_923, %swap3A_924], %get3A_918 {strides = array<i32>} : memref<128x73xf32, #tpu.memory_space<vmem>>, vector<16xf32>,
        %add3A_926 = arith.constant 12 : i32
        %add3A_927 = arith.addi %mul3A_219, %add3A_926 : i32
        %get3A_928 = arith.constant 0 : i32
        %get3A_929 = arith.constant 0 : i32
        %get3A_930 = tpu.memref_slice %arg10[%scan3A_187, %get3A_928, %get3A_929] : memref<2x128x128xf32, #tpu.memory_space<vmem>> -> memref<1x128x128xf32, #tpu.memory_space<vmem>>
        %get3A_931 = tpu.memref_squeeze %get3A_930 : memref<1x128x128xf32, #tpu.memory_space<vmem>> -> memref<128x128xf32, #tpu.memory_space<vmem>>
        %get3A_932 = arith.index_cast %add3A_927 : i32 to index
        %get3A_933 = arith.constant 0 : index
        %get3A_934 = tpu.vector_load %get3A_931[%get3A_932, %get3A_933] {strides = array<i32>} : memref<128x128xf32, #tpu.memory_space<vmem>>, vector<16xf32>,
        %swap3A_935 = arith.constant 0 : i32
        %swap3A_936 = arith.constant 0 : i32
        %swap3A_937 = tpu.memref_slice %arg11[%scan3A_188, %swap3A_935, %swap3A_936] : memref<2x128x73xf32, #tpu.memory_space<vmem>> -> memref<1x128x73xf32, #tpu.memory_space<vmem>>
        %swap3A_938 = tpu.memref_squeeze %swap3A_937 : memref<1x128x73xf32, #tpu.memory_space<vmem>> -> memref<128x73xf32, #tpu.memory_space<vmem>>
        %swap3A_939 = arith.index_cast %add3A_927 : i32 to index
        %swap3A_940 = arith.constant 0 : index
        %swap3A_941 = tpu.vector_load %swap3A_938[%swap3A_939, %swap3A_940] {strides = array<i32>} : memref<128x73xf32, #tpu.memory_space<vmem>>, vector<16xf32>,
        tpu.vector_store %swap3A_938[%swap3A_939, %swap3A_940], %get3A_934 {strides = array<i32>} : memref<128x73xf32, #tpu.memory_space<vmem>>, vector<16xf32>,
        %get3A_942 = arith.constant 0 : i32
        %get3A_943 = arith.constant 0 : i32
        %get3A_944 = tpu.memref_slice %arg10[%scan3A_187, %get3A_942, %get3A_943] : memref<2x128x128xf32, #tpu.memory_space<vmem>> -> memref<1x128x128xf32, #tpu.memory_space<vmem>>
        %get3A_945 = tpu.memref_squeeze %get3A_944 : memref<1x128x128xf32, #tpu.memory_space<vmem>> -> memref<128x128xf32, #tpu.memory_space<vmem>>
        %get3A_946 = arith.index_cast %add3A_927 : i32 to index
        %get3A_947 = arith.constant 16 : index
        %get3A_948 = tpu.vector_load %get3A_945[%get3A_946, %get3A_947] {strides = array<i32>} : memref<128x128xf32, #tpu.memory_space<vmem>>, vector<16xf32>,
        %swap3A_949 = arith.constant 0 : i32
        %swap3A_950 = arith.constant 0 : i32
        %swap3A_951 = tpu.memref_slice %arg11[%scan3A_188, %swap3A_949, %swap3A_950] : memref<2x128x73xf32, #tpu.memory_space<vmem>> -> memref<1x128x73xf32, #tpu.memory_space<vmem>>
        %swap3A_952 = tpu.memref_squeeze %swap3A_951 : memref<1x128x73xf32, #tpu.memory_space<vmem>> -> memref<128x73xf32, #tpu.memory_space<vmem>>
        %swap3A_953 = arith.index_cast %add3A_927 : i32 to index
        %swap3A_954 = arith.constant 16 : index
        %swap3A_955 = tpu.vector_load %swap3A_952[%swap3A_953, %swap3A_954] {strides = array<i32>} : memref<128x73xf32, #tpu.memory_space<vmem>>, vector<16xf32>,
        tpu.vector_store %swap3A_952[%swap3A_953, %swap3A_954], %get3A_948 {strides = array<i32>} : memref<128x73xf32, #tpu.memory_space<vmem>>, vector<16xf32>,
        %get3A_956 = arith.constant 0 : i32
        %get3A_957 = arith.constant 0 : i32
        %get3A_958 = tpu.memref_slice %arg10[%scan3A_187, %get3A_956, %get3A_957] : memref<2x128x128xf32, #tpu.memory_space<vmem>> -> memref<1x128x128xf32, #tpu.memory_space<vmem>>
        %get3A_959 = tpu.memref_squeeze %get3A_958 : memref<1x128x128xf32, #tpu.memory_space<vmem>> -> memref<128x128xf32, #tpu.memory_space<vmem>>
        %get3A_960 = arith.index_cast %add3A_927 : i32 to index
        %get3A_961 = arith.constant 32 : index
        %get3A_962 = tpu.vector_load %get3A_959[%get3A_960, %get3A_961] {strides = array<i32>} : memref<128x128xf32, #tpu.memory_space<vmem>>, vector<16xf32>,
        %swap3A_963 = arith.constant 0 : i32
        %swap3A_964 = arith.constant 0 : i32
        %swap3A_965 = tpu.memref_slice %arg11[%scan3A_188, %swap3A_963, %swap3A_964] : memref<2x128x73xf32, #tpu.memory_space<vmem>> -> memref<1x128x73xf32, #tpu.memory_space<vmem>>
        %swap3A_966 = tpu.memref_squeeze %swap3A_965 : memref<1x128x73xf32, #tpu.memory_space<vmem>> -> memref<128x73xf32, #tpu.memory_space<vmem>>
        %swap3A_967 = arith.index_cast %add3A_927 : i32 to index
        %swap3A_968 = arith.constant 32 : index
        %swap3A_969 = tpu.vector_load %swap3A_966[%swap3A_967, %swap3A_968] {strides = array<i32>} : memref<128x73xf32, #tpu.memory_space<vmem>>, vector<16xf32>,
        tpu.vector_store %swap3A_966[%swap3A_967, %swap3A_968], %get3A_962 {strides = array<i32>} : memref<128x73xf32, #tpu.memory_space<vmem>>, vector<16xf32>,
        %get3A_970 = arith.constant 0 : i32
        %get3A_971 = arith.constant 0 : i32
        %get3A_972 = tpu.memref_slice %arg10[%scan3A_187, %get3A_970, %get3A_971] : memref<2x128x128xf32, #tpu.memory_space<vmem>> -> memref<1x128x128xf32, #tpu.memory_space<vmem>>
        %get3A_973 = tpu.memref_squeeze %get3A_972 : memref<1x128x128xf32, #tpu.memory_space<vmem>> -> memref<128x128xf32, #tpu.memory_space<vmem>>
        %get3A_974 = arith.index_cast %add3A_927 : i32 to index
        %get3A_975 = arith.constant 48 : index
        %get3A_976 = tpu.vector_load %get3A_973[%get3A_974, %get3A_975] {strides = array<i32>} : memref<128x128xf32, #tpu.memory_space<vmem>>, vector<16xf32>,
        %swap3A_977 = arith.constant 0 : i32
        %swap3A_978 = arith.constant 0 : i32
        %swap3A_979 = tpu.memref_slice %arg11[%scan3A_188, %swap3A_977, %swap3A_978] : memref<2x128x73xf32, #tpu.memory_space<vmem>> -> memref<1x128x73xf32, #tpu.memory_space<vmem>>
        %swap3A_980 = tpu.memref_squeeze %swap3A_979 : memref<1x128x73xf32, #tpu.memory_space<vmem>> -> memref<128x73xf32, #tpu.memory_space<vmem>>
        %swap3A_981 = arith.index_cast %add3A_927 : i32 to index
        %swap3A_982 = arith.constant 48 : index
        %swap3A_983 = tpu.vector_load %swap3A_980[%swap3A_981, %swap3A_982] {strides = array<i32>} : memref<128x73xf32, #tpu.memory_space<vmem>>, vector<16xf32>,
        tpu.vector_store %swap3A_980[%swap3A_981, %swap3A_982], %get3A_976 {strides = array<i32>} : memref<128x73xf32, #tpu.memory_space<vmem>>, vector<16xf32>,
        %add3A_984 = arith.constant 13 : i32
        %add3A_985 = arith.addi %mul3A_219, %add3A_984 : i32
        %get3A_986 = arith.constant 0 : i32
        %get3A_987 = arith.constant 0 : i32
        %get3A_988 = tpu.memref_slice %arg10[%scan3A_187, %get3A_986, %get3A_987] : memref<2x128x128xf32, #tpu.memory_space<vmem>> -> memref<1x128x128xf32, #tpu.memory_space<vmem>>
        %get3A_989 = tpu.memref_squeeze %get3A_988 : memref<1x128x128xf32, #tpu.memory_space<vmem>> -> memref<128x128xf32, #tpu.memory_space<vmem>>
        %get3A_990 = arith.index_cast %add3A_985 : i32 to index
        %get3A_991 = arith.constant 0 : index
        %get3A_992 = tpu.vector_load %get3A_989[%get3A_990, %get3A_991] {strides = array<i32>} : memref<128x128xf32, #tpu.memory_space<vmem>>, vector<16xf32>,
        %swap3A_993 = arith.constant 0 : i32
        %swap3A_994 = arith.constant 0 : i32
        %swap3A_995 = tpu.memref_slice %arg11[%scan3A_188, %swap3A_993, %swap3A_994] : memref<2x128x73xf32, #tpu.memory_space<vmem>> -> memref<1x128x73xf32, #tpu.memory_space<vmem>>
        %swap3A_996 = tpu.memref_squeeze %swap3A_995 : memref<1x128x73xf32, #tpu.memory_space<vmem>> -> memref<128x73xf32, #tpu.memory_space<vmem>>
        %swap3A_997 = arith.index_cast %add3A_985 : i32 to index
        %swap3A_998 = arith.constant 0 : index
        %swap3A_999 = tpu.vector_load %swap3A_996[%swap3A_997, %swap3A_998] {strides = array<i32>} : memref<128x73xf32, #tpu.memory_space<vmem>>, vector<16xf32>,
        tpu.vector_store %swap3A_996[%swap3A_997, %swap3A_998], %get3A_992 {strides = array<i32>} : memref<128x73xf32, #tpu.memory_space<vmem>>, vector<16xf32>,
        %get3A_1000 = arith.constant 0 : i32
        %get3A_1001 = arith.constant 0 : i32
        %get3A_1002 = tpu.memref_slice %arg10[%scan3A_187, %get3A_1000, %get3A_1001] : memref<2x128x128xf32, #tpu.memory_space<vmem>> -> memref<1x128x128xf32, #tpu.memory_space<vmem>>
        %get3A_1003 = tpu.memref_squeeze %get3A_1002 : memref<1x128x128xf32, #tpu.memory_space<vmem>> -> memref<128x128xf32, #tpu.memory_space<vmem>>
        %get3A_1004 = arith.index_cast %add3A_985 : i32 to index
        %get3A_1005 = arith.constant 16 : index
        %get3A_1006 = tpu.vector_load %get3A_1003[%get3A_1004, %get3A_1005] {strides = array<i32>} : memref<128x128xf32, #tpu.memory_space<vmem>>, vector<16xf32>,
        %swap3A_1007 = arith.constant 0 : i32
        %swap3A_1008 = arith.constant 0 : i32
        %swap3A_1009 = tpu.memref_slice %arg11[%scan3A_188, %swap3A_1007, %swap3A_1008] : memref<2x128x73xf32, #tpu.memory_space<vmem>> -> memref<1x128x73xf32, #tpu.memory_space<vmem>>
        %swap3A_1010 = tpu.memref_squeeze %swap3A_1009 : memref<1x128x73xf32, #tpu.memory_space<vmem>> -> memref<128x73xf32, #tpu.memory_space<vmem>>
        %swap3A_1011 = arith.index_cast %add3A_985 : i32 to index
        %swap3A_1012 = arith.constant 16 : index
        %swap3A_1013 = tpu.vector_load %swap3A_1010[%swap3A_1011, %swap3A_1012] {strides = array<i32>} : memref<128x73xf32, #tpu.memory_space<vmem>>, vector<16xf32>,
        tpu.vector_store %swap3A_1010[%swap3A_1011, %swap3A_1012], %get3A_1006 {strides = array<i32>} : memref<128x73xf32, #tpu.memory_space<vmem>>, vector<16xf32>,
        %get3A_1014 = arith.constant 0 : i32
        %get3A_1015 = arith.constant 0 : i32
        %get3A_1016 = tpu.memref_slice %arg10[%scan3A_187, %get3A_1014, %get3A_1015] : memref<2x128x128xf32, #tpu.memory_space<vmem>> -> memref<1x128x128xf32, #tpu.memory_space<vmem>>
        %get3A_1017 = tpu.memref_squeeze %get3A_1016 : memref<1x128x128xf32, #tpu.memory_space<vmem>> -> memref<128x128xf32, #tpu.memory_space<vmem>>
        %get3A_1018 = arith.index_cast %add3A_985 : i32 to index
        %get3A_1019 = arith.constant 32 : index
        %get3A_1020 = tpu.vector_load %get3A_1017[%get3A_1018, %get3A_1019] {strides = array<i32>} : memref<128x128xf32, #tpu.memory_space<vmem>>, vector<16xf32>,
        %swap3A_1021 = arith.constant 0 : i32
        %swap3A_1022 = arith.constant 0 : i32
        %swap3A_1023 = tpu.memref_slice %arg11[%scan3A_188, %swap3A_1021, %swap3A_1022] : memref<2x128x73xf32, #tpu.memory_space<vmem>> -> memref<1x128x73xf32, #tpu.memory_space<vmem>>
        %swap3A_1024 = tpu.memref_squeeze %swap3A_1023 : memref<1x128x73xf32, #tpu.memory_space<vmem>> -> memref<128x73xf32, #tpu.memory_space<vmem>>
        %swap3A_1025 = arith.index_cast %add3A_985 : i32 to index
        %swap3A_1026 = arith.constant 32 : index
        %swap3A_1027 = tpu.vector_load %swap3A_1024[%swap3A_1025, %swap3A_1026] {strides = array<i32>} : memref<128x73xf32, #tpu.memory_space<vmem>>, vector<16xf32>,
        tpu.vector_store %swap3A_1024[%swap3A_1025, %swap3A_1026], %get3A_1020 {strides = array<i32>} : memref<128x73xf32, #tpu.memory_space<vmem>>, vector<16xf32>,
        %get3A_1028 = arith.constant 0 : i32
        %get3A_1029 = arith.constant 0 : i32
        %get3A_1030 = tpu.memref_slice %arg10[%scan3A_187, %get3A_1028, %get3A_1029] : memref<2x128x128xf32, #tpu.memory_space<vmem>> -> memref<1x128x128xf32, #tpu.memory_space<vmem>>
        %get3A_1031 = tpu.memref_squeeze %get3A_1030 : memref<1x128x128xf32, #tpu.memory_space<vmem>> -> memref<128x128xf32, #tpu.memory_space<vmem>>
        %get3A_1032 = arith.index_cast %add3A_985 : i32 to index
        %get3A_1033 = arith.constant 48 : index
        %get3A_1034 = tpu.vector_load %get3A_1031[%get3A_1032, %get3A_1033] {strides = array<i32>} : memref<128x128xf32, #tpu.memory_space<vmem>>, vector<16xf32>,
        %swap3A_1035 = arith.constant 0 : i32
        %swap3A_1036 = arith.constant 0 : i32
        %swap3A_1037 = tpu.memref_slice %arg11[%scan3A_188, %swap3A_1035, %swap3A_1036] : memref<2x128x73xf32, #tpu.memory_space<vmem>> -> memref<1x128x73xf32, #tpu.memory_space<vmem>>
        %swap3A_1038 = tpu.memref_squeeze %swap3A_1037 : memref<1x128x73xf32, #tpu.memory_space<vmem>> -> memref<128x73xf32, #tpu.memory_space<vmem>>
        %swap3A_1039 = arith.index_cast %add3A_985 : i32 to index
        %swap3A_1040 = arith.constant 48 : index
        %swap3A_1041 = tpu.vector_load %swap3A_1038[%swap3A_1039, %swap3A_1040] {strides = array<i32>} : memref<128x73xf32, #tpu.memory_space<vmem>>, vector<16xf32>,
        tpu.vector_store %swap3A_1038[%swap3A_1039, %swap3A_1040], %get3A_1034 {strides = array<i32>} : memref<128x73xf32, #tpu.memory_space<vmem>>, vector<16xf32>,
        %add3A_1042 = arith.constant 14 : i32
        %add3A_1043 = arith.addi %mul3A_219, %add3A_1042 : i32
        %get3A_1044 = arith.constant 0 : i32
        %get3A_1045 = arith.constant 0 : i32
        %get3A_1046 = tpu.memref_slice %arg10[%scan3A_187, %get3A_1044, %get3A_1045] : memref<2x128x128xf32, #tpu.memory_space<vmem>> -> memref<1x128x128xf32, #tpu.memory_space<vmem>>
        %get3A_1047 = tpu.memref_squeeze %get3A_1046 : memref<1x128x128xf32, #tpu.memory_space<vmem>> -> memref<128x128xf32, #tpu.memory_space<vmem>>
        %get3A_1048 = arith.index_cast %add3A_1043 : i32 to index
        %get3A_1049 = arith.constant 0 : index
        %get3A_1050 = tpu.vector_load %get3A_1047[%get3A_1048, %get3A_1049] {strides = array<i32>} : memref<128x128xf32, #tpu.memory_space<vmem>>, vector<16xf32>,
        %swap3A_1051 = arith.constant 0 : i32
        %swap3A_1052 = arith.constant 0 : i32
        %swap3A_1053 = tpu.memref_slice %arg11[%scan3A_188, %swap3A_1051, %swap3A_1052] : memref<2x128x73xf32, #tpu.memory_space<vmem>> -> memref<1x128x73xf32, #tpu.memory_space<vmem>>
        %swap3A_1054 = tpu.memref_squeeze %swap3A_1053 : memref<1x128x73xf32, #tpu.memory_space<vmem>> -> memref<128x73xf32, #tpu.memory_space<vmem>>
        %swap3A_1055 = arith.index_cast %add3A_1043 : i32 to index
        %swap3A_1056 = arith.constant 0 : index
        %swap3A_1057 = tpu.vector_load %swap3A_1054[%swap3A_1055, %swap3A_1056] {strides = array<i32>} : memref<128x73xf32, #tpu.memory_space<vmem>>, vector<16xf32>,
        tpu.vector_store %swap3A_1054[%swap3A_1055, %swap3A_1056], %get3A_1050 {strides = array<i32>} : memref<128x73xf32, #tpu.memory_space<vmem>>, vector<16xf32>,
        %get3A_1058 = arith.constant 0 : i32
        %get3A_1059 = arith.constant 0 : i32
        %get3A_1060 = tpu.memref_slice %arg10[%scan3A_187, %get3A_1058, %get3A_1059] : memref<2x128x128xf32, #tpu.memory_space<vmem>> -> memref<1x128x128xf32, #tpu.memory_space<vmem>>
        %get3A_1061 = tpu.memref_squeeze %get3A_1060 : memref<1x128x128xf32, #tpu.memory_space<vmem>> -> memref<128x128xf32, #tpu.memory_space<vmem>>
        %get3A_1062 = arith.index_cast %add3A_1043 : i32 to index
        %get3A_1063 = arith.constant 16 : index
        %get3A_1064 = tpu.vector_load %get3A_1061[%get3A_1062, %get3A_1063] {strides = array<i32>} : memref<128x128xf32, #tpu.memory_space<vmem>>, vector<16xf32>,
        %swap3A_1065 = arith.constant 0 : i32
        %swap3A_1066 = arith.constant 0 : i32
        %swap3A_1067 = tpu.memref_slice %arg11[%scan3A_188, %swap3A_1065, %swap3A_1066] : memref<2x128x73xf32, #tpu.memory_space<vmem>> -> memref<1x128x73xf32, #tpu.memory_space<vmem>>
        %swap3A_1068 = tpu.memref_squeeze %swap3A_1067 : memref<1x128x73xf32, #tpu.memory_space<vmem>> -> memref<128x73xf32, #tpu.memory_space<vmem>>
        %swap3A_1069 = arith.index_cast %add3A_1043 : i32 to index
        %swap3A_1070 = arith.constant 16 : index
        %swap3A_1071 = tpu.vector_load %swap3A_1068[%swap3A_1069, %swap3A_1070] {strides = array<i32>} : memref<128x73xf32, #tpu.memory_space<vmem>>, vector<16xf32>,
        tpu.vector_store %swap3A_1068[%swap3A_1069, %swap3A_1070], %get3A_1064 {strides = array<i32>} : memref<128x73xf32, #tpu.memory_space<vmem>>, vector<16xf32>,
        %get3A_1072 = arith.constant 0 : i32
        %get3A_1073 = arith.constant 0 : i32
        %get3A_1074 = tpu.memref_slice %arg10[%scan3A_187, %get3A_1072, %get3A_1073] : memref<2x128x128xf32, #tpu.memory_space<vmem>> -> memref<1x128x128xf32, #tpu.memory_space<vmem>>
        %get3A_1075 = tpu.memref_squeeze %get3A_1074 : memref<1x128x128xf32, #tpu.memory_space<vmem>> -> memref<128x128xf32, #tpu.memory_space<vmem>>
        %get3A_1076 = arith.index_cast %add3A_1043 : i32 to index
        %get3A_1077 = arith.constant 32 : index
        %get3A_1078 = tpu.vector_load %get3A_1075[%get3A_1076, %get3A_1077] {strides = array<i32>} : memref<128x128xf32, #tpu.memory_space<vmem>>, vector<16xf32>,
        %swap3A_1079 = arith.constant 0 : i32
        %swap3A_1080 = arith.constant 0 : i32
        %swap3A_1081 = tpu.memref_slice %arg11[%scan3A_188, %swap3A_1079, %swap3A_1080] : memref<2x128x73xf32, #tpu.memory_space<vmem>> -> memref<1x128x73xf32, #tpu.memory_space<vmem>>
        %swap3A_1082 = tpu.memref_squeeze %swap3A_1081 : memref<1x128x73xf32, #tpu.memory_space<vmem>> -> memref<128x73xf32, #tpu.memory_space<vmem>>
        %swap3A_1083 = arith.index_cast %add3A_1043 : i32 to index
        %swap3A_1084 = arith.constant 32 : index
        %swap3A_1085 = tpu.vector_load %swap3A_1082[%swap3A_1083, %swap3A_1084] {strides = array<i32>} : memref<128x73xf32, #tpu.memory_space<vmem>>, vector<16xf32>,
        tpu.vector_store %swap3A_1082[%swap3A_1083, %swap3A_1084], %get3A_1078 {strides = array<i32>} : memref<128x73xf32, #tpu.memory_space<vmem>>, vector<16xf32>,
        %get3A_1086 = arith.constant 0 : i32
        %get3A_1087 = arith.constant 0 : i32
        %get3A_1088 = tpu.memref_slice %arg10[%scan3A_187, %get3A_1086, %get3A_1087] : memref<2x128x128xf32, #tpu.memory_space<vmem>> -> memref<1x128x128xf32, #tpu.memory_space<vmem>>
        %get3A_1089 = tpu.memref_squeeze %get3A_1088 : memref<1x128x128xf32, #tpu.memory_space<vmem>> -> memref<128x128xf32, #tpu.memory_space<vmem>>
        %get3A_1090 = arith.index_cast %add3A_1043 : i32 to index
        %get3A_1091 = arith.constant 48 : index
        %get3A_1092 = tpu.vector_load %get3A_1089[%get3A_1090, %get3A_1091] {strides = array<i32>} : memref<128x128xf32, #tpu.memory_space<vmem>>, vector<16xf32>,
        %swap3A_1093 = arith.constant 0 : i32
        %swap3A_1094 = arith.constant 0 : i32
        %swap3A_1095 = tpu.memref_slice %arg11[%scan3A_188, %swap3A_1093, %swap3A_1094] : memref<2x128x73xf32, #tpu.memory_space<vmem>> -> memref<1x128x73xf32, #tpu.memory_space<vmem>>
        %swap3A_1096 = tpu.memref_squeeze %swap3A_1095 : memref<1x128x73xf32, #tpu.memory_space<vmem>> -> memref<128x73xf32, #tpu.memory_space<vmem>>
        %swap3A_1097 = arith.index_cast %add3A_1043 : i32 to index
        %swap3A_1098 = arith.constant 48 : index
        %swap3A_1099 = tpu.vector_load %swap3A_1096[%swap3A_1097, %swap3A_1098] {strides = array<i32>} : memref<128x73xf32, #tpu.memory_space<vmem>>, vector<16xf32>,
        tpu.vector_store %swap3A_1096[%swap3A_1097, %swap3A_1098], %get3A_1092 {strides = array<i32>} : memref<128x73xf32, #tpu.memory_space<vmem>>, vector<16xf32>,
        %add3A_1100 = arith.constant 15 : i32
        %add3A_1101 = arith.addi %mul3A_219, %add3A_1100 : i32
        %get3A_1102 = arith.constant 0 : i32
        %get3A_1103 = arith.constant 0 : i32
        %get3A_1104 = tpu.memref_slice %arg10[%scan3A_187, %get3A_1102, %get3A_1103] : memref<2x128x128xf32, #tpu.memory_space<vmem>> -> memref<1x128x128xf32, #tpu.memory_space<vmem>>
        %get3A_1105 = tpu.memref_squeeze %get3A_1104 : memref<1x128x128xf32, #tpu.memory_space<vmem>> -> memref<128x128xf32, #tpu.memory_space<vmem>>
        %get3A_1106 = arith.index_cast %add3A_1101 : i32 to index
        %get3A_1107 = arith.constant 0 : index
        %get3A_1108 = tpu.vector_load %get3A_1105[%get3A_1106, %get3A_1107] {strides = array<i32>} : memref<128x128xf32, #tpu.memory_space<vmem>>, vector<16xf32>,
        %swap3A_1109 = arith.constant 0 : i32
        %swap3A_1110 = arith.constant 0 : i32
        %swap3A_1111 = tpu.memref_slice %arg11[%scan3A_188, %swap3A_1109, %swap3A_1110] : memref<2x128x73xf32, #tpu.memory_space<vmem>> -> memref<1x128x73xf32, #tpu.memory_space<vmem>>
        %swap3A_1112 = tpu.memref_squeeze %swap3A_1111 : memref<1x128x73xf32, #tpu.memory_space<vmem>> -> memref<128x73xf32, #tpu.memory_space<vmem>>
        %swap3A_1113 = arith.index_cast %add3A_1101 : i32 to index
        %swap3A_1114 = arith.constant 0 : index
        %swap3A_1115 = tpu.vector_load %swap3A_1112[%swap3A_1113, %swap3A_1114] {strides = array<i32>} : memref<128x73xf32, #tpu.memory_space<vmem>>, vector<16xf32>,
        tpu.vector_store %swap3A_1112[%swap3A_1113, %swap3A_1114], %get3A_1108 {strides = array<i32>} : memref<128x73xf32, #tpu.memory_space<vmem>>, vector<16xf32>,
        %get3A_1116 = arith.constant 0 : i32
        %get3A_1117 = arith.constant 0 : i32
        %get3A_1118 = tpu.memref_slice %arg10[%scan3A_187, %get3A_1116, %get3A_1117] : memref<2x128x128xf32, #tpu.memory_space<vmem>> -> memref<1x128x128xf32, #tpu.memory_space<vmem>>
        %get3A_1119 = tpu.memref_squeeze %get3A_1118 : memref<1x128x128xf32, #tpu.memory_space<vmem>> -> memref<128x128xf32, #tpu.memory_space<vmem>>
        %get3A_1120 = arith.index_cast %add3A_1101 : i32 to index
        %get3A_1121 = arith.constant 16 : index
        %get3A_1122 = tpu.vector_load %get3A_1119[%get3A_1120, %get3A_1121] {strides = array<i32>} : memref<128x128xf32, #tpu.memory_space<vmem>>, vector<16xf32>,
        %swap3A_1123 = arith.constant 0 : i32
        %swap3A_1124 = arith.constant 0 : i32
        %swap3A_1125 = tpu.memref_slice %arg11[%scan3A_188, %swap3A_1123, %swap3A_1124] : memref<2x128x73xf32, #tpu.memory_space<vmem>> -> memref<1x128x73xf32, #tpu.memory_space<vmem>>
        %swap3A_1126 = tpu.memref_squeeze %swap3A_1125 : memref<1x128x73xf32, #tpu.memory_space<vmem>> -> memref<128x73xf32, #tpu.memory_space<vmem>>
        %swap3A_1127 = arith.index_cast %add3A_1101 : i32 to index
        %swap3A_1128 = arith.constant 16 : index
        %swap3A_1129 = tpu.vector_load %swap3A_1126[%swap3A_1127, %swap3A_1128] {strides = array<i32>} : memref<128x73xf32, #tpu.memory_space<vmem>>, vector<16xf32>,
        tpu.vector_store %swap3A_1126[%swap3A_1127, %swap3A_1128], %get3A_1122 {strides = array<i32>} : memref<128x73xf32, #tpu.memory_space<vmem>>, vector<16xf32>,
        %get3A_1130 = arith.constant 0 : i32
        %get3A_1131 = arith.constant 0 : i32
        %get3A_1132 = tpu.memref_slice %arg10[%scan3A_187, %get3A_1130, %get3A_1131] : memref<2x128x128xf32, #tpu.memory_space<vmem>> -> memref<1x128x128xf32, #tpu.memory_space<vmem>>
        %get3A_1133 = tpu.memref_squeeze %get3A_1132 : memref<1x128x128xf32, #tpu.memory_space<vmem>> -> memref<128x128xf32, #tpu.memory_space<vmem>>
        %get3A_1134 = arith.index_cast %add3A_1101 : i32 to index
        %get3A_1135 = arith.constant 32 : index
        %get3A_1136 = tpu.vector_load %get3A_1133[%get3A_1134, %get3A_1135] {strides = array<i32>} : memref<128x128xf32, #tpu.memory_space<vmem>>, vector<16xf32>,
        %swap3A_1137 = arith.constant 0 : i32
        %swap3A_1138 = arith.constant 0 : i32
        %swap3A_1139 = tpu.memref_slice %arg11[%scan3A_188, %swap3A_1137, %swap3A_1138] : memref<2x128x73xf32, #tpu.memory_space<vmem>> -> memref<1x128x73xf32, #tpu.memory_space<vmem>>
        %swap3A_1140 = tpu.memref_squeeze %swap3A_1139 : memref<1x128x73xf32, #tpu.memory_space<vmem>> -> memref<128x73xf32, #tpu.memory_space<vmem>>
        %swap3A_1141 = arith.index_cast %add3A_1101 : i32 to index
        %swap3A_1142 = arith.constant 32 : index
        %swap3A_1143 = tpu.vector_load %swap3A_1140[%swap3A_1141, %swap3A_1142] {strides = array<i32>} : memref<128x73xf32, #tpu.memory_space<vmem>>, vector<16xf32>,
        tpu.vector_store %swap3A_1140[%swap3A_1141, %swap3A_1142], %get3A_1136 {strides = array<i32>} : memref<128x73xf32, #tpu.memory_space<vmem>>, vector<16xf32>,
        %get3A_1144 = arith.constant 0 : i32
        %get3A_1145 = arith.constant 0 : i32
        %get3A_1146 = tpu.memref_slice %arg10[%scan3A_187, %get3A_1144, %get3A_1145] : memref<2x128x128xf32, #tpu.memory_space<vmem>> -> memref<1x128x128xf32, #tpu.memory_space<vmem>>
        %get3A_1147 = tpu.memref_squeeze %get3A_1146 : memref<1x128x128xf32, #tpu.memory_space<vmem>> -> memref<128x128xf32, #tpu.memory_space<vmem>>
        %get3A_1148 = arith.index_cast %add3A_1101 : i32 to index
        %get3A_1149 = arith.constant 48 : index
        %get3A_1150 = tpu.vector_load %get3A_1147[%get3A_1148, %get3A_1149] {strides = array<i32>} : memref<128x128xf32, #tpu.memory_space<vmem>>, vector<16xf32>,
        %swap3A_1151 = arith.constant 0 : i32
        %swap3A_1152 = arith.constant 0 : i32
        %swap3A_1153 = tpu.memref_slice %arg11[%scan3A_188, %swap3A_1151, %swap3A_1152] : memref<2x128x73xf32, #tpu.memory_space<vmem>> -> memref<1x128x73xf32, #tpu.memory_space<vmem>>
        %swap3A_1154 = tpu.memref_squeeze %swap3A_1153 : memref<1x128x73xf32, #tpu.memory_space<vmem>> -> memref<128x73xf32, #tpu.memory_space<vmem>>
        %swap3A_1155 = arith.index_cast %add3A_1101 : i32 to index
        %swap3A_1156 = arith.constant 48 : index
        %swap3A_1157 = tpu.vector_load %swap3A_1154[%swap3A_1155, %swap3A_1156] {strides = array<i32>} : memref<128x73xf32, #tpu.memory_space<vmem>>, vector<16xf32>,
        tpu.vector_store %swap3A_1154[%swap3A_1155, %swap3A_1156], %get3A_1150 {strides = array<i32>} : memref<128x73xf32, #tpu.memory_space<vmem>>, vector<16xf32>,
        %mul3A_1158 = arith.constant 9 : i32
        %mul3A_1159 = vector.broadcast %mul3A_1158 : i32 to vector<16xi32>
        %mul3A_1160 = arith.muli %get3A_230, %mul3A_1159 : vector<16xi32>
        %add3A_1161 = arith.constant 0 : i32
        %add3A_1162 = vector.broadcast %add3A_1161 : i32 to vector<16xi32>
        %add3A_1163 = arith.addi %mul3A_1160, %add3A_1162 : vector<16xi32>
        %gather3A = tpu.vector_load_idx %arg12[%add3A_1163] : memref<1920xf32, #tpu.memory_space<vmem>>[vector<16xi32>], vector<16xf32>,
        %broadcast_in_dim3A = arith.constant 64 : i32
        %broadcast_in_dim3A_1164 = vector.broadcast %broadcast_in_dim3A : i32 to vector<16xi32>
        %scatter3A = arith.constant 0 : i32
        %scatter3A_1165 = arith.constant 0 : i32
        %scatter3A_1166 = tpu.memref_slice %arg11[%scan3A_188, %scatter3A, %scatter3A_1165] : memref<2x128x73xf32, #tpu.memory_space<vmem>> -> memref<1x128x73xf32, #tpu.memory_space<vmem>>
        %scatter3A_1167 = tpu.memref_squeeze %scatter3A_1166 : memref<1x128x73xf32, #tpu.memory_space<vmem>> -> memref<128x73xf32, #tpu.memory_space<vmem>>
        tpu.vector_store_idx %scatter3A_1167[%add3A_221, %broadcast_in_dim3A_1164], %gather3A : memref<128x73xf32, #tpu.memory_space<vmem>>[vector<16xi32>, vector<16xi32>], vector<16xf32>,
        %mul3A_1168 = arith.constant 9 : i32
        %mul3A_1169 = vector.broadcast %mul3A_1168 : i32 to vector<16xi32>
        %mul3A_1170 = arith.muli %get3A_230, %mul3A_1169 : vector<16xi32>
        %add3A_1171 = arith.constant 1 : i32
        %add3A_1172 = vector.broadcast %add3A_1171 : i32 to vector<16xi32>
        %add3A_1173 = arith.addi %mul3A_1170, %add3A_1172 : vector<16xi32>
        %gather3A_1174 = tpu.vector_load_idx %arg12[%add3A_1173] : memref<1920xf32, #tpu.memory_space<vmem>>[vector<16xi32>], vector<16xf32>,
        %broadcast_in_dim3A_1175 = arith.constant 65 : i32
        %broadcast_in_dim3A_1176 = vector.broadcast %broadcast_in_dim3A_1175 : i32 to vector<16xi32>
        %scatter3A_1177 = arith.constant 0 : i32
        %scatter3A_1178 = arith.constant 0 : i32
        %scatter3A_1179 = tpu.memref_slice %arg11[%scan3A_188, %scatter3A_1177, %scatter3A_1178] : memref<2x128x73xf32, #tpu.memory_space<vmem>> -> memref<1x128x73xf32, #tpu.memory_space<vmem>>
        %scatter3A_1180 = tpu.memref_squeeze %scatter3A_1179 : memref<1x128x73xf32, #tpu.memory_space<vmem>> -> memref<128x73xf32, #tpu.memory_space<vmem>>
        tpu.vector_store_idx %scatter3A_1180[%add3A_221, %broadcast_in_dim3A_1176], %gather3A_1174 : memref<128x73xf32, #tpu.memory_space<vmem>>[vector<16xi32>, vector<16xi32>], vector<16xf32>,
        %mul3A_1181 = arith.constant 9 : i32
        %mul3A_1182 = vector.broadcast %mul3A_1181 : i32 to vector<16xi32>
        %mul3A_1183 = arith.muli %get3A_230, %mul3A_1182 : vector<16xi32>
        %add3A_1184 = arith.constant 2 : i32
        %add3A_1185 = vector.broadcast %add3A_1184 : i32 to vector<16xi32>
        %add3A_1186 = arith.addi %mul3A_1183, %add3A_1185 : vector<16xi32>
        %gather3A_1187 = tpu.vector_load_idx %arg12[%add3A_1186] : memref<1920xf32, #tpu.memory_space<vmem>>[vector<16xi32>], vector<16xf32>,
        %broadcast_in_dim3A_1188 = arith.constant 66 : i32
        %broadcast_in_dim3A_1189 = vector.broadcast %broadcast_in_dim3A_1188 : i32 to vector<16xi32>
        %scatter3A_1190 = arith.constant 0 : i32
        %scatter3A_1191 = arith.constant 0 : i32
        %scatter3A_1192 = tpu.memref_slice %arg11[%scan3A_188, %scatter3A_1190, %scatter3A_1191] : memref<2x128x73xf32, #tpu.memory_space<vmem>> -> memref<1x128x73xf32, #tpu.memory_space<vmem>>
        %scatter3A_1193 = tpu.memref_squeeze %scatter3A_1192 : memref<1x128x73xf32, #tpu.memory_space<vmem>> -> memref<128x73xf32, #tpu.memory_space<vmem>>
        tpu.vector_store_idx %scatter3A_1193[%add3A_221, %broadcast_in_dim3A_1189], %gather3A_1187 : memref<128x73xf32, #tpu.memory_space<vmem>>[vector<16xi32>, vector<16xi32>], vector<16xf32>,
        %mul3A_1194 = arith.constant 9 : i32
        %mul3A_1195 = vector.broadcast %mul3A_1194 : i32 to vector<16xi32>
        %mul3A_1196 = arith.muli %get3A_230, %mul3A_1195 : vector<16xi32>
        %add3A_1197 = arith.constant 3 : i32
        %add3A_1198 = vector.broadcast %add3A_1197 : i32 to vector<16xi32>
        %add3A_1199 = arith.addi %mul3A_1196, %add3A_1198 : vector<16xi32>
        %gather3A_1200 = tpu.vector_load_idx %arg12[%add3A_1199] : memref<1920xf32, #tpu.memory_space<vmem>>[vector<16xi32>], vector<16xf32>,
        %broadcast_in_dim3A_1201 = arith.constant 67 : i32
        %broadcast_in_dim3A_1202 = vector.broadcast %broadcast_in_dim3A_1201 : i32 to vector<16xi32>
        %scatter3A_1203 = arith.constant 0 : i32
        %scatter3A_1204 = arith.constant 0 : i32
        %scatter3A_1205 = tpu.memref_slice %arg11[%scan3A_188, %scatter3A_1203, %scatter3A_1204] : memref<2x128x73xf32, #tpu.memory_space<vmem>> -> memref<1x128x73xf32, #tpu.memory_space<vmem>>
        %scatter3A_1206 = tpu.memref_squeeze %scatter3A_1205 : memref<1x128x73xf32, #tpu.memory_space<vmem>> -> memref<128x73xf32, #tpu.memory_space<vmem>>
        tpu.vector_store_idx %scatter3A_1206[%add3A_221, %broadcast_in_dim3A_1202], %gather3A_1200 : memref<128x73xf32, #tpu.memory_space<vmem>>[vector<16xi32>, vector<16xi32>], vector<16xf32>,
        %mul3A_1207 = arith.constant 9 : i32
        %mul3A_1208 = vector.broadcast %mul3A_1207 : i32 to vector<16xi32>
        %mul3A_1209 = arith.muli %get3A_230, %mul3A_1208 : vector<16xi32>
        %add3A_1210 = arith.constant 4 : i32
        %add3A_1211 = vector.broadcast %add3A_1210 : i32 to vector<16xi32>
        %add3A_1212 = arith.addi %mul3A_1209, %add3A_1211 : vector<16xi32>
        %gather3A_1213 = tpu.vector_load_idx %arg12[%add3A_1212] : memref<1920xf32, #tpu.memory_space<vmem>>[vector<16xi32>], vector<16xf32>,
        %broadcast_in_dim3A_1214 = arith.constant 68 : i32
        %broadcast_in_dim3A_1215 = vector.broadcast %broadcast_in_dim3A_1214 : i32 to vector<16xi32>
        %scatter3A_1216 = arith.constant 0 : i32
        %scatter3A_1217 = arith.constant 0 : i32
        %scatter3A_1218 = tpu.memref_slice %arg11[%scan3A_188, %scatter3A_1216, %scatter3A_1217] : memref<2x128x73xf32, #tpu.memory_space<vmem>> -> memref<1x128x73xf32, #tpu.memory_space<vmem>>
        %scatter3A_1219 = tpu.memref_squeeze %scatter3A_1218 : memref<1x128x73xf32, #tpu.memory_space<vmem>> -> memref<128x73xf32, #tpu.memory_space<vmem>>
        tpu.vector_store_idx %scatter3A_1219[%add3A_221, %broadcast_in_dim3A_1215], %gather3A_1213 : memref<128x73xf32, #tpu.memory_space<vmem>>[vector<16xi32>, vector<16xi32>], vector<16xf32>,
        %mul3A_1220 = arith.constant 9 : i32
        %mul3A_1221 = vector.broadcast %mul3A_1220 : i32 to vector<16xi32>
        %mul3A_1222 = arith.muli %get3A_230, %mul3A_1221 : vector<16xi32>
        %add3A_1223 = arith.constant 5 : i32
        %add3A_1224 = vector.broadcast %add3A_1223 : i32 to vector<16xi32>
        %add3A_1225 = arith.addi %mul3A_1222, %add3A_1224 : vector<16xi32>
        %gather3A_1226 = tpu.vector_load_idx %arg12[%add3A_1225] : memref<1920xf32, #tpu.memory_space<vmem>>[vector<16xi32>], vector<16xf32>,
        %broadcast_in_dim3A_1227 = arith.constant 69 : i32
        %broadcast_in_dim3A_1228 = vector.broadcast %broadcast_in_dim3A_1227 : i32 to vector<16xi32>
        %scatter3A_1229 = arith.constant 0 : i32
        %scatter3A_1230 = arith.constant 0 : i32
        %scatter3A_1231 = tpu.memref_slice %arg11[%scan3A_188, %scatter3A_1229, %scatter3A_1230] : memref<2x128x73xf32, #tpu.memory_space<vmem>> -> memref<1x128x73xf32, #tpu.memory_space<vmem>>
        %scatter3A_1232 = tpu.memref_squeeze %scatter3A_1231 : memref<1x128x73xf32, #tpu.memory_space<vmem>> -> memref<128x73xf32, #tpu.memory_space<vmem>>
        tpu.vector_store_idx %scatter3A_1232[%add3A_221, %broadcast_in_dim3A_1228], %gather3A_1226 : memref<128x73xf32, #tpu.memory_space<vmem>>[vector<16xi32>, vector<16xi32>], vector<16xf32>,
        %mul3A_1233 = arith.constant 9 : i32
        %mul3A_1234 = vector.broadcast %mul3A_1233 : i32 to vector<16xi32>
        %mul3A_1235 = arith.muli %get3A_230, %mul3A_1234 : vector<16xi32>
        %add3A_1236 = arith.constant 6 : i32
        %add3A_1237 = vector.broadcast %add3A_1236 : i32 to vector<16xi32>
        %add3A_1238 = arith.addi %mul3A_1235, %add3A_1237 : vector<16xi32>
        %gather3A_1239 = tpu.vector_load_idx %arg12[%add3A_1238] : memref<1920xf32, #tpu.memory_space<vmem>>[vector<16xi32>], vector<16xf32>,
        %broadcast_in_dim3A_1240 = arith.constant 70 : i32
        %broadcast_in_dim3A_1241 = vector.broadcast %broadcast_in_dim3A_1240 : i32 to vector<16xi32>
        %scatter3A_1242 = arith.constant 0 : i32
        %scatter3A_1243 = arith.constant 0 : i32
        %scatter3A_1244 = tpu.memref_slice %arg11[%scan3A_188, %scatter3A_1242, %scatter3A_1243] : memref<2x128x73xf32, #tpu.memory_space<vmem>> -> memref<1x128x73xf32, #tpu.memory_space<vmem>>
        %scatter3A_1245 = tpu.memref_squeeze %scatter3A_1244 : memref<1x128x73xf32, #tpu.memory_space<vmem>> -> memref<128x73xf32, #tpu.memory_space<vmem>>
        tpu.vector_store_idx %scatter3A_1245[%add3A_221, %broadcast_in_dim3A_1241], %gather3A_1239 : memref<128x73xf32, #tpu.memory_space<vmem>>[vector<16xi32>, vector<16xi32>], vector<16xf32>,
        %mul3A_1246 = arith.constant 9 : i32
        %mul3A_1247 = vector.broadcast %mul3A_1246 : i32 to vector<16xi32>
        %mul3A_1248 = arith.muli %get3A_230, %mul3A_1247 : vector<16xi32>
        %add3A_1249 = arith.constant 7 : i32
        %add3A_1250 = vector.broadcast %add3A_1249 : i32 to vector<16xi32>
        %add3A_1251 = arith.addi %mul3A_1248, %add3A_1250 : vector<16xi32>
        %gather3A_1252 = tpu.vector_load_idx %arg12[%add3A_1251] : memref<1920xf32, #tpu.memory_space<vmem>>[vector<16xi32>], vector<16xf32>,
        %broadcast_in_dim3A_1253 = arith.constant 71 : i32
        %broadcast_in_dim3A_1254 = vector.broadcast %broadcast_in_dim3A_1253 : i32 to vector<16xi32>
        %scatter3A_1255 = arith.constant 0 : i32
        %scatter3A_1256 = arith.constant 0 : i32
        %scatter3A_1257 = tpu.memref_slice %arg11[%scan3A_188, %scatter3A_1255, %scatter3A_1256] : memref<2x128x73xf32, #tpu.memory_space<vmem>> -> memref<1x128x73xf32, #tpu.memory_space<vmem>>
        %scatter3A_1258 = tpu.memref_squeeze %scatter3A_1257 : memref<1x128x73xf32, #tpu.memory_space<vmem>> -> memref<128x73xf32, #tpu.memory_space<vmem>>
        tpu.vector_store_idx %scatter3A_1258[%add3A_221, %broadcast_in_dim3A_1254], %gather3A_1252 : memref<128x73xf32, #tpu.memory_space<vmem>>[vector<16xi32>, vector<16xi32>], vector<16xf32>,
        %mul3A_1259 = arith.constant 9 : i32
        %mul3A_1260 = vector.broadcast %mul3A_1259 : i32 to vector<16xi32>
        %mul3A_1261 = arith.muli %get3A_230, %mul3A_1260 : vector<16xi32>
        %add3A_1262 = arith.constant 8 : i32
        %add3A_1263 = vector.broadcast %add3A_1262 : i32 to vector<16xi32>
        %add3A_1264 = arith.addi %mul3A_1261, %add3A_1263 : vector<16xi32>
        %gather3A_1265 = tpu.vector_load_idx %arg12[%add3A_1264] : memref<1920xf32, #tpu.memory_space<vmem>>[vector<16xi32>], vector<16xf32>,
        %broadcast_in_dim3A_1266 = arith.constant 72 : i32
        %broadcast_in_dim3A_1267 = vector.broadcast %broadcast_in_dim3A_1266 : i32 to vector<16xi32>
        %scatter3A_1268 = arith.constant 0 : i32
        %scatter3A_1269 = arith.constant 0 : i32
        %scatter3A_1270 = tpu.memref_slice %arg11[%scan3A_188, %scatter3A_1268, %scatter3A_1269] : memref<2x128x73xf32, #tpu.memory_space<vmem>> -> memref<1x128x73xf32, #tpu.memory_space<vmem>>
        %scatter3A_1271 = tpu.memref_squeeze %scatter3A_1270 : memref<1x128x73xf32, #tpu.memory_space<vmem>> -> memref<128x73xf32, #tpu.memory_space<vmem>>
        tpu.vector_store_idx %scatter3A_1271[%add3A_221, %broadcast_in_dim3A_1267], %gather3A_1265 : memref<128x73xf32, #tpu.memory_space<vmem>>[vector<16xi32>, vector<16xi32>], vector<16xf32>,
        %ge3A_1272 = arith.constant 99998 : i32
        %ge3A_1273 = vector.broadcast %ge3A_1272 : i32 to vector<16xi32>
        %ge3A_1274 = arith.cmpi sge, %get3A_225, %ge3A_1273 : vector<16xi32>
        %jit3A = arith.constant 1 : i32
        %jit3A_1275 = arith.constant 0 : i32
        %broadcast_in_dim3A_1276 = vector.broadcast %jit3A : i32 to vector<16xi32>
        %broadcast_in_dim3A_1277 = vector.broadcast %jit3A_1275 : i32 to vector<16xi32>
        %select_n3A = arith.select %ge3A_1274, %broadcast_in_dim3A_1276, %broadcast_in_dim3A_1277 : vector<16xi1>, vector<16xi32>
        %reduce_sum3A = arith.constant true
        %reduce_sum3A_1278 = vector.broadcast %reduce_sum3A : i1 to vector<16xi1>
        %reduce_sum3A_1279 = tpu.scan <sum>, %select_n3A masked %reduce_sum3A_1278 : vector<16xi32>, vector<16xi1> -> vector<16xi32>
        %reduce_sum3A_1280 = vector.extract %reduce_sum3A_1279[15] : i32 from vector<16xi32>
        %gt3A = arith.constant 0 : i32
        %gt3A_1281 = arith.cmpi sgt, %reduce_sum3A_1280, %gt3A : i32
        %convert_element_type3A_1282 = arith.extui %gt3A_1281 : i1 to i32
        %cond3A_1283 = arith.constant 0 : i32
        %cond3A_1284 = arith.cmpi ne, %convert_element_type3A_1282, %cond3A_1283 : i32
        scf.if %cond3A_1284 {
          %sub3A = arith.constant 99997 : i32
          %sub3A_1285 = vector.broadcast %sub3A : i32 to vector<16xi32>
          %sub3A_1286 = arith.subi %get3A_225, %sub3A_1285 : vector<16xi32>
          %max3A = arith.constant 0 : i32
          %max3A_1287 = vector.broadcast %max3A : i32 to vector<16xi32>
          %max3A_1288 = arith.maxsi %sub3A_1286, %max3A_1287 : vector<16xi32>
          %mul3A_1289 = arith.constant 64 : i32
          %mul3A_1290 = vector.broadcast %mul3A_1289 : i32 to vector<16xi32>
          %mul3A_1291 = arith.muli %max3A_1288, %mul3A_1290 : vector<16xi32>
          %add3A_1292 = arith.constant 0 : i32
          %add3A_1293 = vector.broadcast %add3A_1292 : i32 to vector<16xi32>
          %add3A_1294 = arith.addi %mul3A_1291, %add3A_1293 : vector<16xi32>
          %gather3A_1295 = tpu.vector_load_idx %arg13[%add3A_1294] masked %ge3A_1274 : memref<256xf32, #tpu.memory_space<vmem>>[vector<16xi32>], vector<16xf32>, vector<16xi1>
          %broadcast_in_dim3A_1296 = arith.constant 0 : i32
          %broadcast_in_dim3A_1297 = vector.broadcast %broadcast_in_dim3A_1296 : i32 to vector<16xi32>
          %scatter3A_1298 = arith.constant 0 : i32
          %scatter3A_1299 = arith.constant 0 : i32
          %scatter3A_1300 = tpu.memref_slice %arg11[%scan3A_188, %scatter3A_1298, %scatter3A_1299] : memref<2x128x73xf32, #tpu.memory_space<vmem>> -> memref<1x128x73xf32, #tpu.memory_space<vmem>>
          %scatter3A_1301 = tpu.memref_squeeze %scatter3A_1300 : memref<1x128x73xf32, #tpu.memory_space<vmem>> -> memref<128x73xf32, #tpu.memory_space<vmem>>
          tpu.vector_store_idx %scatter3A_1301[%add3A_221, %broadcast_in_dim3A_1297], %gather3A_1295 masked %ge3A_1274 {add = true} : memref<128x73xf32, #tpu.memory_space<vmem>>[vector<16xi32>, vector<16xi32>], vector<16xf32>, vector<16xi1>
          %add3A_1302 = arith.constant 1 : i32
          %add3A_1303 = vector.broadcast %add3A_1302 : i32 to vector<16xi32>
          %add3A_1304 = arith.addi %mul3A_1291, %add3A_1303 : vector<16xi32>
          %gather3A_1305 = tpu.vector_load_idx %arg13[%add3A_1304] masked %ge3A_1274 : memref<256xf32, #tpu.memory_space<vmem>>[vector<16xi32>], vector<16xf32>, vector<16xi1>
          %broadcast_in_dim3A_1306 = arith.constant 1 : i32
          %broadcast_in_dim3A_1307 = vector.broadcast %broadcast_in_dim3A_1306 : i32 to vector<16xi32>
          %scatter3A_1308 = arith.constant 0 : i32
          %scatter3A_1309 = arith.constant 0 : i32
          %scatter3A_1310 = tpu.memref_slice %arg11[%scan3A_188, %scatter3A_1308, %scatter3A_1309] : memref<2x128x73xf32, #tpu.memory_space<vmem>> -> memref<1x128x73xf32, #tpu.memory_space<vmem>>
          %scatter3A_1311 = tpu.memref_squeeze %scatter3A_1310 : memref<1x128x73xf32, #tpu.memory_space<vmem>> -> memref<128x73xf32, #tpu.memory_space<vmem>>
          tpu.vector_store_idx %scatter3A_1311[%add3A_221, %broadcast_in_dim3A_1307], %gather3A_1305 masked %ge3A_1274 {add = true} : memref<128x73xf32, #tpu.memory_space<vmem>>[vector<16xi32>, vector<16xi32>], vector<16xf32>, vector<16xi1>
          %add3A_1312 = arith.constant 2 : i32
          %add3A_1313 = vector.broadcast %add3A_1312 : i32 to vector<16xi32>
          %add3A_1314 = arith.addi %mul3A_1291, %add3A_1313 : vector<16xi32>
          %gather3A_1315 = tpu.vector_load_idx %arg13[%add3A_1314] masked %ge3A_1274 : memref<256xf32, #tpu.memory_space<vmem>>[vector<16xi32>], vector<16xf32>, vector<16xi1>
          %broadcast_in_dim3A_1316 = arith.constant 2 : i32
          %broadcast_in_dim3A_1317 = vector.broadcast %broadcast_in_dim3A_1316 : i32 to vector<16xi32>
          %scatter3A_1318 = arith.constant 0 : i32
          %scatter3A_1319 = arith.constant 0 : i32
          %scatter3A_1320 = tpu.memref_slice %arg11[%scan3A_188, %scatter3A_1318, %scatter3A_1319] : memref<2x128x73xf32, #tpu.memory_space<vmem>> -> memref<1x128x73xf32, #tpu.memory_space<vmem>>
          %scatter3A_1321 = tpu.memref_squeeze %scatter3A_1320 : memref<1x128x73xf32, #tpu.memory_space<vmem>> -> memref<128x73xf32, #tpu.memory_space<vmem>>
          tpu.vector_store_idx %scatter3A_1321[%add3A_221, %broadcast_in_dim3A_1317], %gather3A_1315 masked %ge3A_1274 {add = true} : memref<128x73xf32, #tpu.memory_space<vmem>>[vector<16xi32>, vector<16xi32>], vector<16xf32>, vector<16xi1>
          %add3A_1322 = arith.constant 3 : i32
          %add3A_1323 = vector.broadcast %add3A_1322 : i32 to vector<16xi32>
          %add3A_1324 = arith.addi %mul3A_1291, %add3A_1323 : vector<16xi32>
          %gather3A_1325 = tpu.vector_load_idx %arg13[%add3A_1324] masked %ge3A_1274 : memref<256xf32, #tpu.memory_space<vmem>>[vector<16xi32>], vector<16xf32>, vector<16xi1>
          %broadcast_in_dim3A_1326 = arith.constant 3 : i32
          %broadcast_in_dim3A_1327 = vector.broadcast %broadcast_in_dim3A_1326 : i32 to vector<16xi32>
          %scatter3A_1328 = arith.constant 0 : i32
          %scatter3A_1329 = arith.constant 0 : i32
          %scatter3A_1330 = tpu.memref_slice %arg11[%scan3A_188, %scatter3A_1328, %scatter3A_1329] : memref<2x128x73xf32, #tpu.memory_space<vmem>> -> memref<1x128x73xf32, #tpu.memory_space<vmem>>
          %scatter3A_1331 = tpu.memref_squeeze %scatter3A_1330 : memref<1x128x73xf32, #tpu.memory_space<vmem>> -> memref<128x73xf32, #tpu.memory_space<vmem>>
          tpu.vector_store_idx %scatter3A_1331[%add3A_221, %broadcast_in_dim3A_1327], %gather3A_1325 masked %ge3A_1274 {add = true} : memref<128x73xf32, #tpu.memory_space<vmem>>[vector<16xi32>, vector<16xi32>], vector<16xf32>, vector<16xi1>
          %add3A_1332 = arith.constant 4 : i32
          %add3A_1333 = vector.broadcast %add3A_1332 : i32 to vector<16xi32>
          %add3A_1334 = arith.addi %mul3A_1291, %add3A_1333 : vector<16xi32>
          %gather3A_1335 = tpu.vector_load_idx %arg13[%add3A_1334] masked %ge3A_1274 : memref<256xf32, #tpu.memory_space<vmem>>[vector<16xi32>], vector<16xf32>, vector<16xi1>
          %broadcast_in_dim3A_1336 = arith.constant 4 : i32
          %broadcast_in_dim3A_1337 = vector.broadcast %broadcast_in_dim3A_1336 : i32 to vector<16xi32>
          %scatter3A_1338 = arith.constant 0 : i32
          %scatter3A_1339 = arith.constant 0 : i32
          %scatter3A_1340 = tpu.memref_slice %arg11[%scan3A_188, %scatter3A_1338, %scatter3A_1339] : memref<2x128x73xf32, #tpu.memory_space<vmem>> -> memref<1x128x73xf32, #tpu.memory_space<vmem>>
          %scatter3A_1341 = tpu.memref_squeeze %scatter3A_1340 : memref<1x128x73xf32, #tpu.memory_space<vmem>> -> memref<128x73xf32, #tpu.memory_space<vmem>>
          tpu.vector_store_idx %scatter3A_1341[%add3A_221, %broadcast_in_dim3A_1337], %gather3A_1335 masked %ge3A_1274 {add = true} : memref<128x73xf32, #tpu.memory_space<vmem>>[vector<16xi32>, vector<16xi32>], vector<16xf32>, vector<16xi1>
          %add3A_1342 = arith.constant 5 : i32
          %add3A_1343 = vector.broadcast %add3A_1342 : i32 to vector<16xi32>
          %add3A_1344 = arith.addi %mul3A_1291, %add3A_1343 : vector<16xi32>
          %gather3A_1345 = tpu.vector_load_idx %arg13[%add3A_1344] masked %ge3A_1274 : memref<256xf32, #tpu.memory_space<vmem>>[vector<16xi32>], vector<16xf32>, vector<16xi1>
          %broadcast_in_dim3A_1346 = arith.constant 5 : i32
          %broadcast_in_dim3A_1347 = vector.broadcast %broadcast_in_dim3A_1346 : i32 to vector<16xi32>
          %scatter3A_1348 = arith.constant 0 : i32
          %scatter3A_1349 = arith.constant 0 : i32
          %scatter3A_1350 = tpu.memref_slice %arg11[%scan3A_188, %scatter3A_1348, %scatter3A_1349] : memref<2x128x73xf32, #tpu.memory_space<vmem>> -> memref<1x128x73xf32, #tpu.memory_space<vmem>>
          %scatter3A_1351 = tpu.memref_squeeze %scatter3A_1350 : memref<1x128x73xf32, #tpu.memory_space<vmem>> -> memref<128x73xf32, #tpu.memory_space<vmem>>
          tpu.vector_store_idx %scatter3A_1351[%add3A_221, %broadcast_in_dim3A_1347], %gather3A_1345 masked %ge3A_1274 {add = true} : memref<128x73xf32, #tpu.memory_space<vmem>>[vector<16xi32>, vector<16xi32>], vector<16xf32>, vector<16xi1>
          %add3A_1352 = arith.constant 6 : i32
          %add3A_1353 = vector.broadcast %add3A_1352 : i32 to vector<16xi32>
          %add3A_1354 = arith.addi %mul3A_1291, %add3A_1353 : vector<16xi32>
          %gather3A_1355 = tpu.vector_load_idx %arg13[%add3A_1354] masked %ge3A_1274 : memref<256xf32, #tpu.memory_space<vmem>>[vector<16xi32>], vector<16xf32>, vector<16xi1>
          %broadcast_in_dim3A_1356 = arith.constant 6 : i32
          %broadcast_in_dim3A_1357 = vector.broadcast %broadcast_in_dim3A_1356 : i32 to vector<16xi32>
          %scatter3A_1358 = arith.constant 0 : i32
          %scatter3A_1359 = arith.constant 0 : i32
          %scatter3A_1360 = tpu.memref_slice %arg11[%scan3A_188, %scatter3A_1358, %scatter3A_1359] : memref<2x128x73xf32, #tpu.memory_space<vmem>> -> memref<1x128x73xf32, #tpu.memory_space<vmem>>
          %scatter3A_1361 = tpu.memref_squeeze %scatter3A_1360 : memref<1x128x73xf32, #tpu.memory_space<vmem>> -> memref<128x73xf32, #tpu.memory_space<vmem>>
          tpu.vector_store_idx %scatter3A_1361[%add3A_221, %broadcast_in_dim3A_1357], %gather3A_1355 masked %ge3A_1274 {add = true} : memref<128x73xf32, #tpu.memory_space<vmem>>[vector<16xi32>, vector<16xi32>], vector<16xf32>, vector<16xi1>
          %add3A_1362 = arith.constant 7 : i32
          %add3A_1363 = vector.broadcast %add3A_1362 : i32 to vector<16xi32>
          %add3A_1364 = arith.addi %mul3A_1291, %add3A_1363 : vector<16xi32>
          %gather3A_1365 = tpu.vector_load_idx %arg13[%add3A_1364] masked %ge3A_1274 : memref<256xf32, #tpu.memory_space<vmem>>[vector<16xi32>], vector<16xf32>, vector<16xi1>
          %broadcast_in_dim3A_1366 = arith.constant 7 : i32
          %broadcast_in_dim3A_1367 = vector.broadcast %broadcast_in_dim3A_1366 : i32 to vector<16xi32>
          %scatter3A_1368 = arith.constant 0 : i32
          %scatter3A_1369 = arith.constant 0 : i32
          %scatter3A_1370 = tpu.memref_slice %arg11[%scan3A_188, %scatter3A_1368, %scatter3A_1369] : memref<2x128x73xf32, #tpu.memory_space<vmem>> -> memref<1x128x73xf32, #tpu.memory_space<vmem>>
          %scatter3A_1371 = tpu.memref_squeeze %scatter3A_1370 : memref<1x128x73xf32, #tpu.memory_space<vmem>> -> memref<128x73xf32, #tpu.memory_space<vmem>>
          tpu.vector_store_idx %scatter3A_1371[%add3A_221, %broadcast_in_dim3A_1367], %gather3A_1365 masked %ge3A_1274 {add = true} : memref<128x73xf32, #tpu.memory_space<vmem>>[vector<16xi32>, vector<16xi32>], vector<16xf32>, vector<16xi1>
          %add3A_1372 = arith.constant 8 : i32
          %add3A_1373 = vector.broadcast %add3A_1372 : i32 to vector<16xi32>
          %add3A_1374 = arith.addi %mul3A_1291, %add3A_1373 : vector<16xi32>
          %gather3A_1375 = tpu.vector_load_idx %arg13[%add3A_1374] masked %ge3A_1274 : memref<256xf32, #tpu.memory_space<vmem>>[vector<16xi32>], vector<16xf32>, vector<16xi1>
          %broadcast_in_dim3A_1376 = arith.constant 8 : i32
          %broadcast_in_dim3A_1377 = vector.broadcast %broadcast_in_dim3A_1376 : i32 to vector<16xi32>
          %scatter3A_1378 = arith.constant 0 : i32
          %scatter3A_1379 = arith.constant 0 : i32
          %scatter3A_1380 = tpu.memref_slice %arg11[%scan3A_188, %scatter3A_1378, %scatter3A_1379] : memref<2x128x73xf32, #tpu.memory_space<vmem>> -> memref<1x128x73xf32, #tpu.memory_space<vmem>>
          %scatter3A_1381 = tpu.memref_squeeze %scatter3A_1380 : memref<1x128x73xf32, #tpu.memory_space<vmem>> -> memref<128x73xf32, #tpu.memory_space<vmem>>
          tpu.vector_store_idx %scatter3A_1381[%add3A_221, %broadcast_in_dim3A_1377], %gather3A_1375 masked %ge3A_1274 {add = true} : memref<128x73xf32, #tpu.memory_space<vmem>>[vector<16xi32>, vector<16xi32>], vector<16xf32>, vector<16xi1>
          %add3A_1382 = arith.constant 9 : i32
          %add3A_1383 = vector.broadcast %add3A_1382 : i32 to vector<16xi32>
          %add3A_1384 = arith.addi %mul3A_1291, %add3A_1383 : vector<16xi32>
          %gather3A_1385 = tpu.vector_load_idx %arg13[%add3A_1384] masked %ge3A_1274 : memref<256xf32, #tpu.memory_space<vmem>>[vector<16xi32>], vector<16xf32>, vector<16xi1>
          %broadcast_in_dim3A_1386 = arith.constant 9 : i32
          %broadcast_in_dim3A_1387 = vector.broadcast %broadcast_in_dim3A_1386 : i32 to vector<16xi32>
          %scatter3A_1388 = arith.constant 0 : i32
          %scatter3A_1389 = arith.constant 0 : i32
          %scatter3A_1390 = tpu.memref_slice %arg11[%scan3A_188, %scatter3A_1388, %scatter3A_1389] : memref<2x128x73xf32, #tpu.memory_space<vmem>> -> memref<1x128x73xf32, #tpu.memory_space<vmem>>
          %scatter3A_1391 = tpu.memref_squeeze %scatter3A_1390 : memref<1x128x73xf32, #tpu.memory_space<vmem>> -> memref<128x73xf32, #tpu.memory_space<vmem>>
          tpu.vector_store_idx %scatter3A_1391[%add3A_221, %broadcast_in_dim3A_1387], %gather3A_1385 masked %ge3A_1274 {add = true} : memref<128x73xf32, #tpu.memory_space<vmem>>[vector<16xi32>, vector<16xi32>], vector<16xf32>, vector<16xi1>
          %add3A_1392 = arith.constant 10 : i32
          %add3A_1393 = vector.broadcast %add3A_1392 : i32 to vector<16xi32>
          %add3A_1394 = arith.addi %mul3A_1291, %add3A_1393 : vector<16xi32>
          %gather3A_1395 = tpu.vector_load_idx %arg13[%add3A_1394] masked %ge3A_1274 : memref<256xf32, #tpu.memory_space<vmem>>[vector<16xi32>], vector<16xf32>, vector<16xi1>
          %broadcast_in_dim3A_1396 = arith.constant 10 : i32
          %broadcast_in_dim3A_1397 = vector.broadcast %broadcast_in_dim3A_1396 : i32 to vector<16xi32>
          %scatter3A_1398 = arith.constant 0 : i32
          %scatter3A_1399 = arith.constant 0 : i32
          %scatter3A_1400 = tpu.memref_slice %arg11[%scan3A_188, %scatter3A_1398, %scatter3A_1399] : memref<2x128x73xf32, #tpu.memory_space<vmem>> -> memref<1x128x73xf32, #tpu.memory_space<vmem>>
          %scatter3A_1401 = tpu.memref_squeeze %scatter3A_1400 : memref<1x128x73xf32, #tpu.memory_space<vmem>> -> memref<128x73xf32, #tpu.memory_space<vmem>>
          tpu.vector_store_idx %scatter3A_1401[%add3A_221, %broadcast_in_dim3A_1397], %gather3A_1395 masked %ge3A_1274 {add = true} : memref<128x73xf32, #tpu.memory_space<vmem>>[vector<16xi32>, vector<16xi32>], vector<16xf32>, vector<16xi1>
          %add3A_1402 = arith.constant 11 : i32
          %add3A_1403 = vector.broadcast %add3A_1402 : i32 to vector<16xi32>
          %add3A_1404 = arith.addi %mul3A_1291, %add3A_1403 : vector<16xi32>
          %gather3A_1405 = tpu.vector_load_idx %arg13[%add3A_1404] masked %ge3A_1274 : memref<256xf32, #tpu.memory_space<vmem>>[vector<16xi32>], vector<16xf32>, vector<16xi1>
          %broadcast_in_dim3A_1406 = arith.constant 11 : i32
          %broadcast_in_dim3A_1407 = vector.broadcast %broadcast_in_dim3A_1406 : i32 to vector<16xi32>
          %scatter3A_1408 = arith.constant 0 : i32
          %scatter3A_1409 = arith.constant 0 : i32
          %scatter3A_1410 = tpu.memref_slice %arg11[%scan3A_188, %scatter3A_1408, %scatter3A_1409] : memref<2x128x73xf32, #tpu.memory_space<vmem>> -> memref<1x128x73xf32, #tpu.memory_space<vmem>>
          %scatter3A_1411 = tpu.memref_squeeze %scatter3A_1410 : memref<1x128x73xf32, #tpu.memory_space<vmem>> -> memref<128x73xf32, #tpu.memory_space<vmem>>
          tpu.vector_store_idx %scatter3A_1411[%add3A_221, %broadcast_in_dim3A_1407], %gather3A_1405 masked %ge3A_1274 {add = true} : memref<128x73xf32, #tpu.memory_space<vmem>>[vector<16xi32>, vector<16xi32>], vector<16xf32>, vector<16xi1>
          %add3A_1412 = arith.constant 12 : i32
          %add3A_1413 = vector.broadcast %add3A_1412 : i32 to vector<16xi32>
          %add3A_1414 = arith.addi %mul3A_1291, %add3A_1413 : vector<16xi32>
          %gather3A_1415 = tpu.vector_load_idx %arg13[%add3A_1414] masked %ge3A_1274 : memref<256xf32, #tpu.memory_space<vmem>>[vector<16xi32>], vector<16xf32>, vector<16xi1>
          %broadcast_in_dim3A_1416 = arith.constant 12 : i32
          %broadcast_in_dim3A_1417 = vector.broadcast %broadcast_in_dim3A_1416 : i32 to vector<16xi32>
          %scatter3A_1418 = arith.constant 0 : i32
          %scatter3A_1419 = arith.constant 0 : i32
          %scatter3A_1420 = tpu.memref_slice %arg11[%scan3A_188, %scatter3A_1418, %scatter3A_1419] : memref<2x128x73xf32, #tpu.memory_space<vmem>> -> memref<1x128x73xf32, #tpu.memory_space<vmem>>
          %scatter3A_1421 = tpu.memref_squeeze %scatter3A_1420 : memref<1x128x73xf32, #tpu.memory_space<vmem>> -> memref<128x73xf32, #tpu.memory_space<vmem>>
          tpu.vector_store_idx %scatter3A_1421[%add3A_221, %broadcast_in_dim3A_1417], %gather3A_1415 masked %ge3A_1274 {add = true} : memref<128x73xf32, #tpu.memory_space<vmem>>[vector<16xi32>, vector<16xi32>], vector<16xf32>, vector<16xi1>
          %add3A_1422 = arith.constant 13 : i32
          %add3A_1423 = vector.broadcast %add3A_1422 : i32 to vector<16xi32>
          %add3A_1424 = arith.addi %mul3A_1291, %add3A_1423 : vector<16xi32>
          %gather3A_1425 = tpu.vector_load_idx %arg13[%add3A_1424] masked %ge3A_1274 : memref<256xf32, #tpu.memory_space<vmem>>[vector<16xi32>], vector<16xf32>, vector<16xi1>
          %broadcast_in_dim3A_1426 = arith.constant 13 : i32
          %broadcast_in_dim3A_1427 = vector.broadcast %broadcast_in_dim3A_1426 : i32 to vector<16xi32>
          %scatter3A_1428 = arith.constant 0 : i32
          %scatter3A_1429 = arith.constant 0 : i32
          %scatter3A_1430 = tpu.memref_slice %arg11[%scan3A_188, %scatter3A_1428, %scatter3A_1429] : memref<2x128x73xf32, #tpu.memory_space<vmem>> -> memref<1x128x73xf32, #tpu.memory_space<vmem>>
          %scatter3A_1431 = tpu.memref_squeeze %scatter3A_1430 : memref<1x128x73xf32, #tpu.memory_space<vmem>> -> memref<128x73xf32, #tpu.memory_space<vmem>>
          tpu.vector_store_idx %scatter3A_1431[%add3A_221, %broadcast_in_dim3A_1427], %gather3A_1425 masked %ge3A_1274 {add = true} : memref<128x73xf32, #tpu.memory_space<vmem>>[vector<16xi32>, vector<16xi32>], vector<16xf32>, vector<16xi1>
          %add3A_1432 = arith.constant 14 : i32
          %add3A_1433 = vector.broadcast %add3A_1432 : i32 to vector<16xi32>
          %add3A_1434 = arith.addi %mul3A_1291, %add3A_1433 : vector<16xi32>
          %gather3A_1435 = tpu.vector_load_idx %arg13[%add3A_1434] masked %ge3A_1274 : memref<256xf32, #tpu.memory_space<vmem>>[vector<16xi32>], vector<16xf32>, vector<16xi1>
          %broadcast_in_dim3A_1436 = arith.constant 14 : i32
          %broadcast_in_dim3A_1437 = vector.broadcast %broadcast_in_dim3A_1436 : i32 to vector<16xi32>
          %scatter3A_1438 = arith.constant 0 : i32
          %scatter3A_1439 = arith.constant 0 : i32
          %scatter3A_1440 = tpu.memref_slice %arg11[%scan3A_188, %scatter3A_1438, %scatter3A_1439] : memref<2x128x73xf32, #tpu.memory_space<vmem>> -> memref<1x128x73xf32, #tpu.memory_space<vmem>>
          %scatter3A_1441 = tpu.memref_squeeze %scatter3A_1440 : memref<1x128x73xf32, #tpu.memory_space<vmem>> -> memref<128x73xf32, #tpu.memory_space<vmem>>
          tpu.vector_store_idx %scatter3A_1441[%add3A_221, %broadcast_in_dim3A_1437], %gather3A_1435 masked %ge3A_1274 {add = true} : memref<128x73xf32, #tpu.memory_space<vmem>>[vector<16xi32>, vector<16xi32>], vector<16xf32>, vector<16xi1>
          %add3A_1442 = arith.constant 15 : i32
          %add3A_1443 = vector.broadcast %add3A_1442 : i32 to vector<16xi32>
          %add3A_1444 = arith.addi %mul3A_1291, %add3A_1443 : vector<16xi32>
          %gather3A_1445 = tpu.vector_load_idx %arg13[%add3A_1444] masked %ge3A_1274 : memref<256xf32, #tpu.memory_space<vmem>>[vector<16xi32>], vector<16xf32>, vector<16xi1>
          %broadcast_in_dim3A_1446 = arith.constant 15 : i32
          %broadcast_in_dim3A_1447 = vector.broadcast %broadcast_in_dim3A_1446 : i32 to vector<16xi32>
          %scatter3A_1448 = arith.constant 0 : i32
          %scatter3A_1449 = arith.constant 0 : i32
          %scatter3A_1450 = tpu.memref_slice %arg11[%scan3A_188, %scatter3A_1448, %scatter3A_1449] : memref<2x128x73xf32, #tpu.memory_space<vmem>> -> memref<1x128x73xf32, #tpu.memory_space<vmem>>
          %scatter3A_1451 = tpu.memref_squeeze %scatter3A_1450 : memref<1x128x73xf32, #tpu.memory_space<vmem>> -> memref<128x73xf32, #tpu.memory_space<vmem>>
          tpu.vector_store_idx %scatter3A_1451[%add3A_221, %broadcast_in_dim3A_1447], %gather3A_1445 masked %ge3A_1274 {add = true} : memref<128x73xf32, #tpu.memory_space<vmem>>[vector<16xi32>, vector<16xi32>], vector<16xf32>, vector<16xi1>
          %add3A_1452 = arith.constant 16 : i32
          %add3A_1453 = vector.broadcast %add3A_1452 : i32 to vector<16xi32>
          %add3A_1454 = arith.addi %mul3A_1291, %add3A_1453 : vector<16xi32>
          %gather3A_1455 = tpu.vector_load_idx %arg13[%add3A_1454] masked %ge3A_1274 : memref<256xf32, #tpu.memory_space<vmem>>[vector<16xi32>], vector<16xf32>, vector<16xi1>
          %broadcast_in_dim3A_1456 = arith.constant 16 : i32
          %broadcast_in_dim3A_1457 = vector.broadcast %broadcast_in_dim3A_1456 : i32 to vector<16xi32>
          %scatter3A_1458 = arith.constant 0 : i32
          %scatter3A_1459 = arith.constant 0 : i32
          %scatter3A_1460 = tpu.memref_slice %arg11[%scan3A_188, %scatter3A_1458, %scatter3A_1459] : memref<2x128x73xf32, #tpu.memory_space<vmem>> -> memref<1x128x73xf32, #tpu.memory_space<vmem>>
          %scatter3A_1461 = tpu.memref_squeeze %scatter3A_1460 : memref<1x128x73xf32, #tpu.memory_space<vmem>> -> memref<128x73xf32, #tpu.memory_space<vmem>>
          tpu.vector_store_idx %scatter3A_1461[%add3A_221, %broadcast_in_dim3A_1457], %gather3A_1455 masked %ge3A_1274 {add = true} : memref<128x73xf32, #tpu.memory_space<vmem>>[vector<16xi32>, vector<16xi32>], vector<16xf32>, vector<16xi1>
          %add3A_1462 = arith.constant 17 : i32
          %add3A_1463 = vector.broadcast %add3A_1462 : i32 to vector<16xi32>
          %add3A_1464 = arith.addi %mul3A_1291, %add3A_1463 : vector<16xi32>
          %gather3A_1465 = tpu.vector_load_idx %arg13[%add3A_1464] masked %ge3A_1274 : memref<256xf32, #tpu.memory_space<vmem>>[vector<16xi32>], vector<16xf32>, vector<16xi1>
          %broadcast_in_dim3A_1466 = arith.constant 17 : i32
          %broadcast_in_dim3A_1467 = vector.broadcast %broadcast_in_dim3A_1466 : i32 to vector<16xi32>
          %scatter3A_1468 = arith.constant 0 : i32
          %scatter3A_1469 = arith.constant 0 : i32
          %scatter3A_1470 = tpu.memref_slice %arg11[%scan3A_188, %scatter3A_1468, %scatter3A_1469] : memref<2x128x73xf32, #tpu.memory_space<vmem>> -> memref<1x128x73xf32, #tpu.memory_space<vmem>>
          %scatter3A_1471 = tpu.memref_squeeze %scatter3A_1470 : memref<1x128x73xf32, #tpu.memory_space<vmem>> -> memref<128x73xf32, #tpu.memory_space<vmem>>
          tpu.vector_store_idx %scatter3A_1471[%add3A_221, %broadcast_in_dim3A_1467], %gather3A_1465 masked %ge3A_1274 {add = true} : memref<128x73xf32, #tpu.memory_space<vmem>>[vector<16xi32>, vector<16xi32>], vector<16xf32>, vector<16xi1>
          %add3A_1472 = arith.constant 18 : i32
          %add3A_1473 = vector.broadcast %add3A_1472 : i32 to vector<16xi32>
          %add3A_1474 = arith.addi %mul3A_1291, %add3A_1473 : vector<16xi32>
          %gather3A_1475 = tpu.vector_load_idx %arg13[%add3A_1474] masked %ge3A_1274 : memref<256xf32, #tpu.memory_space<vmem>>[vector<16xi32>], vector<16xf32>, vector<16xi1>
          %broadcast_in_dim3A_1476 = arith.constant 18 : i32
          %broadcast_in_dim3A_1477 = vector.broadcast %broadcast_in_dim3A_1476 : i32 to vector<16xi32>
          %scatter3A_1478 = arith.constant 0 : i32
          %scatter3A_1479 = arith.constant 0 : i32
          %scatter3A_1480 = tpu.memref_slice %arg11[%scan3A_188, %scatter3A_1478, %scatter3A_1479] : memref<2x128x73xf32, #tpu.memory_space<vmem>> -> memref<1x128x73xf32, #tpu.memory_space<vmem>>
          %scatter3A_1481 = tpu.memref_squeeze %scatter3A_1480 : memref<1x128x73xf32, #tpu.memory_space<vmem>> -> memref<128x73xf32, #tpu.memory_space<vmem>>
          tpu.vector_store_idx %scatter3A_1481[%add3A_221, %broadcast_in_dim3A_1477], %gather3A_1475 masked %ge3A_1274 {add = true} : memref<128x73xf32, #tpu.memory_space<vmem>>[vector<16xi32>, vector<16xi32>], vector<16xf32>, vector<16xi1>
          %add3A_1482 = arith.constant 19 : i32
          %add3A_1483 = vector.broadcast %add3A_1482 : i32 to vector<16xi32>
          %add3A_1484 = arith.addi %mul3A_1291, %add3A_1483 : vector<16xi32>
          %gather3A_1485 = tpu.vector_load_idx %arg13[%add3A_1484] masked %ge3A_1274 : memref<256xf32, #tpu.memory_space<vmem>>[vector<16xi32>], vector<16xf32>, vector<16xi1>
          %broadcast_in_dim3A_1486 = arith.constant 19 : i32
          %broadcast_in_dim3A_1487 = vector.broadcast %broadcast_in_dim3A_1486 : i32 to vector<16xi32>
          %scatter3A_1488 = arith.constant 0 : i32
          %scatter3A_1489 = arith.constant 0 : i32
          %scatter3A_1490 = tpu.memref_slice %arg11[%scan3A_188, %scatter3A_1488, %scatter3A_1489] : memref<2x128x73xf32, #tpu.memory_space<vmem>> -> memref<1x128x73xf32, #tpu.memory_space<vmem>>
          %scatter3A_1491 = tpu.memref_squeeze %scatter3A_1490 : memref<1x128x73xf32, #tpu.memory_space<vmem>> -> memref<128x73xf32, #tpu.memory_space<vmem>>
          tpu.vector_store_idx %scatter3A_1491[%add3A_221, %broadcast_in_dim3A_1487], %gather3A_1485 masked %ge3A_1274 {add = true} : memref<128x73xf32, #tpu.memory_space<vmem>>[vector<16xi32>, vector<16xi32>], vector<16xf32>, vector<16xi1>
          %add3A_1492 = arith.constant 20 : i32
          %add3A_1493 = vector.broadcast %add3A_1492 : i32 to vector<16xi32>
          %add3A_1494 = arith.addi %mul3A_1291, %add3A_1493 : vector<16xi32>
          %gather3A_1495 = tpu.vector_load_idx %arg13[%add3A_1494] masked %ge3A_1274 : memref<256xf32, #tpu.memory_space<vmem>>[vector<16xi32>], vector<16xf32>, vector<16xi1>
          %broadcast_in_dim3A_1496 = arith.constant 20 : i32
          %broadcast_in_dim3A_1497 = vector.broadcast %broadcast_in_dim3A_1496 : i32 to vector<16xi32>
          %scatter3A_1498 = arith.constant 0 : i32
          %scatter3A_1499 = arith.constant 0 : i32
          %scatter3A_1500 = tpu.memref_slice %arg11[%scan3A_188, %scatter3A_1498, %scatter3A_1499] : memref<2x128x73xf32, #tpu.memory_space<vmem>> -> memref<1x128x73xf32, #tpu.memory_space<vmem>>
          %scatter3A_1501 = tpu.memref_squeeze %scatter3A_1500 : memref<1x128x73xf32, #tpu.memory_space<vmem>> -> memref<128x73xf32, #tpu.memory_space<vmem>>
          tpu.vector_store_idx %scatter3A_1501[%add3A_221, %broadcast_in_dim3A_1497], %gather3A_1495 masked %ge3A_1274 {add = true} : memref<128x73xf32, #tpu.memory_space<vmem>>[vector<16xi32>, vector<16xi32>], vector<16xf32>, vector<16xi1>
          %add3A_1502 = arith.constant 21 : i32
          %add3A_1503 = vector.broadcast %add3A_1502 : i32 to vector<16xi32>
          %add3A_1504 = arith.addi %mul3A_1291, %add3A_1503 : vector<16xi32>
          %gather3A_1505 = tpu.vector_load_idx %arg13[%add3A_1504] masked %ge3A_1274 : memref<256xf32, #tpu.memory_space<vmem>>[vector<16xi32>], vector<16xf32>, vector<16xi1>
          %broadcast_in_dim3A_1506 = arith.constant 21 : i32
          %broadcast_in_dim3A_1507 = vector.broadcast %broadcast_in_dim3A_1506 : i32 to vector<16xi32>
          %scatter3A_1508 = arith.constant 0 : i32
          %scatter3A_1509 = arith.constant 0 : i32
          %scatter3A_1510 = tpu.memref_slice %arg11[%scan3A_188, %scatter3A_1508, %scatter3A_1509] : memref<2x128x73xf32, #tpu.memory_space<vmem>> -> memref<1x128x73xf32, #tpu.memory_space<vmem>>
          %scatter3A_1511 = tpu.memref_squeeze %scatter3A_1510 : memref<1x128x73xf32, #tpu.memory_space<vmem>> -> memref<128x73xf32, #tpu.memory_space<vmem>>
          tpu.vector_store_idx %scatter3A_1511[%add3A_221, %broadcast_in_dim3A_1507], %gather3A_1505 masked %ge3A_1274 {add = true} : memref<128x73xf32, #tpu.memory_space<vmem>>[vector<16xi32>, vector<16xi32>], vector<16xf32>, vector<16xi1>
          %add3A_1512 = arith.constant 22 : i32
          %add3A_1513 = vector.broadcast %add3A_1512 : i32 to vector<16xi32>
          %add3A_1514 = arith.addi %mul3A_1291, %add3A_1513 : vector<16xi32>
          %gather3A_1515 = tpu.vector_load_idx %arg13[%add3A_1514] masked %ge3A_1274 : memref<256xf32, #tpu.memory_space<vmem>>[vector<16xi32>], vector<16xf32>, vector<16xi1>
          %broadcast_in_dim3A_1516 = arith.constant 22 : i32
          %broadcast_in_dim3A_1517 = vector.broadcast %broadcast_in_dim3A_1516 : i32 to vector<16xi32>
          %scatter3A_1518 = arith.constant 0 : i32
          %scatter3A_1519 = arith.constant 0 : i32
          %scatter3A_1520 = tpu.memref_slice %arg11[%scan3A_188, %scatter3A_1518, %scatter3A_1519] : memref<2x128x73xf32, #tpu.memory_space<vmem>> -> memref<1x128x73xf32, #tpu.memory_space<vmem>>
          %scatter3A_1521 = tpu.memref_squeeze %scatter3A_1520 : memref<1x128x73xf32, #tpu.memory_space<vmem>> -> memref<128x73xf32, #tpu.memory_space<vmem>>
          tpu.vector_store_idx %scatter3A_1521[%add3A_221, %broadcast_in_dim3A_1517], %gather3A_1515 masked %ge3A_1274 {add = true} : memref<128x73xf32, #tpu.memory_space<vmem>>[vector<16xi32>, vector<16xi32>], vector<16xf32>, vector<16xi1>
          %add3A_1522 = arith.constant 23 : i32
          %add3A_1523 = vector.broadcast %add3A_1522 : i32 to vector<16xi32>
          %add3A_1524 = arith.addi %mul3A_1291, %add3A_1523 : vector<16xi32>
          %gather3A_1525 = tpu.vector_load_idx %arg13[%add3A_1524] masked %ge3A_1274 : memref<256xf32, #tpu.memory_space<vmem>>[vector<16xi32>], vector<16xf32>, vector<16xi1>
          %broadcast_in_dim3A_1526 = arith.constant 23 : i32
          %broadcast_in_dim3A_1527 = vector.broadcast %broadcast_in_dim3A_1526 : i32 to vector<16xi32>
          %scatter3A_1528 = arith.constant 0 : i32
          %scatter3A_1529 = arith.constant 0 : i32
          %scatter3A_1530 = tpu.memref_slice %arg11[%scan3A_188, %scatter3A_1528, %scatter3A_1529] : memref<2x128x73xf32, #tpu.memory_space<vmem>> -> memref<1x128x73xf32, #tpu.memory_space<vmem>>
          %scatter3A_1531 = tpu.memref_squeeze %scatter3A_1530 : memref<1x128x73xf32, #tpu.memory_space<vmem>> -> memref<128x73xf32, #tpu.memory_space<vmem>>
          tpu.vector_store_idx %scatter3A_1531[%add3A_221, %broadcast_in_dim3A_1527], %gather3A_1525 masked %ge3A_1274 {add = true} : memref<128x73xf32, #tpu.memory_space<vmem>>[vector<16xi32>, vector<16xi32>], vector<16xf32>, vector<16xi1>
          %add3A_1532 = arith.constant 24 : i32
          %add3A_1533 = vector.broadcast %add3A_1532 : i32 to vector<16xi32>
          %add3A_1534 = arith.addi %mul3A_1291, %add3A_1533 : vector<16xi32>
          %gather3A_1535 = tpu.vector_load_idx %arg13[%add3A_1534] masked %ge3A_1274 : memref<256xf32, #tpu.memory_space<vmem>>[vector<16xi32>], vector<16xf32>, vector<16xi1>
          %broadcast_in_dim3A_1536 = arith.constant 24 : i32
          %broadcast_in_dim3A_1537 = vector.broadcast %broadcast_in_dim3A_1536 : i32 to vector<16xi32>
          %scatter3A_1538 = arith.constant 0 : i32
          %scatter3A_1539 = arith.constant 0 : i32
          %scatter3A_1540 = tpu.memref_slice %arg11[%scan3A_188, %scatter3A_1538, %scatter3A_1539] : memref<2x128x73xf32, #tpu.memory_space<vmem>> -> memref<1x128x73xf32, #tpu.memory_space<vmem>>
          %scatter3A_1541 = tpu.memref_squeeze %scatter3A_1540 : memref<1x128x73xf32, #tpu.memory_space<vmem>> -> memref<128x73xf32, #tpu.memory_space<vmem>>
          tpu.vector_store_idx %scatter3A_1541[%add3A_221, %broadcast_in_dim3A_1537], %gather3A_1535 masked %ge3A_1274 {add = true} : memref<128x73xf32, #tpu.memory_space<vmem>>[vector<16xi32>, vector<16xi32>], vector<16xf32>, vector<16xi1>
          %add3A_1542 = arith.constant 25 : i32
          %add3A_1543 = vector.broadcast %add3A_1542 : i32 to vector<16xi32>
          %add3A_1544 = arith.addi %mul3A_1291, %add3A_1543 : vector<16xi32>
          %gather3A_1545 = tpu.vector_load_idx %arg13[%add3A_1544] masked %ge3A_1274 : memref<256xf32, #tpu.memory_space<vmem>>[vector<16xi32>], vector<16xf32>, vector<16xi1>
          %broadcast_in_dim3A_1546 = arith.constant 25 : i32
          %broadcast_in_dim3A_1547 = vector.broadcast %broadcast_in_dim3A_1546 : i32 to vector<16xi32>
          %scatter3A_1548 = arith.constant 0 : i32
          %scatter3A_1549 = arith.constant 0 : i32
          %scatter3A_1550 = tpu.memref_slice %arg11[%scan3A_188, %scatter3A_1548, %scatter3A_1549] : memref<2x128x73xf32, #tpu.memory_space<vmem>> -> memref<1x128x73xf32, #tpu.memory_space<vmem>>
          %scatter3A_1551 = tpu.memref_squeeze %scatter3A_1550 : memref<1x128x73xf32, #tpu.memory_space<vmem>> -> memref<128x73xf32, #tpu.memory_space<vmem>>
          tpu.vector_store_idx %scatter3A_1551[%add3A_221, %broadcast_in_dim3A_1547], %gather3A_1545 masked %ge3A_1274 {add = true} : memref<128x73xf32, #tpu.memory_space<vmem>>[vector<16xi32>, vector<16xi32>], vector<16xf32>, vector<16xi1>
          %add3A_1552 = arith.constant 26 : i32
          %add3A_1553 = vector.broadcast %add3A_1552 : i32 to vector<16xi32>
          %add3A_1554 = arith.addi %mul3A_1291, %add3A_1553 : vector<16xi32>
          %gather3A_1555 = tpu.vector_load_idx %arg13[%add3A_1554] masked %ge3A_1274 : memref<256xf32, #tpu.memory_space<vmem>>[vector<16xi32>], vector<16xf32>, vector<16xi1>
          %broadcast_in_dim3A_1556 = arith.constant 26 : i32
          %broadcast_in_dim3A_1557 = vector.broadcast %broadcast_in_dim3A_1556 : i32 to vector<16xi32>
          %scatter3A_1558 = arith.constant 0 : i32
          %scatter3A_1559 = arith.constant 0 : i32
          %scatter3A_1560 = tpu.memref_slice %arg11[%scan3A_188, %scatter3A_1558, %scatter3A_1559] : memref<2x128x73xf32, #tpu.memory_space<vmem>> -> memref<1x128x73xf32, #tpu.memory_space<vmem>>
          %scatter3A_1561 = tpu.memref_squeeze %scatter3A_1560 : memref<1x128x73xf32, #tpu.memory_space<vmem>> -> memref<128x73xf32, #tpu.memory_space<vmem>>
          tpu.vector_store_idx %scatter3A_1561[%add3A_221, %broadcast_in_dim3A_1557], %gather3A_1555 masked %ge3A_1274 {add = true} : memref<128x73xf32, #tpu.memory_space<vmem>>[vector<16xi32>, vector<16xi32>], vector<16xf32>, vector<16xi1>
          %add3A_1562 = arith.constant 27 : i32
          %add3A_1563 = vector.broadcast %add3A_1562 : i32 to vector<16xi32>
          %add3A_1564 = arith.addi %mul3A_1291, %add3A_1563 : vector<16xi32>
          %gather3A_1565 = tpu.vector_load_idx %arg13[%add3A_1564] masked %ge3A_1274 : memref<256xf32, #tpu.memory_space<vmem>>[vector<16xi32>], vector<16xf32>, vector<16xi1>
          %broadcast_in_dim3A_1566 = arith.constant 27 : i32
          %broadcast_in_dim3A_1567 = vector.broadcast %broadcast_in_dim3A_1566 : i32 to vector<16xi32>
          %scatter3A_1568 = arith.constant 0 : i32
          %scatter3A_1569 = arith.constant 0 : i32
          %scatter3A_1570 = tpu.memref_slice %arg11[%scan3A_188, %scatter3A_1568, %scatter3A_1569] : memref<2x128x73xf32, #tpu.memory_space<vmem>> -> memref<1x128x73xf32, #tpu.memory_space<vmem>>
          %scatter3A_1571 = tpu.memref_squeeze %scatter3A_1570 : memref<1x128x73xf32, #tpu.memory_space<vmem>> -> memref<128x73xf32, #tpu.memory_space<vmem>>
          tpu.vector_store_idx %scatter3A_1571[%add3A_221, %broadcast_in_dim3A_1567], %gather3A_1565 masked %ge3A_1274 {add = true} : memref<128x73xf32, #tpu.memory_space<vmem>>[vector<16xi32>, vector<16xi32>], vector<16xf32>, vector<16xi1>
          %add3A_1572 = arith.constant 28 : i32
          %add3A_1573 = vector.broadcast %add3A_1572 : i32 to vector<16xi32>
          %add3A_1574 = arith.addi %mul3A_1291, %add3A_1573 : vector<16xi32>
          %gather3A_1575 = tpu.vector_load_idx %arg13[%add3A_1574] masked %ge3A_1274 : memref<256xf32, #tpu.memory_space<vmem>>[vector<16xi32>], vector<16xf32>, vector<16xi1>
          %broadcast_in_dim3A_1576 = arith.constant 28 : i32
          %broadcast_in_dim3A_1577 = vector.broadcast %broadcast_in_dim3A_1576 : i32 to vector<16xi32>
          %scatter3A_1578 = arith.constant 0 : i32
          %scatter3A_1579 = arith.constant 0 : i32
          %scatter3A_1580 = tpu.memref_slice %arg11[%scan3A_188, %scatter3A_1578, %scatter3A_1579] : memref<2x128x73xf32, #tpu.memory_space<vmem>> -> memref<1x128x73xf32, #tpu.memory_space<vmem>>
          %scatter3A_1581 = tpu.memref_squeeze %scatter3A_1580 : memref<1x128x73xf32, #tpu.memory_space<vmem>> -> memref<128x73xf32, #tpu.memory_space<vmem>>
          tpu.vector_store_idx %scatter3A_1581[%add3A_221, %broadcast_in_dim3A_1577], %gather3A_1575 masked %ge3A_1274 {add = true} : memref<128x73xf32, #tpu.memory_space<vmem>>[vector<16xi32>, vector<16xi32>], vector<16xf32>, vector<16xi1>
          %add3A_1582 = arith.constant 29 : i32
          %add3A_1583 = vector.broadcast %add3A_1582 : i32 to vector<16xi32>
          %add3A_1584 = arith.addi %mul3A_1291, %add3A_1583 : vector<16xi32>
          %gather3A_1585 = tpu.vector_load_idx %arg13[%add3A_1584] masked %ge3A_1274 : memref<256xf32, #tpu.memory_space<vmem>>[vector<16xi32>], vector<16xf32>, vector<16xi1>
          %broadcast_in_dim3A_1586 = arith.constant 29 : i32
          %broadcast_in_dim3A_1587 = vector.broadcast %broadcast_in_dim3A_1586 : i32 to vector<16xi32>
          %scatter3A_1588 = arith.constant 0 : i32
          %scatter3A_1589 = arith.constant 0 : i32
          %scatter3A_1590 = tpu.memref_slice %arg11[%scan3A_188, %scatter3A_1588, %scatter3A_1589] : memref<2x128x73xf32, #tpu.memory_space<vmem>> -> memref<1x128x73xf32, #tpu.memory_space<vmem>>
          %scatter3A_1591 = tpu.memref_squeeze %scatter3A_1590 : memref<1x128x73xf32, #tpu.memory_space<vmem>> -> memref<128x73xf32, #tpu.memory_space<vmem>>
          tpu.vector_store_idx %scatter3A_1591[%add3A_221, %broadcast_in_dim3A_1587], %gather3A_1585 masked %ge3A_1274 {add = true} : memref<128x73xf32, #tpu.memory_space<vmem>>[vector<16xi32>, vector<16xi32>], vector<16xf32>, vector<16xi1>
          %add3A_1592 = arith.constant 30 : i32
          %add3A_1593 = vector.broadcast %add3A_1592 : i32 to vector<16xi32>
          %add3A_1594 = arith.addi %mul3A_1291, %add3A_1593 : vector<16xi32>
          %gather3A_1595 = tpu.vector_load_idx %arg13[%add3A_1594] masked %ge3A_1274 : memref<256xf32, #tpu.memory_space<vmem>>[vector<16xi32>], vector<16xf32>, vector<16xi1>
          %broadcast_in_dim3A_1596 = arith.constant 30 : i32
          %broadcast_in_dim3A_1597 = vector.broadcast %broadcast_in_dim3A_1596 : i32 to vector<16xi32>
          %scatter3A_1598 = arith.constant 0 : i32
          %scatter3A_1599 = arith.constant 0 : i32
          %scatter3A_1600 = tpu.memref_slice %arg11[%scan3A_188, %scatter3A_1598, %scatter3A_1599] : memref<2x128x73xf32, #tpu.memory_space<vmem>> -> memref<1x128x73xf32, #tpu.memory_space<vmem>>
          %scatter3A_1601 = tpu.memref_squeeze %scatter3A_1600 : memref<1x128x73xf32, #tpu.memory_space<vmem>> -> memref<128x73xf32, #tpu.memory_space<vmem>>
          tpu.vector_store_idx %scatter3A_1601[%add3A_221, %broadcast_in_dim3A_1597], %gather3A_1595 masked %ge3A_1274 {add = true} : memref<128x73xf32, #tpu.memory_space<vmem>>[vector<16xi32>, vector<16xi32>], vector<16xf32>, vector<16xi1>
          %add3A_1602 = arith.constant 31 : i32
          %add3A_1603 = vector.broadcast %add3A_1602 : i32 to vector<16xi32>
          %add3A_1604 = arith.addi %mul3A_1291, %add3A_1603 : vector<16xi32>
          %gather3A_1605 = tpu.vector_load_idx %arg13[%add3A_1604] masked %ge3A_1274 : memref<256xf32, #tpu.memory_space<vmem>>[vector<16xi32>], vector<16xf32>, vector<16xi1>
          %broadcast_in_dim3A_1606 = arith.constant 31 : i32
          %broadcast_in_dim3A_1607 = vector.broadcast %broadcast_in_dim3A_1606 : i32 to vector<16xi32>
          %scatter3A_1608 = arith.constant 0 : i32
          %scatter3A_1609 = arith.constant 0 : i32
          %scatter3A_1610 = tpu.memref_slice %arg11[%scan3A_188, %scatter3A_1608, %scatter3A_1609] : memref<2x128x73xf32, #tpu.memory_space<vmem>> -> memref<1x128x73xf32, #tpu.memory_space<vmem>>
          %scatter3A_1611 = tpu.memref_squeeze %scatter3A_1610 : memref<1x128x73xf32, #tpu.memory_space<vmem>> -> memref<128x73xf32, #tpu.memory_space<vmem>>
          tpu.vector_store_idx %scatter3A_1611[%add3A_221, %broadcast_in_dim3A_1607], %gather3A_1605 masked %ge3A_1274 {add = true} : memref<128x73xf32, #tpu.memory_space<vmem>>[vector<16xi32>, vector<16xi32>], vector<16xf32>, vector<16xi1>
          %add3A_1612 = arith.constant 32 : i32
          %add3A_1613 = vector.broadcast %add3A_1612 : i32 to vector<16xi32>
          %add3A_1614 = arith.addi %mul3A_1291, %add3A_1613 : vector<16xi32>
          %gather3A_1615 = tpu.vector_load_idx %arg13[%add3A_1614] masked %ge3A_1274 : memref<256xf32, #tpu.memory_space<vmem>>[vector<16xi32>], vector<16xf32>, vector<16xi1>
          %broadcast_in_dim3A_1616 = arith.constant 32 : i32
          %broadcast_in_dim3A_1617 = vector.broadcast %broadcast_in_dim3A_1616 : i32 to vector<16xi32>
          %scatter3A_1618 = arith.constant 0 : i32
          %scatter3A_1619 = arith.constant 0 : i32
          %scatter3A_1620 = tpu.memref_slice %arg11[%scan3A_188, %scatter3A_1618, %scatter3A_1619] : memref<2x128x73xf32, #tpu.memory_space<vmem>> -> memref<1x128x73xf32, #tpu.memory_space<vmem>>
          %scatter3A_1621 = tpu.memref_squeeze %scatter3A_1620 : memref<1x128x73xf32, #tpu.memory_space<vmem>> -> memref<128x73xf32, #tpu.memory_space<vmem>>
          tpu.vector_store_idx %scatter3A_1621[%add3A_221, %broadcast_in_dim3A_1617], %gather3A_1615 masked %ge3A_1274 {add = true} : memref<128x73xf32, #tpu.memory_space<vmem>>[vector<16xi32>, vector<16xi32>], vector<16xf32>, vector<16xi1>
          %add3A_1622 = arith.constant 33 : i32
          %add3A_1623 = vector.broadcast %add3A_1622 : i32 to vector<16xi32>
          %add3A_1624 = arith.addi %mul3A_1291, %add3A_1623 : vector<16xi32>
          %gather3A_1625 = tpu.vector_load_idx %arg13[%add3A_1624] masked %ge3A_1274 : memref<256xf32, #tpu.memory_space<vmem>>[vector<16xi32>], vector<16xf32>, vector<16xi1>
          %broadcast_in_dim3A_1626 = arith.constant 33 : i32
          %broadcast_in_dim3A_1627 = vector.broadcast %broadcast_in_dim3A_1626 : i32 to vector<16xi32>
          %scatter3A_1628 = arith.constant 0 : i32
          %scatter3A_1629 = arith.constant 0 : i32
          %scatter3A_1630 = tpu.memref_slice %arg11[%scan3A_188, %scatter3A_1628, %scatter3A_1629] : memref<2x128x73xf32, #tpu.memory_space<vmem>> -> memref<1x128x73xf32, #tpu.memory_space<vmem>>
          %scatter3A_1631 = tpu.memref_squeeze %scatter3A_1630 : memref<1x128x73xf32, #tpu.memory_space<vmem>> -> memref<128x73xf32, #tpu.memory_space<vmem>>
          tpu.vector_store_idx %scatter3A_1631[%add3A_221, %broadcast_in_dim3A_1627], %gather3A_1625 masked %ge3A_1274 {add = true} : memref<128x73xf32, #tpu.memory_space<vmem>>[vector<16xi32>, vector<16xi32>], vector<16xf32>, vector<16xi1>
          %add3A_1632 = arith.constant 34 : i32
          %add3A_1633 = vector.broadcast %add3A_1632 : i32 to vector<16xi32>
          %add3A_1634 = arith.addi %mul3A_1291, %add3A_1633 : vector<16xi32>
          %gather3A_1635 = tpu.vector_load_idx %arg13[%add3A_1634] masked %ge3A_1274 : memref<256xf32, #tpu.memory_space<vmem>>[vector<16xi32>], vector<16xf32>, vector<16xi1>
          %broadcast_in_dim3A_1636 = arith.constant 34 : i32
          %broadcast_in_dim3A_1637 = vector.broadcast %broadcast_in_dim3A_1636 : i32 to vector<16xi32>
          %scatter3A_1638 = arith.constant 0 : i32
          %scatter3A_1639 = arith.constant 0 : i32
          %scatter3A_1640 = tpu.memref_slice %arg11[%scan3A_188, %scatter3A_1638, %scatter3A_1639] : memref<2x128x73xf32, #tpu.memory_space<vmem>> -> memref<1x128x73xf32, #tpu.memory_space<vmem>>
          %scatter3A_1641 = tpu.memref_squeeze %scatter3A_1640 : memref<1x128x73xf32, #tpu.memory_space<vmem>> -> memref<128x73xf32, #tpu.memory_space<vmem>>
          tpu.vector_store_idx %scatter3A_1641[%add3A_221, %broadcast_in_dim3A_1637], %gather3A_1635 masked %ge3A_1274 {add = true} : memref<128x73xf32, #tpu.memory_space<vmem>>[vector<16xi32>, vector<16xi32>], vector<16xf32>, vector<16xi1>
          %add3A_1642 = arith.constant 35 : i32
          %add3A_1643 = vector.broadcast %add3A_1642 : i32 to vector<16xi32>
          %add3A_1644 = arith.addi %mul3A_1291, %add3A_1643 : vector<16xi32>
          %gather3A_1645 = tpu.vector_load_idx %arg13[%add3A_1644] masked %ge3A_1274 : memref<256xf32, #tpu.memory_space<vmem>>[vector<16xi32>], vector<16xf32>, vector<16xi1>
          %broadcast_in_dim3A_1646 = arith.constant 35 : i32
          %broadcast_in_dim3A_1647 = vector.broadcast %broadcast_in_dim3A_1646 : i32 to vector<16xi32>
          %scatter3A_1648 = arith.constant 0 : i32
          %scatter3A_1649 = arith.constant 0 : i32
          %scatter3A_1650 = tpu.memref_slice %arg11[%scan3A_188, %scatter3A_1648, %scatter3A_1649] : memref<2x128x73xf32, #tpu.memory_space<vmem>> -> memref<1x128x73xf32, #tpu.memory_space<vmem>>
          %scatter3A_1651 = tpu.memref_squeeze %scatter3A_1650 : memref<1x128x73xf32, #tpu.memory_space<vmem>> -> memref<128x73xf32, #tpu.memory_space<vmem>>
          tpu.vector_store_idx %scatter3A_1651[%add3A_221, %broadcast_in_dim3A_1647], %gather3A_1645 masked %ge3A_1274 {add = true} : memref<128x73xf32, #tpu.memory_space<vmem>>[vector<16xi32>, vector<16xi32>], vector<16xf32>, vector<16xi1>
          %add3A_1652 = arith.constant 36 : i32
          %add3A_1653 = vector.broadcast %add3A_1652 : i32 to vector<16xi32>
          %add3A_1654 = arith.addi %mul3A_1291, %add3A_1653 : vector<16xi32>
          %gather3A_1655 = tpu.vector_load_idx %arg13[%add3A_1654] masked %ge3A_1274 : memref<256xf32, #tpu.memory_space<vmem>>[vector<16xi32>], vector<16xf32>, vector<16xi1>
          %broadcast_in_dim3A_1656 = arith.constant 36 : i32
          %broadcast_in_dim3A_1657 = vector.broadcast %broadcast_in_dim3A_1656 : i32 to vector<16xi32>
          %scatter3A_1658 = arith.constant 0 : i32
          %scatter3A_1659 = arith.constant 0 : i32
          %scatter3A_1660 = tpu.memref_slice %arg11[%scan3A_188, %scatter3A_1658, %scatter3A_1659] : memref<2x128x73xf32, #tpu.memory_space<vmem>> -> memref<1x128x73xf32, #tpu.memory_space<vmem>>
          %scatter3A_1661 = tpu.memref_squeeze %scatter3A_1660 : memref<1x128x73xf32, #tpu.memory_space<vmem>> -> memref<128x73xf32, #tpu.memory_space<vmem>>
          tpu.vector_store_idx %scatter3A_1661[%add3A_221, %broadcast_in_dim3A_1657], %gather3A_1655 masked %ge3A_1274 {add = true} : memref<128x73xf32, #tpu.memory_space<vmem>>[vector<16xi32>, vector<16xi32>], vector<16xf32>, vector<16xi1>
          %add3A_1662 = arith.constant 37 : i32
          %add3A_1663 = vector.broadcast %add3A_1662 : i32 to vector<16xi32>
          %add3A_1664 = arith.addi %mul3A_1291, %add3A_1663 : vector<16xi32>
          %gather3A_1665 = tpu.vector_load_idx %arg13[%add3A_1664] masked %ge3A_1274 : memref<256xf32, #tpu.memory_space<vmem>>[vector<16xi32>], vector<16xf32>, vector<16xi1>
          %broadcast_in_dim3A_1666 = arith.constant 37 : i32
          %broadcast_in_dim3A_1667 = vector.broadcast %broadcast_in_dim3A_1666 : i32 to vector<16xi32>
          %scatter3A_1668 = arith.constant 0 : i32
          %scatter3A_1669 = arith.constant 0 : i32
          %scatter3A_1670 = tpu.memref_slice %arg11[%scan3A_188, %scatter3A_1668, %scatter3A_1669] : memref<2x128x73xf32, #tpu.memory_space<vmem>> -> memref<1x128x73xf32, #tpu.memory_space<vmem>>
          %scatter3A_1671 = tpu.memref_squeeze %scatter3A_1670 : memref<1x128x73xf32, #tpu.memory_space<vmem>> -> memref<128x73xf32, #tpu.memory_space<vmem>>
          tpu.vector_store_idx %scatter3A_1671[%add3A_221, %broadcast_in_dim3A_1667], %gather3A_1665 masked %ge3A_1274 {add = true} : memref<128x73xf32, #tpu.memory_space<vmem>>[vector<16xi32>, vector<16xi32>], vector<16xf32>, vector<16xi1>
          %add3A_1672 = arith.constant 38 : i32
          %add3A_1673 = vector.broadcast %add3A_1672 : i32 to vector<16xi32>
          %add3A_1674 = arith.addi %mul3A_1291, %add3A_1673 : vector<16xi32>
          %gather3A_1675 = tpu.vector_load_idx %arg13[%add3A_1674] masked %ge3A_1274 : memref<256xf32, #tpu.memory_space<vmem>>[vector<16xi32>], vector<16xf32>, vector<16xi1>
          %broadcast_in_dim3A_1676 = arith.constant 38 : i32
          %broadcast_in_dim3A_1677 = vector.broadcast %broadcast_in_dim3A_1676 : i32 to vector<16xi32>
          %scatter3A_1678 = arith.constant 0 : i32
          %scatter3A_1679 = arith.constant 0 : i32
          %scatter3A_1680 = tpu.memref_slice %arg11[%scan3A_188, %scatter3A_1678, %scatter3A_1679] : memref<2x128x73xf32, #tpu.memory_space<vmem>> -> memref<1x128x73xf32, #tpu.memory_space<vmem>>
          %scatter3A_1681 = tpu.memref_squeeze %scatter3A_1680 : memref<1x128x73xf32, #tpu.memory_space<vmem>> -> memref<128x73xf32, #tpu.memory_space<vmem>>
          tpu.vector_store_idx %scatter3A_1681[%add3A_221, %broadcast_in_dim3A_1677], %gather3A_1675 masked %ge3A_1274 {add = true} : memref<128x73xf32, #tpu.memory_space<vmem>>[vector<16xi32>, vector<16xi32>], vector<16xf32>, vector<16xi1>
          %add3A_1682 = arith.constant 39 : i32
          %add3A_1683 = vector.broadcast %add3A_1682 : i32 to vector<16xi32>
          %add3A_1684 = arith.addi %mul3A_1291, %add3A_1683 : vector<16xi32>
          %gather3A_1685 = tpu.vector_load_idx %arg13[%add3A_1684] masked %ge3A_1274 : memref<256xf32, #tpu.memory_space<vmem>>[vector<16xi32>], vector<16xf32>, vector<16xi1>
          %broadcast_in_dim3A_1686 = arith.constant 39 : i32
          %broadcast_in_dim3A_1687 = vector.broadcast %broadcast_in_dim3A_1686 : i32 to vector<16xi32>
          %scatter3A_1688 = arith.constant 0 : i32
          %scatter3A_1689 = arith.constant 0 : i32
          %scatter3A_1690 = tpu.memref_slice %arg11[%scan3A_188, %scatter3A_1688, %scatter3A_1689] : memref<2x128x73xf32, #tpu.memory_space<vmem>> -> memref<1x128x73xf32, #tpu.memory_space<vmem>>
          %scatter3A_1691 = tpu.memref_squeeze %scatter3A_1690 : memref<1x128x73xf32, #tpu.memory_space<vmem>> -> memref<128x73xf32, #tpu.memory_space<vmem>>
          tpu.vector_store_idx %scatter3A_1691[%add3A_221, %broadcast_in_dim3A_1687], %gather3A_1685 masked %ge3A_1274 {add = true} : memref<128x73xf32, #tpu.memory_space<vmem>>[vector<16xi32>, vector<16xi32>], vector<16xf32>, vector<16xi1>
          %add3A_1692 = arith.constant 40 : i32
          %add3A_1693 = vector.broadcast %add3A_1692 : i32 to vector<16xi32>
          %add3A_1694 = arith.addi %mul3A_1291, %add3A_1693 : vector<16xi32>
          %gather3A_1695 = tpu.vector_load_idx %arg13[%add3A_1694] masked %ge3A_1274 : memref<256xf32, #tpu.memory_space<vmem>>[vector<16xi32>], vector<16xf32>, vector<16xi1>
          %broadcast_in_dim3A_1696 = arith.constant 40 : i32
          %broadcast_in_dim3A_1697 = vector.broadcast %broadcast_in_dim3A_1696 : i32 to vector<16xi32>
          %scatter3A_1698 = arith.constant 0 : i32
          %scatter3A_1699 = arith.constant 0 : i32
          %scatter3A_1700 = tpu.memref_slice %arg11[%scan3A_188, %scatter3A_1698, %scatter3A_1699] : memref<2x128x73xf32, #tpu.memory_space<vmem>> -> memref<1x128x73xf32, #tpu.memory_space<vmem>>
          %scatter3A_1701 = tpu.memref_squeeze %scatter3A_1700 : memref<1x128x73xf32, #tpu.memory_space<vmem>> -> memref<128x73xf32, #tpu.memory_space<vmem>>
          tpu.vector_store_idx %scatter3A_1701[%add3A_221, %broadcast_in_dim3A_1697], %gather3A_1695 masked %ge3A_1274 {add = true} : memref<128x73xf32, #tpu.memory_space<vmem>>[vector<16xi32>, vector<16xi32>], vector<16xf32>, vector<16xi1>
          %add3A_1702 = arith.constant 41 : i32
          %add3A_1703 = vector.broadcast %add3A_1702 : i32 to vector<16xi32>
          %add3A_1704 = arith.addi %mul3A_1291, %add3A_1703 : vector<16xi32>
          %gather3A_1705 = tpu.vector_load_idx %arg13[%add3A_1704] masked %ge3A_1274 : memref<256xf32, #tpu.memory_space<vmem>>[vector<16xi32>], vector<16xf32>, vector<16xi1>
          %broadcast_in_dim3A_1706 = arith.constant 41 : i32
          %broadcast_in_dim3A_1707 = vector.broadcast %broadcast_in_dim3A_1706 : i32 to vector<16xi32>
          %scatter3A_1708 = arith.constant 0 : i32
          %scatter3A_1709 = arith.constant 0 : i32
          %scatter3A_1710 = tpu.memref_slice %arg11[%scan3A_188, %scatter3A_1708, %scatter3A_1709] : memref<2x128x73xf32, #tpu.memory_space<vmem>> -> memref<1x128x73xf32, #tpu.memory_space<vmem>>
          %scatter3A_1711 = tpu.memref_squeeze %scatter3A_1710 : memref<1x128x73xf32, #tpu.memory_space<vmem>> -> memref<128x73xf32, #tpu.memory_space<vmem>>
          tpu.vector_store_idx %scatter3A_1711[%add3A_221, %broadcast_in_dim3A_1707], %gather3A_1705 masked %ge3A_1274 {add = true} : memref<128x73xf32, #tpu.memory_space<vmem>>[vector<16xi32>, vector<16xi32>], vector<16xf32>, vector<16xi1>
          %add3A_1712 = arith.constant 42 : i32
          %add3A_1713 = vector.broadcast %add3A_1712 : i32 to vector<16xi32>
          %add3A_1714 = arith.addi %mul3A_1291, %add3A_1713 : vector<16xi32>
          %gather3A_1715 = tpu.vector_load_idx %arg13[%add3A_1714] masked %ge3A_1274 : memref<256xf32, #tpu.memory_space<vmem>>[vector<16xi32>], vector<16xf32>, vector<16xi1>
          %broadcast_in_dim3A_1716 = arith.constant 42 : i32
          %broadcast_in_dim3A_1717 = vector.broadcast %broadcast_in_dim3A_1716 : i32 to vector<16xi32>
          %scatter3A_1718 = arith.constant 0 : i32
          %scatter3A_1719 = arith.constant 0 : i32
          %scatter3A_1720 = tpu.memref_slice %arg11[%scan3A_188, %scatter3A_1718, %scatter3A_1719] : memref<2x128x73xf32, #tpu.memory_space<vmem>> -> memref<1x128x73xf32, #tpu.memory_space<vmem>>
          %scatter3A_1721 = tpu.memref_squeeze %scatter3A_1720 : memref<1x128x73xf32, #tpu.memory_space<vmem>> -> memref<128x73xf32, #tpu.memory_space<vmem>>
          tpu.vector_store_idx %scatter3A_1721[%add3A_221, %broadcast_in_dim3A_1717], %gather3A_1715 masked %ge3A_1274 {add = true} : memref<128x73xf32, #tpu.memory_space<vmem>>[vector<16xi32>, vector<16xi32>], vector<16xf32>, vector<16xi1>
          %add3A_1722 = arith.constant 43 : i32
          %add3A_1723 = vector.broadcast %add3A_1722 : i32 to vector<16xi32>
          %add3A_1724 = arith.addi %mul3A_1291, %add3A_1723 : vector<16xi32>
          %gather3A_1725 = tpu.vector_load_idx %arg13[%add3A_1724] masked %ge3A_1274 : memref<256xf32, #tpu.memory_space<vmem>>[vector<16xi32>], vector<16xf32>, vector<16xi1>
          %broadcast_in_dim3A_1726 = arith.constant 43 : i32
          %broadcast_in_dim3A_1727 = vector.broadcast %broadcast_in_dim3A_1726 : i32 to vector<16xi32>
          %scatter3A_1728 = arith.constant 0 : i32
          %scatter3A_1729 = arith.constant 0 : i32
          %scatter3A_1730 = tpu.memref_slice %arg11[%scan3A_188, %scatter3A_1728, %scatter3A_1729] : memref<2x128x73xf32, #tpu.memory_space<vmem>> -> memref<1x128x73xf32, #tpu.memory_space<vmem>>
          %scatter3A_1731 = tpu.memref_squeeze %scatter3A_1730 : memref<1x128x73xf32, #tpu.memory_space<vmem>> -> memref<128x73xf32, #tpu.memory_space<vmem>>
          tpu.vector_store_idx %scatter3A_1731[%add3A_221, %broadcast_in_dim3A_1727], %gather3A_1725 masked %ge3A_1274 {add = true} : memref<128x73xf32, #tpu.memory_space<vmem>>[vector<16xi32>, vector<16xi32>], vector<16xf32>, vector<16xi1>
          %add3A_1732 = arith.constant 44 : i32
          %add3A_1733 = vector.broadcast %add3A_1732 : i32 to vector<16xi32>
          %add3A_1734 = arith.addi %mul3A_1291, %add3A_1733 : vector<16xi32>
          %gather3A_1735 = tpu.vector_load_idx %arg13[%add3A_1734] masked %ge3A_1274 : memref<256xf32, #tpu.memory_space<vmem>>[vector<16xi32>], vector<16xf32>, vector<16xi1>
          %broadcast_in_dim3A_1736 = arith.constant 44 : i32
          %broadcast_in_dim3A_1737 = vector.broadcast %broadcast_in_dim3A_1736 : i32 to vector<16xi32>
          %scatter3A_1738 = arith.constant 0 : i32
          %scatter3A_1739 = arith.constant 0 : i32
          %scatter3A_1740 = tpu.memref_slice %arg11[%scan3A_188, %scatter3A_1738, %scatter3A_1739] : memref<2x128x73xf32, #tpu.memory_space<vmem>> -> memref<1x128x73xf32, #tpu.memory_space<vmem>>
          %scatter3A_1741 = tpu.memref_squeeze %scatter3A_1740 : memref<1x128x73xf32, #tpu.memory_space<vmem>> -> memref<128x73xf32, #tpu.memory_space<vmem>>
          tpu.vector_store_idx %scatter3A_1741[%add3A_221, %broadcast_in_dim3A_1737], %gather3A_1735 masked %ge3A_1274 {add = true} : memref<128x73xf32, #tpu.memory_space<vmem>>[vector<16xi32>, vector<16xi32>], vector<16xf32>, vector<16xi1>
          %add3A_1742 = arith.constant 45 : i32
          %add3A_1743 = vector.broadcast %add3A_1742 : i32 to vector<16xi32>
          %add3A_1744 = arith.addi %mul3A_1291, %add3A_1743 : vector<16xi32>
          %gather3A_1745 = tpu.vector_load_idx %arg13[%add3A_1744] masked %ge3A_1274 : memref<256xf32, #tpu.memory_space<vmem>>[vector<16xi32>], vector<16xf32>, vector<16xi1>
          %broadcast_in_dim3A_1746 = arith.constant 45 : i32
          %broadcast_in_dim3A_1747 = vector.broadcast %broadcast_in_dim3A_1746 : i32 to vector<16xi32>
          %scatter3A_1748 = arith.constant 0 : i32
          %scatter3A_1749 = arith.constant 0 : i32
          %scatter3A_1750 = tpu.memref_slice %arg11[%scan3A_188, %scatter3A_1748, %scatter3A_1749] : memref<2x128x73xf32, #tpu.memory_space<vmem>> -> memref<1x128x73xf32, #tpu.memory_space<vmem>>
          %scatter3A_1751 = tpu.memref_squeeze %scatter3A_1750 : memref<1x128x73xf32, #tpu.memory_space<vmem>> -> memref<128x73xf32, #tpu.memory_space<vmem>>
          tpu.vector_store_idx %scatter3A_1751[%add3A_221, %broadcast_in_dim3A_1747], %gather3A_1745 masked %ge3A_1274 {add = true} : memref<128x73xf32, #tpu.memory_space<vmem>>[vector<16xi32>, vector<16xi32>], vector<16xf32>, vector<16xi1>
          %add3A_1752 = arith.constant 46 : i32
          %add3A_1753 = vector.broadcast %add3A_1752 : i32 to vector<16xi32>
          %add3A_1754 = arith.addi %mul3A_1291, %add3A_1753 : vector<16xi32>
          %gather3A_1755 = tpu.vector_load_idx %arg13[%add3A_1754] masked %ge3A_1274 : memref<256xf32, #tpu.memory_space<vmem>>[vector<16xi32>], vector<16xf32>, vector<16xi1>
          %broadcast_in_dim3A_1756 = arith.constant 46 : i32
          %broadcast_in_dim3A_1757 = vector.broadcast %broadcast_in_dim3A_1756 : i32 to vector<16xi32>
          %scatter3A_1758 = arith.constant 0 : i32
          %scatter3A_1759 = arith.constant 0 : i32
          %scatter3A_1760 = tpu.memref_slice %arg11[%scan3A_188, %scatter3A_1758, %scatter3A_1759] : memref<2x128x73xf32, #tpu.memory_space<vmem>> -> memref<1x128x73xf32, #tpu.memory_space<vmem>>
          %scatter3A_1761 = tpu.memref_squeeze %scatter3A_1760 : memref<1x128x73xf32, #tpu.memory_space<vmem>> -> memref<128x73xf32, #tpu.memory_space<vmem>>
          tpu.vector_store_idx %scatter3A_1761[%add3A_221, %broadcast_in_dim3A_1757], %gather3A_1755 masked %ge3A_1274 {add = true} : memref<128x73xf32, #tpu.memory_space<vmem>>[vector<16xi32>, vector<16xi32>], vector<16xf32>, vector<16xi1>
          %add3A_1762 = arith.constant 47 : i32
          %add3A_1763 = vector.broadcast %add3A_1762 : i32 to vector<16xi32>
          %add3A_1764 = arith.addi %mul3A_1291, %add3A_1763 : vector<16xi32>
          %gather3A_1765 = tpu.vector_load_idx %arg13[%add3A_1764] masked %ge3A_1274 : memref<256xf32, #tpu.memory_space<vmem>>[vector<16xi32>], vector<16xf32>, vector<16xi1>
          %broadcast_in_dim3A_1766 = arith.constant 47 : i32
          %broadcast_in_dim3A_1767 = vector.broadcast %broadcast_in_dim3A_1766 : i32 to vector<16xi32>
          %scatter3A_1768 = arith.constant 0 : i32
          %scatter3A_1769 = arith.constant 0 : i32
          %scatter3A_1770 = tpu.memref_slice %arg11[%scan3A_188, %scatter3A_1768, %scatter3A_1769] : memref<2x128x73xf32, #tpu.memory_space<vmem>> -> memref<1x128x73xf32, #tpu.memory_space<vmem>>
          %scatter3A_1771 = tpu.memref_squeeze %scatter3A_1770 : memref<1x128x73xf32, #tpu.memory_space<vmem>> -> memref<128x73xf32, #tpu.memory_space<vmem>>
          tpu.vector_store_idx %scatter3A_1771[%add3A_221, %broadcast_in_dim3A_1767], %gather3A_1765 masked %ge3A_1274 {add = true} : memref<128x73xf32, #tpu.memory_space<vmem>>[vector<16xi32>, vector<16xi32>], vector<16xf32>, vector<16xi1>
          %add3A_1772 = arith.constant 48 : i32
          %add3A_1773 = vector.broadcast %add3A_1772 : i32 to vector<16xi32>
          %add3A_1774 = arith.addi %mul3A_1291, %add3A_1773 : vector<16xi32>
          %gather3A_1775 = tpu.vector_load_idx %arg13[%add3A_1774] masked %ge3A_1274 : memref<256xf32, #tpu.memory_space<vmem>>[vector<16xi32>], vector<16xf32>, vector<16xi1>
          %broadcast_in_dim3A_1776 = arith.constant 48 : i32
          %broadcast_in_dim3A_1777 = vector.broadcast %broadcast_in_dim3A_1776 : i32 to vector<16xi32>
          %scatter3A_1778 = arith.constant 0 : i32
          %scatter3A_1779 = arith.constant 0 : i32
          %scatter3A_1780 = tpu.memref_slice %arg11[%scan3A_188, %scatter3A_1778, %scatter3A_1779] : memref<2x128x73xf32, #tpu.memory_space<vmem>> -> memref<1x128x73xf32, #tpu.memory_space<vmem>>
          %scatter3A_1781 = tpu.memref_squeeze %scatter3A_1780 : memref<1x128x73xf32, #tpu.memory_space<vmem>> -> memref<128x73xf32, #tpu.memory_space<vmem>>
          tpu.vector_store_idx %scatter3A_1781[%add3A_221, %broadcast_in_dim3A_1777], %gather3A_1775 masked %ge3A_1274 {add = true} : memref<128x73xf32, #tpu.memory_space<vmem>>[vector<16xi32>, vector<16xi32>], vector<16xf32>, vector<16xi1>
          %add3A_1782 = arith.constant 49 : i32
          %add3A_1783 = vector.broadcast %add3A_1782 : i32 to vector<16xi32>
          %add3A_1784 = arith.addi %mul3A_1291, %add3A_1783 : vector<16xi32>
          %gather3A_1785 = tpu.vector_load_idx %arg13[%add3A_1784] masked %ge3A_1274 : memref<256xf32, #tpu.memory_space<vmem>>[vector<16xi32>], vector<16xf32>, vector<16xi1>
          %broadcast_in_dim3A_1786 = arith.constant 49 : i32
          %broadcast_in_dim3A_1787 = vector.broadcast %broadcast_in_dim3A_1786 : i32 to vector<16xi32>
          %scatter3A_1788 = arith.constant 0 : i32
          %scatter3A_1789 = arith.constant 0 : i32
          %scatter3A_1790 = tpu.memref_slice %arg11[%scan3A_188, %scatter3A_1788, %scatter3A_1789] : memref<2x128x73xf32, #tpu.memory_space<vmem>> -> memref<1x128x73xf32, #tpu.memory_space<vmem>>
          %scatter3A_1791 = tpu.memref_squeeze %scatter3A_1790 : memref<1x128x73xf32, #tpu.memory_space<vmem>> -> memref<128x73xf32, #tpu.memory_space<vmem>>
          tpu.vector_store_idx %scatter3A_1791[%add3A_221, %broadcast_in_dim3A_1787], %gather3A_1785 masked %ge3A_1274 {add = true} : memref<128x73xf32, #tpu.memory_space<vmem>>[vector<16xi32>, vector<16xi32>], vector<16xf32>, vector<16xi1>
          %add3A_1792 = arith.constant 50 : i32
          %add3A_1793 = vector.broadcast %add3A_1792 : i32 to vector<16xi32>
          %add3A_1794 = arith.addi %mul3A_1291, %add3A_1793 : vector<16xi32>
          %gather3A_1795 = tpu.vector_load_idx %arg13[%add3A_1794] masked %ge3A_1274 : memref<256xf32, #tpu.memory_space<vmem>>[vector<16xi32>], vector<16xf32>, vector<16xi1>
          %broadcast_in_dim3A_1796 = arith.constant 50 : i32
          %broadcast_in_dim3A_1797 = vector.broadcast %broadcast_in_dim3A_1796 : i32 to vector<16xi32>
          %scatter3A_1798 = arith.constant 0 : i32
          %scatter3A_1799 = arith.constant 0 : i32
          %scatter3A_1800 = tpu.memref_slice %arg11[%scan3A_188, %scatter3A_1798, %scatter3A_1799] : memref<2x128x73xf32, #tpu.memory_space<vmem>> -> memref<1x128x73xf32, #tpu.memory_space<vmem>>
          %scatter3A_1801 = tpu.memref_squeeze %scatter3A_1800 : memref<1x128x73xf32, #tpu.memory_space<vmem>> -> memref<128x73xf32, #tpu.memory_space<vmem>>
          tpu.vector_store_idx %scatter3A_1801[%add3A_221, %broadcast_in_dim3A_1797], %gather3A_1795 masked %ge3A_1274 {add = true} : memref<128x73xf32, #tpu.memory_space<vmem>>[vector<16xi32>, vector<16xi32>], vector<16xf32>, vector<16xi1>
          %add3A_1802 = arith.constant 51 : i32
          %add3A_1803 = vector.broadcast %add3A_1802 : i32 to vector<16xi32>
          %add3A_1804 = arith.addi %mul3A_1291, %add3A_1803 : vector<16xi32>
          %gather3A_1805 = tpu.vector_load_idx %arg13[%add3A_1804] masked %ge3A_1274 : memref<256xf32, #tpu.memory_space<vmem>>[vector<16xi32>], vector<16xf32>, vector<16xi1>
          %broadcast_in_dim3A_1806 = arith.constant 51 : i32
          %broadcast_in_dim3A_1807 = vector.broadcast %broadcast_in_dim3A_1806 : i32 to vector<16xi32>
          %scatter3A_1808 = arith.constant 0 : i32
          %scatter3A_1809 = arith.constant 0 : i32
          %scatter3A_1810 = tpu.memref_slice %arg11[%scan3A_188, %scatter3A_1808, %scatter3A_1809] : memref<2x128x73xf32, #tpu.memory_space<vmem>> -> memref<1x128x73xf32, #tpu.memory_space<vmem>>
          %scatter3A_1811 = tpu.memref_squeeze %scatter3A_1810 : memref<1x128x73xf32, #tpu.memory_space<vmem>> -> memref<128x73xf32, #tpu.memory_space<vmem>>
          tpu.vector_store_idx %scatter3A_1811[%add3A_221, %broadcast_in_dim3A_1807], %gather3A_1805 masked %ge3A_1274 {add = true} : memref<128x73xf32, #tpu.memory_space<vmem>>[vector<16xi32>, vector<16xi32>], vector<16xf32>, vector<16xi1>
          %add3A_1812 = arith.constant 52 : i32
          %add3A_1813 = vector.broadcast %add3A_1812 : i32 to vector<16xi32>
          %add3A_1814 = arith.addi %mul3A_1291, %add3A_1813 : vector<16xi32>
          %gather3A_1815 = tpu.vector_load_idx %arg13[%add3A_1814] masked %ge3A_1274 : memref<256xf32, #tpu.memory_space<vmem>>[vector<16xi32>], vector<16xf32>, vector<16xi1>
          %broadcast_in_dim3A_1816 = arith.constant 52 : i32
          %broadcast_in_dim3A_1817 = vector.broadcast %broadcast_in_dim3A_1816 : i32 to vector<16xi32>
          %scatter3A_1818 = arith.constant 0 : i32
          %scatter3A_1819 = arith.constant 0 : i32
          %scatter3A_1820 = tpu.memref_slice %arg11[%scan3A_188, %scatter3A_1818, %scatter3A_1819] : memref<2x128x73xf32, #tpu.memory_space<vmem>> -> memref<1x128x73xf32, #tpu.memory_space<vmem>>
          %scatter3A_1821 = tpu.memref_squeeze %scatter3A_1820 : memref<1x128x73xf32, #tpu.memory_space<vmem>> -> memref<128x73xf32, #tpu.memory_space<vmem>>
          tpu.vector_store_idx %scatter3A_1821[%add3A_221, %broadcast_in_dim3A_1817], %gather3A_1815 masked %ge3A_1274 {add = true} : memref<128x73xf32, #tpu.memory_space<vmem>>[vector<16xi32>, vector<16xi32>], vector<16xf32>, vector<16xi1>
          %add3A_1822 = arith.constant 53 : i32
          %add3A_1823 = vector.broadcast %add3A_1822 : i32 to vector<16xi32>
          %add3A_1824 = arith.addi %mul3A_1291, %add3A_1823 : vector<16xi32>
          %gather3A_1825 = tpu.vector_load_idx %arg13[%add3A_1824] masked %ge3A_1274 : memref<256xf32, #tpu.memory_space<vmem>>[vector<16xi32>], vector<16xf32>, vector<16xi1>
          %broadcast_in_dim3A_1826 = arith.constant 53 : i32
          %broadcast_in_dim3A_1827 = vector.broadcast %broadcast_in_dim3A_1826 : i32 to vector<16xi32>
          %scatter3A_1828 = arith.constant 0 : i32
          %scatter3A_1829 = arith.constant 0 : i32
          %scatter3A_1830 = tpu.memref_slice %arg11[%scan3A_188, %scatter3A_1828, %scatter3A_1829] : memref<2x128x73xf32, #tpu.memory_space<vmem>> -> memref<1x128x73xf32, #tpu.memory_space<vmem>>
          %scatter3A_1831 = tpu.memref_squeeze %scatter3A_1830 : memref<1x128x73xf32, #tpu.memory_space<vmem>> -> memref<128x73xf32, #tpu.memory_space<vmem>>
          tpu.vector_store_idx %scatter3A_1831[%add3A_221, %broadcast_in_dim3A_1827], %gather3A_1825 masked %ge3A_1274 {add = true} : memref<128x73xf32, #tpu.memory_space<vmem>>[vector<16xi32>, vector<16xi32>], vector<16xf32>, vector<16xi1>
          %add3A_1832 = arith.constant 54 : i32
          %add3A_1833 = vector.broadcast %add3A_1832 : i32 to vector<16xi32>
          %add3A_1834 = arith.addi %mul3A_1291, %add3A_1833 : vector<16xi32>
          %gather3A_1835 = tpu.vector_load_idx %arg13[%add3A_1834] masked %ge3A_1274 : memref<256xf32, #tpu.memory_space<vmem>>[vector<16xi32>], vector<16xf32>, vector<16xi1>
          %broadcast_in_dim3A_1836 = arith.constant 54 : i32
          %broadcast_in_dim3A_1837 = vector.broadcast %broadcast_in_dim3A_1836 : i32 to vector<16xi32>
          %scatter3A_1838 = arith.constant 0 : i32
          %scatter3A_1839 = arith.constant 0 : i32
          %scatter3A_1840 = tpu.memref_slice %arg11[%scan3A_188, %scatter3A_1838, %scatter3A_1839] : memref<2x128x73xf32, #tpu.memory_space<vmem>> -> memref<1x128x73xf32, #tpu.memory_space<vmem>>
          %scatter3A_1841 = tpu.memref_squeeze %scatter3A_1840 : memref<1x128x73xf32, #tpu.memory_space<vmem>> -> memref<128x73xf32, #tpu.memory_space<vmem>>
          tpu.vector_store_idx %scatter3A_1841[%add3A_221, %broadcast_in_dim3A_1837], %gather3A_1835 masked %ge3A_1274 {add = true} : memref<128x73xf32, #tpu.memory_space<vmem>>[vector<16xi32>, vector<16xi32>], vector<16xf32>, vector<16xi1>
          %add3A_1842 = arith.constant 55 : i32
          %add3A_1843 = vector.broadcast %add3A_1842 : i32 to vector<16xi32>
          %add3A_1844 = arith.addi %mul3A_1291, %add3A_1843 : vector<16xi32>
          %gather3A_1845 = tpu.vector_load_idx %arg13[%add3A_1844] masked %ge3A_1274 : memref<256xf32, #tpu.memory_space<vmem>>[vector<16xi32>], vector<16xf32>, vector<16xi1>
          %broadcast_in_dim3A_1846 = arith.constant 55 : i32
          %broadcast_in_dim3A_1847 = vector.broadcast %broadcast_in_dim3A_1846 : i32 to vector<16xi32>
          %scatter3A_1848 = arith.constant 0 : i32
          %scatter3A_1849 = arith.constant 0 : i32
          %scatter3A_1850 = tpu.memref_slice %arg11[%scan3A_188, %scatter3A_1848, %scatter3A_1849] : memref<2x128x73xf32, #tpu.memory_space<vmem>> -> memref<1x128x73xf32, #tpu.memory_space<vmem>>
          %scatter3A_1851 = tpu.memref_squeeze %scatter3A_1850 : memref<1x128x73xf32, #tpu.memory_space<vmem>> -> memref<128x73xf32, #tpu.memory_space<vmem>>
          tpu.vector_store_idx %scatter3A_1851[%add3A_221, %broadcast_in_dim3A_1847], %gather3A_1845 masked %ge3A_1274 {add = true} : memref<128x73xf32, #tpu.memory_space<vmem>>[vector<16xi32>, vector<16xi32>], vector<16xf32>, vector<16xi1>
          %add3A_1852 = arith.constant 56 : i32
          %add3A_1853 = vector.broadcast %add3A_1852 : i32 to vector<16xi32>
          %add3A_1854 = arith.addi %mul3A_1291, %add3A_1853 : vector<16xi32>
          %gather3A_1855 = tpu.vector_load_idx %arg13[%add3A_1854] masked %ge3A_1274 : memref<256xf32, #tpu.memory_space<vmem>>[vector<16xi32>], vector<16xf32>, vector<16xi1>
          %broadcast_in_dim3A_1856 = arith.constant 56 : i32
          %broadcast_in_dim3A_1857 = vector.broadcast %broadcast_in_dim3A_1856 : i32 to vector<16xi32>
          %scatter3A_1858 = arith.constant 0 : i32
          %scatter3A_1859 = arith.constant 0 : i32
          %scatter3A_1860 = tpu.memref_slice %arg11[%scan3A_188, %scatter3A_1858, %scatter3A_1859] : memref<2x128x73xf32, #tpu.memory_space<vmem>> -> memref<1x128x73xf32, #tpu.memory_space<vmem>>
          %scatter3A_1861 = tpu.memref_squeeze %scatter3A_1860 : memref<1x128x73xf32, #tpu.memory_space<vmem>> -> memref<128x73xf32, #tpu.memory_space<vmem>>
          tpu.vector_store_idx %scatter3A_1861[%add3A_221, %broadcast_in_dim3A_1857], %gather3A_1855 masked %ge3A_1274 {add = true} : memref<128x73xf32, #tpu.memory_space<vmem>>[vector<16xi32>, vector<16xi32>], vector<16xf32>, vector<16xi1>
          %add3A_1862 = arith.constant 57 : i32
          %add3A_1863 = vector.broadcast %add3A_1862 : i32 to vector<16xi32>
          %add3A_1864 = arith.addi %mul3A_1291, %add3A_1863 : vector<16xi32>
          %gather3A_1865 = tpu.vector_load_idx %arg13[%add3A_1864] masked %ge3A_1274 : memref<256xf32, #tpu.memory_space<vmem>>[vector<16xi32>], vector<16xf32>, vector<16xi1>
          %broadcast_in_dim3A_1866 = arith.constant 57 : i32
          %broadcast_in_dim3A_1867 = vector.broadcast %broadcast_in_dim3A_1866 : i32 to vector<16xi32>
          %scatter3A_1868 = arith.constant 0 : i32
          %scatter3A_1869 = arith.constant 0 : i32
          %scatter3A_1870 = tpu.memref_slice %arg11[%scan3A_188, %scatter3A_1868, %scatter3A_1869] : memref<2x128x73xf32, #tpu.memory_space<vmem>> -> memref<1x128x73xf32, #tpu.memory_space<vmem>>
          %scatter3A_1871 = tpu.memref_squeeze %scatter3A_1870 : memref<1x128x73xf32, #tpu.memory_space<vmem>> -> memref<128x73xf32, #tpu.memory_space<vmem>>
          tpu.vector_store_idx %scatter3A_1871[%add3A_221, %broadcast_in_dim3A_1867], %gather3A_1865 masked %ge3A_1274 {add = true} : memref<128x73xf32, #tpu.memory_space<vmem>>[vector<16xi32>, vector<16xi32>], vector<16xf32>, vector<16xi1>
          %add3A_1872 = arith.constant 58 : i32
          %add3A_1873 = vector.broadcast %add3A_1872 : i32 to vector<16xi32>
          %add3A_1874 = arith.addi %mul3A_1291, %add3A_1873 : vector<16xi32>
          %gather3A_1875 = tpu.vector_load_idx %arg13[%add3A_1874] masked %ge3A_1274 : memref<256xf32, #tpu.memory_space<vmem>>[vector<16xi32>], vector<16xf32>, vector<16xi1>
          %broadcast_in_dim3A_1876 = arith.constant 58 : i32
          %broadcast_in_dim3A_1877 = vector.broadcast %broadcast_in_dim3A_1876 : i32 to vector<16xi32>
          %scatter3A_1878 = arith.constant 0 : i32
          %scatter3A_1879 = arith.constant 0 : i32
          %scatter3A_1880 = tpu.memref_slice %arg11[%scan3A_188, %scatter3A_1878, %scatter3A_1879] : memref<2x128x73xf32, #tpu.memory_space<vmem>> -> memref<1x128x73xf32, #tpu.memory_space<vmem>>
          %scatter3A_1881 = tpu.memref_squeeze %scatter3A_1880 : memref<1x128x73xf32, #tpu.memory_space<vmem>> -> memref<128x73xf32, #tpu.memory_space<vmem>>
          tpu.vector_store_idx %scatter3A_1881[%add3A_221, %broadcast_in_dim3A_1877], %gather3A_1875 masked %ge3A_1274 {add = true} : memref<128x73xf32, #tpu.memory_space<vmem>>[vector<16xi32>, vector<16xi32>], vector<16xf32>, vector<16xi1>
          %add3A_1882 = arith.constant 59 : i32
          %add3A_1883 = vector.broadcast %add3A_1882 : i32 to vector<16xi32>
          %add3A_1884 = arith.addi %mul3A_1291, %add3A_1883 : vector<16xi32>
          %gather3A_1885 = tpu.vector_load_idx %arg13[%add3A_1884] masked %ge3A_1274 : memref<256xf32, #tpu.memory_space<vmem>>[vector<16xi32>], vector<16xf32>, vector<16xi1>
          %broadcast_in_dim3A_1886 = arith.constant 59 : i32
          %broadcast_in_dim3A_1887 = vector.broadcast %broadcast_in_dim3A_1886 : i32 to vector<16xi32>
          %scatter3A_1888 = arith.constant 0 : i32
          %scatter3A_1889 = arith.constant 0 : i32
          %scatter3A_1890 = tpu.memref_slice %arg11[%scan3A_188, %scatter3A_1888, %scatter3A_1889] : memref<2x128x73xf32, #tpu.memory_space<vmem>> -> memref<1x128x73xf32, #tpu.memory_space<vmem>>
          %scatter3A_1891 = tpu.memref_squeeze %scatter3A_1890 : memref<1x128x73xf32, #tpu.memory_space<vmem>> -> memref<128x73xf32, #tpu.memory_space<vmem>>
          tpu.vector_store_idx %scatter3A_1891[%add3A_221, %broadcast_in_dim3A_1887], %gather3A_1885 masked %ge3A_1274 {add = true} : memref<128x73xf32, #tpu.memory_space<vmem>>[vector<16xi32>, vector<16xi32>], vector<16xf32>, vector<16xi1>
          %add3A_1892 = arith.constant 60 : i32
          %add3A_1893 = vector.broadcast %add3A_1892 : i32 to vector<16xi32>
          %add3A_1894 = arith.addi %mul3A_1291, %add3A_1893 : vector<16xi32>
          %gather3A_1895 = tpu.vector_load_idx %arg13[%add3A_1894] masked %ge3A_1274 : memref<256xf32, #tpu.memory_space<vmem>>[vector<16xi32>], vector<16xf32>, vector<16xi1>
          %broadcast_in_dim3A_1896 = arith.constant 60 : i32
          %broadcast_in_dim3A_1897 = vector.broadcast %broadcast_in_dim3A_1896 : i32 to vector<16xi32>
          %scatter3A_1898 = arith.constant 0 : i32
          %scatter3A_1899 = arith.constant 0 : i32
          %scatter3A_1900 = tpu.memref_slice %arg11[%scan3A_188, %scatter3A_1898, %scatter3A_1899] : memref<2x128x73xf32, #tpu.memory_space<vmem>> -> memref<1x128x73xf32, #tpu.memory_space<vmem>>
          %scatter3A_1901 = tpu.memref_squeeze %scatter3A_1900 : memref<1x128x73xf32, #tpu.memory_space<vmem>> -> memref<128x73xf32, #tpu.memory_space<vmem>>
          tpu.vector_store_idx %scatter3A_1901[%add3A_221, %broadcast_in_dim3A_1897], %gather3A_1895 masked %ge3A_1274 {add = true} : memref<128x73xf32, #tpu.memory_space<vmem>>[vector<16xi32>, vector<16xi32>], vector<16xf32>, vector<16xi1>
          %add3A_1902 = arith.constant 61 : i32
          %add3A_1903 = vector.broadcast %add3A_1902 : i32 to vector<16xi32>
          %add3A_1904 = arith.addi %mul3A_1291, %add3A_1903 : vector<16xi32>
          %gather3A_1905 = tpu.vector_load_idx %arg13[%add3A_1904] masked %ge3A_1274 : memref<256xf32, #tpu.memory_space<vmem>>[vector<16xi32>], vector<16xf32>, vector<16xi1>
          %broadcast_in_dim3A_1906 = arith.constant 61 : i32
          %broadcast_in_dim3A_1907 = vector.broadcast %broadcast_in_dim3A_1906 : i32 to vector<16xi32>
          %scatter3A_1908 = arith.constant 0 : i32
          %scatter3A_1909 = arith.constant 0 : i32
          %scatter3A_1910 = tpu.memref_slice %arg11[%scan3A_188, %scatter3A_1908, %scatter3A_1909] : memref<2x128x73xf32, #tpu.memory_space<vmem>> -> memref<1x128x73xf32, #tpu.memory_space<vmem>>
          %scatter3A_1911 = tpu.memref_squeeze %scatter3A_1910 : memref<1x128x73xf32, #tpu.memory_space<vmem>> -> memref<128x73xf32, #tpu.memory_space<vmem>>
          tpu.vector_store_idx %scatter3A_1911[%add3A_221, %broadcast_in_dim3A_1907], %gather3A_1905 masked %ge3A_1274 {add = true} : memref<128x73xf32, #tpu.memory_space<vmem>>[vector<16xi32>, vector<16xi32>], vector<16xf32>, vector<16xi1>
          %add3A_1912 = arith.constant 62 : i32
          %add3A_1913 = vector.broadcast %add3A_1912 : i32 to vector<16xi32>
          %add3A_1914 = arith.addi %mul3A_1291, %add3A_1913 : vector<16xi32>
          %gather3A_1915 = tpu.vector_load_idx %arg13[%add3A_1914] masked %ge3A_1274 : memref<256xf32, #tpu.memory_space<vmem>>[vector<16xi32>], vector<16xf32>, vector<16xi1>
          %broadcast_in_dim3A_1916 = arith.constant 62 : i32
          %broadcast_in_dim3A_1917 = vector.broadcast %broadcast_in_dim3A_1916 : i32 to vector<16xi32>
          %scatter3A_1918 = arith.constant 0 : i32
          %scatter3A_1919 = arith.constant 0 : i32
          %scatter3A_1920 = tpu.memref_slice %arg11[%scan3A_188, %scatter3A_1918, %scatter3A_1919] : memref<2x128x73xf32, #tpu.memory_space<vmem>> -> memref<1x128x73xf32, #tpu.memory_space<vmem>>
          %scatter3A_1921 = tpu.memref_squeeze %scatter3A_1920 : memref<1x128x73xf32, #tpu.memory_space<vmem>> -> memref<128x73xf32, #tpu.memory_space<vmem>>
          tpu.vector_store_idx %scatter3A_1921[%add3A_221, %broadcast_in_dim3A_1917], %gather3A_1915 masked %ge3A_1274 {add = true} : memref<128x73xf32, #tpu.memory_space<vmem>>[vector<16xi32>, vector<16xi32>], vector<16xf32>, vector<16xi1>
          %add3A_1922 = arith.constant 63 : i32
          %add3A_1923 = vector.broadcast %add3A_1922 : i32 to vector<16xi32>
          %add3A_1924 = arith.addi %mul3A_1291, %add3A_1923 : vector<16xi32>
          %gather3A_1925 = tpu.vector_load_idx %arg13[%add3A_1924] masked %ge3A_1274 : memref<256xf32, #tpu.memory_space<vmem>>[vector<16xi32>], vector<16xf32>, vector<16xi1>
          %broadcast_in_dim3A_1926 = arith.constant 63 : i32
          %broadcast_in_dim3A_1927 = vector.broadcast %broadcast_in_dim3A_1926 : i32 to vector<16xi32>
          %scatter3A_1928 = arith.constant 0 : i32
          %scatter3A_1929 = arith.constant 0 : i32
          %scatter3A_1930 = tpu.memref_slice %arg11[%scan3A_188, %scatter3A_1928, %scatter3A_1929] : memref<2x128x73xf32, #tpu.memory_space<vmem>> -> memref<1x128x73xf32, #tpu.memory_space<vmem>>
          %scatter3A_1931 = tpu.memref_squeeze %scatter3A_1930 : memref<1x128x73xf32, #tpu.memory_space<vmem>> -> memref<128x73xf32, #tpu.memory_space<vmem>>
          tpu.vector_store_idx %scatter3A_1931[%add3A_221, %broadcast_in_dim3A_1927], %gather3A_1925 masked %ge3A_1274 {add = true} : memref<128x73xf32, #tpu.memory_space<vmem>>[vector<16xi32>, vector<16xi32>], vector<16xf32>, vector<16xi1>
        } else {
        }
      }
      %scan3A_193 = arith.constant 8 : i32
      %add3A_194 = arith.constant 2 : i32
      %add3A_195 = arith.addi %add3A_153, %add3A_194 : i32
      %lt3A_196 = arith.constant 200 : i32
      %lt3A_197 = arith.cmpi slt, %add3A_195, %lt3A_196 : i32
      %convert_element_type3A_198 = arith.extui %lt3A_197 : i1 to i32
      %cond3A_199 = arith.constant 0 : i32
      %cond3A_200 = arith.cmpi ne, %convert_element_type3A_198, %cond3A_199 : i32
      scf.if %cond3A_200 {
        %add3A_217 = arith.constant 256 : i32
        %add3A_218 = arith.addi %add3A_156, %add3A_217 : i32
        %dma_start3A_219 = arith.constant 1 : i32
        %dma_start3A_220 = arith.constant 1 : i32
        %dma_start3A_221 = arith.constant 0 : i32
        %dma_start3A_222 = tpu.memref_slice %arg8[%dma_start3A_219, %dma_start3A_221] : memref<2x128xi32, #tpu.memory_space<vmem>> -> memref<1x128xi32, #tpu.memory_space<vmem>>
        %dma_start3A_223 = tpu.memref_squeeze %dma_start3A_222 : memref<1x128xi32, #tpu.memory_space<vmem>> -> memref<128xi32, #tpu.memory_space<vmem>>
        %dma_start3A_224 = tpu.memref_slice %arg3[%add3A_218] : memref<819200xi32, #tpu.memory_space<hbm>> -> memref<128xi32, #tpu.memory_space<hbm>>
        %dma_start3A_225 = tpu.memref_slice %arg14[%dma_start3A_220] : memref<2x!tpu.dma_semaphore, #tpu.memory_space<semaphore_mem>> -> memref<1x!tpu.dma_semaphore, #tpu.memory_space<semaphore_mem>>
        %dma_start3A_226 = tpu.memref_squeeze %dma_start3A_225 : memref<1x!tpu.dma_semaphore, #tpu.memory_space<semaphore_mem>> -> memref<!tpu.dma_semaphore, #tpu.memory_space<semaphore_mem>>
        %dma_start3A_227 = arith.constant 0 : i32
        %dma_start3A_228 = tpu.memref_slice %arg8[%dma_start3A_219, %dma_start3A_227] : memref<2x128xi32, #tpu.memory_space<vmem>> -> memref<1x128xi32, #tpu.memory_space<vmem>>
        %dma_start3A_229 = tpu.memref_squeeze %dma_start3A_228 : memref<1x128xi32, #tpu.memory_space<vmem>> -> memref<128xi32, #tpu.memory_space<vmem>>
        %dma_start3A_230 = tpu.memref_slice %arg3[%add3A_218] : memref<819200xi32, #tpu.memory_space<hbm>> -> memref<128xi32, #tpu.memory_space<hbm>>
        tpu.enqueue_dma source(%dma_start3A_230 : memref<128xi32, #tpu.memory_space<hbm>>) target(%dma_start3A_229 : memref<128xi32, #tpu.memory_space<vmem>>) target_semaphore(%dma_start3A_226 : memref<!tpu.dma_semaphore, #tpu.memory_space<semaphore_mem>>)
        %add3A_231 = arith.constant 256 : i32
        %add3A_232 = arith.addi %add3A_156, %add3A_231 : i32
        %dma_start3A_233 = arith.constant 1 : i32
        %dma_start3A_234 = arith.constant 1 : i32
        %dma_start3A_235 = arith.constant 0 : i32
        %dma_start3A_236 = tpu.memref_slice %arg9[%dma_start3A_233, %dma_start3A_235] : memref<2x128xi32, #tpu.memory_space<vmem>> -> memref<1x128xi32, #tpu.memory_space<vmem>>
        %dma_start3A_237 = tpu.memref_squeeze %dma_start3A_236 : memref<1x128xi32, #tpu.memory_space<vmem>> -> memref<128xi32, #tpu.memory_space<vmem>>
        %dma_start3A_238 = tpu.memref_slice %arg4[%add3A_232] : memref<819200xi32, #tpu.memory_space<hbm>> -> memref<128xi32, #tpu.memory_space<hbm>>
        %dma_start3A_239 = tpu.memref_slice %arg14[%dma_start3A_234] : memref<2x!tpu.dma_semaphore, #tpu.memory_space<semaphore_mem>> -> memref<1x!tpu.dma_semaphore, #tpu.memory_space<semaphore_mem>>
        %dma_start3A_240 = tpu.memref_squeeze %dma_start3A_239 : memref<1x!tpu.dma_semaphore, #tpu.memory_space<semaphore_mem>> -> memref<!tpu.dma_semaphore, #tpu.memory_space<semaphore_mem>>
        %dma_start3A_241 = arith.constant 0 : i32
        %dma_start3A_242 = tpu.memref_slice %arg9[%dma_start3A_233, %dma_start3A_241] : memref<2x128xi32, #tpu.memory_space<vmem>> -> memref<1x128xi32, #tpu.memory_space<vmem>>
        %dma_start3A_243 = tpu.memref_squeeze %dma_start3A_242 : memref<1x128xi32, #tpu.memory_space<vmem>> -> memref<128xi32, #tpu.memory_space<vmem>>
        %dma_start3A_244 = tpu.memref_slice %arg4[%add3A_232] : memref<819200xi32, #tpu.memory_space<hbm>> -> memref<128xi32, #tpu.memory_space<hbm>>
        tpu.enqueue_dma source(%dma_start3A_244 : memref<128xi32, #tpu.memory_space<hbm>>) target(%dma_start3A_243 : memref<128xi32, #tpu.memory_space<vmem>>) target_semaphore(%dma_start3A_240 : memref<!tpu.dma_semaphore, #tpu.memory_space<semaphore_mem>>)
      } else {
      }
      %dma_start3A_201 = arith.constant 1 : i32
      %dma_start3A_202 = arith.constant 1 : i32
      %dma_start3A_203 = arith.constant 0 : i32
      %dma_start3A_204 = arith.constant 0 : i32
      %dma_start3A_205 = tpu.memref_slice %arg11[%dma_start3A_201, %dma_start3A_203, %dma_start3A_204] : memref<2x128x73xf32, #tpu.memory_space<vmem>> -> memref<1x128x73xf32, #tpu.memory_space<vmem>>
      %dma_start3A_206 = tpu.memref_squeeze %dma_start3A_205 : memref<1x128x73xf32, #tpu.memory_space<vmem>> -> memref<128x73xf32, #tpu.memory_space<vmem>>
      %dma_start3A_207 = arith.constant 0 : i32
      %dma_start3A_208 = tpu.memref_slice %arg7[%add3A_156, %dma_start3A_207] : memref<819200x73xf32, #tpu.memory_space<hbm>> -> memref<128x73xf32, #tpu.memory_space<hbm>>
      %dma_start3A_209 = tpu.memref_slice %arg16[%dma_start3A_202] : memref<2x!tpu.dma_semaphore, #tpu.memory_space<semaphore_mem>> -> memref<1x!tpu.dma_semaphore, #tpu.memory_space<semaphore_mem>>
      %dma_start3A_210 = tpu.memref_squeeze %dma_start3A_209 : memref<1x!tpu.dma_semaphore, #tpu.memory_space<semaphore_mem>> -> memref<!tpu.dma_semaphore, #tpu.memory_space<semaphore_mem>>
      %dma_start3A_211 = arith.constant 0 : i32
      %dma_start3A_212 = tpu.memref_slice %arg7[%add3A_156, %dma_start3A_211] : memref<819200x73xf32, #tpu.memory_space<hbm>> -> memref<128x73xf32, #tpu.memory_space<hbm>>
      %dma_start3A_213 = arith.constant 0 : i32
      %dma_start3A_214 = arith.constant 0 : i32
      %dma_start3A_215 = tpu.memref_slice %arg11[%dma_start3A_201, %dma_start3A_213, %dma_start3A_214] : memref<2x128x73xf32, #tpu.memory_space<vmem>> -> memref<1x128x73xf32, #tpu.memory_space<vmem>>
      %dma_start3A_216 = tpu.memref_squeeze %dma_start3A_215 : memref<1x128x73xf32, #tpu.memory_space<vmem>> -> memref<128x73xf32, #tpu.memory_space<vmem>>
      tpu.enqueue_dma source(%dma_start3A_216 : memref<128x73xf32, #tpu.memory_space<vmem>>) target(%dma_start3A_212 : memref<128x73xf32, #tpu.memory_space<hbm>>) target_semaphore(%dma_start3A_210 : memref<!tpu.dma_semaphore, #tpu.memory_space<semaphore_mem>>)
    }
    %scan3A_50 = arith.constant 100 : i32
    %add3A_51 = arith.constant 25344 : i32
    %add3A_52 = arith.addi %mul3A_2, %add3A_51 : i32
    %dma_wait3A = arith.constant 0 : i32
    %dma_wait3A_53 = arith.constant 0 : i32
    %dma_wait3A_54 = arith.constant 0 : i32
    %dma_wait3A_55 = arith.constant 0 : i32
    %dma_wait3A_56 = tpu.memref_slice %arg11[%dma_wait3A, %dma_wait3A_54, %dma_wait3A_55] : memref<2x128x73xf32, #tpu.memory_space<vmem>> -> memref<1x128x73xf32, #tpu.memory_space<vmem>>
    %dma_wait3A_57 = tpu.memref_squeeze %dma_wait3A_56 : memref<1x128x73xf32, #tpu.memory_space<vmem>> -> memref<128x73xf32, #tpu.memory_space<vmem>>
    %dma_wait3A_58 = arith.constant 0 : i32
    %dma_wait3A_59 = tpu.memref_slice %arg7[%add3A_52, %dma_wait3A_58] : memref<819200x73xf32, #tpu.memory_space<hbm>> -> memref<128x73xf32, #tpu.memory_space<hbm>>
    %dma_wait3A_60 = tpu.memref_slice %arg16[%dma_wait3A_53] : memref<2x!tpu.dma_semaphore, #tpu.memory_space<semaphore_mem>> -> memref<1x!tpu.dma_semaphore, #tpu.memory_space<semaphore_mem>>
    %dma_wait3A_61 = tpu.memref_squeeze %dma_wait3A_60 : memref<1x!tpu.dma_semaphore, #tpu.memory_space<semaphore_mem>> -> memref<!tpu.dma_semaphore, #tpu.memory_space<semaphore_mem>>
    %dma_wait3A_62 = arith.constant 0 : i32
    %dma_wait3A_63 = tpu.memref_slice %arg7[%add3A_52, %dma_wait3A_62] : memref<819200x73xf32, #tpu.memory_space<hbm>> -> memref<128x73xf32, #tpu.memory_space<hbm>>
    %dma_wait3A_64 = arith.constant 0 : i32
    %dma_wait3A_65 = arith.constant 0 : i32
    %dma_wait3A_66 = tpu.memref_slice %arg11[%dma_wait3A, %dma_wait3A_64, %dma_wait3A_65] : memref<2x128x73xf32, #tpu.memory_space<vmem>> -> memref<1x128x73xf32, #tpu.memory_space<vmem>>
    %dma_wait3A_67 = tpu.memref_squeeze %dma_wait3A_66 : memref<1x128x73xf32, #tpu.memory_space<vmem>> -> memref<128x73xf32, #tpu.memory_space<vmem>>
    tpu.wait_dma2 semaphore(%dma_wait3A_61 : memref<!tpu.dma_semaphore, #tpu.memory_space<semaphore_mem>>) src(%dma_wait3A_67 : memref<128x73xf32, #tpu.memory_space<vmem>>) dst(%dma_wait3A_63 : memref<128x73xf32, #tpu.memory_space<hbm>>)
    %add3A_68 = arith.constant 25472 : i32
    %add3A_69 = arith.addi %mul3A_2, %add3A_68 : i32
    %dma_wait3A_70 = arith.constant 1 : i32
    %dma_wait3A_71 = arith.constant 1 : i32
    %dma_wait3A_72 = arith.constant 0 : i32
    %dma_wait3A_73 = arith.constant 0 : i32
    %dma_wait3A_74 = tpu.memref_slice %arg11[%dma_wait3A_70, %dma_wait3A_72, %dma_wait3A_73] : memref<2x128x73xf32, #tpu.memory_space<vmem>> -> memref<1x128x73xf32, #tpu.memory_space<vmem>>
    %dma_wait3A_75 = tpu.memref_squeeze %dma_wait3A_74 : memref<1x128x73xf32, #tpu.memory_space<vmem>> -> memref<128x73xf32, #tpu.memory_space<vmem>>
    %dma_wait3A_76 = arith.constant 0 : i32
    %dma_wait3A_77 = tpu.memref_slice %arg7[%add3A_69, %dma_wait3A_76] : memref<819200x73xf32, #tpu.memory_space<hbm>> -> memref<128x73xf32, #tpu.memory_space<hbm>>
    %dma_wait3A_78 = tpu.memref_slice %arg16[%dma_wait3A_71] : memref<2x!tpu.dma_semaphore, #tpu.memory_space<semaphore_mem>> -> memref<1x!tpu.dma_semaphore, #tpu.memory_space<semaphore_mem>>
    %dma_wait3A_79 = tpu.memref_squeeze %dma_wait3A_78 : memref<1x!tpu.dma_semaphore, #tpu.memory_space<semaphore_mem>> -> memref<!tpu.dma_semaphore, #tpu.memory_space<semaphore_mem>>
    %dma_wait3A_80 = arith.constant 0 : i32
    %dma_wait3A_81 = tpu.memref_slice %arg7[%add3A_69, %dma_wait3A_80] : memref<819200x73xf32, #tpu.memory_space<hbm>> -> memref<128x73xf32, #tpu.memory_space<hbm>>
    %dma_wait3A_82 = arith.constant 0 : i32
    %dma_wait3A_83 = arith.constant 0 : i32
    %dma_wait3A_84 = tpu.memref_slice %arg11[%dma_wait3A_70, %dma_wait3A_82, %dma_wait3A_83] : memref<2x128x73xf32, #tpu.memory_space<vmem>> -> memref<1x128x73xf32, #tpu.memory_space<vmem>>
    %dma_wait3A_85 = tpu.memref_squeeze %dma_wait3A_84 : memref<1x128x73xf32, #tpu.memory_space<vmem>> -> memref<128x73xf32, #tpu.memory_space<vmem>>
    tpu.wait_dma2 semaphore(%dma_wait3A_79 : memref<!tpu.dma_semaphore, #tpu.memory_space<semaphore_mem>>) src(%dma_wait3A_85 : memref<128x73xf32, #tpu.memory_space<vmem>>) dst(%dma_wait3A_81 : memref<128x73xf32, #tpu.memory_space<hbm>>)
    return
  }
}

</mosaic_0001>

<sc_bundles>
// kernel: _run.3.cloned.1.call-start
scs
__scs_entry_jumppad:
0x0: {  	(pc) =	sbr.rel $0x88, $3  }
0x1: {  	(tag) =	ssettag $0x0;
	lr =	simm.s32 $0x1  }
0x2: {  	[smem:$0x3F9C] =	sst lr;
	_ =	strace $0xD0000000  }
0x3: {  	_ = 	snop  }
0x4: {  	_ = 	snop  }
0x5: {  	_ = 	snop  }
0x6: {  	_ = 	snop  }
0x7: {  	_ = 	snop  }
__scs_overlays_trampoline_lowered:
0x8: {  	[smem:$0x3FAB] =	sst s0  }
0x9: {  	[smem:$0x3FAC] =	sst s1  }
0xa: {  	[smem:$0x3FAD] =	sst s2  }
0xb: {  	[smem:$0x3FAE] =	sst s3  }
0xc: {  	[smem:$0x3FAF] =	sst s4  }
0xd: {  	[smem:$0x3FB0] =	sst s5  }
0xe: {  	[smem:$0x3FB1] =	sst s6  }
0xf: {  	[smem:$0x3FB2] =	sst s7  }
0x10: {  	[smem:$0x3FB3] =	sst s8  }
0x11: {  	[smem:$0x3FB4] =	sst s9;
	s0 =	simm.s32 @!p0 $0x0  }
0x12: {  	s1 =	sld [smem:$0x3F9A];
	s0 =	simm.s32 @p0 $0x1  }
0x13: {  	[smem:$0x3FB5] =	sst s0;
	s0 =	simm.s32 @!p1 $0x0  }
0x14: {  	s2 =	sld [smem:$0x3F99];
	s0 =	simm.s32 @p1 $0x1  }
0x15: {  	[smem:$0x3FB6] =	sst s0;
	s0 =	simm.s32 @!p2 $0x0  }
0x16: {  	s3 =	sld [smem:$0x3FDB];
	s0 =	simm.s32 @p2 $0x1  }
0x17: {  	s4 =	simm.s32 $0x1BF5;
	[smem:$0x3FB8] =	sst s0  }
0x18: {  	s0 =	sld [smem:$0x3F9B];
	_ =	swait.ge [sflag:s4], $0x0  }
0x19: {  	s7 =	sld [smem:$0x3F9C]  }
0x1a: {  	s8 =	sadd.s32 $0xFFFFE003, lr  }
0x1b: {  	s9 =	sadd.s32 $0xFFFFFEF7, lr;
	s5 =	simm.s32 $0xFFFFFFFF;
	p2 =	slt.u32 s8, $0xFFFFF086  }
0x1c: {  	p1 =	slt.u32 s9, $0xF7A;
	s5 =	simm.s32 @!p2 $0x0  }
0x1d: {  	s5 =	simm.s32 @p1 $0x1;
	p0 =	seq.s32 s7, s2  }
0x1e: {  	s7 =	smul.u32 @!p0 $0xF7A, s2;
	p2 =	seq.s32 @!p0 s5, $0x0  }
0x1f: {  	s9 =	smul.u32 $0xF7A, s1;
	s8 =	simm.s32 @!p0 $0x1BF5;
	p2 =	por !p2, p0  }
0x20: {  	[sflag:s8] =	ssyncset.s32 @!p0 $0xFFFFF086;
	s6 =	sadd.s32 @!p0 s3, s7;
	s7 =	simm.s32 @!p0 $0x108  }
0x21: {  	s3 =	sadd.s32 s3, s9;
	s6 =	sadd.s32 @!p0 $0x88, s6;
	s7 =	simm.s32 @p2 $0x1082  }
0x22: {  	[simem:s7], [sflag:s8] =	dma.local @!p0 [hbm:s6], $0xF7A  }
0x23: {  	s9 =	sor.u32 $0xD0000000, s2;
	s6 =	simm.s32 $0x108;
	_ =	swait.ge @!p0 [sflag:s8], $0x0  }
0x24: {  	s3 =	sadd.s32 $0x88, s3;
	s6 =	simm.s32 @!p1 $0x1082;
	[sflag:s4] =	ssyncset.s32 $0xFFFFF086  }
0x25: {  	[simem:s6], [sflag:s4] =	dma.local [hbm:s3], $0xF7A  }
0x26: {  	[smem:$0x3F9C] =	sst s1;
	(tag) =	ssettag s2;
	_ =	strace s9  }
0x27: {  	s1 =	sld [smem:$0x3FAC]  }
0x28: {  	s2 =	sld [smem:$0x3FAD]  }
0x29: {  	s4 =	sld [smem:$0x3FAF]  }
0x2a: {  	p0 =	seq.s32 s5, $0x0;
	s5 =	sld [smem:$0x3FB0]  }
0x2b: {  	s6 =	sld [smem:$0x3FB1]  }
0x2c: {  	s7 =	sld [smem:$0x3FB2]  }
0x2d: {  	s3 =	simm.s32 $0x108;
	s8 =	sld [smem:$0x3FB3]  }
0x2e: {  	s3 =	simm.s32 @!p0 $0x1082;
	s9 =	sld [smem:$0x3FB4]  }
0x2f: {  	lr =	sadd.s32 s0, s3;
	s0 =	sld [smem:$0x3FAB]  }
0x30: {  	s3 =	sld [smem:$0x3FAE]  }
0x31: {  	[smem:$0x3FB7] =	sst s10  }
0x32: {  	s10 =	sld [smem:$0x3FB5];
	_ =	sdelay $0x3  }
0x33: {  	p0 =	seq.s32 s10, $0x1;
	s10 =	sld [smem:$0x3FB7];
	_ =	sdelay $0x3  }
0x34: {  	[smem:$0x3FB7] =	sst s10  }
0x35: {  	s10 =	sld [smem:$0x3FB6];
	_ =	sdelay $0x3  }
0x36: {  	p1 =	seq.s32 s10, $0x1;
	s10 =	sld [smem:$0x3FB7];
	_ =	sdelay $0x3  }
0x37: {  	[smem:$0x3FB7] =	sst s10  }
0x38: {  	s10 =	sld [smem:$0x3FB8]  }
0x39: {  	_ = 	snop;
	(pc) =	sbr.ind lr, $3  }
0x3a: {  	_ = 	snop  }
0x3b: {  	_ = 	snop  }
0x3c: {  	p2 =	seq.s32 s10, $0x1;
	s10 =	sld [smem:$0x3FB7]  }
0x3d: {  	_ =	shalt  }
0x3e: {  	_ =	shalt  }
0x3f: {  	_ =	shalt  }
0x40: {  	_ =	shalt  }
0x41: {  	_ =	shalt  }
0x42: {  	_ =	shalt  }
0x43: {  	_ =	shalt  }
0x44: {  	_ =	shalt  }
0x45: {  	_ =	shalt  }
0x46: {  	_ =	shalt  }
0x47: {  	_ =	shalt  }
0x48: {  	_ =	shalt  }
0x49: {  	_ =	shalt  }
0x4a: {  	_ =	shalt  }
0x4b: {  	_ =	shalt  }
0x4c: {  	_ =	shalt  }
0x4d: {  	_ =	shalt  }
0x4e: {  	_ =	shalt  }
0x4f: {  	_ =	shalt  }
0x50: {  	_ =	shalt  }
0x51: {  	_ =	shalt  }
0x52: {  	_ =	shalt  }
0x53: {  	_ =	shalt  }
0x54: {  	_ =	shalt  }
0x55: {  	_ =	shalt  }
0x56: {  	_ =	shalt  }
0x57: {  	_ =	shalt  }
0x58: {  	_ =	shalt  }
0x59: {  	_ =	shalt  }
0x5a: {  	_ =	shalt  }
0x5b: {  	_ =	shalt  }
0x5c: {  	_ =	shalt  }
0x5d: {  	_ =	shalt  }
0x5e: {  	_ =	shalt  }
0x5f: {  	_ =	shalt  }
0x60: {  	_ =	shalt  }
0x61: {  	_ =	shalt  }
0x62: {  	_ =	shalt  }
0x63: {  	_ =	shalt  }
0x64: {  	_ =	shalt  }
0x65: {  	_ =	shalt  }
0x66: {  	_ =	shalt  }
0x67: {  	_ =	shalt  }
0x68: {  	_ =	shalt  }
0x69: {  	_ =	shalt  }
0x6a: {  	_ =	shalt  }
0x6b: {  	_ =	shalt  }
0x6c: {  	_ =	shalt  }
0x6d: {  	_ =	shalt  }
0x6e: {  	_ =	shalt  }
0x6f: {  	_ =	shalt  }
0x70: {  	_ =	shalt  }
0x71: {  	_ =	shalt  }
0x72: {  	_ =	shalt  }
0x73: {  	_ =	shalt  }
0x74: {  	_ =	shalt  }
0x75: {  	_ =	shalt  }
0x76: {  	_ =	shalt  }
0x77: {  	_ =	shalt  }
0x78: {  	_ =	shalt  }
0x79: {  	_ =	shalt  }
0x7a: {  	_ =	shalt  }
0x7b: {  	_ =	shalt  }
0x7c: {  	_ =	shalt  }
0x7d: {  	_ =	shalt  }
0x7e: {  	_ =	shalt  }
0x7f: {  	_ =	shalt  }
0x80: {  	_ =	shalt  }
0x81: {  	_ =	shalt  }
0x82: {  	_ =	shalt  }
0x83: {  	_ =	shalt  }
0x84: {  	_ =	shalt  }
0x85: {  	_ =	shalt  }
0x86: {  	_ =	shalt  }
0x87: {  	_ =	shalt  }
.Lfunc_end0:
.L_simem_size_0:
called_computation_lowered:
.L_overlay_start_0:
0x88: {  	s2 =	sld [smem:$0x3FD9]  }
0x89: {  	s3 =	sld [smem:$0x3FFE];
	_ =	sdelay $0x1  }
0x8a: {  	s1 =	srdreg.scid  }
0x8b: {  	s0 =	sand.u32 $0x1, s1  }
0x8c: {  	s17 =	sshll.u32 s0, $0xA;
	s2 =	sadd.s32 s3, s2  }
0x8d: {  	s2 =	sadd.s32 s2, s17  }
0x8e: {  	[smem:$0x3FC3] =	sst s2  }
0x8f: {  	_ = 	snop  }
0x90: {  	s2 =	sld [smem:$0x3FC9]  }
0x91: {  	s18 =	sld [smem:$0x3FC8]  }
0x92: {  	s4 =	sld [smem:$0x3FC7]  }
0x93: {  	s5 =	sld [smem:$0x3FC6]  }
0x94: {  	s6 =	sld [smem:$0x3FC5];
	(tm) =	ssettm $0x1  }
0x95: {  	s7 =	sld [smem:$0x3FFB];
	_ =	sdelay $0x3  }
0x96: {  	_ =	strace s7  }
0x97: {  	s7 =	sld [smem:$0x3FFC];
	_ =	sdelay $0x3  }
0x98: {  	_ =	strace s7  }
0x99: {  	s7 =	sld [smem:$0x3FFD];
	_ =	sdelay $0x3  }
0x9a: {  	_ =	strace s7  }
0x9b: {  	_ =	strace $0x8FFFFFFF  }
0x9c: {  	s19 =	sld [smem:$0x3FDB];
	_ =	sdelay $0x1  }
0x9d: {  	s8 =	simm.s32 $_scs_section_size  }
0x9e: {  	s9 =	simm.s32 $_size__tile_overlayer_lowered;
	s10 =	simm.s32 $_tile_overlayer_lowered  }
0x9f: {  	s22 =	simm.s32 $0x1BFF;
	s21 =	sshll.u32 s10, $0x1;
	s7 =	sadd.s32 s8, s19  }
0xa0: {  	s11 =	simm.s32 $0x0;
	s20 =	sshll.u32 s9, $0x1;
	s9 =	sadd.s32 s21, s7  }
0xa1: {  	[timem:s11], [sflag:s22] =	dma.local [hbm:s9], s20  }
0xa2: {  	_ =	swait.ge [sflag:s22], s20  }
0xa3: {  	s8 =	ssub.s32 $0x0, s20;
	[sflag:s22] =	ssyncset.done $0x0  }
0xa4: {  	[sflag:s22] =	ssyncadd.s32 s8;
	_ =	sdelay $0x1  }
0xa5: {  	s23 =	simm.s32 $0x1B8B  }
0xa6: {  	_ =	swait.ge [sflag:s23], $0x1  }
0xa7: {  	[sflag:s23] =	ssyncset.done $0x0  }
0xa8: {  	s25 =	simm.s32 $0x1B8E;
	s24 =	sld [smem:$0x3FFE];
	[sflag:s23] =	ssyncadd.s32 $0xFFFFFFFF  }
0xa9: {  	s26 =	simm.s32 $execute0_lowered;
	[smem:$0x3FD2] =	sst s25  }
0xaa: {  	s9 =	sshll.u32 s26, $0x1;
	_ =	strace $0x80000046;
	[dreg:$0x1] =	wrdreg $0xFFFFFFFF  }
0xab: {  	s28 =	simm.s32 $_size_execute0_lowered;
	s7 =	sadd.s32 s7, s9;
	[dreg:$0x0] =	wrdreg $0x0  }
0xac: {  	s9 =	sshll.u32 s28, $0x1;
	[dreg:$0x2] =	wrdreg s7  }
0xad: {  	[dreg:$0x3] =	wrdreg s9  }
0xae: {  	[dreg:$0x4] =	wrdreg $0xC0  }
0xaf: {  	_ =	task [dreg:s11], $0x5FFFF  }
0xb0: {  	[dreg:$0x1] =	wrdreg $0xFFFFFFFF  }
0xb1: {  	[dreg:$0x0] =	wrdreg $0x60  }
0xb2: {  	[dreg:$0x2] =	wrdreg s2  }
0xb3: {  	[dreg:$0x3] =	wrdreg s18  }
0xb4: {  	[dreg:$0x4] =	wrdreg s4  }
0xb5: {  	[dreg:$0x5] =	wrdreg s5  }
0xb6: {  	[dreg:$0x6] =	wrdreg s6  }
0xb7: {  	[dreg:$0x7] =	wrdreg s24  }
0xb8: {  	[dreg:$0x8] =	wrdreg $0x9  }
0xb9: {  	_ =	task.clear_ibuf [dreg:s11], $0x9FFFF;
	_ =	strace $0x90000046  }
0xba: {  	s29 =	simm.s32 $0x9;
	_ =	strace $0x80000048  }
0xbb: {  	_ =	swait.ge [sflag:s29], $0x1  }
0xbc: {  	[sflag:s29] =	ssyncadd.s32 $0xFFFFFFFF  }
0xbd: {  	_ =	strace $0x90000048  }
0xbe: {  	_ =	sfence  }
0xbf: {  	s30 =	sld [smem:$0x0];
	_ =	sdelay $0x2  }
0xc0: {  	s31 =	sshll.u32 s1, $0xD;
	s1 =	sshrl.u32 s1, $0x2  }
0xc1: {  	s3 =	sand.u32 $0x4000, s31;
	s1 =	sadd.s32 s1, s30  }
0xc2: {  	s0 =	sor.u32 s3, s0;
	s1 =	sshll.u32 s1, $0x11  }
0xc3: {  	s0 =	sor.u32 s1, s0  }
0xc4: {  	s0 =	sadd.s32 $0x8F2B, s0  }
0xc5: {  	[sflag:s0] =	ssyncadd.remote.s32 $0x1  }
0xc6: {  	_ =	sfence.sel $0xFFFF  }
0xc7: {  	[dreg:$0x0] =	wrdreg $0xFFFFFFFF;
	(pc) =	sbr.abs _section_cstart, $3  }
0xc8: {  	[dreg:$0x1] =	wrdreg $0xFFFFFFFF  }
0xc9: {  	_ =	task.clear_ibuf [dreg:s11], $0x2FFFF;
	_ =	strace $0x9FFFFFFF  }
0xca: {  	(tm) =	ssettm $0x7FFFFFFF  }
0xcb: {  	_ =	shalt  }
tec
execute0_lowered:
.L_overlay_start_1:
0x0: {  	(tag) =	ssettag $0x1  }
0x1: {  	s0 =	rddreg [dreg:$0x0]  }
0x2: {  	s2 =	rddreg [dreg:$0x1]  }
0x3: {  	s3 =	rddreg [dreg:$0x2];
	s1 =	srdreg.scid  }
0x4: {  	s4 =	stileid.u32;
	s5 =	rddreg [dreg:$0x5];
	s7 =	simm.s32 $0x0  }
0x5: {  	s15 =	simm.s32 $0x10200;
	s16 =	simm.s32 $0x7;
	s17 =	simm.s32 $0x10980  }
0x6: {  	s19 =	simm.s32 $0x80;
	s22 =	simm.s32 $0x3;
	s28 =	simm.s32 $0xC200  }
0x7: {  	s29 =	simm.s32 $0x5;
	s1 =	sand.u32 $0x1, s1;
	s4 =	sshll.u32 s4, $0x1  }
0x8: {  	s30 =	simm.s32 $0x6;
	s31 =	simm.s32 $0x0;
	s4 =	sor.u32 s1, s4  }
0x9: {  	[smem:$0x7FF] =	sst s7;
	s1 =	ssub.s32 $0x2, s1;
	s8 =	smul.u32 $0x6400, s4  }
0xa: {  	s9 =	sadd.s32 $0x400, s5;
	_ =	strace $0x80000047;
	s23 =	sshrl.u32 s1, $0x1  }
.Ltmp0:
0xb: {  	s1 =	ssub.s32 s1, s23;
	s6 =	sshrl.u32 s8, $0x3;
	(pc) =	sbr.rel .LBB2_1-.Ltmp0, $4  }
0xc: {  	s23 =	simm.s32 $0x2;
	s14 =	smax.u32 s1, $0x1;
	s25 =	sadd.s32 s2, s6  }
0xd: {  	s24 =	sor.u32 $0x10, s6;
	s26 =	sadd.s32 s3, s6;
	[dreg:$0x7] =	wrdreg s25  }
0xe: {  	v0 =	vlaneseq.u32;
	[dreg:$0x8] =	wrdreg s26;
	s12 =	sadd.s32 s2, s24;
	s13 =	sadd.s32 s3, s24  }
0xf: {  	v1 =	vimm.s32 $0x0;
	v0 =	vmul.u32 $0x80, v0;
	s24 =	simm.s32 $0x4200;
	s25 =	simm.s32 $0x8200;
	s26 =	simm.s32 $0x4  }
.LBB2_11:
0x10: {  	s31 =	sadd.s32 $0x1, s31  }
0x11: {  	_ =	swait.ge [sflag:s29], $0x4000;
	p0 =	sne.s32 s31, s14  }
.Ltmp1:
0x12: {  	[sflag:s29] =	ssyncset.done $0x0;
	(pc) =	sbr.rel @!p0 .LBB2_12-.Ltmp1, $4  }
0x13: {  	[sflag:s29] =	ssyncadd.s32 $0xFFFFC000  }
0x14: {  	_ =	swait.ge [sflag:s30], $0x4000  }
0x15: {  	[sflag:s30] =	ssyncset.done $0x0  }
0x16: {  	[sflag:s30] =	ssyncadd.s32 $0xFFFFC000  }
.LBB2_1:
0x17: {  	s1 =	rddreg [dreg:$0x3]  }
0x18: {  	[tilespmem:s15], [sflag:$0x7] =	stream.linear.gather [hbm4b:s1+s7], $0x780, $0x38;
	[tilespmem:$0x10A80] =	vst v63  }
0x19: {  	_ =	swait.ge [sflag:s16], $0x780  }
0x1a: {  	[sflag:s16] =	ssyncset.done $0x0  }
0x1b: {  	[sflag:s16] =	ssyncadd.s32 $0xFFFFF880  }
0x1c: {  	s10 =	rddreg [dreg:$0x4]  }
0x1d: {  	[tilespmem:s17], [sflag:$0x7] =	stream.linear.gather [hbm4b:s10+s7], $0x100, $0x38;
	[tilespmem:$0x10A80] =	vst v63  }
0x1e: {  	_ =	swait.ge [sflag:s16], $0x100  }
0x1f: {  	[sflag:s16] =	ssyncset.done $0x0  }
0x20: {  	s11 =	rddreg [dreg:$0x7];
	[sflag:s16] =	ssyncadd.s32 $0xFFFFFF00  }
0x21: {  	[tilespmem:s7], [sflag:$0x7] =	stream.linear.gather [hbm4b:s11+s7], $0x80, $0x38;
	[tilespmem:$0x10A80] =	vst v63  }
0x22: {  	_ =	swait.ge [sflag:s16], $0x80  }
0x23: {  	[sflag:s16] =	ssyncset.done $0x0  }
0x24: {  	s4 =	simm.s32 $0x100;
	s18 =	rddreg [dreg:$0x8];
	[sflag:s16] =	ssyncadd.s32 $0xFFFFFF80  }
0x25: {  	[tilespmem:s4], [sflag:$0x7] =	stream.linear.gather [hbm4b:s18+s7], $0x80, $0x38;
	[tilespmem:$0x10A80] =	vst v63  }
0x26: {  	_ =	swait.ge [sflag:s16], $0x80  }
0x27: {  	[sflag:s16] =	ssyncset.done $0x0  }
0x28: {  	s20 =	simm.s32 $0x200;
	[sflag:s16] =	ssyncadd.s32 $0xFFFFFF80  }
0x29: {  	[tilespmem:s20], [sflag:$0x3] =	stream.indirect.gather [hbm4b:s0+s19], $0x80, s7, s19, $0xb8;
	[tilespmem:$0x10A80] =	vst v63  }
.Ltmp2:
0x2a: {  	_ = 	snop;
	(pc) =	sbr.rel .LBB2_2-.Ltmp2, $4  }
0x2b: {  	_ = 	snop  }
0x2c: {  	[tilespmem:s19], [sflag:$0x2] =	stream.linear.gather [hbm4b:s12+s7], $0x80, $0x38;
	[tilespmem:$0x10A80] =	vst v63  }
0x2d: {  	s21 =	simm.s32 $0x180;
	s5 =	simm.s32 $0x0  }
0x2e: {  	[tilespmem:s21], [sflag:$0x2] =	stream.linear.gather [hbm4b:s13+s7], $0x80, $0x38;
	[tilespmem:$0x10A80] =	vst v63  }
.LBB2_10:
0x2f: {  	s4 =	sshrl.u32 @!p0 s1, $0x3  }
0x30: {  	s4 =	sadd.s32 @!p0 $0x20, s4  }
0x31: {  	s10 =	simm.s32 @!p0 $0x0;
	s11 =	simm.s32 @!p0 $0x80;
	s6 =	sadd.s32 @!p0 s2, s4  }
0x32: {  	[tilespmem:s11], [sflag:$0x2] =	stream.linear.gather @!p0 [hbm4b:s6+s10], $0x80, $0x38;
	[tilespmem:$0x10A80] =	vst v63  }
0x33: {  	s5 =	sadd.s32 $0x1, s5;
	s4 =	sadd.s32 @!p0 s3, s4;
	s6 =	simm.s32 @!p0 $0x180  }
0x34: {  	[tilespmem:s6], [sflag:$0x2] =	stream.linear.gather @!p0 [hbm4b:s4+s10], $0x80, $0x38;
	[tilespmem:$0x10A80] =	vst v63  }
0x35: {  	p0 =	sne.s32 s5, $0x64  }
.Ltmp3:
0x36: {  	_ = 	snop;
	(pc) =	sbr.rel @!p0 .LBB2_11-.Ltmp3, $4  }
0x37: {  	_ = 	snop  }
0x38: {  	s21 =	sshll.u32 s1, $0x4  }
0x39: {  	s1 =	sadd.s32 s9, s21  }
0x3a: {  	[hbm4b:s1+s7] =	stream.linear.scatter [tilespmem:s28], [sflag:$0x6], $0x4000, $0x38;
	[tilespmem:$0x10A80] =	vst v63  }
.LBB2_2:
0x3b: {  	_ =	swait.ge [sflag:s22], $0x4000  }
0x3c: {  	[sflag:s22] =	ssyncset.done $0x0  }
0x3d: {  	[sflag:s22] =	ssyncadd.s32 $0xFFFFC000  }
0x3e: {  	_ =	swait.ge [sflag:s23], $0x80  }
0x3f: {  	[sflag:s23] =	ssyncset.done $0x0  }
0x40: {  	[sflag:s23] =	ssyncadd.s32 $0xFFFFFF80  }
0x41: {  	_ =	swait.ge [sflag:s23], $0x80  }
0x42: {  	p0 =	seq.s32 s5, $0x0;
	s1 =	sshll.u32 s5, $0x8;
	[sflag:s23] =	ssyncset.done $0x0  }
.Ltmp4:
0x43: {  	s6 =	simm.s32 @!p0 $0x5;
	[sflag:s23] =	ssyncadd.s32 $0xFFFFFF80;
	(pc) =	sbr.rel .LBB2_3-.Ltmp4, $4  }
0x44: {  	[tilespmem:s24], [sflag:$0x4] =	stream.indirect.gather [hbm4b:s0+s19], $0x80, s19, s19, $0xb8;
	[tilespmem:$0x10A80] =	vst v63  }
0x45: {  	s18 =	simm.s32 $0x100;
	s20 =	simm.s32 $0x600;
	_ =	swait.ge @!p0 [sflag:s6], $0x4000  }
0x46: {  	s21 =	simm.s32 $0x8600;
	s10 =	simm.s32 $0x0;
	[sflag:s6] =	ssyncset.done @!p0 $0x0  }
0x47: {  	s4 =	sadd.s32 s8, s1;
	[sflag:s6] =	ssyncadd.s32 @!p0 $0xFFFFC000;
	s6 =	simm.s32 $0x0  }
.LBB2_5:
0x48: {  	s10 =	sadd.s32 $0x10, s10  }
0x49: {  	p0 =	sne.s32 s10, $0x80  }
.Ltmp5:
0x4a: {  	_ = 	snop;
	(pc) =	sbr.rel @!p0 .LBB2_6-.Ltmp5, $3  }
0x4b: {  	_ =	sdelay $0x1  }
0x4c: {  	s18 =	sadd.s32 $0x10, s18  }
0x4d: {  	s6 =	sadd.s32 $0x10, s6;
	s20 =	sadd.s32 $0x800, s20;
	s21 =	sadd.s32 $0x800, s21  }
.LBB2_3:
0x4e: {  	v2 =	vld [tilespmem:s20+$0xFFFFFC00];
	_ =	sdelay $0x3  }
0x4f: {  	v3 =	vld [tilespmem:s6+$0x0]  }
0x50: {  	v4 =	vld [tilespmem:s18+$0x0];
	[tilespmem:s21+$0xFFFFFC00] =	vst v2  }
0x51: {  	v2 =	vld [tilespmem:s20+$0xFFFFFC10];
	_ =	sdelay $0x4  }
0x52: {  	[tilespmem:s21+$0xFFFFFC10] =	vst v2  }
0x53: {  	v2 =	vld [tilespmem:s20+$0xFFFFFC20];
	_ =	sdelay $0x4  }
0x54: {  	[tilespmem:s21+$0xFFFFFC20] =	vst v2  }
0x55: {  	v2 =	vld [tilespmem:s20+$0xFFFFFC30];
	_ =	sdelay $0x4  }
0x56: {  	[tilespmem:s21+$0xFFFFFC30] =	vst v2  }
0x57: {  	v2 =	vld [tilespmem:s20+$0xFFFFFC80];
	_ =	sdelay $0x4  }
0x58: {  	[tilespmem:s21+$0xFFFFFC80] =	vst v2  }
0x59: {  	v2 =	vld [tilespmem:s20+$0xFFFFFC90];
	_ =	sdelay $0x4  }
0x5a: {  	[tilespmem:s21+$0xFFFFFC90] =	vst v2  }
0x5b: {  	v2 =	vld [tilespmem:s20+$0xFFFFFCA0];
	_ =	sdelay $0x4  }
0x5c: {  	[tilespmem:s21+$0xFFFFFCA0] =	vst v2  }
0x5d: {  	v2 =	vld [tilespmem:s20+$0xFFFFFCB0];
	_ =	sdelay $0x4  }
0x5e: {  	[tilespmem:s21+$0xFFFFFCB0] =	vst v2  }
0x5f: {  	v2 =	vld [tilespmem:s20+$0xFFFFFD00];
	_ =	sdelay $0x4  }
0x60: {  	[tilespmem:s21+$0xFFFFFD00] =	vst v2  }
0x61: {  	v2 =	vld [tilespmem:s20+$0xFFFFFD10];
	_ =	sdelay $0x4  }
0x62: {  	[tilespmem:s21+$0xFFFFFD10] =	vst v2  }
0x63: {  	v2 =	vld [tilespmem:s20+$0xFFFFFD20];
	_ =	sdelay $0x4  }
0x64: {  	[tilespmem:s21+$0xFFFFFD20] =	vst v2  }
0x65: {  	v2 =	vld [tilespmem:s20+$0xFFFFFD30];
	_ =	sdelay $0x4  }
0x66: {  	[tilespmem:s21+$0xFFFFFD30] =	vst v2  }
0x67: {  	v2 =	vld [tilespmem:s20+$0xFFFFFD80];
	_ =	sdelay $0x4  }
0x68: {  	[tilespmem:s21+$0xFFFFFD80] =	vst v2  }
0x69: {  	v2 =	vld [tilespmem:s20+$0xFFFFFD90];
	_ =	sdelay $0x4  }
0x6a: {  	[tilespmem:s21+$0xFFFFFD90] =	vst v2  }
0x6b: {  	v2 =	vld [tilespmem:s20+$0xFFFFFDA0];
	_ =	sdelay $0x4  }
0x6c: {  	[tilespmem:s21+$0xFFFFFDA0] =	vst v2  }
0x6d: {  	v2 =	vld [tilespmem:s20+$0xFFFFFDB0];
	_ =	sdelay $0x4  }
0x6e: {  	[tilespmem:s21+$0xFFFFFDB0] =	vst v2  }
0x6f: {  	v2 =	vld [tilespmem:s20+$0xFFFFFE00];
	_ =	sdelay $0x4  }
0x70: {  	[tilespmem:s21+$0xFFFFFE00] =	vst v2  }
0x71: {  	v2 =	vld [tilespmem:s20+$0xFFFFFE10];
	_ =	sdelay $0x4  }
0x72: {  	[tilespmem:s21+$0xFFFFFE10] =	vst v2  }
0x73: {  	v2 =	vld [tilespmem:s20+$0xFFFFFE20];
	_ =	sdelay $0x4  }
0x74: {  	[tilespmem:s21+$0xFFFFFE20] =	vst v2  }
0x75: {  	v2 =	vld [tilespmem:s20+$0xFFFFFE30];
	_ =	sdelay $0x4  }
0x76: {  	[tilespmem:s21+$0xFFFFFE30] =	vst v2  }
0x77: {  	v2 =	vld [tilespmem:s20+$0xFFFFFE80];
	_ =	sdelay $0x4  }
0x78: {  	[tilespmem:s21+$0xFFFFFE80] =	vst v2  }
0x79: {  	v2 =	vld [tilespmem:s20+$0xFFFFFE90];
	_ =	sdelay $0x4  }
0x7a: {  	[tilespmem:s21+$0xFFFFFE90] =	vst v2  }
0x7b: {  	v2 =	vld [tilespmem:s20+$0xFFFFFEA0];
	_ =	sdelay $0x4  }
0x7c: {  	[tilespmem:s21+$0xFFFFFEA0] =	vst v2  }
0x7d: {  	v2 =	vld [tilespmem:s20+$0xFFFFFEB0];
	_ =	sdelay $0x4  }
0x7e: {  	[tilespmem:s21+$0xFFFFFEB0] =	vst v2  }
0x7f: {  	v2 =	vld [tilespmem:s20+$0xFFFFFF00];
	_ =	sdelay $0x4  }
0x80: {  	[tilespmem:s21+$0xFFFFFF00] =	vst v2  }
0x81: {  	v2 =	vld [tilespmem:s20+$0xFFFFFF10];
	_ =	sdelay $0x4  }
0x82: {  	[tilespmem:s21+$0xFFFFFF10] =	vst v2  }
0x83: {  	v2 =	vld [tilespmem:s20+$0xFFFFFF20];
	_ =	sdelay $0x4  }
0x84: {  	[tilespmem:s21+$0xFFFFFF20] =	vst v2  }
0x85: {  	v2 =	vld [tilespmem:s20+$0xFFFFFF30];
	_ =	sdelay $0x4  }
0x86: {  	[tilespmem:s21+$0xFFFFFF30] =	vst v2  }
0x87: {  	v2 =	vld [tilespmem:s20+$0xFFFFFF80];
	_ =	sdelay $0x4  }
0x88: {  	[tilespmem:s21+$0xFFFFFF80] =	vst v2  }
0x89: {  	v2 =	vld [tilespmem:s20+$0xFFFFFF90];
	_ =	sdelay $0x4  }
0x8a: {  	[tilespmem:s21+$0xFFFFFF90] =	vst v2  }
0x8b: {  	v2 =	vld [tilespmem:s20+$0xFFFFFFA0];
	_ =	sdelay $0x4  }
0x8c: {  	[tilespmem:s21+$0xFFFFFFA0] =	vst v2  }
0x8d: {  	v2 =	vld [tilespmem:s20+$0xFFFFFFB0];
	_ =	sdelay $0x4  }
0x8e: {  	[tilespmem:s21+$0xFFFFFFB0] =	vst v2  }
0x8f: {  	v2 =	vld [tilespmem:s20+$0x0];
	_ =	sdelay $0x4  }
0x90: {  	[tilespmem:s21+$0x0] =	vst v2  }
0x91: {  	v2 =	vld [tilespmem:s20+$0x10];
	_ =	sdelay $0x4  }
0x92: {  	[tilespmem:s21+$0x10] =	vst v2  }
0x93: {  	v2 =	vld [tilespmem:s20+$0x20];
	_ =	sdelay $0x4  }
0x94: {  	[tilespmem:s21+$0x20] =	vst v2  }
0x95: {  	v2 =	vld [tilespmem:s20+$0x30];
	_ =	sdelay $0x4  }
0x96: {  	[tilespmem:s21+$0x30] =	vst v2  }
0x97: {  	v2 =	vld [tilespmem:s20+$0x80];
	_ =	sdelay $0x4  }
0x98: {  	[tilespmem:s21+$0x80] =	vst v2  }
0x99: {  	v2 =	vld [tilespmem:s20+$0x90];
	_ =	sdelay $0x4  }
0x9a: {  	[tilespmem:s21+$0x90] =	vst v2  }
0x9b: {  	v2 =	vld [tilespmem:s20+$0xA0];
	_ =	sdelay $0x4  }
0x9c: {  	[tilespmem:s21+$0xA0] =	vst v2  }
0x9d: {  	v2 =	vld [tilespmem:s20+$0xB0];
	_ =	sdelay $0x4  }
0x9e: {  	[tilespmem:s21+$0xB0] =	vst v2  }
0x9f: {  	v2 =	vld [tilespmem:s20+$0x100];
	_ =	sdelay $0x4  }
0xa0: {  	[tilespmem:s21+$0x100] =	vst v2  }
0xa1: {  	v2 =	vld [tilespmem:s20+$0x110];
	_ =	sdelay $0x4  }
0xa2: {  	[tilespmem:s21+$0x110] =	vst v2  }
0xa3: {  	v2 =	vld [tilespmem:s20+$0x120];
	_ =	sdelay $0x4  }
0xa4: {  	[tilespmem:s21+$0x120] =	vst v2  }
0xa5: {  	v2 =	vld [tilespmem:s20+$0x130];
	_ =	sdelay $0x4  }
0xa6: {  	[tilespmem:s21+$0x130] =	vst v2  }
0xa7: {  	v2 =	vld [tilespmem:s20+$0x180];
	_ =	sdelay $0x4  }
0xa8: {  	[tilespmem:s21+$0x180] =	vst v2  }
0xa9: {  	v2 =	vld [tilespmem:s20+$0x190];
	_ =	sdelay $0x4  }
0xaa: {  	[tilespmem:s21+$0x190] =	vst v2  }
0xab: {  	v2 =	vld [tilespmem:s20+$0x1A0];
	_ =	sdelay $0x4  }
0xac: {  	[tilespmem:s21+$0x1A0] =	vst v2  }
0xad: {  	v2 =	vld [tilespmem:s20+$0x1B0];
	_ =	sdelay $0x4  }
0xae: {  	[tilespmem:s21+$0x1B0] =	vst v2  }
0xaf: {  	v2 =	vld [tilespmem:s20+$0x200];
	_ =	sdelay $0x4  }
0xb0: {  	[tilespmem:s21+$0x200] =	vst v2  }
0xb1: {  	v2 =	vld [tilespmem:s20+$0x210];
	_ =	sdelay $0x4  }
0xb2: {  	[tilespmem:s21+$0x210] =	vst v2  }
0xb3: {  	v2 =	vld [tilespmem:s20+$0x220];
	_ =	sdelay $0x4  }
0xb4: {  	[tilespmem:s21+$0x220] =	vst v2  }
0xb5: {  	v2 =	vld [tilespmem:s20+$0x230];
	_ =	sdelay $0x4  }
0xb6: {  	[tilespmem:s21+$0x230] =	vst v2  }
0xb7: {  	v2 =	vld [tilespmem:s20+$0x280];
	_ =	sdelay $0x4  }
0xb8: {  	[tilespmem:s21+$0x280] =	vst v2  }
0xb9: {  	v2 =	vld [tilespmem:s20+$0x290];
	_ =	sdelay $0x4  }
0xba: {  	[tilespmem:s21+$0x290] =	vst v2  }
0xbb: {  	v2 =	vld [tilespmem:s20+$0x2A0];
	_ =	sdelay $0x4  }
0xbc: {  	[tilespmem:s21+$0x2A0] =	vst v2  }
0xbd: {  	v2 =	vld [tilespmem:s20+$0x2B0];
	_ =	sdelay $0x4  }
0xbe: {  	[tilespmem:s21+$0x2B0] =	vst v2  }
0xbf: {  	v2 =	vld [tilespmem:s20+$0x300];
	_ =	sdelay $0x4  }
0xc0: {  	[tilespmem:s21+$0x300] =	vst v2  }
0xc1: {  	v2 =	vld [tilespmem:s20+$0x310];
	_ =	sdelay $0x4  }
0xc2: {  	[tilespmem:s21+$0x310] =	vst v2  }
0xc3: {  	v2 =	vld [tilespmem:s20+$0x320];
	_ =	sdelay $0x4  }
0xc4: {  	[tilespmem:s21+$0x320] =	vst v2  }
0xc5: {  	v2 =	vld [tilespmem:s20+$0x330];
	_ =	sdelay $0x4  }
0xc6: {  	[tilespmem:s21+$0x330] =	vst v2  }
0xc7: {  	v2 =	vld [tilespmem:s20+$0x380];
	_ =	sdelay $0x4  }
0xc8: {  	[tilespmem:s21+$0x380] =	vst v2  }
0xc9: {  	v2 =	vld [tilespmem:s20+$0x390];
	_ =	sdelay $0x4  }
0xca: {  	[tilespmem:s21+$0x390] =	vst v2  }
0xcb: {  	v2 =	vld [tilespmem:s20+$0x3A0];
	_ =	sdelay $0x4  }
0xcc: {  	[tilespmem:s21+$0x3A0] =	vst v2  }
0xcd: {  	v4 =	vmul.u32 $0x9, v4;
	v2 =	vld [tilespmem:s20+$0x3B0];
	_ =	sdelay $0x2  }
0xce: {  	v5 =	vmov s10  }
0xcf: {  	v5 =	vshll.u32 v5, $0x7  }
0xd0: {  	[tilespmem:s21+$0x3B0] =	vst v2;
	v2 =	vor.u32 v0, v5  }
0xd1: {  	v5 =	vld.idx.msk [tilespmem:v4+s15+$0x0], $0xffff;
	v6 =	vor.u32 $0x40, v2  }
0xd2: {  	v7 =	vadd.s32 $0x1, v4;
	_ =	sdelay $0x3  }
0xd3: {  	[tilespmem:v6+s25+$0x0] =	vst.idx.msk $0xffff, v5  }
0xd4: {  	v52 =	vor.u32 $0x41, v2;
	v5 =	vld.idx.msk [tilespmem:v7+s15+$0x0], $0xffff  }
0xd5: {  	v53 =	vadd.s32 $0x2, v4;
	_ =	sdelay $0x3  }
0xd6: {  	[tilespmem:v52+s25+$0x0] =	vst.idx.msk $0xffff, v5  }
0xd7: {  	v54 =	vor.u32 $0x42, v2;
	v5 =	vld.idx.msk [tilespmem:v53+s15+$0x0], $0xffff  }
0xd8: {  	v55 =	vadd.s32 $0x3, v4;
	_ =	sdelay $0x3  }
0xd9: {  	[tilespmem:v54+s25+$0x0] =	vst.idx.msk $0xffff, v5  }
0xda: {  	v56 =	vor.u32 $0x43, v2;
	v5 =	vld.idx.msk [tilespmem:v55+s15+$0x0], $0xffff  }
0xdb: {  	v57 =	vadd.s32 $0x4, v4;
	_ =	sdelay $0x3  }
0xdc: {  	[tilespmem:v56+s25+$0x0] =	vst.idx.msk $0xffff, v5  }
0xdd: {  	v58 =	vor.u32 $0x44, v2;
	v5 =	vld.idx.msk [tilespmem:v57+s15+$0x0], $0xffff  }
0xde: {  	v59 =	vadd.s32 $0x5, v4;
	_ =	sdelay $0x1  }
0xdf: {  	vm0 =	vgt.s32 v3, $0x1869D  }
0xe0: {  	v8 =	vsel vm0, $0x1, v1  }
0xe1: {  	(xrf0) =	vadd.scan.msk.s32 $0xffff, v8;
	[tilespmem:v58+s25+$0x0] =	vst.idx.msk $0xffff, v5  }
0xe2: {  	v60 =	vor.u32 $0x45, v2;
	v5 =	vld.idx.msk [tilespmem:v59+s15+$0x0], $0xffff;
	_ =	sdelay $0x4  }
0xe3: {  	v61 =	vadd.s32 $0x6, v4;
	[tilespmem:v60+s25+$0x0] =	vst.idx.msk $0xffff, v5;
	v5, _, _ =	vpop (xrf0)  }
0xe4: {  	(v2sf) =	vpush v5, $0xF;
	_ =	sdelay $0x3  }
0xe5: {  	v62 =	vor.u32 $0x46, v2;
	v6 =	vld.idx.msk [tilespmem:v61+s15+$0x0], $0xffff  }
0xe6: {  	v5 =	vadd.s32 $0x7, v4;
	_ =	sdelay $0x3  }
0xe7: {  	[tilespmem:v62+s25+$0x0] =	vst.idx.msk $0xffff, v6  }
0xe8: {  	v63 =	vor.u32 $0x47, v2;
	v5 =	vld.idx.msk [tilespmem:v5+s15+$0x0], $0xffff  }
0xe9: {  	v4 =	vadd.s32 $0x8, v4;
	_ =	sdelay $0x3  }
0xea: {  	[tilespmem:v63+s25+$0x0] =	vst.idx.msk $0xffff, v5;
	s11 =	spop (v2sf)  }
0xeb: {  	v5 =	vor.u32 $0x48, v2;
	v4 =	vld.idx.msk [tilespmem:v4+s15+$0x0], $0xffff;
	p0 =	slt.s32 s11, $0x1  }
.Ltmp6:
0xec: {  	_ = 	snop;
	(pc) =	sbr.rel @p0 .LBB2_5-.Ltmp6, $2  }
0xed: {  	_ =	sdelay $0x2  }
0xee: {  	[tilespmem:v5+s25+$0x0] =	vst.idx.msk $0xffff, v4  }
0xef: {  	v3 =	vadd.s32 $0xFFFE7963, v3  }
0xf0: {  	vm1 =	vgt.s32 v3, $0x0  }
0xf1: {  	v3 =	vnsel vm1, $0x0, v3  }
0xf2: {  	v3 =	vshll.u32 v3, $0x6;
	_ =	sdelay $0x4  }
0xf3: {  	v4 =	vld.idx.msk [tilespmem:v3+s17+$0x0], vm0  }
0xf4: {  	v5 =	vor.u32 $0x1, v3;
	_ =	sdelay $0x3  }
0xf5: {  	[tilespmem:v2+s25+$0x0] =	vst.idx.add.f32.msk vm0, v4  }
0xf6: {  	v52 =	vor.u32 $0x1, v2;
	v4 =	vld.idx.msk [tilespmem:v5+s17+$0x0], vm0  }
0xf7: {  	v6 =	vor.u32 $0x2, v3;
	_ =	sdelay $0x3  }
0xf8: {  	[tilespmem:v52+s25+$0x0] =	vst.idx.add.f32.msk vm0, v4  }
0xf9: {  	v53 =	vor.u32 $0x2, v2;
	v4 =	vld.idx.msk [tilespmem:v6+s17+$0x0], vm0  }
0xfa: {  	v54 =	vor.u32 $0x3, v3;
	_ =	sdelay $0x3  }
0xfb: {  	[tilespmem:v53+s25+$0x0] =	vst.idx.add.f32.msk vm0, v4  }
0xfc: {  	v55 =	vor.u32 $0x3, v2;
	v4 =	vld.idx.msk [tilespmem:v54+s17+$0x0], vm0  }
0xfd: {  	v56 =	vor.u32 $0x4, v3;
	_ =	sdelay $0x3  }
0xfe: {  	[tilespmem:v55+s25+$0x0] =	vst.idx.add.f32.msk vm0, v4  }
0xff: {  	v57 =	vor.u32 $0x4, v2;
	v4 =	vld.idx.msk [tilespmem:v56+s17+$0x0], vm0  }
0x100: {  	v58 =	vor.u32 $0x5, v3;
	_ =	sdelay $0x3  }
0x101: {  	[tilespmem:v57+s25+$0x0] =	vst.idx.add.f32.msk vm0, v4  }
0x102: {  	v59 =	vor.u32 $0x5, v2;
	v4 =	vld.idx.msk [tilespmem:v58+s17+$0x0], vm0  }
0x103: {  	v60 =	vor.u32 $0x6, v3;
	_ =	sdelay $0x3  }
0x104: {  	[tilespmem:v59+s25+$0x0] =	vst.idx.add.f32.msk vm0, v4  }
0x105: {  	v61 =	vor.u32 $0x6, v2;
	v4 =	vld.idx.msk [tilespmem:v60+s17+$0x0], vm0  }
0x106: {  	v62 =	vor.u32 $0x7, v3;
	_ =	sdelay $0x3  }
0x107: {  	[tilespmem:v61+s25+$0x0] =	vst.idx.add.f32.msk vm0, v4  }
0x108: {  	v63 =	vor.u32 $0x7, v2;
	v4 =	vld.idx.msk [tilespmem:v62+s17+$0x0], vm0  }
0x109: {  	v9 =	vor.u32 $0x8, v3;
	_ =	sdelay $0x3  }
0x10a: {  	[tilespmem:v63+s25+$0x0] =	vst.idx.add.f32.msk vm0, v4  }
0x10b: {  	v10 =	vor.u32 $0x8, v2;
	v4 =	vld.idx.msk [tilespmem:v9+s17+$0x0], vm0  }
0x10c: {  	v11 =	vor.u32 $0x9, v3;
	_ =	sdelay $0x3  }
0x10d: {  	[tilespmem:v10+s25+$0x0] =	vst.idx.add.f32.msk vm0, v4  }
0x10e: {  	v12 =	vor.u32 $0x9, v2;
	v4 =	vld.idx.msk [tilespmem:v11+s17+$0x0], vm0  }
0x10f: {  	v13 =	vor.u32 $0xA, v3;
	_ =	sdelay $0x3  }
0x110: {  	[tilespmem:v12+s25+$0x0] =	vst.idx.add.f32.msk vm0, v4  }
0x111: {  	v14 =	vor.u32 $0xA, v2;
	v4 =	vld.idx.msk [tilespmem:v13+s17+$0x0], vm0  }
0x112: {  	v15 =	vor.u32 $0xB, v3;
	_ =	sdelay $0x3  }
0x113: {  	[tilespmem:v14+s25+$0x0] =	vst.idx.add.f32.msk vm0, v4  }
0x114: {  	v16 =	vor.u32 $0xB, v2;
	v4 =	vld.idx.msk [tilespmem:v15+s17+$0x0], vm0  }
0x115: {  	v17 =	vor.u32 $0xC, v3;
	_ =	sdelay $0x3  }
0x116: {  	[tilespmem:v16+s25+$0x0] =	vst.idx.add.f32.msk vm0, v4  }
0x117: {  	v18 =	vor.u32 $0xC, v2;
	v4 =	vld.idx.msk [tilespmem:v17+s17+$0x0], vm0  }
0x118: {  	v19 =	vor.u32 $0xD, v3;
	_ =	sdelay $0x3  }
0x119: {  	[tilespmem:v18+s25+$0x0] =	vst.idx.add.f32.msk vm0, v4  }
0x11a: {  	v20 =	vor.u32 $0xD, v2;
	v4 =	vld.idx.msk [tilespmem:v19+s17+$0x0], vm0  }
0x11b: {  	v21 =	vor.u32 $0xE, v3;
	_ =	sdelay $0x3  }
0x11c: {  	[tilespmem:v20+s25+$0x0] =	vst.idx.add.f32.msk vm0, v4  }
0x11d: {  	v22 =	vor.u32 $0xE, v2;
	v4 =	vld.idx.msk [tilespmem:v21+s17+$0x0], vm0  }
0x11e: {  	v23 =	vor.u32 $0xF, v3;
	_ =	sdelay $0x3  }
0x11f: {  	[tilespmem:v22+s25+$0x0] =	vst.idx.add.f32.msk vm0, v4  }
0x120: {  	v24 =	vor.u32 $0xF, v2;
	v4 =	vld.idx.msk [tilespmem:v23+s17+$0x0], vm0  }
0x121: {  	v25 =	vor.u32 $0x10, v3;
	_ =	sdelay $0x3  }
0x122: {  	[tilespmem:v24+s25+$0x0] =	vst.idx.add.f32.msk vm0, v4  }
0x123: {  	v26 =	vor.u32 $0x10, v2;
	v4 =	vld.idx.msk [tilespmem:v25+s17+$0x0], vm0  }
0x124: {  	v27 =	vor.u32 $0x11, v3;
	_ =	sdelay $0x3  }
0x125: {  	[tilespmem:v26+s25+$0x0] =	vst.idx.add.f32.msk vm0, v4  }
0x126: {  	v28 =	vor.u32 $0x11, v2;
	v4 =	vld.idx.msk [tilespmem:v27+s17+$0x0], vm0  }
0x127: {  	v29 =	vor.u32 $0x12, v3;
	_ =	sdelay $0x3  }
0x128: {  	[tilespmem:v28+s25+$0x0] =	vst.idx.add.f32.msk vm0, v4  }
0x129: {  	v30 =	vor.u32 $0x12, v2;
	v4 =	vld.idx.msk [tilespmem:v29+s17+$0x0], vm0  }
0x12a: {  	v31 =	vor.u32 $0x13, v3;
	_ =	sdelay $0x3  }
0x12b: {  	[tilespmem:v30+s25+$0x0] =	vst.idx.add.f32.msk vm0, v4  }
0x12c: {  	v32 =	vor.u32 $0x13, v2;
	v4 =	vld.idx.msk [tilespmem:v31+s17+$0x0], vm0  }
0x12d: {  	v33 =	vor.u32 $0x14, v3;
	_ =	sdelay $0x3  }
0x12e: {  	[tilespmem:v32+s25+$0x0] =	vst.idx.add.f32.msk vm0, v4  }
0x12f: {  	v34 =	vor.u32 $0x14, v2;
	v4 =	vld.idx.msk [tilespmem:v33+s17+$0x0], vm0  }
0x130: {  	v35 =	vor.u32 $0x15, v3;
	_ =	sdelay $0x3  }
0x131: {  	[tilespmem:v34+s25+$0x0] =	vst.idx.add.f32.msk vm0, v4  }
0x132: {  	v36 =	vor.u32 $0x15, v2;
	v4 =	vld.idx.msk [tilespmem:v35+s17+$0x0], vm0  }
0x133: {  	v37 =	vor.u32 $0x16, v3;
	_ =	sdelay $0x3  }
0x134: {  	[tilespmem:v36+s25+$0x0] =	vst.idx.add.f32.msk vm0, v4  }
0x135: {  	v38 =	vor.u32 $0x16, v2;
	v4 =	vld.idx.msk [tilespmem:v37+s17+$0x0], vm0  }
0x136: {  	v39 =	vor.u32 $0x17, v3;
	_ =	sdelay $0x3  }
0x137: {  	[tilespmem:v38+s25+$0x0] =	vst.idx.add.f32.msk vm0, v4  }
0x138: {  	v40 =	vor.u32 $0x17, v2;
	v4 =	vld.idx.msk [tilespmem:v39+s17+$0x0], vm0  }
0x139: {  	v41 =	vor.u32 $0x18, v3;
	_ =	sdelay $0x3  }
0x13a: {  	[tilespmem:v40+s25+$0x0] =	vst.idx.add.f32.msk vm0, v4  }
0x13b: {  	v42 =	vor.u32 $0x18, v2;
	v4 =	vld.idx.msk [tilespmem:v41+s17+$0x0], vm0  }
0x13c: {  	v43 =	vor.u32 $0x19, v3;
	_ =	sdelay $0x3  }
0x13d: {  	[tilespmem:v42+s25+$0x0] =	vst.idx.add.f32.msk vm0, v4  }
0x13e: {  	v44 =	vor.u32 $0x19, v2;
	v4 =	vld.idx.msk [tilespmem:v43+s17+$0x0], vm0  }
0x13f: {  	v45 =	vor.u32 $0x1A, v3;
	_ =	sdelay $0x3  }
0x140: {  	[tilespmem:v44+s25+$0x0] =	vst.idx.add.f32.msk vm0, v4  }
0x141: {  	v46 =	vor.u32 $0x1A, v2;
	v4 =	vld.idx.msk [tilespmem:v45+s17+$0x0], vm0  }
0x142: {  	v47 =	vor.u32 $0x1B, v3;
	_ =	sdelay $0x3  }
0x143: {  	[tilespmem:v46+s25+$0x0] =	vst.idx.add.f32.msk vm0, v4  }
0x144: {  	v48 =	vor.u32 $0x1B, v2;
	v4 =	vld.idx.msk [tilespmem:v47+s17+$0x0], vm0  }
0x145: {  	v49 =	vor.u32 $0x1C, v3;
	_ =	sdelay $0x3  }
0x146: {  	[tilespmem:v48+s25+$0x0] =	vst.idx.add.f32.msk vm0, v4  }
0x147: {  	v50 =	vor.u32 $0x1C, v2;
	v4 =	vld.idx.msk [tilespmem:v49+s17+$0x0], vm0  }
0x148: {  	v51 =	vor.u32 $0x1D, v3;
	_ =	sdelay $0x3  }
0x149: {  	[tilespmem:v50+s25+$0x0] =	vst.idx.add.f32.msk vm0, v4  }
0x14a: {  	v52 =	vor.u32 $0x1D, v2;
	v4 =	vld.idx.msk [tilespmem:v51+s17+$0x0], vm0  }
0x14b: {  	v53 =	vor.u32 $0x1E, v3;
	_ =	sdelay $0x3  }
0x14c: {  	[tilespmem:v52+s25+$0x0] =	vst.idx.add.f32.msk vm0, v4  }
0x14d: {  	v54 =	vor.u32 $0x1E, v2;
	v4 =	vld.idx.msk [tilespmem:v53+s17+$0x0], vm0  }
0x14e: {  	v55 =	vor.u32 $0x1F, v3;
	_ =	sdelay $0x3  }
0x14f: {  	[tilespmem:v54+s25+$0x0] =	vst.idx.add.f32.msk vm0, v4  }
0x150: {  	v56 =	vor.u32 $0x1F, v2;
	v4 =	vld.idx.msk [tilespmem:v55+s17+$0x0], vm0  }
0x151: {  	v57 =	vor.u32 $0x20, v3;
	_ =	sdelay $0x3  }
0x152: {  	[tilespmem:v56+s25+$0x0] =	vst.idx.add.f32.msk vm0, v4  }
0x153: {  	v58 =	vor.u32 $0x20, v2;
	v4 =	vld.idx.msk [tilespmem:v57+s17+$0x0], vm0  }
0x154: {  	v59 =	vor.u32 $0x21, v3;
	_ =	sdelay $0x3  }
0x155: {  	[tilespmem:v58+s25+$0x0] =	vst.idx.add.f32.msk vm0, v4  }
0x156: {  	v60 =	vor.u32 $0x21, v2;
	v4 =	vld.idx.msk [tilespmem:v59+s17+$0x0], vm0  }
0x157: {  	v61 =	vor.u32 $0x22, v3;
	_ =	sdelay $0x3  }
0x158: {  	[tilespmem:v60+s25+$0x0] =	vst.idx.add.f32.msk vm0, v4  }
0x159: {  	v62 =	vor.u32 $0x22, v2;
	v4 =	vld.idx.msk [tilespmem:v61+s17+$0x0], vm0  }
0x15a: {  	v63 =	vor.u32 $0x23, v3;
	_ =	sdelay $0x3  }
0x15b: {  	[tilespmem:v62+s25+$0x0] =	vst.idx.add.f32.msk vm0, v4  }
0x15c: {  	v9 =	vor.u32 $0x23, v2;
	v4 =	vld.idx.msk [tilespmem:v63+s17+$0x0], vm0  }
0x15d: {  	v10 =	vor.u32 $0x24, v3;
	_ =	sdelay $0x3  }
0x15e: {  	[tilespmem:v9+s25+$0x0] =	vst.idx.add.f32.msk vm0, v4  }
0x15f: {  	v11 =	vor.u32 $0x24, v2;
	v4 =	vld.idx.msk [tilespmem:v10+s17+$0x0], vm0  }
0x160: {  	v12 =	vor.u32 $0x25, v3;
	_ =	sdelay $0x3  }
0x161: {  	[tilespmem:v11+s25+$0x0] =	vst.idx.add.f32.msk vm0, v4  }
0x162: {  	v13 =	vor.u32 $0x25, v2;
	v4 =	vld.idx.msk [tilespmem:v12+s17+$0x0], vm0  }
0x163: {  	v14 =	vor.u32 $0x26, v3;
	_ =	sdelay $0x3  }
0x164: {  	[tilespmem:v13+s25+$0x0] =	vst.idx.add.f32.msk vm0, v4  }
0x165: {  	v15 =	vor.u32 $0x26, v2;
	v4 =	vld.idx.msk [tilespmem:v14+s17+$0x0], vm0  }
0x166: {  	v16 =	vor.u32 $0x27, v3;
	_ =	sdelay $0x3  }
0x167: {  	[tilespmem:v15+s25+$0x0] =	vst.idx.add.f32.msk vm0, v4  }
0x168: {  	v17 =	vor.u32 $0x27, v2;
	v4 =	vld.idx.msk [tilespmem:v16+s17+$0x0], vm0  }
0x169: {  	v18 =	vor.u32 $0x28, v3;
	_ =	sdelay $0x3  }
0x16a: {  	[tilespmem:v17+s25+$0x0] =	vst.idx.add.f32.msk vm0, v4  }
0x16b: {  	v19 =	vor.u32 $0x28, v2;
	v4 =	vld.idx.msk [tilespmem:v18+s17+$0x0], vm0  }
0x16c: {  	v20 =	vor.u32 $0x29, v3;
	_ =	sdelay $0x3  }
0x16d: {  	[tilespmem:v19+s25+$0x0] =	vst.idx.add.f32.msk vm0, v4  }
0x16e: {  	v21 =	vor.u32 $0x29, v2;
	v4 =	vld.idx.msk [tilespmem:v20+s17+$0x0], vm0  }
0x16f: {  	v22 =	vor.u32 $0x2A, v3;
	_ =	sdelay $0x3  }
0x170: {  	[tilespmem:v21+s25+$0x0] =	vst.idx.add.f32.msk vm0, v4  }
0x171: {  	v23 =	vor.u32 $0x2A, v2;
	v4 =	vld.idx.msk [tilespmem:v22+s17+$0x0], vm0  }
0x172: {  	v24 =	vor.u32 $0x2B, v3;
	_ =	sdelay $0x3  }
0x173: {  	[tilespmem:v23+s25+$0x0] =	vst.idx.add.f32.msk vm0, v4  }
0x174: {  	v25 =	vor.u32 $0x2B, v2;
	v4 =	vld.idx.msk [tilespmem:v24+s17+$0x0], vm0  }
0x175: {  	v26 =	vor.u32 $0x2C, v3;
	_ =	sdelay $0x3  }
0x176: {  	[tilespmem:v25+s25+$0x0] =	vst.idx.add.f32.msk vm0, v4  }
0x177: {  	v27 =	vor.u32 $0x2C, v2;
	v4 =	vld.idx.msk [tilespmem:v26+s17+$0x0], vm0  }
0x178: {  	v28 =	vor.u32 $0x2D, v3;
	_ =	sdelay $0x3  }
0x179: {  	[tilespmem:v27+s25+$0x0] =	vst.idx.add.f32.msk vm0, v4  }
0x17a: {  	v29 =	vor.u32 $0x2D, v2;
	v4 =	vld.idx.msk [tilespmem:v28+s17+$0x0], vm0  }
0x17b: {  	v30 =	vor.u32 $0x2E, v3;
	_ =	sdelay $0x3  }
0x17c: {  	[tilespmem:v29+s25+$0x0] =	vst.idx.add.f32.msk vm0, v4  }
0x17d: {  	v31 =	vor.u32 $0x2E, v2;
	v4 =	vld.idx.msk [tilespmem:v30+s17+$0x0], vm0  }
0x17e: {  	v32 =	vor.u32 $0x2F, v3;
	_ =	sdelay $0x3  }
0x17f: {  	[tilespmem:v31+s25+$0x0] =	vst.idx.add.f32.msk vm0, v4  }
0x180: {  	v33 =	vor.u32 $0x2F, v2;
	v4 =	vld.idx.msk [tilespmem:v32+s17+$0x0], vm0  }
0x181: {  	v34 =	vor.u32 $0x30, v3;
	_ =	sdelay $0x3  }
0x182: {  	[tilespmem:v33+s25+$0x0] =	vst.idx.add.f32.msk vm0, v4  }
0x183: {  	v35 =	vor.u32 $0x30, v2;
	v4 =	vld.idx.msk [tilespmem:v34+s17+$0x0], vm0  }
0x184: {  	v36 =	vor.u32 $0x31, v3;
	_ =	sdelay $0x3  }
0x185: {  	[tilespmem:v35+s25+$0x0] =	vst.idx.add.f32.msk vm0, v4  }
0x186: {  	v37 =	vor.u32 $0x31, v2;
	v4 =	vld.idx.msk [tilespmem:v36+s17+$0x0], vm0  }
0x187: {  	v38 =	vor.u32 $0x32, v3;
	_ =	sdelay $0x3  }
0x188: {  	[tilespmem:v37+s25+$0x0] =	vst.idx.add.f32.msk vm0, v4  }
0x189: {  	v39 =	vor.u32 $0x32, v2;
	v4 =	vld.idx.msk [tilespmem:v38+s17+$0x0], vm0  }
0x18a: {  	v40 =	vor.u32 $0x33, v3;
	_ =	sdelay $0x3  }
0x18b: {  	[tilespmem:v39+s25+$0x0] =	vst.idx.add.f32.msk vm0, v4  }
0x18c: {  	v41 =	vor.u32 $0x33, v2;
	v4 =	vld.idx.msk [tilespmem:v40+s17+$0x0], vm0  }
0x18d: {  	v42 =	vor.u32 $0x34, v3;
	_ =	sdelay $0x3  }
0x18e: {  	[tilespmem:v41+s25+$0x0] =	vst.idx.add.f32.msk vm0, v4  }
0x18f: {  	v43 =	vor.u32 $0x34, v2;
	v4 =	vld.idx.msk [tilespmem:v42+s17+$0x0], vm0  }
0x190: {  	v44 =	vor.u32 $0x35, v3;
	_ =	sdelay $0x3  }
0x191: {  	[tilespmem:v43+s25+$0x0] =	vst.idx.add.f32.msk vm0, v4  }
0x192: {  	v45 =	vor.u32 $0x35, v2;
	v4 =	vld.idx.msk [tilespmem:v44+s17+$0x0], vm0  }
0x193: {  	v46 =	vor.u32 $0x36, v3;
	_ =	sdelay $0x3  }
0x194: {  	[tilespmem:v45+s25+$0x0] =	vst.idx.add.f32.msk vm0, v4  }
0x195: {  	v47 =	vor.u32 $0x36, v2;
	v4 =	vld.idx.msk [tilespmem:v46+s17+$0x0], vm0  }
0x196: {  	v48 =	vor.u32 $0x37, v3;
	_ =	sdelay $0x3  }
0x197: {  	[tilespmem:v47+s25+$0x0] =	vst.idx.add.f32.msk vm0, v4  }
0x198: {  	v49 =	vor.u32 $0x37, v2;
	v4 =	vld.idx.msk [tilespmem:v48+s17+$0x0], vm0  }
0x199: {  	v50 =	vor.u32 $0x38, v3;
	_ =	sdelay $0x3  }
0x19a: {  	[tilespmem:v49+s25+$0x0] =	vst.idx.add.f32.msk vm0, v4  }
0x19b: {  	v51 =	vor.u32 $0x38, v2;
	v4 =	vld.idx.msk [tilespmem:v50+s17+$0x0], vm0  }
0x19c: {  	v52 =	vor.u32 $0x39, v3;
	_ =	sdelay $0x3  }
0x19d: {  	[tilespmem:v51+s25+$0x0] =	vst.idx.add.f32.msk vm0, v4  }
0x19e: {  	v53 =	vor.u32 $0x39, v2;
	v4 =	vld.idx.msk [tilespmem:v52+s17+$0x0], vm0  }
0x19f: {  	v54 =	vor.u32 $0x3A, v3;
	_ =	sdelay $0x3  }
0x1a0: {  	[tilespmem:v53+s25+$0x0] =	vst.idx.add.f32.msk vm0, v4  }
0x1a1: {  	v55 =	vor.u32 $0x3A, v2;
	v4 =	vld.idx.msk [tilespmem:v54+s17+$0x0], vm0  }
0x1a2: {  	v56 =	vor.u32 $0x3B, v3;
	_ =	sdelay $0x3  }
0x1a3: {  	[tilespmem:v55+s25+$0x0] =	vst.idx.add.f32.msk vm0, v4  }
0x1a4: {  	v57 =	vor.u32 $0x3B, v2;
	v4 =	vld.idx.msk [tilespmem:v56+s17+$0x0], vm0  }
0x1a5: {  	v58 =	vor.u32 $0x3C, v3;
	_ =	sdelay $0x3  }
0x1a6: {  	[tilespmem:v57+s25+$0x0] =	vst.idx.add.f32.msk vm0, v4  }
0x1a7: {  	v59 =	vor.u32 $0x3C, v2;
	v4 =	vld.idx.msk [tilespmem:v58+s17+$0x0], vm0  }
0x1a8: {  	v60 =	vor.u32 $0x3D, v3;
	_ =	sdelay $0x3  }
0x1a9: {  	[tilespmem:v59+s25+$0x0] =	vst.idx.add.f32.msk vm0, v4  }
0x1aa: {  	v61 =	vor.u32 $0x3D, v2;
	v4 =	vld.idx.msk [tilespmem:v60+s17+$0x0], vm0  }
0x1ab: {  	v62 =	vor.u32 $0x3E, v3;
	_ =	sdelay $0x3  }
0x1ac: {  	[tilespmem:v61+s25+$0x0] =	vst.idx.add.f32.msk vm0, v4  }
0x1ad: {  	v63 =	vor.u32 $0x3E, v2;
	v4 =	vld.idx.msk [tilespmem:v62+s17+$0x0], vm0  }
0x1ae: {  	v3 =	vor.u32 $0x3F, v3;
	_ =	sdelay $0x3  }
0x1af: {  	[tilespmem:v63+s25+$0x0] =	vst.idx.add.f32.msk vm0, v4  }
0x1b0: {  	v2 =	vor.u32 $0x3F, v2;
	v3 =	vld.idx.msk [tilespmem:v3+s17+$0x0], vm0  }
.Ltmp7:
0x1b1: {  	_ = 	snop;
	(pc) =	sbr.rel .LBB2_5-.Ltmp7, $2  }
0x1b2: {  	_ =	sdelay $0x2  }
0x1b3: {  	[tilespmem:v2+s25+$0x0] =	vst.idx.add.f32.msk vm0, v3  }
.LBB2_6:
0x1b4: {  	p0 =	seq.s32 s5, $0x63  }
0x1b5: {  	s6 =	sshrl.u32 @!p0 s4, $0x3  }
0x1b6: {  	s6 =	sadd.s32 @!p0 $0x20, s6  }
0x1b7: {  	s11 =	simm.s32 @!p0 $0x0;
	s10 =	sadd.s32 @!p0 s2, s6  }
0x1b8: {  	[tilespmem:s11], [sflag:$0x1] =	stream.linear.gather @!p0 [hbm4b:s10+s11], $0x80, $0x38;
	[tilespmem:$0x10A80] =	vst v63  }
0x1b9: {  	s21 =	sshll.u32 s4, $0x4;
	s6 =	sadd.s32 @!p0 s3, s6;
	s10 =	simm.s32 @!p0 $0x100  }
0x1ba: {  	[tilespmem:s10], [sflag:$0x1] =	stream.linear.gather @!p0 [hbm4b:s6+s11], $0x80, $0x38;
	[tilespmem:$0x10A80] =	vst v63  }
0x1bb: {  	s4 =	sadd.s32 s9, s21  }
0x1bc: {  	[hbm4b:s4+s7] =	stream.linear.scatter [tilespmem:s25], [sflag:$0x5], $0x4000, $0x38;
	[tilespmem:$0x10A80] =	vst v63  }
0x1bd: {  	_ =	swait.ge [sflag:s26], $0x4000  }
0x1be: {  	[sflag:s26] =	ssyncset.done $0x0  }
0x1bf: {  	s4 =	simm.s32 @!p0 $0x1;
	[sflag:s26] =	ssyncadd.s32 $0xFFFFC000  }
0x1c0: {  	_ =	swait.ge @!p0 [sflag:s4], $0x80  }
0x1c1: {  	[sflag:s4] =	ssyncset.done @!p0 $0x0  }
0x1c2: {  	[sflag:s4] =	ssyncadd.s32 @!p0 $0xFFFFFF80  }
0x1c3: {  	p1 =	seq.s32 @!p0 s5, $0x0;
	_ =	swait.ge @!p0 [sflag:s4], $0x80  }
0x1c4: {  	p1 =	por p0, !p1;
	s6 =	simm.s32 @!p0 $0x200;
	[sflag:s4] =	ssyncset.done @!p0 $0x0  }
.Ltmp8:
0x1c5: {  	[sflag:s4] =	ssyncadd.s32 @!p0 $0xFFFFFF80;
	s4 =	simm.s32 @!p0 $0x80;
	(pc) =	sbr.rel .LBB2_7-.Ltmp8, $4  }
0x1c6: {  	[tilespmem:s6], [sflag:$0x3] =	stream.indirect.gather @!p0 [hbm4b:s0+s4], $0x80, s11, s4, $0xb8;
	[tilespmem:$0x10A80] =	vst v63  }
0x1c7: {  	s1 =	sadd.s32 s1, s8;
	s18 =	simm.s32 $0x0;
	_ =	swait.ge @p1 [sflag:s30], $0x4000  }
0x1c8: {  	s1 =	sadd.s32 $0x80, s1;
	s10 =	simm.s32 $0x0;
	[sflag:s30] =	ssyncset.done @p1 $0x0  }
0x1c9: {  	s4 =	simm.s32 $0x80;
	s6 =	simm.s32 $0x180;
	[sflag:s30] =	ssyncadd.s32 @p1 $0xFFFFC000  }
.LBB2_9:
0x1ca: {  	s10 =	sadd.s32 $0x2000, s10  }
0x1cb: {  	p1 =	sne.s32 s10, $0x10000  }
.Ltmp9:
0x1cc: {  	_ = 	snop;
	(pc) =	sbr.rel @!p1 .LBB2_10-.Ltmp9, $2  }
0x1cd: {  	_ =	sdelay $0x2  }
0x1ce: {  	s4 =	sadd.s32 $0x10, s4;
	s6 =	sadd.s32 $0x10, s6;
	s18 =	sadd.s32 $0x10, s18  }
.LBB2_7:
0x1cf: {  	v3 =	vld [tilespmem:s4+$0x0]  }
0x1d0: {  	v2 =	vld [tilespmem:s6+$0x0];
	s20 =	sshra.s32 s10, $0x2  }
0x1d1: {  	v4 =	vld [tilespmem:s20+$0x4200]  }
0x1d2: {  	v5 =	vld [tilespmem:s20+$0x4210]  }
0x1d3: {  	v6 =	vld [tilespmem:s20+$0x4220]  }
0x1d4: {  	v7 =	vld [tilespmem:s20+$0x4230]  }
0x1d5: {  	v8 =	vld [tilespmem:s20+$0x4280]  }
0x1d6: {  	v20 =	vld [tilespmem:s20+$0x42B0];
	[tilespmem:s20+$0xC200] =	vst v4  }
0x1d7: {  	v21 =	vld [tilespmem:s20+$0x4300];
	[tilespmem:s20+$0xC210] =	vst v5  }
0x1d8: {  	v4 =	vld [tilespmem:s20+$0x4290];
	[tilespmem:s20+$0xC220] =	vst v6  }
0x1d9: {  	v5 =	vld [tilespmem:s20+$0x42A0];
	[tilespmem:s20+$0xC230] =	vst v7  }
0x1da: {  	v22 =	vld [tilespmem:s20+$0x4310];
	[tilespmem:s20+$0xC280] =	vst v8  }
0x1db: {  	v23 =	vld [tilespmem:s20+$0x4380];
	[tilespmem:s20+$0xC2B0] =	vst v20  }
0x1dc: {  	v24 =	vld [tilespmem:s20+$0x4390];
	[tilespmem:s20+$0xC300] =	vst v21  }
0x1dd: {  	[tilespmem:s20+$0xC290] =	vst v4;
	v4 =	vld [tilespmem:s20+$0x4320]  }
0x1de: {  	[tilespmem:s20+$0xC2A0] =	vst v5;
	v5 =	vld [tilespmem:s20+$0x4330]  }
0x1df: {  	v25 =	vld [tilespmem:s20+$0x43A0];
	[tilespmem:s20+$0xC310] =	vst v22  }
0x1e0: {  	v26 =	vld [tilespmem:s20+$0x4410];
	[tilespmem:s20+$0xC380] =	vst v23  }
0x1e1: {  	v27 =	vld [tilespmem:s20+$0x4420];
	[tilespmem:s20+$0xC390] =	vst v24  }
0x1e2: {  	[tilespmem:s20+$0xC320] =	vst v4;
	v4 =	vld [tilespmem:s20+$0x43B0]  }
0x1e3: {  	[tilespmem:s20+$0xC330] =	vst v5;
	v5 =	vld [tilespmem:s20+$0x4400]  }
0x1e4: {  	v28 =	vld [tilespmem:s20+$0x4430];
	[tilespmem:s20+$0xC3A0] =	vst v25  }
0x1e5: {  	v29 =	vld [tilespmem:s20+$0x44A0];
	[tilespmem:s20+$0xC410] =	vst v26  }
0x1e6: {  	v30 =	vld [tilespmem:s20+$0x44B0];
	[tilespmem:s20+$0xC420] =	vst v27  }
0x1e7: {  	[tilespmem:s20+$0xC3B0] =	vst v4;
	v4 =	vld [tilespmem:s20+$0x4480]  }
0x1e8: {  	[tilespmem:s20+$0xC400] =	vst v5;
	v5 =	vld [tilespmem:s20+$0x4490]  }
0x1e9: {  	v31 =	vld [tilespmem:s20+$0x4500];
	[tilespmem:s20+$0xC430] =	vst v28  }
0x1ea: {  	v32 =	vld [tilespmem:s20+$0x4530];
	[tilespmem:s20+$0xC4A0] =	vst v29  }
0x1eb: {  	v33 =	vld [tilespmem:s20+$0x4580];
	[tilespmem:s20+$0xC4B0] =	vst v30  }
0x1ec: {  	[tilespmem:s20+$0xC480] =	vst v4;
	v4 =	vld [tilespmem:s20+$0x4510]  }
0x1ed: {  	[tilespmem:s20+$0xC490] =	vst v5;
	v5 =	vld [tilespmem:s20+$0x4520]  }
0x1ee: {  	v34 =	vld [tilespmem:s20+$0x4590];
	[tilespmem:s20+$0xC500] =	vst v31  }
0x1ef: {  	v35 =	vld [tilespmem:s20+$0x4600];
	[tilespmem:s20+$0xC530] =	vst v32  }
0x1f0: {  	v36 =	vld [tilespmem:s20+$0x4610];
	[tilespmem:s20+$0xC580] =	vst v33  }
0x1f1: {  	[tilespmem:s20+$0xC510] =	vst v4;
	v4 =	vld [tilespmem:s20+$0x45A0]  }
0x1f2: {  	[tilespmem:s20+$0xC520] =	vst v5;
	v5 =	vld [tilespmem:s20+$0x45B0]  }
0x1f3: {  	v37 =	vld [tilespmem:s20+$0x4620];
	[tilespmem:s20+$0xC590] =	vst v34  }
0x1f4: {  	v38 =	vld [tilespmem:s20+$0x4690];
	[tilespmem:s20+$0xC600] =	vst v35  }
0x1f5: {  	v39 =	vld [tilespmem:s20+$0x46A0];
	[tilespmem:s20+$0xC610] =	vst v36  }
0x1f6: {  	[tilespmem:s20+$0xC5A0] =	vst v4;
	v4 =	vld [tilespmem:s20+$0x4630]  }
0x1f7: {  	[tilespmem:s20+$0xC5B0] =	vst v5;
	v5 =	vld [tilespmem:s20+$0x4680]  }
0x1f8: {  	v40 =	vld [tilespmem:s20+$0x46B0];
	[tilespmem:s20+$0xC620] =	vst v37  }
0x1f9: {  	v41 =	vld [tilespmem:s20+$0x4720];
	[tilespmem:s20+$0xC690] =	vst v38  }
0x1fa: {  	v42 =	vld [tilespmem:s20+$0x4730];
	[tilespmem:s20+$0xC6A0] =	vst v39  }
0x1fb: {  	[tilespmem:s20+$0xC630] =	vst v4;
	v4 =	vld [tilespmem:s20+$0x4700]  }
0x1fc: {  	[tilespmem:s20+$0xC680] =	vst v5;
	v5 =	vld [tilespmem:s20+$0x4710]  }
0x1fd: {  	v43 =	vld [tilespmem:s20+$0x4780];
	[tilespmem:s20+$0xC6B0] =	vst v40  }
0x1fe: {  	v44 =	vld [tilespmem:s20+$0x47B0];
	[tilespmem:s20+$0xC720] =	vst v41  }
0x1ff: {  	v45 =	vld [tilespmem:s20+$0x4800];
	[tilespmem:s20+$0xC730] =	vst v42  }
0x200: {  	[tilespmem:s20+$0xC700] =	vst v4;
	v4 =	vld [tilespmem:s20+$0x4790]  }
0x201: {  	[tilespmem:s20+$0xC710] =	vst v5;
	v5 =	vld [tilespmem:s20+$0x47A0]  }
0x202: {  	v46 =	vld [tilespmem:s20+$0x4810];
	[tilespmem:s20+$0xC780] =	vst v43  }
0x203: {  	v47 =	vld [tilespmem:s20+$0x4880];
	[tilespmem:s20+$0xC7B0] =	vst v44  }
0x204: {  	v48 =	vld [tilespmem:s20+$0x4890];
	[tilespmem:s20+$0xC800] =	vst v45  }
0x205: {  	[tilespmem:s20+$0xC790] =	vst v4;
	v4 =	vld [tilespmem:s20+$0x4820]  }
0x206: {  	[tilespmem:s20+$0xC7A0] =	vst v5;
	v5 =	vld [tilespmem:s20+$0x4830]  }
0x207: {  	v49 =	vld [tilespmem:s20+$0x48A0];
	[tilespmem:s20+$0xC810] =	vst v46  }
0x208: {  	v50 =	vld [tilespmem:s20+$0x4910];
	[tilespmem:s20+$0xC880] =	vst v47  }
0x209: {  	v51 =	vld [tilespmem:s20+$0x4920];
	[tilespmem:s20+$0xC890] =	vst v48  }
0x20a: {  	[tilespmem:s20+$0xC820] =	vst v4;
	v4 =	vld [tilespmem:s20+$0x48B0]  }
0x20b: {  	[tilespmem:s20+$0xC830] =	vst v5;
	v5 =	vld [tilespmem:s20+$0x4900]  }
0x20c: {  	v52 =	vld [tilespmem:s20+$0x4930];
	[tilespmem:s20+$0xC8A0] =	vst v49  }
0x20d: {  	v53 =	vld [tilespmem:s20+$0x49A0];
	[tilespmem:s20+$0xC910] =	vst v50  }
0x20e: {  	v54 =	vld [tilespmem:s20+$0x49B0];
	[tilespmem:s20+$0xC920] =	vst v51  }
0x20f: {  	[tilespmem:s20+$0xC8B0] =	vst v4;
	v4 =	vld [tilespmem:s20+$0x4980]  }
0x210: {  	v9 =	vmul.u32 $0x9, v2;
	[tilespmem:s20+$0xC900] =	vst v5;
	v5 =	vld [tilespmem:s20+$0x4990]  }
0x211: {  	[tilespmem:s20+$0xC930] =	vst v52  }
0x212: {  	[tilespmem:s20+$0xC9A0] =	vst v53  }
0x213: {  	v2 =	vmov s18;
	[tilespmem:s20+$0xC9B0] =	vst v54  }
0x214: {  	v2 =	vshll.u32 v2, $0x7;
	[tilespmem:s20+$0xC980] =	vst v4  }
0x215: {  	v2 =	vor.u32 v0, v2;
	[tilespmem:s20+$0xC990] =	vst v5  }
0x216: {  	v5 =	vor.u32 $0x40, v2;
	v4 =	vld.idx.msk [tilespmem:v9+s15+$0x0], $0xffff  }
0x217: {  	v55 =	vadd.s32 $0x1, v9;
	_ =	sdelay $0x3  }
0x218: {  	[tilespmem:v5+s28+$0x0] =	vst.idx.msk $0xffff, v4  }
0x219: {  	v5 =	vor.u32 $0x41, v2;
	v4 =	vld.idx.msk [tilespmem:v55+s15+$0x0], $0xffff  }
0x21a: {  	v56 =	vadd.s32 $0x2, v9;
	_ =	sdelay $0x3  }
0x21b: {  	[tilespmem:v5+s28+$0x0] =	vst.idx.msk $0xffff, v4  }
0x21c: {  	v5 =	vor.u32 $0x42, v2;
	v4 =	vld.idx.msk [tilespmem:v56+s15+$0x0], $0xffff  }
0x21d: {  	v57 =	vadd.s32 $0x3, v9;
	_ =	sdelay $0x3  }
0x21e: {  	[tilespmem:v5+s28+$0x0] =	vst.idx.msk $0xffff, v4  }
0x21f: {  	v5 =	vor.u32 $0x43, v2;
	v4 =	vld.idx.msk [tilespmem:v57+s15+$0x0], $0xffff  }
0x220: {  	v58 =	vadd.s32 $0x4, v9;
	_ =	sdelay $0x3  }
0x221: {  	[tilespmem:v5+s28+$0x0] =	vst.idx.msk $0xffff, v4  }
0x222: {  	v5 =	vor.u32 $0x44, v2;
	v4 =	vld.idx.msk [tilespmem:v58+s15+$0x0], $0xffff  }
0x223: {  	v59 =	vadd.s32 $0x5, v9;
	_ =	sdelay $0x1  }
0x224: {  	vm0 =	vgt.s32 v3, $0x1869D  }
0x225: {  	v60 =	vsel vm0, $0x1, v1  }
0x226: {  	(xrf0) =	vadd.scan.msk.s32 $0xffff, v60;
	[tilespmem:v5+s28+$0x0] =	vst.idx.msk $0xffff, v4  }
0x227: {  	v5 =	vor.u32 $0x45, v2;
	v4 =	vld.idx.msk [tilespmem:v59+s15+$0x0], $0xffff;
	_ =	sdelay $0x4  }
0x228: {  	v61 =	vadd.s32 $0x6, v9;
	[tilespmem:v5+s28+$0x0] =	vst.idx.msk $0xffff, v4;
	v4, _, _ =	vpop (xrf0)  }
0x229: {  	(v2sf) =	vpush v4, $0xF;
	_ =	sdelay $0x3  }
0x22a: {  	v62 =	vor.u32 $0x46, v2;
	v5 =	vld.idx.msk [tilespmem:v61+s15+$0x0], $0xffff  }
0x22b: {  	v4 =	vadd.s32 $0x7, v9;
	_ =	sdelay $0x3  }
0x22c: {  	[tilespmem:v62+s28+$0x0] =	vst.idx.msk $0xffff, v5  }
0x22d: {  	v5 =	vor.u32 $0x47, v2;
	v4 =	vld.idx.msk [tilespmem:v4+s15+$0x0], $0xffff  }
0x22e: {  	v63 =	vadd.s32 $0x8, v9;
	_ =	sdelay $0x3  }
0x22f: {  	[tilespmem:v5+s28+$0x0] =	vst.idx.msk $0xffff, v4;
	s11 =	spop (v2sf)  }
0x230: {  	v5 =	vor.u32 $0x48, v2;
	v4 =	vld.idx.msk [tilespmem:v63+s15+$0x0], $0xffff;
	p1 =	slt.s32 s11, $0x1  }
.Ltmp10:
0x231: {  	_ = 	snop;
	(pc) =	sbr.rel @p1 .LBB2_9-.Ltmp10, $2  }
0x232: {  	_ =	sdelay $0x2  }
0x233: {  	[tilespmem:v5+s28+$0x0] =	vst.idx.msk $0xffff, v4  }
0x234: {  	v3 =	vadd.s32 $0xFFFE7963, v3  }
0x235: {  	vm1 =	vgt.s32 v3, $0x0  }
0x236: {  	v3 =	vnsel vm1, $0x0, v3  }
0x237: {  	v3 =	vshll.u32 v3, $0x6;
	_ =	sdelay $0x4  }
0x238: {  	v4 =	vld.idx.msk [tilespmem:v3+s17+$0x0], vm0  }
0x239: {  	v5 =	vor.u32 $0x1, v3;
	_ =	sdelay $0x3  }
0x23a: {  	[tilespmem:v2+s28+$0x0] =	vst.idx.add.f32.msk vm0, v4  }
0x23b: {  	v52 =	vor.u32 $0x1, v2;
	v4 =	vld.idx.msk [tilespmem:v5+s17+$0x0], vm0  }
0x23c: {  	v6 =	vor.u32 $0x2, v3;
	_ =	sdelay $0x3  }
0x23d: {  	[tilespmem:v52+s28+$0x0] =	vst.idx.add.f32.msk vm0, v4  }
0x23e: {  	v53 =	vor.u32 $0x2, v2;
	v4 =	vld.idx.msk [tilespmem:v6+s17+$0x0], vm0  }
0x23f: {  	v54 =	vor.u32 $0x3, v3;
	_ =	sdelay $0x3  }
0x240: {  	[tilespmem:v53+s28+$0x0] =	vst.idx.add.f32.msk vm0, v4  }
0x241: {  	v55 =	vor.u32 $0x3, v2;
	v4 =	vld.idx.msk [tilespmem:v54+s17+$0x0], vm0  }
0x242: {  	v56 =	vor.u32 $0x4, v3;
	_ =	sdelay $0x3  }
0x243: {  	[tilespmem:v55+s28+$0x0] =	vst.idx.add.f32.msk vm0, v4  }
0x244: {  	v57 =	vor.u32 $0x4, v2;
	v4 =	vld.idx.msk [tilespmem:v56+s17+$0x0], vm0  }
0x245: {  	v58 =	vor.u32 $0x5, v3;
	_ =	sdelay $0x3  }
0x246: {  	[tilespmem:v57+s28+$0x0] =	vst.idx.add.f32.msk vm0, v4  }
0x247: {  	v59 =	vor.u32 $0x5, v2;
	v4 =	vld.idx.msk [tilespmem:v58+s17+$0x0], vm0  }
0x248: {  	v60 =	vor.u32 $0x6, v3;
	_ =	sdelay $0x3  }
0x249: {  	[tilespmem:v59+s28+$0x0] =	vst.idx.add.f32.msk vm0, v4  }
0x24a: {  	v61 =	vor.u32 $0x6, v2;
	v4 =	vld.idx.msk [tilespmem:v60+s17+$0x0], vm0  }
0x24b: {  	v62 =	vor.u32 $0x7, v3;
	_ =	sdelay $0x3  }
0x24c: {  	[tilespmem:v61+s28+$0x0] =	vst.idx.add.f32.msk vm0, v4  }
0x24d: {  	v63 =	vor.u32 $0x7, v2;
	v4 =	vld.idx.msk [tilespmem:v62+s17+$0x0], vm0  }
0x24e: {  	v9 =	vor.u32 $0x8, v3;
	_ =	sdelay $0x3  }
0x24f: {  	[tilespmem:v63+s28+$0x0] =	vst.idx.add.f32.msk vm0, v4  }
0x250: {  	v10 =	vor.u32 $0x8, v2;
	v4 =	vld.idx.msk [tilespmem:v9+s17+$0x0], vm0  }
0x251: {  	v11 =	vor.u32 $0x9, v3;
	_ =	sdelay $0x3  }
0x252: {  	[tilespmem:v10+s28+$0x0] =	vst.idx.add.f32.msk vm0, v4  }
0x253: {  	v12 =	vor.u32 $0x9, v2;
	v4 =	vld.idx.msk [tilespmem:v11+s17+$0x0], vm0  }
0x254: {  	v13 =	vor.u32 $0xA, v3;
	_ =	sdelay $0x3  }
0x255: {  	[tilespmem:v12+s28+$0x0] =	vst.idx.add.f32.msk vm0, v4  }
0x256: {  	v14 =	vor.u32 $0xA, v2;
	v4 =	vld.idx.msk [tilespmem:v13+s17+$0x0], vm0  }
0x257: {  	v15 =	vor.u32 $0xB, v3;
	_ =	sdelay $0x3  }
0x258: {  	[tilespmem:v14+s28+$0x0] =	vst.idx.add.f32.msk vm0, v4  }
0x259: {  	v16 =	vor.u32 $0xB, v2;
	v4 =	vld.idx.msk [tilespmem:v15+s17+$0x0], vm0  }
0x25a: {  	v17 =	vor.u32 $0xC, v3;
	_ =	sdelay $0x3  }
0x25b: {  	[tilespmem:v16+s28+$0x0] =	vst.idx.add.f32.msk vm0, v4  }
0x25c: {  	v18 =	vor.u32 $0xC, v2;
	v4 =	vld.idx.msk [tilespmem:v17+s17+$0x0], vm0  }
0x25d: {  	v19 =	vor.u32 $0xD, v3;
	_ =	sdelay $0x3  }
0x25e: {  	[tilespmem:v18+s28+$0x0] =	vst.idx.add.f32.msk vm0, v4  }
0x25f: {  	v20 =	vor.u32 $0xD, v2;
	v4 =	vld.idx.msk [tilespmem:v19+s17+$0x0], vm0  }
0x260: {  	v21 =	vor.u32 $0xE, v3;
	_ =	sdelay $0x3  }
0x261: {  	[tilespmem:v20+s28+$0x0] =	vst.idx.add.f32.msk vm0, v4  }
0x262: {  	v22 =	vor.u32 $0xE, v2;
	v4 =	vld.idx.msk [tilespmem:v21+s17+$0x0], vm0  }
0x263: {  	v23 =	vor.u32 $0xF, v3;
	_ =	sdelay $0x3  }
0x264: {  	[tilespmem:v22+s28+$0x0] =	vst.idx.add.f32.msk vm0, v4  }
0x265: {  	v24 =	vor.u32 $0xF, v2;
	v4 =	vld.idx.msk [tilespmem:v23+s17+$0x0], vm0  }
0x266: {  	v25 =	vor.u32 $0x10, v3;
	_ =	sdelay $0x3  }
0x267: {  	[tilespmem:v24+s28+$0x0] =	vst.idx.add.f32.msk vm0, v4  }
0x268: {  	v26 =	vor.u32 $0x10, v2;
	v4 =	vld.idx.msk [tilespmem:v25+s17+$0x0], vm0  }
0x269: {  	v27 =	vor.u32 $0x11, v3;
	_ =	sdelay $0x3  }
0x26a: {  	[tilespmem:v26+s28+$0x0] =	vst.idx.add.f32.msk vm0, v4  }
0x26b: {  	v28 =	vor.u32 $0x11, v2;
	v4 =	vld.idx.msk [tilespmem:v27+s17+$0x0], vm0  }
0x26c: {  	v29 =	vor.u32 $0x12, v3;
	_ =	sdelay $0x3  }
0x26d: {  	[tilespmem:v28+s28+$0x0] =	vst.idx.add.f32.msk vm0, v4  }
0x26e: {  	v30 =	vor.u32 $0x12, v2;
	v4 =	vld.idx.msk [tilespmem:v29+s17+$0x0], vm0  }
0x26f: {  	v31 =	vor.u32 $0x13, v3;
	_ =	sdelay $0x3  }
0x270: {  	[tilespmem:v30+s28+$0x0] =	vst.idx.add.f32.msk vm0, v4  }
0x271: {  	v32 =	vor.u32 $0x13, v2;
	v4 =	vld.idx.msk [tilespmem:v31+s17+$0x0], vm0  }
0x272: {  	v33 =	vor.u32 $0x14, v3;
	_ =	sdelay $0x3  }
0x273: {  	[tilespmem:v32+s28+$0x0] =	vst.idx.add.f32.msk vm0, v4  }
0x274: {  	v34 =	vor.u32 $0x14, v2;
	v4 =	vld.idx.msk [tilespmem:v33+s17+$0x0], vm0  }
0x275: {  	v35 =	vor.u32 $0x15, v3;
	_ =	sdelay $0x3  }
0x276: {  	[tilespmem:v34+s28+$0x0] =	vst.idx.add.f32.msk vm0, v4  }
0x277: {  	v36 =	vor.u32 $0x15, v2;
	v4 =	vld.idx.msk [tilespmem:v35+s17+$0x0], vm0  }
0x278: {  	v37 =	vor.u32 $0x16, v3;
	_ =	sdelay $0x3  }
0x279: {  	[tilespmem:v36+s28+$0x0] =	vst.idx.add.f32.msk vm0, v4  }
0x27a: {  	v38 =	vor.u32 $0x16, v2;
	v4 =	vld.idx.msk [tilespmem:v37+s17+$0x0], vm0  }
0x27b: {  	v39 =	vor.u32 $0x17, v3;
	_ =	sdelay $0x3  }
0x27c: {  	[tilespmem:v38+s28+$0x0] =	vst.idx.add.f32.msk vm0, v4  }
0x27d: {  	v40 =	vor.u32 $0x17, v2;
	v4 =	vld.idx.msk [tilespmem:v39+s17+$0x0], vm0  }
0x27e: {  	v41 =	vor.u32 $0x18, v3;
	_ =	sdelay $0x3  }
0x27f: {  	[tilespmem:v40+s28+$0x0] =	vst.idx.add.f32.msk vm0, v4  }
0x280: {  	v42 =	vor.u32 $0x18, v2;
	v4 =	vld.idx.msk [tilespmem:v41+s17+$0x0], vm0  }
0x281: {  	v43 =	vor.u32 $0x19, v3;
	_ =	sdelay $0x3  }
0x282: {  	[tilespmem:v42+s28+$0x0] =	vst.idx.add.f32.msk vm0, v4  }
0x283: {  	v44 =	vor.u32 $0x19, v2;
	v4 =	vld.idx.msk [tilespmem:v43+s17+$0x0], vm0  }
0x284: {  	v45 =	vor.u32 $0x1A, v3;
	_ =	sdelay $0x3  }
0x285: {  	[tilespmem:v44+s28+$0x0] =	vst.idx.add.f32.msk vm0, v4  }
0x286: {  	v46 =	vor.u32 $0x1A, v2;
	v4 =	vld.idx.msk [tilespmem:v45+s17+$0x0], vm0  }
0x287: {  	v47 =	vor.u32 $0x1B, v3;
	_ =	sdelay $0x3  }
0x288: {  	[tilespmem:v46+s28+$0x0] =	vst.idx.add.f32.msk vm0, v4  }
0x289: {  	v48 =	vor.u32 $0x1B, v2;
	v4 =	vld.idx.msk [tilespmem:v47+s17+$0x0], vm0  }
0x28a: {  	v49 =	vor.u32 $0x1C, v3;
	_ =	sdelay $0x3  }
0x28b: {  	[tilespmem:v48+s28+$0x0] =	vst.idx.add.f32.msk vm0, v4  }
0x28c: {  	v50 =	vor.u32 $0x1C, v2;
	v4 =	vld.idx.msk [tilespmem:v49+s17+$0x0], vm0  }
0x28d: {  	v51 =	vor.u32 $0x1D, v3;
	_ =	sdelay $0x3  }
0x28e: {  	[tilespmem:v50+s28+$0x0] =	vst.idx.add.f32.msk vm0, v4  }
0x28f: {  	v52 =	vor.u32 $0x1D, v2;
	v4 =	vld.idx.msk [tilespmem:v51+s17+$0x0], vm0  }
0x290: {  	v53 =	vor.u32 $0x1E, v3;
	_ =	sdelay $0x3  }
0x291: {  	[tilespmem:v52+s28+$0x0] =	vst.idx.add.f32.msk vm0, v4  }
0x292: {  	v54 =	vor.u32 $0x1E, v2;
	v4 =	vld.idx.msk [tilespmem:v53+s17+$0x0], vm0  }
0x293: {  	v55 =	vor.u32 $0x1F, v3;
	_ =	sdelay $0x3  }
0x294: {  	[tilespmem:v54+s28+$0x0] =	vst.idx.add.f32.msk vm0, v4  }
0x295: {  	v56 =	vor.u32 $0x1F, v2;
	v4 =	vld.idx.msk [tilespmem:v55+s17+$0x0], vm0  }
0x296: {  	v57 =	vor.u32 $0x20, v3;
	_ =	sdelay $0x3  }
0x297: {  	[tilespmem:v56+s28+$0x0] =	vst.idx.add.f32.msk vm0, v4  }
0x298: {  	v58 =	vor.u32 $0x20, v2;
	v4 =	vld.idx.msk [tilespmem:v57+s17+$0x0], vm0  }
0x299: {  	v59 =	vor.u32 $0x21, v3;
	_ =	sdelay $0x3  }
0x29a: {  	[tilespmem:v58+s28+$0x0] =	vst.idx.add.f32.msk vm0, v4  }
0x29b: {  	v60 =	vor.u32 $0x21, v2;
	v4 =	vld.idx.msk [tilespmem:v59+s17+$0x0], vm0  }
0x29c: {  	v61 =	vor.u32 $0x22, v3;
	_ =	sdelay $0x3  }
0x29d: {  	[tilespmem:v60+s28+$0x0] =	vst.idx.add.f32.msk vm0, v4  }
0x29e: {  	v62 =	vor.u32 $0x22, v2;
	v4 =	vld.idx.msk [tilespmem:v61+s17+$0x0], vm0  }
0x29f: {  	v63 =	vor.u32 $0x23, v3;
	_ =	sdelay $0x3  }
0x2a0: {  	[tilespmem:v62+s28+$0x0] =	vst.idx.add.f32.msk vm0, v4  }
0x2a1: {  	v9 =	vor.u32 $0x23, v2;
	v4 =	vld.idx.msk [tilespmem:v63+s17+$0x0], vm0  }
0x2a2: {  	v10 =	vor.u32 $0x24, v3;
	_ =	sdelay $0x3  }
0x2a3: {  	[tilespmem:v9+s28+$0x0] =	vst.idx.add.f32.msk vm0, v4  }
0x2a4: {  	v11 =	vor.u32 $0x24, v2;
	v4 =	vld.idx.msk [tilespmem:v10+s17+$0x0], vm0  }
0x2a5: {  	v12 =	vor.u32 $0x25, v3;
	_ =	sdelay $0x3  }
0x2a6: {  	[tilespmem:v11+s28+$0x0] =	vst.idx.add.f32.msk vm0, v4  }
0x2a7: {  	v13 =	vor.u32 $0x25, v2;
	v4 =	vld.idx.msk [tilespmem:v12+s17+$0x0], vm0  }
0x2a8: {  	v14 =	vor.u32 $0x26, v3;
	_ =	sdelay $0x3  }
0x2a9: {  	[tilespmem:v13+s28+$0x0] =	vst.idx.add.f32.msk vm0, v4  }
0x2aa: {  	v15 =	vor.u32 $0x26, v2;
	v4 =	vld.idx.msk [tilespmem:v14+s17+$0x0], vm0  }
0x2ab: {  	v16 =	vor.u32 $0x27, v3;
	_ =	sdelay $0x3  }
0x2ac: {  	[tilespmem:v15+s28+$0x0] =	vst.idx.add.f32.msk vm0, v4  }
0x2ad: {  	v17 =	vor.u32 $0x27, v2;
	v4 =	vld.idx.msk [tilespmem:v16+s17+$0x0], vm0  }
0x2ae: {  	v18 =	vor.u32 $0x28, v3;
	_ =	sdelay $0x3  }
0x2af: {  	[tilespmem:v17+s28+$0x0] =	vst.idx.add.f32.msk vm0, v4  }
0x2b0: {  	v19 =	vor.u32 $0x28, v2;
	v4 =	vld.idx.msk [tilespmem:v18+s17+$0x0], vm0  }
0x2b1: {  	v20 =	vor.u32 $0x29, v3;
	_ =	sdelay $0x3  }
0x2b2: {  	[tilespmem:v19+s28+$0x0] =	vst.idx.add.f32.msk vm0, v4  }
0x2b3: {  	v21 =	vor.u32 $0x29, v2;
	v4 =	vld.idx.msk [tilespmem:v20+s17+$0x0], vm0  }
0x2b4: {  	v22 =	vor.u32 $0x2A, v3;
	_ =	sdelay $0x3  }
0x2b5: {  	[tilespmem:v21+s28+$0x0] =	vst.idx.add.f32.msk vm0, v4  }
0x2b6: {  	v23 =	vor.u32 $0x2A, v2;
	v4 =	vld.idx.msk [tilespmem:v22+s17+$0x0], vm0  }
0x2b7: {  	v24 =	vor.u32 $0x2B, v3;
	_ =	sdelay $0x3  }
0x2b8: {  	[tilespmem:v23+s28+$0x0] =	vst.idx.add.f32.msk vm0, v4  }
0x2b9: {  	v25 =	vor.u32 $0x2B, v2;
	v4 =	vld.idx.msk [tilespmem:v24+s17+$0x0], vm0  }
0x2ba: {  	v26 =	vor.u32 $0x2C, v3;
	_ =	sdelay $0x3  }
0x2bb: {  	[tilespmem:v25+s28+$0x0] =	vst.idx.add.f32.msk vm0, v4  }
0x2bc: {  	v27 =	vor.u32 $0x2C, v2;
	v4 =	vld.idx.msk [tilespmem:v26+s17+$0x0], vm0  }
0x2bd: {  	v28 =	vor.u32 $0x2D, v3;
	_ =	sdelay $0x3  }
0x2be: {  	[tilespmem:v27+s28+$0x0] =	vst.idx.add.f32.msk vm0, v4  }
0x2bf: {  	v29 =	vor.u32 $0x2D, v2;
	v4 =	vld.idx.msk [tilespmem:v28+s17+$0x0], vm0  }
0x2c0: {  	v30 =	vor.u32 $0x2E, v3;
	_ =	sdelay $0x3  }
0x2c1: {  	[tilespmem:v29+s28+$0x0] =	vst.idx.add.f32.msk vm0, v4  }
0x2c2: {  	v31 =	vor.u32 $0x2E, v2;
	v4 =	vld.idx.msk [tilespmem:v30+s17+$0x0], vm0  }
0x2c3: {  	v32 =	vor.u32 $0x2F, v3;
	_ =	sdelay $0x3  }
0x2c4: {  	[tilespmem:v31+s28+$0x0] =	vst.idx.add.f32.msk vm0, v4  }
0x2c5: {  	v33 =	vor.u32 $0x2F, v2;
	v4 =	vld.idx.msk [tilespmem:v32+s17+$0x0], vm0  }
0x2c6: {  	v34 =	vor.u32 $0x30, v3;
	_ =	sdelay $0x3  }
0x2c7: {  	[tilespmem:v33+s28+$0x0] =	vst.idx.add.f32.msk vm0, v4  }
0x2c8: {  	v35 =	vor.u32 $0x30, v2;
	v4 =	vld.idx.msk [tilespmem:v34+s17+$0x0], vm0  }
0x2c9: {  	v36 =	vor.u32 $0x31, v3;
	_ =	sdelay $0x3  }
0x2ca: {  	[tilespmem:v35+s28+$0x0] =	vst.idx.add.f32.msk vm0, v4  }
0x2cb: {  	v37 =	vor.u32 $0x31, v2;
	v4 =	vld.idx.msk [tilespmem:v36+s17+$0x0], vm0  }
0x2cc: {  	v38 =	vor.u32 $0x32, v3;
	_ =	sdelay $0x3  }
0x2cd: {  	[tilespmem:v37+s28+$0x0] =	vst.idx.add.f32.msk vm0, v4  }
0x2ce: {  	v39 =	vor.u32 $0x32, v2;
	v4 =	vld.idx.msk [tilespmem:v38+s17+$0x0], vm0  }
0x2cf: {  	v40 =	vor.u32 $0x33, v3;
	_ =	sdelay $0x3  }
0x2d0: {  	[tilespmem:v39+s28+$0x0] =	vst.idx.add.f32.msk vm0, v4  }
0x2d1: {  	v41 =	vor.u32 $0x33, v2;
	v4 =	vld.idx.msk [tilespmem:v40+s17+$0x0], vm0  }
0x2d2: {  	v42 =	vor.u32 $0x34, v3;
	_ =	sdelay $0x3  }
0x2d3: {  	[tilespmem:v41+s28+$0x0] =	vst.idx.add.f32.msk vm0, v4  }
0x2d4: {  	v43 =	vor.u32 $0x34, v2;
	v4 =	vld.idx.msk [tilespmem:v42+s17+$0x0], vm0  }
0x2d5: {  	v44 =	vor.u32 $0x35, v3;
	_ =	sdelay $0x3  }
0x2d6: {  	[tilespmem:v43+s28+$0x0] =	vst.idx.add.f32.msk vm0, v4  }
0x2d7: {  	v45 =	vor.u32 $0x35, v2;
	v4 =	vld.idx.msk [tilespmem:v44+s17+$0x0], vm0  }
0x2d8: {  	v46 =	vor.u32 $0x36, v3;
	_ =	sdelay $0x3  }
0x2d9: {  	[tilespmem:v45+s28+$0x0] =	vst.idx.add.f32.msk vm0, v4  }
0x2da: {  	v47 =	vor.u32 $0x36, v2;
	v4 =	vld.idx.msk [tilespmem:v46+s17+$0x0], vm0  }
0x2db: {  	v48 =	vor.u32 $0x37, v3;
	_ =	sdelay $0x3  }
0x2dc: {  	[tilespmem:v47+s28+$0x0] =	vst.idx.add.f32.msk vm0, v4  }
0x2dd: {  	v49 =	vor.u32 $0x37, v2;
	v4 =	vld.idx.msk [tilespmem:v48+s17+$0x0], vm0  }
0x2de: {  	v50 =	vor.u32 $0x38, v3;
	_ =	sdelay $0x3  }
0x2df: {  	[tilespmem:v49+s28+$0x0] =	vst.idx.add.f32.msk vm0, v4  }
0x2e0: {  	v51 =	vor.u32 $0x38, v2;
	v4 =	vld.idx.msk [tilespmem:v50+s17+$0x0], vm0  }
0x2e1: {  	v52 =	vor.u32 $0x39, v3;
	_ =	sdelay $0x3  }
0x2e2: {  	[tilespmem:v51+s28+$0x0] =	vst.idx.add.f32.msk vm0, v4  }
0x2e3: {  	v53 =	vor.u32 $0x39, v2;
	v4 =	vld.idx.msk [tilespmem:v52+s17+$0x0], vm0  }
0x2e4: {  	v54 =	vor.u32 $0x3A, v3;
	_ =	sdelay $0x3  }
0x2e5: {  	[tilespmem:v53+s28+$0x0] =	vst.idx.add.f32.msk vm0, v4  }
0x2e6: {  	v55 =	vor.u32 $0x3A, v2;
	v4 =	vld.idx.msk [tilespmem:v54+s17+$0x0], vm0  }
0x2e7: {  	v56 =	vor.u32 $0x3B, v3;
	_ =	sdelay $0x3  }
0x2e8: {  	[tilespmem:v55+s28+$0x0] =	vst.idx.add.f32.msk vm0, v4  }
0x2e9: {  	v57 =	vor.u32 $0x3B, v2;
	v4 =	vld.idx.msk [tilespmem:v56+s17+$0x0], vm0  }
0x2ea: {  	v58 =	vor.u32 $0x3C, v3;
	_ =	sdelay $0x3  }
0x2eb: {  	[tilespmem:v57+s28+$0x0] =	vst.idx.add.f32.msk vm0, v4  }
0x2ec: {  	v59 =	vor.u32 $0x3C, v2;
	v4 =	vld.idx.msk [tilespmem:v58+s17+$0x0], vm0  }
0x2ed: {  	v60 =	vor.u32 $0x3D, v3;
	_ =	sdelay $0x3  }
0x2ee: {  	[tilespmem:v59+s28+$0x0] =	vst.idx.add.f32.msk vm0, v4  }
0x2ef: {  	v61 =	vor.u32 $0x3D, v2;
	v4 =	vld.idx.msk [tilespmem:v60+s17+$0x0], vm0  }
0x2f0: {  	v62 =	vor.u32 $0x3E, v3;
	_ =	sdelay $0x3  }
0x2f1: {  	[tilespmem:v61+s28+$0x0] =	vst.idx.add.f32.msk vm0, v4  }
0x2f2: {  	v63 =	vor.u32 $0x3E, v2;
	v4 =	vld.idx.msk [tilespmem:v62+s17+$0x0], vm0  }
0x2f3: {  	v3 =	vor.u32 $0x3F, v3;
	_ =	sdelay $0x3  }
0x2f4: {  	[tilespmem:v63+s28+$0x0] =	vst.idx.add.f32.msk vm0, v4  }
0x2f5: {  	v2 =	vor.u32 $0x3F, v2;
	v3 =	vld.idx.msk [tilespmem:v3+s17+$0x0], vm0  }
.Ltmp11:
0x2f6: {  	_ = 	snop;
	(pc) =	sbr.rel .LBB2_9-.Ltmp11, $2  }
0x2f7: {  	_ =	sdelay $0x2  }
0x2f8: {  	[tilespmem:v2+s28+$0x0] =	vst.idx.add.f32.msk vm0, v3  }
.LBB2_12:
0x2f9: {  	_ =	sfence.sel $0x180000  }
0x2fa: {  	[bflag:$0x0] =	sbarrier.arrive $0xFFFF  }
0x2fb: {  	_ =	strace $0x90000047  }
0x2fc: {  	s0 =	stileid.u32;
	[bflag:$0x2] =	sbarrier.arrive $0xFFFF  }
0x2fd: {  	p0 =	sne.s32 s0, $0x0;
	s0 =	rddreg [dreg:$0x6]  }
0x2fe: {  	s0 =	sadd.s32 @!p0 $0x100000, s0  }
0x2ff: {  	[sflag:s0] =	ssyncadd.tile.s32 @!p0 $0x1;
	_ =	shalt  }
.Lfunc_end2:
_tile_overlayer_lowered:
.L_overlay_start_2:
0x300: {  	(tag) =	ssettag $0x2  }
0x301: {  	s0 =	rddreg [dreg:$0x0];
	s2 =	stileid.u32  }
0x302: {  	s1 =	rddreg [dreg:$0x1];
	p0 =	sne.s32 s2, $0x0  }
0x303: {  	s3 =	rddreg [dreg:$0x2];
	[bflag:$0x3] =	sbarrier.arrive $0xFFFF;
	s2 =	simm.s32 @!p0 $0x1C07  }
0x304: {  	[timem:s3], [sflag:s2] =	dma.local @!p0 [hbm:s0], s1  }
0x305: {  	s0 =	simm.s32 @!p0 $0x7  }
0x306: {  	_ =	swait.ge @!p0 [sflag:s0], s1  }
0x307: {  	s1 =	ssub.s32 @!p0 $0x0, s1;
	[sflag:s0] =	ssyncset.done @!p0 $0x0  }
0x308: {  	[sflag:s0] =	ssyncadd.s32 @!p0 s1  }
0x309: {  	[bflag:$0x3] =	sbarrier.arrive $0xFFFF  }
0x30a: {  	_ =	shalt  }

</sc_bundles>
